<compile_context>
chip_gen: v7x
topology: tpu7x:2x2x1
jax: 0.10.2.dev20260603
libtpu: 0.0.44.dev20260713+nightly
codegen_flags: <defaults>
</compile_context>

<pallas_src>
import functools

import jax
import jax.numpy as jnp
from jax import lax
from jax.experimental import pallas as pl
from jax.experimental.pallas import tpu as pltpu
from jax.experimental.pallas import tpu_sc as plsc

N_NEIGHBOURS = 100

Q = 4096
K = 100000
DIM = 128
BQ = 256
BK = 1024
NKB = 98
NQB = Q // BQ
K_PAD = NKB * BK
G = 16
NG = K_PAD // G
GPB = BK // G

_INF = 3e38
_PADVAL = 1e4
_TAU_MARGIN = 1e-3



def _dist_body(x_ref, db_ref, d_ref, gm_ref, tau_ref,
               m1_ref, m2_ref, dbsq_r_ref, dbsq_c_ref, xsq_ref,
               xsqr_ref):
    j = pl.program_id(0)
    i = pl.program_id(1)
    db = db_ref[...]

    @pl.when(i == 0)
    def _dbsq():
        sq = jnp.sum(db * db, axis=1, keepdims=True)
        dbsq_c_ref[...] = sq * (1.0 / DIM)
        ones = jnp.ones((8, DIM), jnp.float32)
        row = lax.dot_general(ones, db * db, (((1,), (1,)), ((), ())),
                              preferred_element_type=jnp.float32,
                              precision=lax.Precision.HIGHEST)
        dbsq_r_ref[...] = row[0:1, :] * (1.0 / DIM)

    @pl.when(j == 0)
    def _xsq():
        x = x_ref[...]
        xsq_ref[i] = jnp.sum(x * x, axis=1, keepdims=True) * (1.0 / DIM)
        ones = jnp.ones((8, DIM), jnp.float32)
        rowq = lax.dot_general(ones, x * x, (((1,), (1,)), ((), ())),
                               preferred_element_type=jnp.float32,
                               precision=lax.Precision.HIGHEST)
        xsqr_ref[i] = rowq[0:1, :] * (1.0 / DIM)

    xs = x_ref[...] * (2.0 / DIM)
    x_sq = xsq_ref[i]
    dbsq_row = dbsq_r_ref[...]
    cross = lax.dot_general(xs, db, (((1,), (1,)), ((), ())),
                            preferred_element_type=jnp.float32)
    dist = (x_sq - cross) + dbsq_row
    d_ref[...] = dist.reshape(BQ, BK // 128, 128)

    crosst = lax.dot_general(db, xs, (((1,), (1,)), ((), ())),
                             preferred_element_type=jnp.float32)
    dist_t = (dbsq_c_ref[...] - crosst) + xsqr_ref[i]
    y = dist_t.reshape(GPB, G, BQ)
    y = jnp.minimum(y[:, 0:8, :], y[:, 8:16, :])
    gm_ref[...] = jnp.min(y, axis=1)

    @pl.when(j == 0)
    def _init():
        m1_ref[i] = jnp.full((BQ, 128), _INF, jnp.float32)
        m2_ref[i] = jnp.full((BQ, 128), _INF, jnp.float32)

    m1 = m1_ref[i]
    m2 = m2_ref[i]
    for s in range(BK // 128):
        v = dist[:, s * 128:(s + 1) * 128]
        m2 = jnp.minimum(m2, jnp.maximum(m1, v))
        m1 = jnp.minimum(m1, v)
    m1_ref[i] = m1
    m2_ref[i] = m2

    @pl.when(j == NKB - 1)
    def _finalize():
        t2 = jnp.concatenate([m1_ref[i], m2_ref[i]], axis=1)
        lo0 = jnp.min(t2, axis=1, keepdims=True)
        hi0 = jnp.max(t2, axis=1, keepdims=True)

        def body(_, carry):
            lo, hi = carry
            mid = 0.5 * (lo + hi)
            cnt = jnp.sum((t2 <= mid).astype(jnp.int32), axis=1, keepdims=True)
            ge = cnt >= N_NEIGHBOURS
            return jnp.where(ge, lo, mid), jnp.where(ge, mid, hi)

        lo, hi = lax.fori_loop(0, 30, body, (lo0, hi0))
        tau = hi + (_TAU_MARGIN + 1e-5 * jnp.abs(hi))
        tau_ref[...] = jnp.broadcast_to(tau, (BQ, 128))


def _tc_phase(X, db_p):
    return pl.pallas_call(
        _dist_body,
        grid=(NKB, NQB),
        in_specs=[
            pl.BlockSpec((BQ, DIM), lambda j, i: (i, 0)),
            pl.BlockSpec((BK, DIM), lambda j, i: (j, 0)),
        ],
        out_specs=[
            pl.BlockSpec((BQ, BK // 128, 128), lambda j, i: (i, j, 0)),
            pl.BlockSpec((GPB, BQ), lambda j, i: (j, i)),
            pl.BlockSpec((BQ, 128), lambda j, i: (i, 0)),
        ],
        out_shape=[
            jax.ShapeDtypeStruct((Q, K_PAD // 128, 128), jnp.float32),
            jax.ShapeDtypeStruct((NG, Q), jnp.float32),
            jax.ShapeDtypeStruct((Q, 128), jnp.float32),
        ],
        scratch_shapes=[
            pltpu.VMEM((NQB, BQ, 128), jnp.float32),
            pltpu.VMEM((NQB, BQ, 128), jnp.float32),
            pltpu.VMEM((1, BK), jnp.float32),
            pltpu.VMEM((BK, 1), jnp.float32),
            pltpu.VMEM((NQB, BQ, 1), jnp.float32),
            pltpu.VMEM((NQB, 1, BQ), jnp.float32),
        ],
    )(X, db_p)



NW = 32
RPB = 16
NBATCH = Q // RPB // NW
CAPG = 256
GCAP = 192
CAPC = 224
PAD_ROW = NG - 1


def _sc_body(gm_hbm, tau_hbm, d2_hbm, ov_hbm, oi_hbm,
             gm_v, tau_v, cand_v, gath_v, cv_v, ci_v,
             cnt_v, outv_v, outi_v, scnt_s, stau_s, sem):
    c = lax.axis_index("c")
    s = lax.axis_index("s")
    w = s * 2 + c
    lanes = lax.iota(jnp.int32, 16)
    zero16 = jnp.zeros((16,), jnp.int32)
    d4_hbm = d2_hbm

    def batch_body(b, _):
        q0 = (w * NBATCH + b) * RPB
        pltpu.sync_copy(gm_hbm.at[:, pl.ds(q0, RPB)], gm_v)
        pltpu.sync_copy(tau_hbm.at[pl.ds(q0, RPB)], tau_v)
        tau_vec = tau_v[...]
        qrow = (q0 + lanes) * NG
        lbase = lanes * CAPG

        def clr(t, _):
            cand_v[pl.ds(t * 16, 16)] = jnp.full((16,), PAD_ROW, jnp.int32)
            return 0
        lax.fori_loop(0, RPB * CAPG // 16, clr, 0)

        def scan_step(gb, off):
            for u in range(4):
                g = gb * 4 + u
                v = gm_v[g, :]
                m = jnp.logical_and(v <= tau_vec, off < CAPG)
                idxc = lbase + jnp.minimum(off, CAPG - 1)
                plsc.store_scatter(cand_v, [idxc], qrow + g, mask=m)
                off = off + jnp.where(m, 1, zero16)
            return off
        offv = lax.fori_loop(0, NG // 4, scan_step, zero16)
        cnt_v[...] = offv
        cntv = cnt_v[...]
        tauv = tau_v[...]
        for t in range(RPB):
            scnt_s[t] = jnp.minimum(cntv[t], GCAP)
            stau_s[t] = tauv[t]

        def q_body(qi, _):
            q = q0 + qi
            ng = scnt_s[qi]
            tau_qs = jnp.full((16,), stau_s[qi])
            qrow0 = q * NG

            pltpu.async_copy(
                d4_hbm.at[cand_v.at[pl.ds(qi * CAPG, 128)]],
                gath_v.at[pl.ds(0, 128)], sem).wait()

            @pl.when(ng > 128)
            def _g2():
                pltpu.async_copy(
                    d4_hbm.at[cand_v.at[pl.ds(qi * CAPG + 128, 64)]],
                    gath_v.at[pl.ds(128, 64)], sem).wait()

            def cclr(t, _):
                cv_v[pl.ds(t * 16, 16)] = jnp.full((16,), 1e9, jnp.float32)
                ci_v[pl.ds(t * 16, 16)] = zero16
                return 0
            lax.fori_loop(0, CAPC // 16, cclr, 0)

            nb = (ng + 15) // 16

            def f_blk(blk, off2):
                cnd = cand_v[pl.ds(qi * CAPG + blk * 16, 16)]
                for l in range(16):
                    v = blk * 16 + l
                    rid = cnd[l]
                    eb = (rid - qrow0) * 16
                    vals = gath_v[v, :]
                    m = jnp.logical_and(vals <= tau_qs,
                                        jnp.full((16,), v < ng))
                    off2c = jnp.minimum(off2, CAPC - 16)
                    ev = jnp.full((16,), eb, jnp.int32) + lanes
                    plsc.store_compressed(cv_v.at[pl.ds(off2c, 16)],
                                          vals, mask=m)
                    plsc.store_compressed(ci_v.at[pl.ds(off2c, 16)],
                                          ev, mask=m)
                    pc = plsc.all_reduce_population_count(m)
                    off2 = off2 + pc[0]
                return off2
            ncand = lax.fori_loop(0, nb, f_blk, 0)
            ncand = jnp.minimum(ncand, CAPC)

            nvv = (ncand + 15) // 16

            def r_outer(iv, _):
                vi = cv_v[pl.ds(iv * 16, 16)]
                ii = ci_v[pl.ds(iv * 16, 16)]

                def r_blk(jb, acc):
                    vjv = cv_v[pl.ds(jb * 16, 16)]
                    ijv = ci_v[pl.ds(jb * 16, 16)]
                    for l in range(16):
                        vjs = jnp.full((16,), vjv[l])
                        ijs = jnp.full((16,), ijv[l])
                        less = jnp.logical_or(
                            vjs < vi,
                            jnp.logical_and(vjs == vi, ijs < ii))
                        acc = acc + jnp.where(less, 1, zero16)
                    return acc
                rk = lax.fori_loop(0, nvv, r_blk, zero16)
                m = rk < 128
                plsc.store_scatter(outv_v, [rk], vi, mask=m)
                plsc.store_scatter(outi_v, [rk], ii, mask=m)
                return 0
            lax.fori_loop(0, nvv, r_outer, 0)

            pltpu.sync_copy(outv_v, ov_hbm.at[q])
            pltpu.sync_copy(outi_v, oi_hbm.at[q])
            return 0
        lax.fori_loop(0, RPB, q_body, 0)
        return 0
    lax.fori_loop(0, NBATCH, batch_body, 0)


def _sc_phase(gm, tau, d4):
    mesh = plsc.VectorSubcoreMesh(core_axis_name="c", subcore_axis_name="s")
    f = pl.kernel(
        _sc_body,
        out_type=[
            jax.ShapeDtypeStruct((Q, 128), jnp.float32),
            jax.ShapeDtypeStruct((Q, 128), jnp.int32),
        ],
        mesh=mesh,
        compiler_params=pltpu.CompilerParams(use_tc_tiling_on_sc=False,
                                             needs_layout_passes=False),
        scratch_types=[
            pltpu.VMEM((NG, RPB), jnp.float32),
            pltpu.VMEM((RPB,), jnp.float32),
            pltpu.VMEM((RPB * CAPG,), jnp.int32),
            pltpu.VMEM((GCAP, 16), jnp.float32),
            pltpu.VMEM((CAPC,), jnp.float32),
            pltpu.VMEM((CAPC,), jnp.int32),
            pltpu.VMEM((RPB,), jnp.int32),
            pltpu.VMEM((128,), jnp.float32),
            pltpu.VMEM((128,), jnp.int32),
            pltpu.SMEM((RPB,), jnp.int32),
            pltpu.SMEM((RPB,), jnp.float32),
            pltpu.SemaphoreType.DMA,
        ],
    )
    return f(gm, tau, d4)


def kernel(X, db):
    db_p = jnp.pad(db, ((0, K_PAD - K), (0, 0)), constant_values=_PADVAL)
    dist, gm, tau = _tc_phase(X, db_p)
    tau1 = tau[:, 0]
    ov, oi = _sc_phase(gm, tau1, dist.reshape(Q * NG, G))
    return ov[:, :N_NEIGHBOURS], oi[:, :N_NEIGHBOURS]

# --- scband reference (transcript-rebuilt; emitter-appended) ---
"""Pipeline reference for scband-lwrlayer-19456201851218 (READ-ONLY COPY).

The authoritative reference and input builder live on the scoring server;
editing this copy changes nothing except your own understanding.
"""

import jax, jax.numpy as jnp
import numpy as np

N_NEIGHBOURS = 100


def setup_inputs(seed: int = 0) -> dict:
    key = jax.random.key(seed)
    kx, kdb = jax.random.split(key)
    X = jax.random.normal(kx, (4096, 128), dtype=jnp.float32)
    db = jax.random.normal(kdb, (100000, 128), dtype=jnp.float32)
    return {"X": X, "db": db}


def reference(X, db):
    # Locally weighted regression neighbour search:
    # for each row of X, MSE distance to every db row, take k smallest.
    d = X.shape[1]
    x_sq = jnp.sum(X * X, axis=1, keepdims=True)            # [Q, 1]
    db_sq = jnp.sum(db * db, axis=1)[None, :]               # [1, K]
    cross = X @ db.T                                        # [Q, K]
    sq_dist = x_sq - 2.0 * cross + db_sq                    # [Q, K]
    mse = sq_dist / d                                       # mean squared error per pair
    # top-k smallest distances -> negate, take top_k largest, negate back
    neg_vals, indices = jax.lax.top_k(-mse, N_NEIGHBOURS)
    values = -neg_vals
    return values, indices

if __name__ == "__main__":
    import jax
    _d = setup_inputs()
    print(jax.jit(kernel)(*tuple(_d.values())))

</pallas_src>

<mosaic_0001>
#map = affine_map<(d0, d1) -> (0, 0)>
#map1 = affine_map<(d0, d1) -> (0)>
module attributes {stable_mosaic.version = 14 : i64} {
  func.func @_sc_body(%arg0: i32, %arg1: i32, %arg2: memref<6272x4096xf32, #tpu.memory_space<hbm>>, %arg3: memref<4096xf32, #tpu.memory_space<hbm>>, %arg4: memref<25690112x16xf32, #tpu.memory_space<hbm>>, %arg5: memref<4096x128xf32, #tpu.memory_space<hbm>>, %arg6: memref<4096x128xi32, #tpu.memory_space<hbm>>, %arg7: memref<6272x16xf32, #tpu.memory_space<vmem>>, %arg8: memref<16xf32, #tpu.memory_space<vmem>>, %arg9: memref<4096xi32, #tpu.memory_space<vmem>>, %arg10: memref<192x16xf32, #tpu.memory_space<vmem>>, %arg11: memref<224xf32, #tpu.memory_space<vmem>>, %arg12: memref<224xi32, #tpu.memory_space<vmem>>, %arg13: memref<16xi32, #tpu.memory_space<vmem>>, %arg14: memref<128xf32, #tpu.memory_space<vmem>>, %arg15: memref<128xi32, #tpu.memory_space<vmem>>, %arg16: memref<16xi32, #tpu.memory_space<smem>>, %arg17: memref<16xf32, #tpu.memory_space<smem>>, %arg18: memref<!tpu.dma_semaphore, #tpu.memory_space<semaphore_mem>>) attributes {dimension_semantics = [#tpu.dimension_semantics<core_parallel>, #tpu.dimension_semantics<subcore_parallel>], iteration_bounds = array<i64: 2, 16>, scalar_prefetch = 0 : i64, scratch_operands = 12 : i64, tpu.core_type = #tpu.core_type<sc_vector_subcore>, window_params = [{transform_indices = #map}, {transform_indices = #map1}, {transform_indices = #map}, {transform_indices = #map}, {transform_indices = #map}]} {
    %mul3A = arith.constant 2 : i32
    %mul3A_0 = arith.muli %arg1, %mul3A : i32
    %add3A = arith.addi %mul3A_0, %arg0 : i32
    %iota3A = tpu.iota {dimensions = array<i32: 0>} : vector<16xi32>
    %broadcast_in_dim3A = arith.constant 0 : i32
    %broadcast_in_dim3A_1 = vector.broadcast %broadcast_in_dim3A : i32 to vector<16xi32>
    %scan3A = arith.constant 0 : i32
    %scan3A_2 = arith.constant 0 : i32
    %scan3A_3 = arith.constant 8 : i32
    %scan3A_4 = arith.addi %scan3A_2, %scan3A_3 : i32
    %scan3A_5 = arith.constant 1 : i32
    %scan3A_6 = scf.for %scan3A_8 = %scan3A_2 to %scan3A_4 step %scan3A_5 iter_args(%scan3A_9 = %scan3A) -> (i32)  : i32 {
      %mul3A_10 = arith.constant 8 : i32
      %mul3A_11 = arith.muli %add3A, %mul3A_10 : i32
      %add3A_12 = arith.addi %mul3A_11, %scan3A_8 : i32
      %mul3A_13 = arith.constant 16 : i32
      %mul3A_14 = arith.muli %add3A_12, %mul3A_13 : i32
      "tpu.region"() ({
        %run_scoped3A = tpu.sem_alloc : memref<!tpu.dma_semaphore, #tpu.memory_space<semaphore_mem>>
        %dma_start3A = arith.constant 0 : i32
        %dma_start3A_239 = tpu.memref_slice %arg2[%dma_start3A, %mul3A_14] : memref<6272x4096xf32, #tpu.memory_space<hbm>> -> memref<6272x16xf32, #tpu.memory_space<hbm>>
        %dma_start3A_240 = arith.constant 0 : i32
        %dma_start3A_241 = tpu.memref_slice %arg2[%dma_start3A_240, %mul3A_14] : memref<6272x4096xf32, #tpu.memory_space<hbm>> -> memref<6272x16xf32, #tpu.memory_space<hbm>>
        tpu.enqueue_dma source(%dma_start3A_241 : memref<6272x16xf32, #tpu.memory_space<hbm>>) target(%arg7 : memref<6272x16xf32, #tpu.memory_space<vmem>>) target_semaphore(%run_scoped3A : memref<!tpu.dma_semaphore, #tpu.memory_space<semaphore_mem>>)
        %dma_wait3A = arith.constant 0 : i32
        %dma_wait3A_242 = tpu.memref_slice %arg2[%dma_wait3A, %mul3A_14] : memref<6272x4096xf32, #tpu.memory_space<hbm>> -> memref<6272x16xf32, #tpu.memory_space<hbm>>
        %dma_wait3A_243 = arith.constant 0 : i32
        %dma_wait3A_244 = tpu.memref_slice %arg2[%dma_wait3A_243, %mul3A_14] : memref<6272x4096xf32, #tpu.memory_space<hbm>> -> memref<6272x16xf32, #tpu.memory_space<hbm>>
        tpu.wait_dma2 semaphore(%run_scoped3A : memref<!tpu.dma_semaphore, #tpu.memory_space<semaphore_mem>>) src(%dma_wait3A_244 : memref<6272x16xf32, #tpu.memory_space<hbm>>) dst(%arg7 : memref<6272x16xf32, #tpu.memory_space<vmem>>)
        tpu.yield
      }) : () -> ()
      "tpu.region"() ({
        %run_scoped3A = tpu.sem_alloc : memref<!tpu.dma_semaphore, #tpu.memory_space<semaphore_mem>>
        %dma_start3A = tpu.memref_slice %arg3[%mul3A_14] : memref<4096xf32, #tpu.memory_space<hbm>> -> memref<16xf32, #tpu.memory_space<hbm>>
        %dma_start3A_239 = tpu.memref_slice %arg3[%mul3A_14] : memref<4096xf32, #tpu.memory_space<hbm>> -> memref<16xf32, #tpu.memory_space<hbm>>
        tpu.enqueue_dma source(%dma_start3A_239 : memref<16xf32, #tpu.memory_space<hbm>>) target(%arg8 : memref<16xf32, #tpu.memory_space<vmem>>) target_semaphore(%run_scoped3A : memref<!tpu.dma_semaphore, #tpu.memory_space<semaphore_mem>>)
        %dma_wait3A = tpu.memref_slice %arg3[%mul3A_14] : memref<4096xf32, #tpu.memory_space<hbm>> -> memref<16xf32, #tpu.memory_space<hbm>>
        %dma_wait3A_240 = tpu.memref_slice %arg3[%mul3A_14] : memref<4096xf32, #tpu.memory_space<hbm>> -> memref<16xf32, #tpu.memory_space<hbm>>
        tpu.wait_dma2 semaphore(%run_scoped3A : memref<!tpu.dma_semaphore, #tpu.memory_space<semaphore_mem>>) src(%dma_wait3A_240 : memref<16xf32, #tpu.memory_space<hbm>>) dst(%arg8 : memref<16xf32, #tpu.memory_space<vmem>>)
        tpu.yield
      }) : () -> ()
      %get3A = arith.constant 0 : index
      %get3A_15 = tpu.vector_load %arg8[%get3A] {strides = array<i32>} : memref<16xf32, #tpu.memory_space<vmem>>, vector<16xf32>,
      %add3A_16 = vector.broadcast %mul3A_14 : i32 to vector<16xi32>
      %add3A_17 = arith.addi %add3A_16, %iota3A : vector<16xi32>
      %mul3A_18 = arith.constant 6272 : i32
      %mul3A_19 = vector.broadcast %mul3A_18 : i32 to vector<16xi32>
      %mul3A_20 = arith.muli %add3A_17, %mul3A_19 : vector<16xi32>
      %mul3A_21 = arith.constant 256 : i32
      %mul3A_22 = vector.broadcast %mul3A_21 : i32 to vector<16xi32>
      %mul3A_23 = arith.muli %iota3A, %mul3A_22 : vector<16xi32>
      %scan3A_24 = arith.constant 0 : i32
      %scan3A_25 = arith.constant 0 : i32
      %scan3A_26 = arith.constant 256 : i32
      %scan3A_27 = arith.addi %scan3A_25, %scan3A_26 : i32
      %scan3A_28 = arith.constant 1 : i32
      %scan3A_29 = scf.for %scan3A_239 = %scan3A_25 to %scan3A_27 step %scan3A_28 iter_args(%scan3A_240 = %scan3A_24) -> (i32)  : i32 {
        %broadcast_in_dim3A_241 = arith.constant 6271 : i32
        %broadcast_in_dim3A_242 = vector.broadcast %broadcast_in_dim3A_241 : i32 to vector<16xi32>
        %mul3A_243 = arith.constant 16 : i32
        %mul3A_244 = arith.muli %scan3A_239, %mul3A_243 : i32
        %swap3A_245 = arith.index_cast %mul3A_244 : i32 to index
        %swap3A_246 = tpu.vector_load %arg9[%swap3A_245] {strides = array<i32>} : memref<4096xi32, #tpu.memory_space<vmem>>, vector<16xi32>,
        tpu.vector_store %arg9[%swap3A_245], %broadcast_in_dim3A_242 {strides = array<i32>} : memref<4096xi32, #tpu.memory_space<vmem>>, vector<16xi32>,
        %scan3A_247 = arith.constant 0 : i32
        scf.yield %scan3A_247 : i32
      }
      %scan3A_30 = arith.constant 256 : i32
      %scan3A_31 = arith.constant 0 : i32
      %scan3A_32 = arith.constant 1568 : i32
      %scan3A_33 = arith.addi %scan3A_31, %scan3A_32 : i32
      %scan3A_34 = arith.constant 1 : i32
      %scan3A_35 = scf.for %scan3A_239 = %scan3A_31 to %scan3A_33 step %scan3A_34 iter_args(%scan3A_240 = %broadcast_in_dim3A_1) -> (vector<16xi32>)  : i32 {
        %mul3A_241 = arith.constant 4 : i32
        %mul3A_242 = arith.muli %scan3A_239, %mul3A_241 : i32
        %add3A_243 = arith.constant 0 : i32
        %add3A_244 = arith.addi %mul3A_242, %add3A_243 : i32
        %get3A_245 = arith.index_cast %add3A_244 : i32 to index
        %get3A_246 = arith.constant 0 : index
        %get3A_247 = tpu.vector_load %arg7[%get3A_245, %get3A_246] {strides = array<i32>} : memref<6272x16xf32, #tpu.memory_space<vmem>>, vector<16xf32>,
        %le3A = arith.cmpf ole, %get3A_247, %get3A_15 : vector<16xf32>
        %lt3A = arith.constant 256 : i32
        %lt3A_248 = vector.broadcast %lt3A : i32 to vector<16xi32>
        %lt3A_249 = arith.cmpi slt, %scan3A_240, %lt3A_248 : vector<16xi32>
        %and3A = arith.andi %le3A, %lt3A_249 : vector<16xi1>
        %min3A_250 = arith.constant 255 : i32
        %min3A_251 = vector.broadcast %min3A_250 : i32 to vector<16xi32>
        %min3A_252 = arith.minsi %scan3A_240, %min3A_251 : vector<16xi32>
        %add3A_253 = arith.addi %mul3A_23, %min3A_252 : vector<16xi32>
        %add3A_254 = vector.broadcast %add3A_244 : i32 to vector<16xi32>
        %add3A_255 = arith.addi %mul3A_20, %add3A_254 : vector<16xi32>
        tpu.vector_store_idx %arg9[%add3A_253], %add3A_255 masked %and3A : memref<4096xi32, #tpu.memory_space<vmem>>[vector<16xi32>], vector<16xi32>, vector<16xi1>
        %jit3A = arith.constant 1 : i32
        %broadcast_in_dim3A_256 = vector.broadcast %jit3A : i32 to vector<16xi32>
        %select_n3A = arith.select %and3A, %broadcast_in_dim3A_256, %broadcast_in_dim3A_1 : vector<16xi1>, vector<16xi32>
        %add3A_257 = arith.addi %scan3A_240, %select_n3A : vector<16xi32>
        %mul3A_258 = arith.constant 4 : i32
        %mul3A_259 = arith.muli %scan3A_239, %mul3A_258 : i32
        %add3A_260 = arith.constant 1 : i32
        %add3A_261 = arith.addi %mul3A_259, %add3A_260 : i32
        %get3A_262 = arith.index_cast %add3A_261 : i32 to index
        %get3A_263 = arith.constant 0 : index
        %get3A_264 = tpu.vector_load %arg7[%get3A_262, %get3A_263] {strides = array<i32>} : memref<6272x16xf32, #tpu.memory_space<vmem>>, vector<16xf32>,
        %le3A_265 = arith.cmpf ole, %get3A_264, %get3A_15 : vector<16xf32>
        %lt3A_266 = arith.constant 256 : i32
        %lt3A_267 = vector.broadcast %lt3A_266 : i32 to vector<16xi32>
        %lt3A_268 = arith.cmpi slt, %add3A_257, %lt3A_267 : vector<16xi32>
        %and3A_269 = arith.andi %le3A_265, %lt3A_268 : vector<16xi1>
        %min3A_270 = arith.constant 255 : i32
        %min3A_271 = vector.broadcast %min3A_270 : i32 to vector<16xi32>
        %min3A_272 = arith.minsi %add3A_257, %min3A_271 : vector<16xi32>
        %add3A_273 = arith.addi %mul3A_23, %min3A_272 : vector<16xi32>
        %add3A_274 = vector.broadcast %add3A_261 : i32 to vector<16xi32>
        %add3A_275 = arith.addi %mul3A_20, %add3A_274 : vector<16xi32>
        tpu.vector_store_idx %arg9[%add3A_273], %add3A_275 masked %and3A_269 : memref<4096xi32, #tpu.memory_space<vmem>>[vector<16xi32>], vector<16xi32>, vector<16xi1>
        %jit3A_276 = arith.constant 1 : i32
        %broadcast_in_dim3A_277 = vector.broadcast %jit3A_276 : i32 to vector<16xi32>
        %select_n3A_278 = arith.select %and3A_269, %broadcast_in_dim3A_277, %broadcast_in_dim3A_1 : vector<16xi1>, vector<16xi32>
        %add3A_279 = arith.addi %add3A_257, %select_n3A_278 : vector<16xi32>
        %mul3A_280 = arith.constant 4 : i32
        %mul3A_281 = arith.muli %scan3A_239, %mul3A_280 : i32
        %add3A_282 = arith.constant 2 : i32
        %add3A_283 = arith.addi %mul3A_281, %add3A_282 : i32
        %get3A_284 = arith.index_cast %add3A_283 : i32 to index
        %get3A_285 = arith.constant 0 : index
        %get3A_286 = tpu.vector_load %arg7[%get3A_284, %get3A_285] {strides = array<i32>} : memref<6272x16xf32, #tpu.memory_space<vmem>>, vector<16xf32>,
        %le3A_287 = arith.cmpf ole, %get3A_286, %get3A_15 : vector<16xf32>
        %lt3A_288 = arith.constant 256 : i32
        %lt3A_289 = vector.broadcast %lt3A_288 : i32 to vector<16xi32>
        %lt3A_290 = arith.cmpi slt, %add3A_279, %lt3A_289 : vector<16xi32>
        %and3A_291 = arith.andi %le3A_287, %lt3A_290 : vector<16xi1>
        %min3A_292 = arith.constant 255 : i32
        %min3A_293 = vector.broadcast %min3A_292 : i32 to vector<16xi32>
        %min3A_294 = arith.minsi %add3A_279, %min3A_293 : vector<16xi32>
        %add3A_295 = arith.addi %mul3A_23, %min3A_294 : vector<16xi32>
        %add3A_296 = vector.broadcast %add3A_283 : i32 to vector<16xi32>
        %add3A_297 = arith.addi %mul3A_20, %add3A_296 : vector<16xi32>
        tpu.vector_store_idx %arg9[%add3A_295], %add3A_297 masked %and3A_291 : memref<4096xi32, #tpu.memory_space<vmem>>[vector<16xi32>], vector<16xi32>, vector<16xi1>
        %jit3A_298 = arith.constant 1 : i32
        %broadcast_in_dim3A_299 = vector.broadcast %jit3A_298 : i32 to vector<16xi32>
        %select_n3A_300 = arith.select %and3A_291, %broadcast_in_dim3A_299, %broadcast_in_dim3A_1 : vector<16xi1>, vector<16xi32>
        %add3A_301 = arith.addi %add3A_279, %select_n3A_300 : vector<16xi32>
        %mul3A_302 = arith.constant 4 : i32
        %mul3A_303 = arith.muli %scan3A_239, %mul3A_302 : i32
        %add3A_304 = arith.constant 3 : i32
        %add3A_305 = arith.addi %mul3A_303, %add3A_304 : i32
        %get3A_306 = arith.index_cast %add3A_305 : i32 to index
        %get3A_307 = arith.constant 0 : index
        %get3A_308 = tpu.vector_load %arg7[%get3A_306, %get3A_307] {strides = array<i32>} : memref<6272x16xf32, #tpu.memory_space<vmem>>, vector<16xf32>,
        %le3A_309 = arith.cmpf ole, %get3A_308, %get3A_15 : vector<16xf32>
        %lt3A_310 = arith.constant 256 : i32
        %lt3A_311 = vector.broadcast %lt3A_310 : i32 to vector<16xi32>
        %lt3A_312 = arith.cmpi slt, %add3A_301, %lt3A_311 : vector<16xi32>
        %and3A_313 = arith.andi %le3A_309, %lt3A_312 : vector<16xi1>
        %min3A_314 = arith.constant 255 : i32
        %min3A_315 = vector.broadcast %min3A_314 : i32 to vector<16xi32>
        %min3A_316 = arith.minsi %add3A_301, %min3A_315 : vector<16xi32>
        %add3A_317 = arith.addi %mul3A_23, %min3A_316 : vector<16xi32>
        %add3A_318 = vector.broadcast %add3A_305 : i32 to vector<16xi32>
        %add3A_319 = arith.addi %mul3A_20, %add3A_318 : vector<16xi32>
        tpu.vector_store_idx %arg9[%add3A_317], %add3A_319 masked %and3A_313 : memref<4096xi32, #tpu.memory_space<vmem>>[vector<16xi32>], vector<16xi32>, vector<16xi1>
        %jit3A_320 = arith.constant 1 : i32
        %broadcast_in_dim3A_321 = vector.broadcast %jit3A_320 : i32 to vector<16xi32>
        %select_n3A_322 = arith.select %and3A_313, %broadcast_in_dim3A_321, %broadcast_in_dim3A_1 : vector<16xi1>, vector<16xi32>
        %add3A_323 = arith.addi %add3A_301, %select_n3A_322 : vector<16xi32>
        scf.yield %add3A_323 : vector<16xi32>
      }
      %scan3A_36 = arith.constant 1568 : i32
      %swap3A = arith.constant 0 : index
      %swap3A_37 = tpu.vector_load %arg13[%swap3A] {strides = array<i32>} : memref<16xi32, #tpu.memory_space<vmem>>, vector<16xi32>,
      tpu.vector_store %arg13[%swap3A], %scan3A_35 {strides = array<i32>} : memref<16xi32, #tpu.memory_space<vmem>>, vector<16xi32>,
      %get3A_38 = arith.constant 0 : index
      %get3A_39 = tpu.vector_load %arg13[%get3A_38] {strides = array<i32>} : memref<16xi32, #tpu.memory_space<vmem>>, vector<16xi32>,
      %get3A_40 = arith.constant 0 : index
      %get3A_41 = tpu.vector_load %arg8[%get3A_40] {strides = array<i32>} : memref<16xf32, #tpu.memory_space<vmem>>, vector<16xf32>,
      %slice3A = vector.extract_strided_slice %get3A_39 {offsets = [0], sizes = [1], strides = [1]} : vector<16xi32> to vector<1xi32>
      %squeeze3A = vector.extract %slice3A[0] : i32 from vector<1xi32>
      %min3A = arith.constant 192 : i32
      %min3A_42 = arith.minsi %squeeze3A, %min3A : i32
      %swap3A_43 = arith.constant 0 : i32
      %swap3A_44 = arith.index_cast %swap3A_43 : i32 to index
      %swap3A_45 = memref.load %arg16[%swap3A_44] : memref<16xi32, #tpu.memory_space<smem>>
      memref.store %min3A_42, %arg16[%swap3A_44] : memref<16xi32, #tpu.memory_space<smem>>
      %slice3A_46 = vector.extract_strided_slice %get3A_41 {offsets = [0], sizes = [1], strides = [1]} : vector<16xf32> to vector<1xf32>
      %squeeze3A_47 = vector.extract %slice3A_46[0] : f32 from vector<1xf32>
      %swap3A_48 = arith.constant 0 : i32
      %swap3A_49 = arith.index_cast %swap3A_48 : i32 to index
      %swap3A_50 = memref.load %arg17[%swap3A_49] : memref<16xf32, #tpu.memory_space<smem>>
      memref.store %squeeze3A_47, %arg17[%swap3A_49] : memref<16xf32, #tpu.memory_space<smem>>
      %slice3A_51 = vector.extract_strided_slice %get3A_39 {offsets = [1], sizes = [1], strides = [1]} : vector<16xi32> to vector<1xi32>
      %squeeze3A_52 = vector.extract %slice3A_51[0] : i32 from vector<1xi32>
      %min3A_53 = arith.constant 192 : i32
      %min3A_54 = arith.minsi %squeeze3A_52, %min3A_53 : i32
      %swap3A_55 = arith.constant 1 : i32
      %swap3A_56 = arith.index_cast %swap3A_55 : i32 to index
      %swap3A_57 = memref.load %arg16[%swap3A_56] : memref<16xi32, #tpu.memory_space<smem>>
      memref.store %min3A_54, %arg16[%swap3A_56] : memref<16xi32, #tpu.memory_space<smem>>
      %slice3A_58 = vector.extract_strided_slice %get3A_41 {offsets = [1], sizes = [1], strides = [1]} : vector<16xf32> to vector<1xf32>
      %squeeze3A_59 = vector.extract %slice3A_58[0] : f32 from vector<1xf32>
      %swap3A_60 = arith.constant 1 : i32
      %swap3A_61 = arith.index_cast %swap3A_60 : i32 to index
      %swap3A_62 = memref.load %arg17[%swap3A_61] : memref<16xf32, #tpu.memory_space<smem>>
      memref.store %squeeze3A_59, %arg17[%swap3A_61] : memref<16xf32, #tpu.memory_space<smem>>
      %slice3A_63 = vector.extract_strided_slice %get3A_39 {offsets = [2], sizes = [1], strides = [1]} : vector<16xi32> to vector<1xi32>
      %squeeze3A_64 = vector.extract %slice3A_63[0] : i32 from vector<1xi32>
      %min3A_65 = arith.constant 192 : i32
      %min3A_66 = arith.minsi %squeeze3A_64, %min3A_65 : i32
      %swap3A_67 = arith.constant 2 : i32
      %swap3A_68 = arith.index_cast %swap3A_67 : i32 to index
      %swap3A_69 = memref.load %arg16[%swap3A_68] : memref<16xi32, #tpu.memory_space<smem>>
      memref.store %min3A_66, %arg16[%swap3A_68] : memref<16xi32, #tpu.memory_space<smem>>
      %slice3A_70 = vector.extract_strided_slice %get3A_41 {offsets = [2], sizes = [1], strides = [1]} : vector<16xf32> to vector<1xf32>
      %squeeze3A_71 = vector.extract %slice3A_70[0] : f32 from vector<1xf32>
      %swap3A_72 = arith.constant 2 : i32
      %swap3A_73 = arith.index_cast %swap3A_72 : i32 to index
      %swap3A_74 = memref.load %arg17[%swap3A_73] : memref<16xf32, #tpu.memory_space<smem>>
      memref.store %squeeze3A_71, %arg17[%swap3A_73] : memref<16xf32, #tpu.memory_space<smem>>
      %slice3A_75 = vector.extract_strided_slice %get3A_39 {offsets = [3], sizes = [1], strides = [1]} : vector<16xi32> to vector<1xi32>
      %squeeze3A_76 = vector.extract %slice3A_75[0] : i32 from vector<1xi32>
      %min3A_77 = arith.constant 192 : i32
      %min3A_78 = arith.minsi %squeeze3A_76, %min3A_77 : i32
      %swap3A_79 = arith.constant 3 : i32
      %swap3A_80 = arith.index_cast %swap3A_79 : i32 to index
      %swap3A_81 = memref.load %arg16[%swap3A_80] : memref<16xi32, #tpu.memory_space<smem>>
      memref.store %min3A_78, %arg16[%swap3A_80] : memref<16xi32, #tpu.memory_space<smem>>
      %slice3A_82 = vector.extract_strided_slice %get3A_41 {offsets = [3], sizes = [1], strides = [1]} : vector<16xf32> to vector<1xf32>
      %squeeze3A_83 = vector.extract %slice3A_82[0] : f32 from vector<1xf32>
      %swap3A_84 = arith.constant 3 : i32
      %swap3A_85 = arith.index_cast %swap3A_84 : i32 to index
      %swap3A_86 = memref.load %arg17[%swap3A_85] : memref<16xf32, #tpu.memory_space<smem>>
      memref.store %squeeze3A_83, %arg17[%swap3A_85] : memref<16xf32, #tpu.memory_space<smem>>
      %slice3A_87 = vector.extract_strided_slice %get3A_39 {offsets = [4], sizes = [1], strides = [1]} : vector<16xi32> to vector<1xi32>
      %squeeze3A_88 = vector.extract %slice3A_87[0] : i32 from vector<1xi32>
      %min3A_89 = arith.constant 192 : i32
      %min3A_90 = arith.minsi %squeeze3A_88, %min3A_89 : i32
      %swap3A_91 = arith.constant 4 : i32
      %swap3A_92 = arith.index_cast %swap3A_91 : i32 to index
      %swap3A_93 = memref.load %arg16[%swap3A_92] : memref<16xi32, #tpu.memory_space<smem>>
      memref.store %min3A_90, %arg16[%swap3A_92] : memref<16xi32, #tpu.memory_space<smem>>
      %slice3A_94 = vector.extract_strided_slice %get3A_41 {offsets = [4], sizes = [1], strides = [1]} : vector<16xf32> to vector<1xf32>
      %squeeze3A_95 = vector.extract %slice3A_94[0] : f32 from vector<1xf32>
      %swap3A_96 = arith.constant 4 : i32
      %swap3A_97 = arith.index_cast %swap3A_96 : i32 to index
      %swap3A_98 = memref.load %arg17[%swap3A_97] : memref<16xf32, #tpu.memory_space<smem>>
      memref.store %squeeze3A_95, %arg17[%swap3A_97] : memref<16xf32, #tpu.memory_space<smem>>
      %slice3A_99 = vector.extract_strided_slice %get3A_39 {offsets = [5], sizes = [1], strides = [1]} : vector<16xi32> to vector<1xi32>
      %squeeze3A_100 = vector.extract %slice3A_99[0] : i32 from vector<1xi32>
      %min3A_101 = arith.constant 192 : i32
      %min3A_102 = arith.minsi %squeeze3A_100, %min3A_101 : i32
      %swap3A_103 = arith.constant 5 : i32
      %swap3A_104 = arith.index_cast %swap3A_103 : i32 to index
      %swap3A_105 = memref.load %arg16[%swap3A_104] : memref<16xi32, #tpu.memory_space<smem>>
      memref.store %min3A_102, %arg16[%swap3A_104] : memref<16xi32, #tpu.memory_space<smem>>
      %slice3A_106 = vector.extract_strided_slice %get3A_41 {offsets = [5], sizes = [1], strides = [1]} : vector<16xf32> to vector<1xf32>
      %squeeze3A_107 = vector.extract %slice3A_106[0] : f32 from vector<1xf32>
      %swap3A_108 = arith.constant 5 : i32
      %swap3A_109 = arith.index_cast %swap3A_108 : i32 to index
      %swap3A_110 = memref.load %arg17[%swap3A_109] : memref<16xf32, #tpu.memory_space<smem>>
      memref.store %squeeze3A_107, %arg17[%swap3A_109] : memref<16xf32, #tpu.memory_space<smem>>
      %slice3A_111 = vector.extract_strided_slice %get3A_39 {offsets = [6], sizes = [1], strides = [1]} : vector<16xi32> to vector<1xi32>
      %squeeze3A_112 = vector.extract %slice3A_111[0] : i32 from vector<1xi32>
      %min3A_113 = arith.constant 192 : i32
      %min3A_114 = arith.minsi %squeeze3A_112, %min3A_113 : i32
      %swap3A_115 = arith.constant 6 : i32
      %swap3A_116 = arith.index_cast %swap3A_115 : i32 to index
      %swap3A_117 = memref.load %arg16[%swap3A_116] : memref<16xi32, #tpu.memory_space<smem>>
      memref.store %min3A_114, %arg16[%swap3A_116] : memref<16xi32, #tpu.memory_space<smem>>
      %slice3A_118 = vector.extract_strided_slice %get3A_41 {offsets = [6], sizes = [1], strides = [1]} : vector<16xf32> to vector<1xf32>
      %squeeze3A_119 = vector.extract %slice3A_118[0] : f32 from vector<1xf32>
      %swap3A_120 = arith.constant 6 : i32
      %swap3A_121 = arith.index_cast %swap3A_120 : i32 to index
      %swap3A_122 = memref.load %arg17[%swap3A_121] : memref<16xf32, #tpu.memory_space<smem>>
      memref.store %squeeze3A_119, %arg17[%swap3A_121] : memref<16xf32, #tpu.memory_space<smem>>
      %slice3A_123 = vector.extract_strided_slice %get3A_39 {offsets = [7], sizes = [1], strides = [1]} : vector<16xi32> to vector<1xi32>
      %squeeze3A_124 = vector.extract %slice3A_123[0] : i32 from vector<1xi32>
      %min3A_125 = arith.constant 192 : i32
      %min3A_126 = arith.minsi %squeeze3A_124, %min3A_125 : i32
      %swap3A_127 = arith.constant 7 : i32
      %swap3A_128 = arith.index_cast %swap3A_127 : i32 to index
      %swap3A_129 = memref.load %arg16[%swap3A_128] : memref<16xi32, #tpu.memory_space<smem>>
      memref.store %min3A_126, %arg16[%swap3A_128] : memref<16xi32, #tpu.memory_space<smem>>
      %slice3A_130 = vector.extract_strided_slice %get3A_41 {offsets = [7], sizes = [1], strides = [1]} : vector<16xf32> to vector<1xf32>
      %squeeze3A_131 = vector.extract %slice3A_130[0] : f32 from vector<1xf32>
      %swap3A_132 = arith.constant 7 : i32
      %swap3A_133 = arith.index_cast %swap3A_132 : i32 to index
      %swap3A_134 = memref.load %arg17[%swap3A_133] : memref<16xf32, #tpu.memory_space<smem>>
      memref.store %squeeze3A_131, %arg17[%swap3A_133] : memref<16xf32, #tpu.memory_space<smem>>
      %slice3A_135 = vector.extract_strided_slice %get3A_39 {offsets = [8], sizes = [1], strides = [1]} : vector<16xi32> to vector<1xi32>
      %squeeze3A_136 = vector.extract %slice3A_135[0] : i32 from vector<1xi32>
      %min3A_137 = arith.constant 192 : i32
      %min3A_138 = arith.minsi %squeeze3A_136, %min3A_137 : i32
      %swap3A_139 = arith.constant 8 : i32
      %swap3A_140 = arith.index_cast %swap3A_139 : i32 to index
      %swap3A_141 = memref.load %arg16[%swap3A_140] : memref<16xi32, #tpu.memory_space<smem>>
      memref.store %min3A_138, %arg16[%swap3A_140] : memref<16xi32, #tpu.memory_space<smem>>
      %slice3A_142 = vector.extract_strided_slice %get3A_41 {offsets = [8], sizes = [1], strides = [1]} : vector<16xf32> to vector<1xf32>
      %squeeze3A_143 = vector.extract %slice3A_142[0] : f32 from vector<1xf32>
      %swap3A_144 = arith.constant 8 : i32
      %swap3A_145 = arith.index_cast %swap3A_144 : i32 to index
      %swap3A_146 = memref.load %arg17[%swap3A_145] : memref<16xf32, #tpu.memory_space<smem>>
      memref.store %squeeze3A_143, %arg17[%swap3A_145] : memref<16xf32, #tpu.memory_space<smem>>
      %slice3A_147 = vector.extract_strided_slice %get3A_39 {offsets = [9], sizes = [1], strides = [1]} : vector<16xi32> to vector<1xi32>
      %squeeze3A_148 = vector.extract %slice3A_147[0] : i32 from vector<1xi32>
      %min3A_149 = arith.constant 192 : i32
      %min3A_150 = arith.minsi %squeeze3A_148, %min3A_149 : i32
      %swap3A_151 = arith.constant 9 : i32
      %swap3A_152 = arith.index_cast %swap3A_151 : i32 to index
      %swap3A_153 = memref.load %arg16[%swap3A_152] : memref<16xi32, #tpu.memory_space<smem>>
      memref.store %min3A_150, %arg16[%swap3A_152] : memref<16xi32, #tpu.memory_space<smem>>
      %slice3A_154 = vector.extract_strided_slice %get3A_41 {offsets = [9], sizes = [1], strides = [1]} : vector<16xf32> to vector<1xf32>
      %squeeze3A_155 = vector.extract %slice3A_154[0] : f32 from vector<1xf32>
      %swap3A_156 = arith.constant 9 : i32
      %swap3A_157 = arith.index_cast %swap3A_156 : i32 to index
      %swap3A_158 = memref.load %arg17[%swap3A_157] : memref<16xf32, #tpu.memory_space<smem>>
      memref.store %squeeze3A_155, %arg17[%swap3A_157] : memref<16xf32, #tpu.memory_space<smem>>
      %slice3A_159 = vector.extract_strided_slice %get3A_39 {offsets = [10], sizes = [1], strides = [1]} : vector<16xi32> to vector<1xi32>
      %squeeze3A_160 = vector.extract %slice3A_159[0] : i32 from vector<1xi32>
      %min3A_161 = arith.constant 192 : i32
      %min3A_162 = arith.minsi %squeeze3A_160, %min3A_161 : i32
      %swap3A_163 = arith.constant 10 : i32
      %swap3A_164 = arith.index_cast %swap3A_163 : i32 to index
      %swap3A_165 = memref.load %arg16[%swap3A_164] : memref<16xi32, #tpu.memory_space<smem>>
      memref.store %min3A_162, %arg16[%swap3A_164] : memref<16xi32, #tpu.memory_space<smem>>
      %slice3A_166 = vector.extract_strided_slice %get3A_41 {offsets = [10], sizes = [1], strides = [1]} : vector<16xf32> to vector<1xf32>
      %squeeze3A_167 = vector.extract %slice3A_166[0] : f32 from vector<1xf32>
      %swap3A_168 = arith.constant 10 : i32
      %swap3A_169 = arith.index_cast %swap3A_168 : i32 to index
      %swap3A_170 = memref.load %arg17[%swap3A_169] : memref<16xf32, #tpu.memory_space<smem>>
      memref.store %squeeze3A_167, %arg17[%swap3A_169] : memref<16xf32, #tpu.memory_space<smem>>
      %slice3A_171 = vector.extract_strided_slice %get3A_39 {offsets = [11], sizes = [1], strides = [1]} : vector<16xi32> to vector<1xi32>
      %squeeze3A_172 = vector.extract %slice3A_171[0] : i32 from vector<1xi32>
      %min3A_173 = arith.constant 192 : i32
      %min3A_174 = arith.minsi %squeeze3A_172, %min3A_173 : i32
      %swap3A_175 = arith.constant 11 : i32
      %swap3A_176 = arith.index_cast %swap3A_175 : i32 to index
      %swap3A_177 = memref.load %arg16[%swap3A_176] : memref<16xi32, #tpu.memory_space<smem>>
      memref.store %min3A_174, %arg16[%swap3A_176] : memref<16xi32, #tpu.memory_space<smem>>
      %slice3A_178 = vector.extract_strided_slice %get3A_41 {offsets = [11], sizes = [1], strides = [1]} : vector<16xf32> to vector<1xf32>
      %squeeze3A_179 = vector.extract %slice3A_178[0] : f32 from vector<1xf32>
      %swap3A_180 = arith.constant 11 : i32
      %swap3A_181 = arith.index_cast %swap3A_180 : i32 to index
      %swap3A_182 = memref.load %arg17[%swap3A_181] : memref<16xf32, #tpu.memory_space<smem>>
      memref.store %squeeze3A_179, %arg17[%swap3A_181] : memref<16xf32, #tpu.memory_space<smem>>
      %slice3A_183 = vector.extract_strided_slice %get3A_39 {offsets = [12], sizes = [1], strides = [1]} : vector<16xi32> to vector<1xi32>
      %squeeze3A_184 = vector.extract %slice3A_183[0] : i32 from vector<1xi32>
      %min3A_185 = arith.constant 192 : i32
      %min3A_186 = arith.minsi %squeeze3A_184, %min3A_185 : i32
      %swap3A_187 = arith.constant 12 : i32
      %swap3A_188 = arith.index_cast %swap3A_187 : i32 to index
      %swap3A_189 = memref.load %arg16[%swap3A_188] : memref<16xi32, #tpu.memory_space<smem>>
      memref.store %min3A_186, %arg16[%swap3A_188] : memref<16xi32, #tpu.memory_space<smem>>
      %slice3A_190 = vector.extract_strided_slice %get3A_41 {offsets = [12], sizes = [1], strides = [1]} : vector<16xf32> to vector<1xf32>
      %squeeze3A_191 = vector.extract %slice3A_190[0] : f32 from vector<1xf32>
      %swap3A_192 = arith.constant 12 : i32
      %swap3A_193 = arith.index_cast %swap3A_192 : i32 to index
      %swap3A_194 = memref.load %arg17[%swap3A_193] : memref<16xf32, #tpu.memory_space<smem>>
      memref.store %squeeze3A_191, %arg17[%swap3A_193] : memref<16xf32, #tpu.memory_space<smem>>
      %slice3A_195 = vector.extract_strided_slice %get3A_39 {offsets = [13], sizes = [1], strides = [1]} : vector<16xi32> to vector<1xi32>
      %squeeze3A_196 = vector.extract %slice3A_195[0] : i32 from vector<1xi32>
      %min3A_197 = arith.constant 192 : i32
      %min3A_198 = arith.minsi %squeeze3A_196, %min3A_197 : i32
      %swap3A_199 = arith.constant 13 : i32
      %swap3A_200 = arith.index_cast %swap3A_199 : i32 to index
      %swap3A_201 = memref.load %arg16[%swap3A_200] : memref<16xi32, #tpu.memory_space<smem>>
      memref.store %min3A_198, %arg16[%swap3A_200] : memref<16xi32, #tpu.memory_space<smem>>
      %slice3A_202 = vector.extract_strided_slice %get3A_41 {offsets = [13], sizes = [1], strides = [1]} : vector<16xf32> to vector<1xf32>
      %squeeze3A_203 = vector.extract %slice3A_202[0] : f32 from vector<1xf32>
      %swap3A_204 = arith.constant 13 : i32
      %swap3A_205 = arith.index_cast %swap3A_204 : i32 to index
      %swap3A_206 = memref.load %arg17[%swap3A_205] : memref<16xf32, #tpu.memory_space<smem>>
      memref.store %squeeze3A_203, %arg17[%swap3A_205] : memref<16xf32, #tpu.memory_space<smem>>
      %slice3A_207 = vector.extract_strided_slice %get3A_39 {offsets = [14], sizes = [1], strides = [1]} : vector<16xi32> to vector<1xi32>
      %squeeze3A_208 = vector.extract %slice3A_207[0] : i32 from vector<1xi32>
      %min3A_209 = arith.constant 192 : i32
      %min3A_210 = arith.minsi %squeeze3A_208, %min3A_209 : i32
      %swap3A_211 = arith.constant 14 : i32
      %swap3A_212 = arith.index_cast %swap3A_211 : i32 to index
      %swap3A_213 = memref.load %arg16[%swap3A_212] : memref<16xi32, #tpu.memory_space<smem>>
      memref.store %min3A_210, %arg16[%swap3A_212] : memref<16xi32, #tpu.memory_space<smem>>
      %slice3A_214 = vector.extract_strided_slice %get3A_41 {offsets = [14], sizes = [1], strides = [1]} : vector<16xf32> to vector<1xf32>
      %squeeze3A_215 = vector.extract %slice3A_214[0] : f32 from vector<1xf32>
      %swap3A_216 = arith.constant 14 : i32
      %swap3A_217 = arith.index_cast %swap3A_216 : i32 to index
      %swap3A_218 = memref.load %arg17[%swap3A_217] : memref<16xf32, #tpu.memory_space<smem>>
      memref.store %squeeze3A_215, %arg17[%swap3A_217] : memref<16xf32, #tpu.memory_space<smem>>
      %slice3A_219 = vector.extract_strided_slice %get3A_39 {offsets = [15], sizes = [1], strides = [1]} : vector<16xi32> to vector<1xi32>
      %squeeze3A_220 = vector.extract %slice3A_219[0] : i32 from vector<1xi32>
      %min3A_221 = arith.constant 192 : i32
      %min3A_222 = arith.minsi %squeeze3A_220, %min3A_221 : i32
      %swap3A_223 = arith.constant 15 : i32
      %swap3A_224 = arith.index_cast %swap3A_223 : i32 to index
      %swap3A_225 = memref.load %arg16[%swap3A_224] : memref<16xi32, #tpu.memory_space<smem>>
      memref.store %min3A_222, %arg16[%swap3A_224] : memref<16xi32, #tpu.memory_space<smem>>
      %slice3A_226 = vector.extract_strided_slice %get3A_41 {offsets = [15], sizes = [1], strides = [1]} : vector<16xf32> to vector<1xf32>
      %squeeze3A_227 = vector.extract %slice3A_226[0] : f32 from vector<1xf32>
      %swap3A_228 = arith.constant 15 : i32
      %swap3A_229 = arith.index_cast %swap3A_228 : i32 to index
      %swap3A_230 = memref.load %arg17[%swap3A_229] : memref<16xf32, #tpu.memory_space<smem>>
      memref.store %squeeze3A_227, %arg17[%swap3A_229] : memref<16xf32, #tpu.memory_space<smem>>
      %scan3A_231 = arith.constant 0 : i32
      %scan3A_232 = arith.constant 0 : i32
      %scan3A_233 = arith.constant 16 : i32
      %scan3A_234 = arith.addi %scan3A_232, %scan3A_233 : i32
      %scan3A_235 = arith.constant 1 : i32
      %scan3A_236 = scf.for %scan3A_239 = %scan3A_232 to %scan3A_234 step %scan3A_235 iter_args(%scan3A_240 = %scan3A_231) -> (i32)  : i32 {
        %add3A_241 = arith.addi %mul3A_14, %scan3A_239 : i32
        %get3A_242 = arith.index_cast %scan3A_239 : i32 to index
        %get3A_243 = memref.load %arg16[%get3A_242] : memref<16xi32, #tpu.memory_space<smem>>
        %get3A_244 = arith.index_cast %scan3A_239 : i32 to index
        %get3A_245 = memref.load %arg17[%get3A_244] : memref<16xf32, #tpu.memory_space<smem>>
        %broadcast_in_dim3A_246 = vector.broadcast %get3A_245 : f32 to vector<16xf32>
        %mul3A_247 = arith.constant 6272 : i32
        %mul3A_248 = arith.muli %add3A_241, %mul3A_247 : i32
        %mul3A_249 = arith.constant 256 : i32
        %mul3A_250 = arith.muli %scan3A_239, %mul3A_249 : i32
        %dma_start3A = arith.constant 0 : i32
        %dma_start3A_251 = arith.constant 0 : i32
        %dma_start3A_252 = tpu.memref_slice %arg10[%dma_start3A, %dma_start3A_251] : memref<192x16xf32, #tpu.memory_space<vmem>> -> memref<128x16xf32, #tpu.memory_space<vmem>>
        %dma_start3A_253 = tpu.memref_slice %arg9[%mul3A_250] : memref<4096xi32, #tpu.memory_space<vmem>> -> memref<128xi32, #tpu.memory_space<vmem>>
        %dma_start3A_254 = arith.constant 0 : i32
        %dma_start3A_255 = arith.constant 0 : i32
        %dma_start3A_256 = tpu.memref_slice %arg4[%dma_start3A_254, %dma_start3A_255] : memref<25690112x16xf32, #tpu.memory_space<hbm>> -> memref<25690112x16xf32, #tpu.memory_space<hbm>>
        tpu.enqueue_indirect_dma source(%dma_start3A_256 : memref<25690112x16xf32, #tpu.memory_space<hbm>>) target(%dma_start3A_252 : memref<128x16xf32, #tpu.memory_space<vmem>>) offsets(%dma_start3A_253 : memref<128xi32, #tpu.memory_space<vmem>>) semaphore(%arg18 : memref<!tpu.dma_semaphore, #tpu.memory_space<semaphore_mem>>)
        %dma_wait3A = arith.constant 0 : i32
        %dma_wait3A_257 = arith.constant 0 : i32
        %dma_wait3A_258 = tpu.memref_slice %arg10[%dma_wait3A, %dma_wait3A_257] : memref<192x16xf32, #tpu.memory_space<vmem>> -> memref<128x16xf32, #tpu.memory_space<vmem>>
        %dma_wait3A_259 = tpu.memref_slice %arg9[%mul3A_250] : memref<4096xi32, #tpu.memory_space<vmem>> -> memref<128xi32, #tpu.memory_space<vmem>>
        %dma_wait3A_260 = arith.constant 0 : i32
        %dma_wait3A_261 = arith.constant 0 : i32
        %dma_wait3A_262 = tpu.memref_slice %arg4[%dma_wait3A_260, %dma_wait3A_261] : memref<25690112x16xf32, #tpu.memory_space<hbm>> -> memref<25690112x16xf32, #tpu.memory_space<hbm>>
        tpu.wait_indirect_dma semaphore(%arg18 : memref<!tpu.dma_semaphore, #tpu.memory_space<semaphore_mem>>) src(%dma_wait3A_262 : memref<25690112x16xf32, #tpu.memory_space<hbm>>) dst(%dma_wait3A_258 : memref<128x16xf32, #tpu.memory_space<vmem>>)
        %gt3A = arith.constant 128 : i32
        %gt3A_263 = arith.cmpi sgt, %get3A_243, %gt3A : i32
        %convert_element_type3A = arith.extui %gt3A_263 : i1 to i32
        %cond3A = arith.constant 0 : i32
        %cond3A_264 = arith.cmpi ne, %convert_element_type3A, %cond3A : i32
        scf.if %cond3A_264 {
          %mul3A_342 = arith.constant 256 : i32
          %mul3A_343 = arith.muli %scan3A_239, %mul3A_342 : i32
          %add3A_344 = arith.constant 128 : i32
          %add3A_345 = arith.addi %mul3A_343, %add3A_344 : i32
          %dma_start3A_346 = arith.constant 128 : i32
          %dma_start3A_347 = arith.constant 0 : i32
          %dma_start3A_348 = tpu.memref_slice %arg10[%dma_start3A_346, %dma_start3A_347] : memref<192x16xf32, #tpu.memory_space<vmem>> -> memref<64x16xf32, #tpu.memory_space<vmem>>
          %dma_start3A_349 = tpu.memref_slice %arg9[%add3A_345] : memref<4096xi32, #tpu.memory_space<vmem>> -> memref<64xi32, #tpu.memory_space<vmem>>
          %dma_start3A_350 = arith.constant 0 : i32
          %dma_start3A_351 = arith.constant 0 : i32
          %dma_start3A_352 = tpu.memref_slice %arg4[%dma_start3A_350, %dma_start3A_351] : memref<25690112x16xf32, #tpu.memory_space<hbm>> -> memref<25690112x16xf32, #tpu.memory_space<hbm>>
          tpu.enqueue_indirect_dma source(%dma_start3A_352 : memref<25690112x16xf32, #tpu.memory_space<hbm>>) target(%dma_start3A_348 : memref<64x16xf32, #tpu.memory_space<vmem>>) offsets(%dma_start3A_349 : memref<64xi32, #tpu.memory_space<vmem>>) semaphore(%arg18 : memref<!tpu.dma_semaphore, #tpu.memory_space<semaphore_mem>>)
          %dma_wait3A_353 = arith.constant 128 : i32
          %dma_wait3A_354 = arith.constant 0 : i32
          %dma_wait3A_355 = tpu.memref_slice %arg10[%dma_wait3A_353, %dma_wait3A_354] : memref<192x16xf32, #tpu.memory_space<vmem>> -> memref<64x16xf32, #tpu.memory_space<vmem>>
          %dma_wait3A_356 = tpu.memref_slice %arg9[%add3A_345] : memref<4096xi32, #tpu.memory_space<vmem>> -> memref<64xi32, #tpu.memory_space<vmem>>
          %dma_wait3A_357 = arith.constant 0 : i32
          %dma_wait3A_358 = arith.constant 0 : i32
          %dma_wait3A_359 = tpu.memref_slice %arg4[%dma_wait3A_357, %dma_wait3A_358] : memref<25690112x16xf32, #tpu.memory_space<hbm>> -> memref<25690112x16xf32, #tpu.memory_space<hbm>>
          tpu.wait_indirect_dma semaphore(%arg18 : memref<!tpu.dma_semaphore, #tpu.memory_space<semaphore_mem>>) src(%dma_wait3A_359 : memref<25690112x16xf32, #tpu.memory_space<hbm>>) dst(%dma_wait3A_355 : memref<64x16xf32, #tpu.memory_space<vmem>>)
        } else {
        }
        %scan3A_265 = arith.constant 0 : i32
        %scan3A_266 = arith.constant 0 : i32
        %scan3A_267 = arith.constant 14 : i32
        %scan3A_268 = arith.addi %scan3A_266, %scan3A_267 : i32
        %scan3A_269 = arith.constant 1 : i32
        %scan3A_270 = scf.for %scan3A_342 = %scan3A_266 to %scan3A_268 step %scan3A_269 iter_args(%scan3A_343 = %scan3A_265) -> (i32)  : i32 {
          %broadcast_in_dim3A_344 = arith.constant 1.000000e+09 : f32
          %broadcast_in_dim3A_345 = vector.broadcast %broadcast_in_dim3A_344 : f32 to vector<16xf32>
          %mul3A_346 = arith.constant 16 : i32
          %mul3A_347 = arith.muli %scan3A_342, %mul3A_346 : i32
          %swap3A_348 = arith.index_cast %mul3A_347 : i32 to index
          %swap3A_349 = tpu.vector_load %arg11[%swap3A_348] {strides = array<i32>} : memref<224xf32, #tpu.memory_space<vmem>>, vector<16xf32>,
          tpu.vector_store %arg11[%swap3A_348], %broadcast_in_dim3A_345 {strides = array<i32>} : memref<224xf32, #tpu.memory_space<vmem>>, vector<16xf32>,
          %mul3A_350 = arith.constant 16 : i32
          %mul3A_351 = arith.muli %scan3A_342, %mul3A_350 : i32
          %swap3A_352 = arith.index_cast %mul3A_351 : i32 to index
          %swap3A_353 = tpu.vector_load %arg12[%swap3A_352] {strides = array<i32>} : memref<224xi32, #tpu.memory_space<vmem>>, vector<16xi32>,
          tpu.vector_store %arg12[%swap3A_352], %broadcast_in_dim3A_1 {strides = array<i32>} : memref<224xi32, #tpu.memory_space<vmem>>, vector<16xi32>,
          %scan3A_354 = arith.constant 0 : i32
          scf.yield %scan3A_354 : i32
        }
        %scan3A_271 = arith.constant 14 : i32
        %add3A_272 = arith.constant 15 : i32
        %add3A_273 = arith.addi %get3A_243, %add3A_272 : i32
        %jit3A = arith.constant 16 : i32
        %div3A = arith.divsi %add3A_273, %jit3A : i32
        %sign3A = arith.constant 0 : i32
        %sign3A_274 = arith.cmpi sgt, %add3A_273, %sign3A : i32
        %sign3A_275 = arith.extui %sign3A_274 : i1 to i32
        %sign3A_276 = arith.constant 0 : i32
        %sign3A_277 = arith.cmpi slt, %add3A_273, %sign3A_276 : i32
        %sign3A_278 = arith.extui %sign3A_277 : i1 to i32
        %sign3A_279 = arith.subi %sign3A_275, %sign3A_278 : i32
        %sign3A_280 = arith.constant 0 : i32
        %sign3A_281 = arith.cmpi sgt, %jit3A, %sign3A_280 : i32
        %sign3A_282 = arith.extui %sign3A_281 : i1 to i32
        %sign3A_283 = arith.constant 0 : i32
        %sign3A_284 = arith.cmpi slt, %jit3A, %sign3A_283 : i32
        %sign3A_285 = arith.extui %sign3A_284 : i1 to i32
        %sign3A_286 = arith.subi %sign3A_282, %sign3A_285 : i32
        %ne3A = arith.cmpi ne, %sign3A_279, %sign3A_286 : i32
        %rem3A = arith.remsi %add3A_273, %jit3A : i32
        %ne3A_287 = arith.constant 0 : i32
        %ne3A_288 = arith.cmpi ne, %rem3A, %ne3A_287 : i32
        %and3A = arith.andi %ne3A, %ne3A_288 : i1
        %sub3A = arith.constant 1 : i32
        %sub3A_289 = arith.subi %div3A, %sub3A : i32
        %select_n3A = arith.select %and3A, %sub3A_289, %div3A : i32
        %while3A = arith.constant 0 : i32
        %while3A_290 = arith.constant 0 : i32
        %while3A_291 = arith.subi %select_n3A, %while3A : i32
        %while3A_292 = arith.addi %while3A, %while3A_291 : i32
        %while3A_293 = arith.constant 1 : i32
        %while3A_294 = arith.divsi %while3A_291, %while3A_293 : i32
        %while3A_295 = arith.muli %while3A_294, %while3A_293 : i32
        %while3A_296 = arith.addi %while3A, %while3A_295 : i32
        %while3A_297 = arith.constant 1 : i32
        %while3A_298 = scf.for %while3A_342 = %while3A to %while3A_296 step %while3A_297 iter_args(%while3A_343 = %while3A_290) -> (i32)  : i32 {
          %mul3A_344 = arith.constant 256 : i32
          %mul3A_345 = arith.muli %scan3A_239, %mul3A_344 : i32
          %mul3A_346 = arith.constant 16 : i32
          %mul3A_347 = arith.muli %while3A_342, %mul3A_346 : i32
          %add3A_348 = arith.addi %mul3A_345, %mul3A_347 : i32
          %get3A_349 = arith.index_cast %add3A_348 : i32 to index
          %get3A_350 = tpu.vector_load %arg9[%get3A_349] {strides = array<i32>} : memref<4096xi32, #tpu.memory_space<vmem>>, vector<16xi32>,
          %mul3A_351 = arith.constant 16 : i32
          %mul3A_352 = arith.muli %while3A_342, %mul3A_351 : i32
          %add3A_353 = arith.constant 0 : i32
          %add3A_354 = arith.addi %mul3A_352, %add3A_353 : i32
          %slice3A_355 = vector.extract_strided_slice %get3A_350 {offsets = [0], sizes = [1], strides = [1]} : vector<16xi32> to vector<1xi32>
          %squeeze3A_356 = vector.extract %slice3A_355[0] : i32 from vector<1xi32>
          %sub3A_357 = arith.subi %squeeze3A_356, %mul3A_248 : i32
          %mul3A_358 = arith.constant 16 : i32
          %mul3A_359 = arith.muli %sub3A_357, %mul3A_358 : i32
          %get3A_360 = arith.index_cast %add3A_354 : i32 to index
          %get3A_361 = arith.constant 0 : index
          %get3A_362 = tpu.vector_load %arg10[%get3A_360, %get3A_361] {strides = array<i32>} : memref<192x16xf32, #tpu.memory_space<vmem>>, vector<16xf32>,
          %le3A = arith.cmpf ole, %get3A_362, %broadcast_in_dim3A_246 : vector<16xf32>
          %lt3A = arith.cmpi slt, %add3A_354, %get3A_243 : i32
          %broadcast_in_dim3A_363 = vector.broadcast %lt3A : i1 to vector<16xi1>
          %and3A_364 = arith.andi %le3A, %broadcast_in_dim3A_363 : vector<16xi1>
          %min3A_365 = arith.constant 208 : i32
          %min3A_366 = arith.minsi %while3A_343, %min3A_365 : i32
          %broadcast_in_dim3A_367 = vector.broadcast %mul3A_359 : i32 to vector<16xi32>
          %add3A_368 = arith.addi %broadcast_in_dim3A_367, %iota3A : vector<16xi32>
          %swap3A_369 = arith.index_cast %min3A_366 : i32 to index
          %swap3A_370 = tpu.vector_load %arg11[%swap3A_369] masked %and3A_364 {strides = array<i32>} : memref<224xf32, #tpu.memory_space<vmem>>, vector<16xf32>, vector<16xi1>
          tpu.vector_store %arg11[%swap3A_369], %get3A_362 masked %and3A_364 {strides = array<i32>} : memref<224xf32, #tpu.memory_space<vmem>>, vector<16xf32>, vector<16xi1>
          %swap3A_371 = arith.index_cast %min3A_366 : i32 to index
          %swap3A_372 = tpu.vector_load %arg12[%swap3A_371] masked %and3A_364 {strides = array<i32>} : memref<224xi32, #tpu.memory_space<vmem>>, vector<16xi32>, vector<16xi1>
          tpu.vector_store %arg12[%swap3A_371], %add3A_368 masked %and3A_364 {strides = array<i32>} : memref<224xi32, #tpu.memory_space<vmem>>, vector<16xi32>, vector<16xi1>
          %all_reduce_population_count3A = tpu.all_reduce %and3A_364 {dim = 0 : i64, kind = #tpu.reduction_kind<sum>} : vector<16xi1> -> vector<16xi32>
          %slice3A_373 = vector.extract_strided_slice %all_reduce_population_count3A {offsets = [0], sizes = [1], strides = [1]} : vector<16xi32> to vector<1xi32>
          %squeeze3A_374 = vector.extract %slice3A_373[0] : i32 from vector<1xi32>
          %add3A_375 = arith.addi %while3A_343, %squeeze3A_374 : i32
          %mul3A_376 = arith.constant 16 : i32
          %mul3A_377 = arith.muli %while3A_342, %mul3A_376 : i32
          %add3A_378 = arith.constant 1 : i32
          %add3A_379 = arith.addi %mul3A_377, %add3A_378 : i32
          %slice3A_380 = vector.extract_strided_slice %get3A_350 {offsets = [1], sizes = [1], strides = [1]} : vector<16xi32> to vector<1xi32>
          %squeeze3A_381 = vector.extract %slice3A_380[0] : i32 from vector<1xi32>
          %sub3A_382 = arith.subi %squeeze3A_381, %mul3A_248 : i32
          %mul3A_383 = arith.constant 16 : i32
          %mul3A_384 = arith.muli %sub3A_382, %mul3A_383 : i32
          %get3A_385 = arith.index_cast %add3A_379 : i32 to index
          %get3A_386 = arith.constant 0 : index
          %get3A_387 = tpu.vector_load %arg10[%get3A_385, %get3A_386] {strides = array<i32>} : memref<192x16xf32, #tpu.memory_space<vmem>>, vector<16xf32>,
          %le3A_388 = arith.cmpf ole, %get3A_387, %broadcast_in_dim3A_246 : vector<16xf32>
          %lt3A_389 = arith.cmpi slt, %add3A_379, %get3A_243 : i32
          %broadcast_in_dim3A_390 = vector.broadcast %lt3A_389 : i1 to vector<16xi1>
          %and3A_391 = arith.andi %le3A_388, %broadcast_in_dim3A_390 : vector<16xi1>
          %min3A_392 = arith.constant 208 : i32
          %min3A_393 = arith.minsi %add3A_375, %min3A_392 : i32
          %broadcast_in_dim3A_394 = vector.broadcast %mul3A_384 : i32 to vector<16xi32>
          %add3A_395 = arith.addi %broadcast_in_dim3A_394, %iota3A : vector<16xi32>
          %swap3A_396 = arith.index_cast %min3A_393 : i32 to index
          %swap3A_397 = tpu.vector_load %arg11[%swap3A_396] masked %and3A_391 {strides = array<i32>} : memref<224xf32, #tpu.memory_space<vmem>>, vector<16xf32>, vector<16xi1>
          tpu.vector_store %arg11[%swap3A_396], %get3A_387 masked %and3A_391 {strides = array<i32>} : memref<224xf32, #tpu.memory_space<vmem>>, vector<16xf32>, vector<16xi1>
          %swap3A_398 = arith.index_cast %min3A_393 : i32 to index
          %swap3A_399 = tpu.vector_load %arg12[%swap3A_398] masked %and3A_391 {strides = array<i32>} : memref<224xi32, #tpu.memory_space<vmem>>, vector<16xi32>, vector<16xi1>
          tpu.vector_store %arg12[%swap3A_398], %add3A_395 masked %and3A_391 {strides = array<i32>} : memref<224xi32, #tpu.memory_space<vmem>>, vector<16xi32>, vector<16xi1>
          %all_reduce_population_count3A_400 = tpu.all_reduce %and3A_391 {dim = 0 : i64, kind = #tpu.reduction_kind<sum>} : vector<16xi1> -> vector<16xi32>
          %slice3A_401 = vector.extract_strided_slice %all_reduce_population_count3A_400 {offsets = [0], sizes = [1], strides = [1]} : vector<16xi32> to vector<1xi32>
          %squeeze3A_402 = vector.extract %slice3A_401[0] : i32 from vector<1xi32>
          %add3A_403 = arith.addi %add3A_375, %squeeze3A_402 : i32
          %mul3A_404 = arith.constant 16 : i32
          %mul3A_405 = arith.muli %while3A_342, %mul3A_404 : i32
          %add3A_406 = arith.constant 2 : i32
          %add3A_407 = arith.addi %mul3A_405, %add3A_406 : i32
          %slice3A_408 = vector.extract_strided_slice %get3A_350 {offsets = [2], sizes = [1], strides = [1]} : vector<16xi32> to vector<1xi32>
          %squeeze3A_409 = vector.extract %slice3A_408[0] : i32 from vector<1xi32>
          %sub3A_410 = arith.subi %squeeze3A_409, %mul3A_248 : i32
          %mul3A_411 = arith.constant 16 : i32
          %mul3A_412 = arith.muli %sub3A_410, %mul3A_411 : i32
          %get3A_413 = arith.index_cast %add3A_407 : i32 to index
          %get3A_414 = arith.constant 0 : index
          %get3A_415 = tpu.vector_load %arg10[%get3A_413, %get3A_414] {strides = array<i32>} : memref<192x16xf32, #tpu.memory_space<vmem>>, vector<16xf32>,
          %le3A_416 = arith.cmpf ole, %get3A_415, %broadcast_in_dim3A_246 : vector<16xf32>
          %lt3A_417 = arith.cmpi slt, %add3A_407, %get3A_243 : i32
          %broadcast_in_dim3A_418 = vector.broadcast %lt3A_417 : i1 to vector<16xi1>
          %and3A_419 = arith.andi %le3A_416, %broadcast_in_dim3A_418 : vector<16xi1>
          %min3A_420 = arith.constant 208 : i32
          %min3A_421 = arith.minsi %add3A_403, %min3A_420 : i32
          %broadcast_in_dim3A_422 = vector.broadcast %mul3A_412 : i32 to vector<16xi32>
          %add3A_423 = arith.addi %broadcast_in_dim3A_422, %iota3A : vector<16xi32>
          %swap3A_424 = arith.index_cast %min3A_421 : i32 to index
          %swap3A_425 = tpu.vector_load %arg11[%swap3A_424] masked %and3A_419 {strides = array<i32>} : memref<224xf32, #tpu.memory_space<vmem>>, vector<16xf32>, vector<16xi1>
          tpu.vector_store %arg11[%swap3A_424], %get3A_415 masked %and3A_419 {strides = array<i32>} : memref<224xf32, #tpu.memory_space<vmem>>, vector<16xf32>, vector<16xi1>
          %swap3A_426 = arith.index_cast %min3A_421 : i32 to index
          %swap3A_427 = tpu.vector_load %arg12[%swap3A_426] masked %and3A_419 {strides = array<i32>} : memref<224xi32, #tpu.memory_space<vmem>>, vector<16xi32>, vector<16xi1>
          tpu.vector_store %arg12[%swap3A_426], %add3A_423 masked %and3A_419 {strides = array<i32>} : memref<224xi32, #tpu.memory_space<vmem>>, vector<16xi32>, vector<16xi1>
          %all_reduce_population_count3A_428 = tpu.all_reduce %and3A_419 {dim = 0 : i64, kind = #tpu.reduction_kind<sum>} : vector<16xi1> -> vector<16xi32>
          %slice3A_429 = vector.extract_strided_slice %all_reduce_population_count3A_428 {offsets = [0], sizes = [1], strides = [1]} : vector<16xi32> to vector<1xi32>
          %squeeze3A_430 = vector.extract %slice3A_429[0] : i32 from vector<1xi32>
          %add3A_431 = arith.addi %add3A_403, %squeeze3A_430 : i32
          %mul3A_432 = arith.constant 16 : i32
          %mul3A_433 = arith.muli %while3A_342, %mul3A_432 : i32
          %add3A_434 = arith.constant 3 : i32
          %add3A_435 = arith.addi %mul3A_433, %add3A_434 : i32
          %slice3A_436 = vector.extract_strided_slice %get3A_350 {offsets = [3], sizes = [1], strides = [1]} : vector<16xi32> to vector<1xi32>
          %squeeze3A_437 = vector.extract %slice3A_436[0] : i32 from vector<1xi32>
          %sub3A_438 = arith.subi %squeeze3A_437, %mul3A_248 : i32
          %mul3A_439 = arith.constant 16 : i32
          %mul3A_440 = arith.muli %sub3A_438, %mul3A_439 : i32
          %get3A_441 = arith.index_cast %add3A_435 : i32 to index
          %get3A_442 = arith.constant 0 : index
          %get3A_443 = tpu.vector_load %arg10[%get3A_441, %get3A_442] {strides = array<i32>} : memref<192x16xf32, #tpu.memory_space<vmem>>, vector<16xf32>,
          %le3A_444 = arith.cmpf ole, %get3A_443, %broadcast_in_dim3A_246 : vector<16xf32>
          %lt3A_445 = arith.cmpi slt, %add3A_435, %get3A_243 : i32
          %broadcast_in_dim3A_446 = vector.broadcast %lt3A_445 : i1 to vector<16xi1>
          %and3A_447 = arith.andi %le3A_444, %broadcast_in_dim3A_446 : vector<16xi1>
          %min3A_448 = arith.constant 208 : i32
          %min3A_449 = arith.minsi %add3A_431, %min3A_448 : i32
          %broadcast_in_dim3A_450 = vector.broadcast %mul3A_440 : i32 to vector<16xi32>
          %add3A_451 = arith.addi %broadcast_in_dim3A_450, %iota3A : vector<16xi32>
          %swap3A_452 = arith.index_cast %min3A_449 : i32 to index
          %swap3A_453 = tpu.vector_load %arg11[%swap3A_452] masked %and3A_447 {strides = array<i32>} : memref<224xf32, #tpu.memory_space<vmem>>, vector<16xf32>, vector<16xi1>
          tpu.vector_store %arg11[%swap3A_452], %get3A_443 masked %and3A_447 {strides = array<i32>} : memref<224xf32, #tpu.memory_space<vmem>>, vector<16xf32>, vector<16xi1>
          %swap3A_454 = arith.index_cast %min3A_449 : i32 to index
          %swap3A_455 = tpu.vector_load %arg12[%swap3A_454] masked %and3A_447 {strides = array<i32>} : memref<224xi32, #tpu.memory_space<vmem>>, vector<16xi32>, vector<16xi1>
          tpu.vector_store %arg12[%swap3A_454], %add3A_451 masked %and3A_447 {strides = array<i32>} : memref<224xi32, #tpu.memory_space<vmem>>, vector<16xi32>, vector<16xi1>
          %all_reduce_population_count3A_456 = tpu.all_reduce %and3A_447 {dim = 0 : i64, kind = #tpu.reduction_kind<sum>} : vector<16xi1> -> vector<16xi32>
          %slice3A_457 = vector.extract_strided_slice %all_reduce_population_count3A_456 {offsets = [0], sizes = [1], strides = [1]} : vector<16xi32> to vector<1xi32>
          %squeeze3A_458 = vector.extract %slice3A_457[0] : i32 from vector<1xi32>
          %add3A_459 = arith.addi %add3A_431, %squeeze3A_458 : i32
          %mul3A_460 = arith.constant 16 : i32
          %mul3A_461 = arith.muli %while3A_342, %mul3A_460 : i32
          %add3A_462 = arith.constant 4 : i32
          %add3A_463 = arith.addi %mul3A_461, %add3A_462 : i32
          %slice3A_464 = vector.extract_strided_slice %get3A_350 {offsets = [4], sizes = [1], strides = [1]} : vector<16xi32> to vector<1xi32>
          %squeeze3A_465 = vector.extract %slice3A_464[0] : i32 from vector<1xi32>
          %sub3A_466 = arith.subi %squeeze3A_465, %mul3A_248 : i32
          %mul3A_467 = arith.constant 16 : i32
          %mul3A_468 = arith.muli %sub3A_466, %mul3A_467 : i32
          %get3A_469 = arith.index_cast %add3A_463 : i32 to index
          %get3A_470 = arith.constant 0 : index
          %get3A_471 = tpu.vector_load %arg10[%get3A_469, %get3A_470] {strides = array<i32>} : memref<192x16xf32, #tpu.memory_space<vmem>>, vector<16xf32>,
          %le3A_472 = arith.cmpf ole, %get3A_471, %broadcast_in_dim3A_246 : vector<16xf32>
          %lt3A_473 = arith.cmpi slt, %add3A_463, %get3A_243 : i32
          %broadcast_in_dim3A_474 = vector.broadcast %lt3A_473 : i1 to vector<16xi1>
          %and3A_475 = arith.andi %le3A_472, %broadcast_in_dim3A_474 : vector<16xi1>
          %min3A_476 = arith.constant 208 : i32
          %min3A_477 = arith.minsi %add3A_459, %min3A_476 : i32
          %broadcast_in_dim3A_478 = vector.broadcast %mul3A_468 : i32 to vector<16xi32>
          %add3A_479 = arith.addi %broadcast_in_dim3A_478, %iota3A : vector<16xi32>
          %swap3A_480 = arith.index_cast %min3A_477 : i32 to index
          %swap3A_481 = tpu.vector_load %arg11[%swap3A_480] masked %and3A_475 {strides = array<i32>} : memref<224xf32, #tpu.memory_space<vmem>>, vector<16xf32>, vector<16xi1>
          tpu.vector_store %arg11[%swap3A_480], %get3A_471 masked %and3A_475 {strides = array<i32>} : memref<224xf32, #tpu.memory_space<vmem>>, vector<16xf32>, vector<16xi1>
          %swap3A_482 = arith.index_cast %min3A_477 : i32 to index
          %swap3A_483 = tpu.vector_load %arg12[%swap3A_482] masked %and3A_475 {strides = array<i32>} : memref<224xi32, #tpu.memory_space<vmem>>, vector<16xi32>, vector<16xi1>
          tpu.vector_store %arg12[%swap3A_482], %add3A_479 masked %and3A_475 {strides = array<i32>} : memref<224xi32, #tpu.memory_space<vmem>>, vector<16xi32>, vector<16xi1>
          %all_reduce_population_count3A_484 = tpu.all_reduce %and3A_475 {dim = 0 : i64, kind = #tpu.reduction_kind<sum>} : vector<16xi1> -> vector<16xi32>
          %slice3A_485 = vector.extract_strided_slice %all_reduce_population_count3A_484 {offsets = [0], sizes = [1], strides = [1]} : vector<16xi32> to vector<1xi32>
          %squeeze3A_486 = vector.extract %slice3A_485[0] : i32 from vector<1xi32>
          %add3A_487 = arith.addi %add3A_459, %squeeze3A_486 : i32
          %mul3A_488 = arith.constant 16 : i32
          %mul3A_489 = arith.muli %while3A_342, %mul3A_488 : i32
          %add3A_490 = arith.constant 5 : i32
          %add3A_491 = arith.addi %mul3A_489, %add3A_490 : i32
          %slice3A_492 = vector.extract_strided_slice %get3A_350 {offsets = [5], sizes = [1], strides = [1]} : vector<16xi32> to vector<1xi32>
          %squeeze3A_493 = vector.extract %slice3A_492[0] : i32 from vector<1xi32>
          %sub3A_494 = arith.subi %squeeze3A_493, %mul3A_248 : i32
          %mul3A_495 = arith.constant 16 : i32
          %mul3A_496 = arith.muli %sub3A_494, %mul3A_495 : i32
          %get3A_497 = arith.index_cast %add3A_491 : i32 to index
          %get3A_498 = arith.constant 0 : index
          %get3A_499 = tpu.vector_load %arg10[%get3A_497, %get3A_498] {strides = array<i32>} : memref<192x16xf32, #tpu.memory_space<vmem>>, vector<16xf32>,
          %le3A_500 = arith.cmpf ole, %get3A_499, %broadcast_in_dim3A_246 : vector<16xf32>
          %lt3A_501 = arith.cmpi slt, %add3A_491, %get3A_243 : i32
          %broadcast_in_dim3A_502 = vector.broadcast %lt3A_501 : i1 to vector<16xi1>
          %and3A_503 = arith.andi %le3A_500, %broadcast_in_dim3A_502 : vector<16xi1>
          %min3A_504 = arith.constant 208 : i32
          %min3A_505 = arith.minsi %add3A_487, %min3A_504 : i32
          %broadcast_in_dim3A_506 = vector.broadcast %mul3A_496 : i32 to vector<16xi32>
          %add3A_507 = arith.addi %broadcast_in_dim3A_506, %iota3A : vector<16xi32>
          %swap3A_508 = arith.index_cast %min3A_505 : i32 to index
          %swap3A_509 = tpu.vector_load %arg11[%swap3A_508] masked %and3A_503 {strides = array<i32>} : memref<224xf32, #tpu.memory_space<vmem>>, vector<16xf32>, vector<16xi1>
          tpu.vector_store %arg11[%swap3A_508], %get3A_499 masked %and3A_503 {strides = array<i32>} : memref<224xf32, #tpu.memory_space<vmem>>, vector<16xf32>, vector<16xi1>
          %swap3A_510 = arith.index_cast %min3A_505 : i32 to index
          %swap3A_511 = tpu.vector_load %arg12[%swap3A_510] masked %and3A_503 {strides = array<i32>} : memref<224xi32, #tpu.memory_space<vmem>>, vector<16xi32>, vector<16xi1>
          tpu.vector_store %arg12[%swap3A_510], %add3A_507 masked %and3A_503 {strides = array<i32>} : memref<224xi32, #tpu.memory_space<vmem>>, vector<16xi32>, vector<16xi1>
          %all_reduce_population_count3A_512 = tpu.all_reduce %and3A_503 {dim = 0 : i64, kind = #tpu.reduction_kind<sum>} : vector<16xi1> -> vector<16xi32>
          %slice3A_513 = vector.extract_strided_slice %all_reduce_population_count3A_512 {offsets = [0], sizes = [1], strides = [1]} : vector<16xi32> to vector<1xi32>
          %squeeze3A_514 = vector.extract %slice3A_513[0] : i32 from vector<1xi32>
          %add3A_515 = arith.addi %add3A_487, %squeeze3A_514 : i32
          %mul3A_516 = arith.constant 16 : i32
          %mul3A_517 = arith.muli %while3A_342, %mul3A_516 : i32
          %add3A_518 = arith.constant 6 : i32
          %add3A_519 = arith.addi %mul3A_517, %add3A_518 : i32
          %slice3A_520 = vector.extract_strided_slice %get3A_350 {offsets = [6], sizes = [1], strides = [1]} : vector<16xi32> to vector<1xi32>
          %squeeze3A_521 = vector.extract %slice3A_520[0] : i32 from vector<1xi32>
          %sub3A_522 = arith.subi %squeeze3A_521, %mul3A_248 : i32
          %mul3A_523 = arith.constant 16 : i32
          %mul3A_524 = arith.muli %sub3A_522, %mul3A_523 : i32
          %get3A_525 = arith.index_cast %add3A_519 : i32 to index
          %get3A_526 = arith.constant 0 : index
          %get3A_527 = tpu.vector_load %arg10[%get3A_525, %get3A_526] {strides = array<i32>} : memref<192x16xf32, #tpu.memory_space<vmem>>, vector<16xf32>,
          %le3A_528 = arith.cmpf ole, %get3A_527, %broadcast_in_dim3A_246 : vector<16xf32>
          %lt3A_529 = arith.cmpi slt, %add3A_519, %get3A_243 : i32
          %broadcast_in_dim3A_530 = vector.broadcast %lt3A_529 : i1 to vector<16xi1>
          %and3A_531 = arith.andi %le3A_528, %broadcast_in_dim3A_530 : vector<16xi1>
          %min3A_532 = arith.constant 208 : i32
          %min3A_533 = arith.minsi %add3A_515, %min3A_532 : i32
          %broadcast_in_dim3A_534 = vector.broadcast %mul3A_524 : i32 to vector<16xi32>
          %add3A_535 = arith.addi %broadcast_in_dim3A_534, %iota3A : vector<16xi32>
          %swap3A_536 = arith.index_cast %min3A_533 : i32 to index
          %swap3A_537 = tpu.vector_load %arg11[%swap3A_536] masked %and3A_531 {strides = array<i32>} : memref<224xf32, #tpu.memory_space<vmem>>, vector<16xf32>, vector<16xi1>
          tpu.vector_store %arg11[%swap3A_536], %get3A_527 masked %and3A_531 {strides = array<i32>} : memref<224xf32, #tpu.memory_space<vmem>>, vector<16xf32>, vector<16xi1>
          %swap3A_538 = arith.index_cast %min3A_533 : i32 to index
          %swap3A_539 = tpu.vector_load %arg12[%swap3A_538] masked %and3A_531 {strides = array<i32>} : memref<224xi32, #tpu.memory_space<vmem>>, vector<16xi32>, vector<16xi1>
          tpu.vector_store %arg12[%swap3A_538], %add3A_535 masked %and3A_531 {strides = array<i32>} : memref<224xi32, #tpu.memory_space<vmem>>, vector<16xi32>, vector<16xi1>
          %all_reduce_population_count3A_540 = tpu.all_reduce %and3A_531 {dim = 0 : i64, kind = #tpu.reduction_kind<sum>} : vector<16xi1> -> vector<16xi32>
          %slice3A_541 = vector.extract_strided_slice %all_reduce_population_count3A_540 {offsets = [0], sizes = [1], strides = [1]} : vector<16xi32> to vector<1xi32>
          %squeeze3A_542 = vector.extract %slice3A_541[0] : i32 from vector<1xi32>
          %add3A_543 = arith.addi %add3A_515, %squeeze3A_542 : i32
          %mul3A_544 = arith.constant 16 : i32
          %mul3A_545 = arith.muli %while3A_342, %mul3A_544 : i32
          %add3A_546 = arith.constant 7 : i32
          %add3A_547 = arith.addi %mul3A_545, %add3A_546 : i32
          %slice3A_548 = vector.extract_strided_slice %get3A_350 {offsets = [7], sizes = [1], strides = [1]} : vector<16xi32> to vector<1xi32>
          %squeeze3A_549 = vector.extract %slice3A_548[0] : i32 from vector<1xi32>
          %sub3A_550 = arith.subi %squeeze3A_549, %mul3A_248 : i32
          %mul3A_551 = arith.constant 16 : i32
          %mul3A_552 = arith.muli %sub3A_550, %mul3A_551 : i32
          %get3A_553 = arith.index_cast %add3A_547 : i32 to index
          %get3A_554 = arith.constant 0 : index
          %get3A_555 = tpu.vector_load %arg10[%get3A_553, %get3A_554] {strides = array<i32>} : memref<192x16xf32, #tpu.memory_space<vmem>>, vector<16xf32>,
          %le3A_556 = arith.cmpf ole, %get3A_555, %broadcast_in_dim3A_246 : vector<16xf32>
          %lt3A_557 = arith.cmpi slt, %add3A_547, %get3A_243 : i32
          %broadcast_in_dim3A_558 = vector.broadcast %lt3A_557 : i1 to vector<16xi1>
          %and3A_559 = arith.andi %le3A_556, %broadcast_in_dim3A_558 : vector<16xi1>
          %min3A_560 = arith.constant 208 : i32
          %min3A_561 = arith.minsi %add3A_543, %min3A_560 : i32
          %broadcast_in_dim3A_562 = vector.broadcast %mul3A_552 : i32 to vector<16xi32>
          %add3A_563 = arith.addi %broadcast_in_dim3A_562, %iota3A : vector<16xi32>
          %swap3A_564 = arith.index_cast %min3A_561 : i32 to index
          %swap3A_565 = tpu.vector_load %arg11[%swap3A_564] masked %and3A_559 {strides = array<i32>} : memref<224xf32, #tpu.memory_space<vmem>>, vector<16xf32>, vector<16xi1>
          tpu.vector_store %arg11[%swap3A_564], %get3A_555 masked %and3A_559 {strides = array<i32>} : memref<224xf32, #tpu.memory_space<vmem>>, vector<16xf32>, vector<16xi1>
          %swap3A_566 = arith.index_cast %min3A_561 : i32 to index
          %swap3A_567 = tpu.vector_load %arg12[%swap3A_566] masked %and3A_559 {strides = array<i32>} : memref<224xi32, #tpu.memory_space<vmem>>, vector<16xi32>, vector<16xi1>
          tpu.vector_store %arg12[%swap3A_566], %add3A_563 masked %and3A_559 {strides = array<i32>} : memref<224xi32, #tpu.memory_space<vmem>>, vector<16xi32>, vector<16xi1>
          %all_reduce_population_count3A_568 = tpu.all_reduce %and3A_559 {dim = 0 : i64, kind = #tpu.reduction_kind<sum>} : vector<16xi1> -> vector<16xi32>
          %slice3A_569 = vector.extract_strided_slice %all_reduce_population_count3A_568 {offsets = [0], sizes = [1], strides = [1]} : vector<16xi32> to vector<1xi32>
          %squeeze3A_570 = vector.extract %slice3A_569[0] : i32 from vector<1xi32>
          %add3A_571 = arith.addi %add3A_543, %squeeze3A_570 : i32
          %mul3A_572 = arith.constant 16 : i32
          %mul3A_573 = arith.muli %while3A_342, %mul3A_572 : i32
          %add3A_574 = arith.constant 8 : i32
          %add3A_575 = arith.addi %mul3A_573, %add3A_574 : i32
          %slice3A_576 = vector.extract_strided_slice %get3A_350 {offsets = [8], sizes = [1], strides = [1]} : vector<16xi32> to vector<1xi32>
          %squeeze3A_577 = vector.extract %slice3A_576[0] : i32 from vector<1xi32>
          %sub3A_578 = arith.subi %squeeze3A_577, %mul3A_248 : i32
          %mul3A_579 = arith.constant 16 : i32
          %mul3A_580 = arith.muli %sub3A_578, %mul3A_579 : i32
          %get3A_581 = arith.index_cast %add3A_575 : i32 to index
          %get3A_582 = arith.constant 0 : index
          %get3A_583 = tpu.vector_load %arg10[%get3A_581, %get3A_582] {strides = array<i32>} : memref<192x16xf32, #tpu.memory_space<vmem>>, vector<16xf32>,
          %le3A_584 = arith.cmpf ole, %get3A_583, %broadcast_in_dim3A_246 : vector<16xf32>
          %lt3A_585 = arith.cmpi slt, %add3A_575, %get3A_243 : i32
          %broadcast_in_dim3A_586 = vector.broadcast %lt3A_585 : i1 to vector<16xi1>
          %and3A_587 = arith.andi %le3A_584, %broadcast_in_dim3A_586 : vector<16xi1>
          %min3A_588 = arith.constant 208 : i32
          %min3A_589 = arith.minsi %add3A_571, %min3A_588 : i32
          %broadcast_in_dim3A_590 = vector.broadcast %mul3A_580 : i32 to vector<16xi32>
          %add3A_591 = arith.addi %broadcast_in_dim3A_590, %iota3A : vector<16xi32>
          %swap3A_592 = arith.index_cast %min3A_589 : i32 to index
          %swap3A_593 = tpu.vector_load %arg11[%swap3A_592] masked %and3A_587 {strides = array<i32>} : memref<224xf32, #tpu.memory_space<vmem>>, vector<16xf32>, vector<16xi1>
          tpu.vector_store %arg11[%swap3A_592], %get3A_583 masked %and3A_587 {strides = array<i32>} : memref<224xf32, #tpu.memory_space<vmem>>, vector<16xf32>, vector<16xi1>
          %swap3A_594 = arith.index_cast %min3A_589 : i32 to index
          %swap3A_595 = tpu.vector_load %arg12[%swap3A_594] masked %and3A_587 {strides = array<i32>} : memref<224xi32, #tpu.memory_space<vmem>>, vector<16xi32>, vector<16xi1>
          tpu.vector_store %arg12[%swap3A_594], %add3A_591 masked %and3A_587 {strides = array<i32>} : memref<224xi32, #tpu.memory_space<vmem>>, vector<16xi32>, vector<16xi1>
          %all_reduce_population_count3A_596 = tpu.all_reduce %and3A_587 {dim = 0 : i64, kind = #tpu.reduction_kind<sum>} : vector<16xi1> -> vector<16xi32>
          %slice3A_597 = vector.extract_strided_slice %all_reduce_population_count3A_596 {offsets = [0], sizes = [1], strides = [1]} : vector<16xi32> to vector<1xi32>
          %squeeze3A_598 = vector.extract %slice3A_597[0] : i32 from vector<1xi32>
          %add3A_599 = arith.addi %add3A_571, %squeeze3A_598 : i32
          %mul3A_600 = arith.constant 16 : i32
          %mul3A_601 = arith.muli %while3A_342, %mul3A_600 : i32
          %add3A_602 = arith.constant 9 : i32
          %add3A_603 = arith.addi %mul3A_601, %add3A_602 : i32
          %slice3A_604 = vector.extract_strided_slice %get3A_350 {offsets = [9], sizes = [1], strides = [1]} : vector<16xi32> to vector<1xi32>
          %squeeze3A_605 = vector.extract %slice3A_604[0] : i32 from vector<1xi32>
          %sub3A_606 = arith.subi %squeeze3A_605, %mul3A_248 : i32
          %mul3A_607 = arith.constant 16 : i32
          %mul3A_608 = arith.muli %sub3A_606, %mul3A_607 : i32
          %get3A_609 = arith.index_cast %add3A_603 : i32 to index
          %get3A_610 = arith.constant 0 : index
          %get3A_611 = tpu.vector_load %arg10[%get3A_609, %get3A_610] {strides = array<i32>} : memref<192x16xf32, #tpu.memory_space<vmem>>, vector<16xf32>,
          %le3A_612 = arith.cmpf ole, %get3A_611, %broadcast_in_dim3A_246 : vector<16xf32>
          %lt3A_613 = arith.cmpi slt, %add3A_603, %get3A_243 : i32
          %broadcast_in_dim3A_614 = vector.broadcast %lt3A_613 : i1 to vector<16xi1>
          %and3A_615 = arith.andi %le3A_612, %broadcast_in_dim3A_614 : vector<16xi1>
          %min3A_616 = arith.constant 208 : i32
          %min3A_617 = arith.minsi %add3A_599, %min3A_616 : i32
          %broadcast_in_dim3A_618 = vector.broadcast %mul3A_608 : i32 to vector<16xi32>
          %add3A_619 = arith.addi %broadcast_in_dim3A_618, %iota3A : vector<16xi32>
          %swap3A_620 = arith.index_cast %min3A_617 : i32 to index
          %swap3A_621 = tpu.vector_load %arg11[%swap3A_620] masked %and3A_615 {strides = array<i32>} : memref<224xf32, #tpu.memory_space<vmem>>, vector<16xf32>, vector<16xi1>
          tpu.vector_store %arg11[%swap3A_620], %get3A_611 masked %and3A_615 {strides = array<i32>} : memref<224xf32, #tpu.memory_space<vmem>>, vector<16xf32>, vector<16xi1>
          %swap3A_622 = arith.index_cast %min3A_617 : i32 to index
          %swap3A_623 = tpu.vector_load %arg12[%swap3A_622] masked %and3A_615 {strides = array<i32>} : memref<224xi32, #tpu.memory_space<vmem>>, vector<16xi32>, vector<16xi1>
          tpu.vector_store %arg12[%swap3A_622], %add3A_619 masked %and3A_615 {strides = array<i32>} : memref<224xi32, #tpu.memory_space<vmem>>, vector<16xi32>, vector<16xi1>
          %all_reduce_population_count3A_624 = tpu.all_reduce %and3A_615 {dim = 0 : i64, kind = #tpu.reduction_kind<sum>} : vector<16xi1> -> vector<16xi32>
          %slice3A_625 = vector.extract_strided_slice %all_reduce_population_count3A_624 {offsets = [0], sizes = [1], strides = [1]} : vector<16xi32> to vector<1xi32>
          %squeeze3A_626 = vector.extract %slice3A_625[0] : i32 from vector<1xi32>
          %add3A_627 = arith.addi %add3A_599, %squeeze3A_626 : i32
          %mul3A_628 = arith.constant 16 : i32
          %mul3A_629 = arith.muli %while3A_342, %mul3A_628 : i32
          %add3A_630 = arith.constant 10 : i32
          %add3A_631 = arith.addi %mul3A_629, %add3A_630 : i32
          %slice3A_632 = vector.extract_strided_slice %get3A_350 {offsets = [10], sizes = [1], strides = [1]} : vector<16xi32> to vector<1xi32>
          %squeeze3A_633 = vector.extract %slice3A_632[0] : i32 from vector<1xi32>
          %sub3A_634 = arith.subi %squeeze3A_633, %mul3A_248 : i32
          %mul3A_635 = arith.constant 16 : i32
          %mul3A_636 = arith.muli %sub3A_634, %mul3A_635 : i32
          %get3A_637 = arith.index_cast %add3A_631 : i32 to index
          %get3A_638 = arith.constant 0 : index
          %get3A_639 = tpu.vector_load %arg10[%get3A_637, %get3A_638] {strides = array<i32>} : memref<192x16xf32, #tpu.memory_space<vmem>>, vector<16xf32>,
          %le3A_640 = arith.cmpf ole, %get3A_639, %broadcast_in_dim3A_246 : vector<16xf32>
          %lt3A_641 = arith.cmpi slt, %add3A_631, %get3A_243 : i32
          %broadcast_in_dim3A_642 = vector.broadcast %lt3A_641 : i1 to vector<16xi1>
          %and3A_643 = arith.andi %le3A_640, %broadcast_in_dim3A_642 : vector<16xi1>
          %min3A_644 = arith.constant 208 : i32
          %min3A_645 = arith.minsi %add3A_627, %min3A_644 : i32
          %broadcast_in_dim3A_646 = vector.broadcast %mul3A_636 : i32 to vector<16xi32>
          %add3A_647 = arith.addi %broadcast_in_dim3A_646, %iota3A : vector<16xi32>
          %swap3A_648 = arith.index_cast %min3A_645 : i32 to index
          %swap3A_649 = tpu.vector_load %arg11[%swap3A_648] masked %and3A_643 {strides = array<i32>} : memref<224xf32, #tpu.memory_space<vmem>>, vector<16xf32>, vector<16xi1>
          tpu.vector_store %arg11[%swap3A_648], %get3A_639 masked %and3A_643 {strides = array<i32>} : memref<224xf32, #tpu.memory_space<vmem>>, vector<16xf32>, vector<16xi1>
          %swap3A_650 = arith.index_cast %min3A_645 : i32 to index
          %swap3A_651 = tpu.vector_load %arg12[%swap3A_650] masked %and3A_643 {strides = array<i32>} : memref<224xi32, #tpu.memory_space<vmem>>, vector<16xi32>, vector<16xi1>
          tpu.vector_store %arg12[%swap3A_650], %add3A_647 masked %and3A_643 {strides = array<i32>} : memref<224xi32, #tpu.memory_space<vmem>>, vector<16xi32>, vector<16xi1>
          %all_reduce_population_count3A_652 = tpu.all_reduce %and3A_643 {dim = 0 : i64, kind = #tpu.reduction_kind<sum>} : vector<16xi1> -> vector<16xi32>
          %slice3A_653 = vector.extract_strided_slice %all_reduce_population_count3A_652 {offsets = [0], sizes = [1], strides = [1]} : vector<16xi32> to vector<1xi32>
          %squeeze3A_654 = vector.extract %slice3A_653[0] : i32 from vector<1xi32>
          %add3A_655 = arith.addi %add3A_627, %squeeze3A_654 : i32
          %mul3A_656 = arith.constant 16 : i32
          %mul3A_657 = arith.muli %while3A_342, %mul3A_656 : i32
          %add3A_658 = arith.constant 11 : i32
          %add3A_659 = arith.addi %mul3A_657, %add3A_658 : i32
          %slice3A_660 = vector.extract_strided_slice %get3A_350 {offsets = [11], sizes = [1], strides = [1]} : vector<16xi32> to vector<1xi32>
          %squeeze3A_661 = vector.extract %slice3A_660[0] : i32 from vector<1xi32>
          %sub3A_662 = arith.subi %squeeze3A_661, %mul3A_248 : i32
          %mul3A_663 = arith.constant 16 : i32
          %mul3A_664 = arith.muli %sub3A_662, %mul3A_663 : i32
          %get3A_665 = arith.index_cast %add3A_659 : i32 to index
          %get3A_666 = arith.constant 0 : index
          %get3A_667 = tpu.vector_load %arg10[%get3A_665, %get3A_666] {strides = array<i32>} : memref<192x16xf32, #tpu.memory_space<vmem>>, vector<16xf32>,
          %le3A_668 = arith.cmpf ole, %get3A_667, %broadcast_in_dim3A_246 : vector<16xf32>
          %lt3A_669 = arith.cmpi slt, %add3A_659, %get3A_243 : i32
          %broadcast_in_dim3A_670 = vector.broadcast %lt3A_669 : i1 to vector<16xi1>
          %and3A_671 = arith.andi %le3A_668, %broadcast_in_dim3A_670 : vector<16xi1>
          %min3A_672 = arith.constant 208 : i32
          %min3A_673 = arith.minsi %add3A_655, %min3A_672 : i32
          %broadcast_in_dim3A_674 = vector.broadcast %mul3A_664 : i32 to vector<16xi32>
          %add3A_675 = arith.addi %broadcast_in_dim3A_674, %iota3A : vector<16xi32>
          %swap3A_676 = arith.index_cast %min3A_673 : i32 to index
          %swap3A_677 = tpu.vector_load %arg11[%swap3A_676] masked %and3A_671 {strides = array<i32>} : memref<224xf32, #tpu.memory_space<vmem>>, vector<16xf32>, vector<16xi1>
          tpu.vector_store %arg11[%swap3A_676], %get3A_667 masked %and3A_671 {strides = array<i32>} : memref<224xf32, #tpu.memory_space<vmem>>, vector<16xf32>, vector<16xi1>
          %swap3A_678 = arith.index_cast %min3A_673 : i32 to index
          %swap3A_679 = tpu.vector_load %arg12[%swap3A_678] masked %and3A_671 {strides = array<i32>} : memref<224xi32, #tpu.memory_space<vmem>>, vector<16xi32>, vector<16xi1>
          tpu.vector_store %arg12[%swap3A_678], %add3A_675 masked %and3A_671 {strides = array<i32>} : memref<224xi32, #tpu.memory_space<vmem>>, vector<16xi32>, vector<16xi1>
          %all_reduce_population_count3A_680 = tpu.all_reduce %and3A_671 {dim = 0 : i64, kind = #tpu.reduction_kind<sum>} : vector<16xi1> -> vector<16xi32>
          %slice3A_681 = vector.extract_strided_slice %all_reduce_population_count3A_680 {offsets = [0], sizes = [1], strides = [1]} : vector<16xi32> to vector<1xi32>
          %squeeze3A_682 = vector.extract %slice3A_681[0] : i32 from vector<1xi32>
          %add3A_683 = arith.addi %add3A_655, %squeeze3A_682 : i32
          %mul3A_684 = arith.constant 16 : i32
          %mul3A_685 = arith.muli %while3A_342, %mul3A_684 : i32
          %add3A_686 = arith.constant 12 : i32
          %add3A_687 = arith.addi %mul3A_685, %add3A_686 : i32
          %slice3A_688 = vector.extract_strided_slice %get3A_350 {offsets = [12], sizes = [1], strides = [1]} : vector<16xi32> to vector<1xi32>
          %squeeze3A_689 = vector.extract %slice3A_688[0] : i32 from vector<1xi32>
          %sub3A_690 = arith.subi %squeeze3A_689, %mul3A_248 : i32
          %mul3A_691 = arith.constant 16 : i32
          %mul3A_692 = arith.muli %sub3A_690, %mul3A_691 : i32
          %get3A_693 = arith.index_cast %add3A_687 : i32 to index
          %get3A_694 = arith.constant 0 : index
          %get3A_695 = tpu.vector_load %arg10[%get3A_693, %get3A_694] {strides = array<i32>} : memref<192x16xf32, #tpu.memory_space<vmem>>, vector<16xf32>,
          %le3A_696 = arith.cmpf ole, %get3A_695, %broadcast_in_dim3A_246 : vector<16xf32>
          %lt3A_697 = arith.cmpi slt, %add3A_687, %get3A_243 : i32
          %broadcast_in_dim3A_698 = vector.broadcast %lt3A_697 : i1 to vector<16xi1>
          %and3A_699 = arith.andi %le3A_696, %broadcast_in_dim3A_698 : vector<16xi1>
          %min3A_700 = arith.constant 208 : i32
          %min3A_701 = arith.minsi %add3A_683, %min3A_700 : i32
          %broadcast_in_dim3A_702 = vector.broadcast %mul3A_692 : i32 to vector<16xi32>
          %add3A_703 = arith.addi %broadcast_in_dim3A_702, %iota3A : vector<16xi32>
          %swap3A_704 = arith.index_cast %min3A_701 : i32 to index
          %swap3A_705 = tpu.vector_load %arg11[%swap3A_704] masked %and3A_699 {strides = array<i32>} : memref<224xf32, #tpu.memory_space<vmem>>, vector<16xf32>, vector<16xi1>
          tpu.vector_store %arg11[%swap3A_704], %get3A_695 masked %and3A_699 {strides = array<i32>} : memref<224xf32, #tpu.memory_space<vmem>>, vector<16xf32>, vector<16xi1>
          %swap3A_706 = arith.index_cast %min3A_701 : i32 to index
          %swap3A_707 = tpu.vector_load %arg12[%swap3A_706] masked %and3A_699 {strides = array<i32>} : memref<224xi32, #tpu.memory_space<vmem>>, vector<16xi32>, vector<16xi1>
          tpu.vector_store %arg12[%swap3A_706], %add3A_703 masked %and3A_699 {strides = array<i32>} : memref<224xi32, #tpu.memory_space<vmem>>, vector<16xi32>, vector<16xi1>
          %all_reduce_population_count3A_708 = tpu.all_reduce %and3A_699 {dim = 0 : i64, kind = #tpu.reduction_kind<sum>} : vector<16xi1> -> vector<16xi32>
          %slice3A_709 = vector.extract_strided_slice %all_reduce_population_count3A_708 {offsets = [0], sizes = [1], strides = [1]} : vector<16xi32> to vector<1xi32>
          %squeeze3A_710 = vector.extract %slice3A_709[0] : i32 from vector<1xi32>
          %add3A_711 = arith.addi %add3A_683, %squeeze3A_710 : i32
          %mul3A_712 = arith.constant 16 : i32
          %mul3A_713 = arith.muli %while3A_342, %mul3A_712 : i32
          %add3A_714 = arith.constant 13 : i32
          %add3A_715 = arith.addi %mul3A_713, %add3A_714 : i32
          %slice3A_716 = vector.extract_strided_slice %get3A_350 {offsets = [13], sizes = [1], strides = [1]} : vector<16xi32> to vector<1xi32>
          %squeeze3A_717 = vector.extract %slice3A_716[0] : i32 from vector<1xi32>
          %sub3A_718 = arith.subi %squeeze3A_717, %mul3A_248 : i32
          %mul3A_719 = arith.constant 16 : i32
          %mul3A_720 = arith.muli %sub3A_718, %mul3A_719 : i32
          %get3A_721 = arith.index_cast %add3A_715 : i32 to index
          %get3A_722 = arith.constant 0 : index
          %get3A_723 = tpu.vector_load %arg10[%get3A_721, %get3A_722] {strides = array<i32>} : memref<192x16xf32, #tpu.memory_space<vmem>>, vector<16xf32>,
          %le3A_724 = arith.cmpf ole, %get3A_723, %broadcast_in_dim3A_246 : vector<16xf32>
          %lt3A_725 = arith.cmpi slt, %add3A_715, %get3A_243 : i32
          %broadcast_in_dim3A_726 = vector.broadcast %lt3A_725 : i1 to vector<16xi1>
          %and3A_727 = arith.andi %le3A_724, %broadcast_in_dim3A_726 : vector<16xi1>
          %min3A_728 = arith.constant 208 : i32
          %min3A_729 = arith.minsi %add3A_711, %min3A_728 : i32
          %broadcast_in_dim3A_730 = vector.broadcast %mul3A_720 : i32 to vector<16xi32>
          %add3A_731 = arith.addi %broadcast_in_dim3A_730, %iota3A : vector<16xi32>
          %swap3A_732 = arith.index_cast %min3A_729 : i32 to index
          %swap3A_733 = tpu.vector_load %arg11[%swap3A_732] masked %and3A_727 {strides = array<i32>} : memref<224xf32, #tpu.memory_space<vmem>>, vector<16xf32>, vector<16xi1>
          tpu.vector_store %arg11[%swap3A_732], %get3A_723 masked %and3A_727 {strides = array<i32>} : memref<224xf32, #tpu.memory_space<vmem>>, vector<16xf32>, vector<16xi1>
          %swap3A_734 = arith.index_cast %min3A_729 : i32 to index
          %swap3A_735 = tpu.vector_load %arg12[%swap3A_734] masked %and3A_727 {strides = array<i32>} : memref<224xi32, #tpu.memory_space<vmem>>, vector<16xi32>, vector<16xi1>
          tpu.vector_store %arg12[%swap3A_734], %add3A_731 masked %and3A_727 {strides = array<i32>} : memref<224xi32, #tpu.memory_space<vmem>>, vector<16xi32>, vector<16xi1>
          %all_reduce_population_count3A_736 = tpu.all_reduce %and3A_727 {dim = 0 : i64, kind = #tpu.reduction_kind<sum>} : vector<16xi1> -> vector<16xi32>
          %slice3A_737 = vector.extract_strided_slice %all_reduce_population_count3A_736 {offsets = [0], sizes = [1], strides = [1]} : vector<16xi32> to vector<1xi32>
          %squeeze3A_738 = vector.extract %slice3A_737[0] : i32 from vector<1xi32>
          %add3A_739 = arith.addi %add3A_711, %squeeze3A_738 : i32
          %mul3A_740 = arith.constant 16 : i32
          %mul3A_741 = arith.muli %while3A_342, %mul3A_740 : i32
          %add3A_742 = arith.constant 14 : i32
          %add3A_743 = arith.addi %mul3A_741, %add3A_742 : i32
          %slice3A_744 = vector.extract_strided_slice %get3A_350 {offsets = [14], sizes = [1], strides = [1]} : vector<16xi32> to vector<1xi32>
          %squeeze3A_745 = vector.extract %slice3A_744[0] : i32 from vector<1xi32>
          %sub3A_746 = arith.subi %squeeze3A_745, %mul3A_248 : i32
          %mul3A_747 = arith.constant 16 : i32
          %mul3A_748 = arith.muli %sub3A_746, %mul3A_747 : i32
          %get3A_749 = arith.index_cast %add3A_743 : i32 to index
          %get3A_750 = arith.constant 0 : index
          %get3A_751 = tpu.vector_load %arg10[%get3A_749, %get3A_750] {strides = array<i32>} : memref<192x16xf32, #tpu.memory_space<vmem>>, vector<16xf32>,
          %le3A_752 = arith.cmpf ole, %get3A_751, %broadcast_in_dim3A_246 : vector<16xf32>
          %lt3A_753 = arith.cmpi slt, %add3A_743, %get3A_243 : i32
          %broadcast_in_dim3A_754 = vector.broadcast %lt3A_753 : i1 to vector<16xi1>
          %and3A_755 = arith.andi %le3A_752, %broadcast_in_dim3A_754 : vector<16xi1>
          %min3A_756 = arith.constant 208 : i32
          %min3A_757 = arith.minsi %add3A_739, %min3A_756 : i32
          %broadcast_in_dim3A_758 = vector.broadcast %mul3A_748 : i32 to vector<16xi32>
          %add3A_759 = arith.addi %broadcast_in_dim3A_758, %iota3A : vector<16xi32>
          %swap3A_760 = arith.index_cast %min3A_757 : i32 to index
          %swap3A_761 = tpu.vector_load %arg11[%swap3A_760] masked %and3A_755 {strides = array<i32>} : memref<224xf32, #tpu.memory_space<vmem>>, vector<16xf32>, vector<16xi1>
          tpu.vector_store %arg11[%swap3A_760], %get3A_751 masked %and3A_755 {strides = array<i32>} : memref<224xf32, #tpu.memory_space<vmem>>, vector<16xf32>, vector<16xi1>
          %swap3A_762 = arith.index_cast %min3A_757 : i32 to index
          %swap3A_763 = tpu.vector_load %arg12[%swap3A_762] masked %and3A_755 {strides = array<i32>} : memref<224xi32, #tpu.memory_space<vmem>>, vector<16xi32>, vector<16xi1>
          tpu.vector_store %arg12[%swap3A_762], %add3A_759 masked %and3A_755 {strides = array<i32>} : memref<224xi32, #tpu.memory_space<vmem>>, vector<16xi32>, vector<16xi1>
          %all_reduce_population_count3A_764 = tpu.all_reduce %and3A_755 {dim = 0 : i64, kind = #tpu.reduction_kind<sum>} : vector<16xi1> -> vector<16xi32>
          %slice3A_765 = vector.extract_strided_slice %all_reduce_population_count3A_764 {offsets = [0], sizes = [1], strides = [1]} : vector<16xi32> to vector<1xi32>
          %squeeze3A_766 = vector.extract %slice3A_765[0] : i32 from vector<1xi32>
          %add3A_767 = arith.addi %add3A_739, %squeeze3A_766 : i32
          %mul3A_768 = arith.constant 16 : i32
          %mul3A_769 = arith.muli %while3A_342, %mul3A_768 : i32
          %add3A_770 = arith.constant 15 : i32
          %add3A_771 = arith.addi %mul3A_769, %add3A_770 : i32
          %slice3A_772 = vector.extract_strided_slice %get3A_350 {offsets = [15], sizes = [1], strides = [1]} : vector<16xi32> to vector<1xi32>
          %squeeze3A_773 = vector.extract %slice3A_772[0] : i32 from vector<1xi32>
          %sub3A_774 = arith.subi %squeeze3A_773, %mul3A_248 : i32
          %mul3A_775 = arith.constant 16 : i32
          %mul3A_776 = arith.muli %sub3A_774, %mul3A_775 : i32
          %get3A_777 = arith.index_cast %add3A_771 : i32 to index
          %get3A_778 = arith.constant 0 : index
          %get3A_779 = tpu.vector_load %arg10[%get3A_777, %get3A_778] {strides = array<i32>} : memref<192x16xf32, #tpu.memory_space<vmem>>, vector<16xf32>,
          %le3A_780 = arith.cmpf ole, %get3A_779, %broadcast_in_dim3A_246 : vector<16xf32>
          %lt3A_781 = arith.cmpi slt, %add3A_771, %get3A_243 : i32
          %broadcast_in_dim3A_782 = vector.broadcast %lt3A_781 : i1 to vector<16xi1>
          %and3A_783 = arith.andi %le3A_780, %broadcast_in_dim3A_782 : vector<16xi1>
          %min3A_784 = arith.constant 208 : i32
          %min3A_785 = arith.minsi %add3A_767, %min3A_784 : i32
          %broadcast_in_dim3A_786 = vector.broadcast %mul3A_776 : i32 to vector<16xi32>
          %add3A_787 = arith.addi %broadcast_in_dim3A_786, %iota3A : vector<16xi32>
          %swap3A_788 = arith.index_cast %min3A_785 : i32 to index
          %swap3A_789 = tpu.vector_load %arg11[%swap3A_788] masked %and3A_783 {strides = array<i32>} : memref<224xf32, #tpu.memory_space<vmem>>, vector<16xf32>, vector<16xi1>
          tpu.vector_store %arg11[%swap3A_788], %get3A_779 masked %and3A_783 {strides = array<i32>} : memref<224xf32, #tpu.memory_space<vmem>>, vector<16xf32>, vector<16xi1>
          %swap3A_790 = arith.index_cast %min3A_785 : i32 to index
          %swap3A_791 = tpu.vector_load %arg12[%swap3A_790] masked %and3A_783 {strides = array<i32>} : memref<224xi32, #tpu.memory_space<vmem>>, vector<16xi32>, vector<16xi1>
          tpu.vector_store %arg12[%swap3A_790], %add3A_787 masked %and3A_783 {strides = array<i32>} : memref<224xi32, #tpu.memory_space<vmem>>, vector<16xi32>, vector<16xi1>
          %all_reduce_population_count3A_792 = tpu.all_reduce %and3A_783 {dim = 0 : i64, kind = #tpu.reduction_kind<sum>} : vector<16xi1> -> vector<16xi32>
          %slice3A_793 = vector.extract_strided_slice %all_reduce_population_count3A_792 {offsets = [0], sizes = [1], strides = [1]} : vector<16xi32> to vector<1xi32>
          %squeeze3A_794 = vector.extract %slice3A_793[0] : i32 from vector<1xi32>
          %add3A_795 = arith.addi %add3A_767, %squeeze3A_794 : i32
          scf.yield %add3A_795 : i32
        }
        %while3A_299 = arith.constant 1 : i32
        %while3A_300 = scf.for %while3A_342 = %while3A_296 to %while3A_292 step %while3A_299 iter_args(%while3A_343 = %while3A_298) -> (i32)  : i32 {
          %mul3A_344 = arith.constant 256 : i32
          %mul3A_345 = arith.muli %scan3A_239, %mul3A_344 : i32
          %mul3A_346 = arith.constant 16 : i32
          %mul3A_347 = arith.muli %while3A_342, %mul3A_346 : i32
          %add3A_348 = arith.addi %mul3A_345, %mul3A_347 : i32
          %get3A_349 = arith.index_cast %add3A_348 : i32 to index
          %get3A_350 = tpu.vector_load %arg9[%get3A_349] {strides = array<i32>} : memref<4096xi32, #tpu.memory_space<vmem>>, vector<16xi32>,
          %mul3A_351 = arith.constant 16 : i32
          %mul3A_352 = arith.muli %while3A_342, %mul3A_351 : i32
          %add3A_353 = arith.constant 0 : i32
          %add3A_354 = arith.addi %mul3A_352, %add3A_353 : i32
          %slice3A_355 = vector.extract_strided_slice %get3A_350 {offsets = [0], sizes = [1], strides = [1]} : vector<16xi32> to vector<1xi32>
          %squeeze3A_356 = vector.extract %slice3A_355[0] : i32 from vector<1xi32>
          %sub3A_357 = arith.subi %squeeze3A_356, %mul3A_248 : i32
          %mul3A_358 = arith.constant 16 : i32
          %mul3A_359 = arith.muli %sub3A_357, %mul3A_358 : i32
          %get3A_360 = arith.index_cast %add3A_354 : i32 to index
          %get3A_361 = arith.constant 0 : index
          %get3A_362 = tpu.vector_load %arg10[%get3A_360, %get3A_361] {strides = array<i32>} : memref<192x16xf32, #tpu.memory_space<vmem>>, vector<16xf32>,
          %le3A = arith.cmpf ole, %get3A_362, %broadcast_in_dim3A_246 : vector<16xf32>
          %lt3A = arith.cmpi slt, %add3A_354, %get3A_243 : i32
          %broadcast_in_dim3A_363 = vector.broadcast %lt3A : i1 to vector<16xi1>
          %and3A_364 = arith.andi %le3A, %broadcast_in_dim3A_363 : vector<16xi1>
          %min3A_365 = arith.constant 208 : i32
          %min3A_366 = arith.minsi %while3A_343, %min3A_365 : i32
          %broadcast_in_dim3A_367 = vector.broadcast %mul3A_359 : i32 to vector<16xi32>
          %add3A_368 = arith.addi %broadcast_in_dim3A_367, %iota3A : vector<16xi32>
          %swap3A_369 = arith.index_cast %min3A_366 : i32 to index
          %swap3A_370 = tpu.vector_load %arg11[%swap3A_369] masked %and3A_364 {strides = array<i32>} : memref<224xf32, #tpu.memory_space<vmem>>, vector<16xf32>, vector<16xi1>
          tpu.vector_store %arg11[%swap3A_369], %get3A_362 masked %and3A_364 {strides = array<i32>} : memref<224xf32, #tpu.memory_space<vmem>>, vector<16xf32>, vector<16xi1>
          %swap3A_371 = arith.index_cast %min3A_366 : i32 to index
          %swap3A_372 = tpu.vector_load %arg12[%swap3A_371] masked %and3A_364 {strides = array<i32>} : memref<224xi32, #tpu.memory_space<vmem>>, vector<16xi32>, vector<16xi1>
          tpu.vector_store %arg12[%swap3A_371], %add3A_368 masked %and3A_364 {strides = array<i32>} : memref<224xi32, #tpu.memory_space<vmem>>, vector<16xi32>, vector<16xi1>
          %all_reduce_population_count3A = tpu.all_reduce %and3A_364 {dim = 0 : i64, kind = #tpu.reduction_kind<sum>} : vector<16xi1> -> vector<16xi32>
          %slice3A_373 = vector.extract_strided_slice %all_reduce_population_count3A {offsets = [0], sizes = [1], strides = [1]} : vector<16xi32> to vector<1xi32>
          %squeeze3A_374 = vector.extract %slice3A_373[0] : i32 from vector<1xi32>
          %add3A_375 = arith.addi %while3A_343, %squeeze3A_374 : i32
          %mul3A_376 = arith.constant 16 : i32
          %mul3A_377 = arith.muli %while3A_342, %mul3A_376 : i32
          %add3A_378 = arith.constant 1 : i32
          %add3A_379 = arith.addi %mul3A_377, %add3A_378 : i32
          %slice3A_380 = vector.extract_strided_slice %get3A_350 {offsets = [1], sizes = [1], strides = [1]} : vector<16xi32> to vector<1xi32>
          %squeeze3A_381 = vector.extract %slice3A_380[0] : i32 from vector<1xi32>
          %sub3A_382 = arith.subi %squeeze3A_381, %mul3A_248 : i32
          %mul3A_383 = arith.constant 16 : i32
          %mul3A_384 = arith.muli %sub3A_382, %mul3A_383 : i32
          %get3A_385 = arith.index_cast %add3A_379 : i32 to index
          %get3A_386 = arith.constant 0 : index
          %get3A_387 = tpu.vector_load %arg10[%get3A_385, %get3A_386] {strides = array<i32>} : memref<192x16xf32, #tpu.memory_space<vmem>>, vector<16xf32>,
          %le3A_388 = arith.cmpf ole, %get3A_387, %broadcast_in_dim3A_246 : vector<16xf32>
          %lt3A_389 = arith.cmpi slt, %add3A_379, %get3A_243 : i32
          %broadcast_in_dim3A_390 = vector.broadcast %lt3A_389 : i1 to vector<16xi1>
          %and3A_391 = arith.andi %le3A_388, %broadcast_in_dim3A_390 : vector<16xi1>
          %min3A_392 = arith.constant 208 : i32
          %min3A_393 = arith.minsi %add3A_375, %min3A_392 : i32
          %broadcast_in_dim3A_394 = vector.broadcast %mul3A_384 : i32 to vector<16xi32>
          %add3A_395 = arith.addi %broadcast_in_dim3A_394, %iota3A : vector<16xi32>
          %swap3A_396 = arith.index_cast %min3A_393 : i32 to index
          %swap3A_397 = tpu.vector_load %arg11[%swap3A_396] masked %and3A_391 {strides = array<i32>} : memref<224xf32, #tpu.memory_space<vmem>>, vector<16xf32>, vector<16xi1>
          tpu.vector_store %arg11[%swap3A_396], %get3A_387 masked %and3A_391 {strides = array<i32>} : memref<224xf32, #tpu.memory_space<vmem>>, vector<16xf32>, vector<16xi1>
          %swap3A_398 = arith.index_cast %min3A_393 : i32 to index
          %swap3A_399 = tpu.vector_load %arg12[%swap3A_398] masked %and3A_391 {strides = array<i32>} : memref<224xi32, #tpu.memory_space<vmem>>, vector<16xi32>, vector<16xi1>
          tpu.vector_store %arg12[%swap3A_398], %add3A_395 masked %and3A_391 {strides = array<i32>} : memref<224xi32, #tpu.memory_space<vmem>>, vector<16xi32>, vector<16xi1>
          %all_reduce_population_count3A_400 = tpu.all_reduce %and3A_391 {dim = 0 : i64, kind = #tpu.reduction_kind<sum>} : vector<16xi1> -> vector<16xi32>
          %slice3A_401 = vector.extract_strided_slice %all_reduce_population_count3A_400 {offsets = [0], sizes = [1], strides = [1]} : vector<16xi32> to vector<1xi32>
          %squeeze3A_402 = vector.extract %slice3A_401[0] : i32 from vector<1xi32>
          %add3A_403 = arith.addi %add3A_375, %squeeze3A_402 : i32
          %mul3A_404 = arith.constant 16 : i32
          %mul3A_405 = arith.muli %while3A_342, %mul3A_404 : i32
          %add3A_406 = arith.constant 2 : i32
          %add3A_407 = arith.addi %mul3A_405, %add3A_406 : i32
          %slice3A_408 = vector.extract_strided_slice %get3A_350 {offsets = [2], sizes = [1], strides = [1]} : vector<16xi32> to vector<1xi32>
          %squeeze3A_409 = vector.extract %slice3A_408[0] : i32 from vector<1xi32>
          %sub3A_410 = arith.subi %squeeze3A_409, %mul3A_248 : i32
          %mul3A_411 = arith.constant 16 : i32
          %mul3A_412 = arith.muli %sub3A_410, %mul3A_411 : i32
          %get3A_413 = arith.index_cast %add3A_407 : i32 to index
          %get3A_414 = arith.constant 0 : index
          %get3A_415 = tpu.vector_load %arg10[%get3A_413, %get3A_414] {strides = array<i32>} : memref<192x16xf32, #tpu.memory_space<vmem>>, vector<16xf32>,
          %le3A_416 = arith.cmpf ole, %get3A_415, %broadcast_in_dim3A_246 : vector<16xf32>
          %lt3A_417 = arith.cmpi slt, %add3A_407, %get3A_243 : i32
          %broadcast_in_dim3A_418 = vector.broadcast %lt3A_417 : i1 to vector<16xi1>
          %and3A_419 = arith.andi %le3A_416, %broadcast_in_dim3A_418 : vector<16xi1>
          %min3A_420 = arith.constant 208 : i32
          %min3A_421 = arith.minsi %add3A_403, %min3A_420 : i32
          %broadcast_in_dim3A_422 = vector.broadcast %mul3A_412 : i32 to vector<16xi32>
          %add3A_423 = arith.addi %broadcast_in_dim3A_422, %iota3A : vector<16xi32>
          %swap3A_424 = arith.index_cast %min3A_421 : i32 to index
          %swap3A_425 = tpu.vector_load %arg11[%swap3A_424] masked %and3A_419 {strides = array<i32>} : memref<224xf32, #tpu.memory_space<vmem>>, vector<16xf32>, vector<16xi1>
          tpu.vector_store %arg11[%swap3A_424], %get3A_415 masked %and3A_419 {strides = array<i32>} : memref<224xf32, #tpu.memory_space<vmem>>, vector<16xf32>, vector<16xi1>
          %swap3A_426 = arith.index_cast %min3A_421 : i32 to index
          %swap3A_427 = tpu.vector_load %arg12[%swap3A_426] masked %and3A_419 {strides = array<i32>} : memref<224xi32, #tpu.memory_space<vmem>>, vector<16xi32>, vector<16xi1>
          tpu.vector_store %arg12[%swap3A_426], %add3A_423 masked %and3A_419 {strides = array<i32>} : memref<224xi32, #tpu.memory_space<vmem>>, vector<16xi32>, vector<16xi1>
          %all_reduce_population_count3A_428 = tpu.all_reduce %and3A_419 {dim = 0 : i64, kind = #tpu.reduction_kind<sum>} : vector<16xi1> -> vector<16xi32>
          %slice3A_429 = vector.extract_strided_slice %all_reduce_population_count3A_428 {offsets = [0], sizes = [1], strides = [1]} : vector<16xi32> to vector<1xi32>
          %squeeze3A_430 = vector.extract %slice3A_429[0] : i32 from vector<1xi32>
          %add3A_431 = arith.addi %add3A_403, %squeeze3A_430 : i32
          %mul3A_432 = arith.constant 16 : i32
          %mul3A_433 = arith.muli %while3A_342, %mul3A_432 : i32
          %add3A_434 = arith.constant 3 : i32
          %add3A_435 = arith.addi %mul3A_433, %add3A_434 : i32
          %slice3A_436 = vector.extract_strided_slice %get3A_350 {offsets = [3], sizes = [1], strides = [1]} : vector<16xi32> to vector<1xi32>
          %squeeze3A_437 = vector.extract %slice3A_436[0] : i32 from vector<1xi32>
          %sub3A_438 = arith.subi %squeeze3A_437, %mul3A_248 : i32
          %mul3A_439 = arith.constant 16 : i32
          %mul3A_440 = arith.muli %sub3A_438, %mul3A_439 : i32
          %get3A_441 = arith.index_cast %add3A_435 : i32 to index
          %get3A_442 = arith.constant 0 : index
          %get3A_443 = tpu.vector_load %arg10[%get3A_441, %get3A_442] {strides = array<i32>} : memref<192x16xf32, #tpu.memory_space<vmem>>, vector<16xf32>,
          %le3A_444 = arith.cmpf ole, %get3A_443, %broadcast_in_dim3A_246 : vector<16xf32>
          %lt3A_445 = arith.cmpi slt, %add3A_435, %get3A_243 : i32
          %broadcast_in_dim3A_446 = vector.broadcast %lt3A_445 : i1 to vector<16xi1>
          %and3A_447 = arith.andi %le3A_444, %broadcast_in_dim3A_446 : vector<16xi1>
          %min3A_448 = arith.constant 208 : i32
          %min3A_449 = arith.minsi %add3A_431, %min3A_448 : i32
          %broadcast_in_dim3A_450 = vector.broadcast %mul3A_440 : i32 to vector<16xi32>
          %add3A_451 = arith.addi %broadcast_in_dim3A_450, %iota3A : vector<16xi32>
          %swap3A_452 = arith.index_cast %min3A_449 : i32 to index
          %swap3A_453 = tpu.vector_load %arg11[%swap3A_452] masked %and3A_447 {strides = array<i32>} : memref<224xf32, #tpu.memory_space<vmem>>, vector<16xf32>, vector<16xi1>
          tpu.vector_store %arg11[%swap3A_452], %get3A_443 masked %and3A_447 {strides = array<i32>} : memref<224xf32, #tpu.memory_space<vmem>>, vector<16xf32>, vector<16xi1>
          %swap3A_454 = arith.index_cast %min3A_449 : i32 to index
          %swap3A_455 = tpu.vector_load %arg12[%swap3A_454] masked %and3A_447 {strides = array<i32>} : memref<224xi32, #tpu.memory_space<vmem>>, vector<16xi32>, vector<16xi1>
          tpu.vector_store %arg12[%swap3A_454], %add3A_451 masked %and3A_447 {strides = array<i32>} : memref<224xi32, #tpu.memory_space<vmem>>, vector<16xi32>, vector<16xi1>
          %all_reduce_population_count3A_456 = tpu.all_reduce %and3A_447 {dim = 0 : i64, kind = #tpu.reduction_kind<sum>} : vector<16xi1> -> vector<16xi32>
          %slice3A_457 = vector.extract_strided_slice %all_reduce_population_count3A_456 {offsets = [0], sizes = [1], strides = [1]} : vector<16xi32> to vector<1xi32>
          %squeeze3A_458 = vector.extract %slice3A_457[0] : i32 from vector<1xi32>
          %add3A_459 = arith.addi %add3A_431, %squeeze3A_458 : i32
          %mul3A_460 = arith.constant 16 : i32
          %mul3A_461 = arith.muli %while3A_342, %mul3A_460 : i32
          %add3A_462 = arith.constant 4 : i32
          %add3A_463 = arith.addi %mul3A_461, %add3A_462 : i32
          %slice3A_464 = vector.extract_strided_slice %get3A_350 {offsets = [4], sizes = [1], strides = [1]} : vector<16xi32> to vector<1xi32>
          %squeeze3A_465 = vector.extract %slice3A_464[0] : i32 from vector<1xi32>
          %sub3A_466 = arith.subi %squeeze3A_465, %mul3A_248 : i32
          %mul3A_467 = arith.constant 16 : i32
          %mul3A_468 = arith.muli %sub3A_466, %mul3A_467 : i32
          %get3A_469 = arith.index_cast %add3A_463 : i32 to index
          %get3A_470 = arith.constant 0 : index
          %get3A_471 = tpu.vector_load %arg10[%get3A_469, %get3A_470] {strides = array<i32>} : memref<192x16xf32, #tpu.memory_space<vmem>>, vector<16xf32>,
          %le3A_472 = arith.cmpf ole, %get3A_471, %broadcast_in_dim3A_246 : vector<16xf32>
          %lt3A_473 = arith.cmpi slt, %add3A_463, %get3A_243 : i32
          %broadcast_in_dim3A_474 = vector.broadcast %lt3A_473 : i1 to vector<16xi1>
          %and3A_475 = arith.andi %le3A_472, %broadcast_in_dim3A_474 : vector<16xi1>
          %min3A_476 = arith.constant 208 : i32
          %min3A_477 = arith.minsi %add3A_459, %min3A_476 : i32
          %broadcast_in_dim3A_478 = vector.broadcast %mul3A_468 : i32 to vector<16xi32>
          %add3A_479 = arith.addi %broadcast_in_dim3A_478, %iota3A : vector<16xi32>
          %swap3A_480 = arith.index_cast %min3A_477 : i32 to index
          %swap3A_481 = tpu.vector_load %arg11[%swap3A_480] masked %and3A_475 {strides = array<i32>} : memref<224xf32, #tpu.memory_space<vmem>>, vector<16xf32>, vector<16xi1>
          tpu.vector_store %arg11[%swap3A_480], %get3A_471 masked %and3A_475 {strides = array<i32>} : memref<224xf32, #tpu.memory_space<vmem>>, vector<16xf32>, vector<16xi1>
          %swap3A_482 = arith.index_cast %min3A_477 : i32 to index
          %swap3A_483 = tpu.vector_load %arg12[%swap3A_482] masked %and3A_475 {strides = array<i32>} : memref<224xi32, #tpu.memory_space<vmem>>, vector<16xi32>, vector<16xi1>
          tpu.vector_store %arg12[%swap3A_482], %add3A_479 masked %and3A_475 {strides = array<i32>} : memref<224xi32, #tpu.memory_space<vmem>>, vector<16xi32>, vector<16xi1>
          %all_reduce_population_count3A_484 = tpu.all_reduce %and3A_475 {dim = 0 : i64, kind = #tpu.reduction_kind<sum>} : vector<16xi1> -> vector<16xi32>
          %slice3A_485 = vector.extract_strided_slice %all_reduce_population_count3A_484 {offsets = [0], sizes = [1], strides = [1]} : vector<16xi32> to vector<1xi32>
          %squeeze3A_486 = vector.extract %slice3A_485[0] : i32 from vector<1xi32>
          %add3A_487 = arith.addi %add3A_459, %squeeze3A_486 : i32
          %mul3A_488 = arith.constant 16 : i32
          %mul3A_489 = arith.muli %while3A_342, %mul3A_488 : i32
          %add3A_490 = arith.constant 5 : i32
          %add3A_491 = arith.addi %mul3A_489, %add3A_490 : i32
          %slice3A_492 = vector.extract_strided_slice %get3A_350 {offsets = [5], sizes = [1], strides = [1]} : vector<16xi32> to vector<1xi32>
          %squeeze3A_493 = vector.extract %slice3A_492[0] : i32 from vector<1xi32>
          %sub3A_494 = arith.subi %squeeze3A_493, %mul3A_248 : i32
          %mul3A_495 = arith.constant 16 : i32
          %mul3A_496 = arith.muli %sub3A_494, %mul3A_495 : i32
          %get3A_497 = arith.index_cast %add3A_491 : i32 to index
          %get3A_498 = arith.constant 0 : index
          %get3A_499 = tpu.vector_load %arg10[%get3A_497, %get3A_498] {strides = array<i32>} : memref<192x16xf32, #tpu.memory_space<vmem>>, vector<16xf32>,
          %le3A_500 = arith.cmpf ole, %get3A_499, %broadcast_in_dim3A_246 : vector<16xf32>
          %lt3A_501 = arith.cmpi slt, %add3A_491, %get3A_243 : i32
          %broadcast_in_dim3A_502 = vector.broadcast %lt3A_501 : i1 to vector<16xi1>
          %and3A_503 = arith.andi %le3A_500, %broadcast_in_dim3A_502 : vector<16xi1>
          %min3A_504 = arith.constant 208 : i32
          %min3A_505 = arith.minsi %add3A_487, %min3A_504 : i32
          %broadcast_in_dim3A_506 = vector.broadcast %mul3A_496 : i32 to vector<16xi32>
          %add3A_507 = arith.addi %broadcast_in_dim3A_506, %iota3A : vector<16xi32>
          %swap3A_508 = arith.index_cast %min3A_505 : i32 to index
          %swap3A_509 = tpu.vector_load %arg11[%swap3A_508] masked %and3A_503 {strides = array<i32>} : memref<224xf32, #tpu.memory_space<vmem>>, vector<16xf32>, vector<16xi1>
          tpu.vector_store %arg11[%swap3A_508], %get3A_499 masked %and3A_503 {strides = array<i32>} : memref<224xf32, #tpu.memory_space<vmem>>, vector<16xf32>, vector<16xi1>
          %swap3A_510 = arith.index_cast %min3A_505 : i32 to index
          %swap3A_511 = tpu.vector_load %arg12[%swap3A_510] masked %and3A_503 {strides = array<i32>} : memref<224xi32, #tpu.memory_space<vmem>>, vector<16xi32>, vector<16xi1>
          tpu.vector_store %arg12[%swap3A_510], %add3A_507 masked %and3A_503 {strides = array<i32>} : memref<224xi32, #tpu.memory_space<vmem>>, vector<16xi32>, vector<16xi1>
          %all_reduce_population_count3A_512 = tpu.all_reduce %and3A_503 {dim = 0 : i64, kind = #tpu.reduction_kind<sum>} : vector<16xi1> -> vector<16xi32>
          %slice3A_513 = vector.extract_strided_slice %all_reduce_population_count3A_512 {offsets = [0], sizes = [1], strides = [1]} : vector<16xi32> to vector<1xi32>
          %squeeze3A_514 = vector.extract %slice3A_513[0] : i32 from vector<1xi32>
          %add3A_515 = arith.addi %add3A_487, %squeeze3A_514 : i32
          %mul3A_516 = arith.constant 16 : i32
          %mul3A_517 = arith.muli %while3A_342, %mul3A_516 : i32
          %add3A_518 = arith.constant 6 : i32
          %add3A_519 = arith.addi %mul3A_517, %add3A_518 : i32
          %slice3A_520 = vector.extract_strided_slice %get3A_350 {offsets = [6], sizes = [1], strides = [1]} : vector<16xi32> to vector<1xi32>
          %squeeze3A_521 = vector.extract %slice3A_520[0] : i32 from vector<1xi32>
          %sub3A_522 = arith.subi %squeeze3A_521, %mul3A_248 : i32
          %mul3A_523 = arith.constant 16 : i32
          %mul3A_524 = arith.muli %sub3A_522, %mul3A_523 : i32
          %get3A_525 = arith.index_cast %add3A_519 : i32 to index
          %get3A_526 = arith.constant 0 : index
          %get3A_527 = tpu.vector_load %arg10[%get3A_525, %get3A_526] {strides = array<i32>} : memref<192x16xf32, #tpu.memory_space<vmem>>, vector<16xf32>,
          %le3A_528 = arith.cmpf ole, %get3A_527, %broadcast_in_dim3A_246 : vector<16xf32>
          %lt3A_529 = arith.cmpi slt, %add3A_519, %get3A_243 : i32
          %broadcast_in_dim3A_530 = vector.broadcast %lt3A_529 : i1 to vector<16xi1>
          %and3A_531 = arith.andi %le3A_528, %broadcast_in_dim3A_530 : vector<16xi1>
          %min3A_532 = arith.constant 208 : i32
          %min3A_533 = arith.minsi %add3A_515, %min3A_532 : i32
          %broadcast_in_dim3A_534 = vector.broadcast %mul3A_524 : i32 to vector<16xi32>
          %add3A_535 = arith.addi %broadcast_in_dim3A_534, %iota3A : vector<16xi32>
          %swap3A_536 = arith.index_cast %min3A_533 : i32 to index
          %swap3A_537 = tpu.vector_load %arg11[%swap3A_536] masked %and3A_531 {strides = array<i32>} : memref<224xf32, #tpu.memory_space<vmem>>, vector<16xf32>, vector<16xi1>
          tpu.vector_store %arg11[%swap3A_536], %get3A_527 masked %and3A_531 {strides = array<i32>} : memref<224xf32, #tpu.memory_space<vmem>>, vector<16xf32>, vector<16xi1>
          %swap3A_538 = arith.index_cast %min3A_533 : i32 to index
          %swap3A_539 = tpu.vector_load %arg12[%swap3A_538] masked %and3A_531 {strides = array<i32>} : memref<224xi32, #tpu.memory_space<vmem>>, vector<16xi32>, vector<16xi1>
          tpu.vector_store %arg12[%swap3A_538], %add3A_535 masked %and3A_531 {strides = array<i32>} : memref<224xi32, #tpu.memory_space<vmem>>, vector<16xi32>, vector<16xi1>
          %all_reduce_population_count3A_540 = tpu.all_reduce %and3A_531 {dim = 0 : i64, kind = #tpu.reduction_kind<sum>} : vector<16xi1> -> vector<16xi32>
          %slice3A_541 = vector.extract_strided_slice %all_reduce_population_count3A_540 {offsets = [0], sizes = [1], strides = [1]} : vector<16xi32> to vector<1xi32>
          %squeeze3A_542 = vector.extract %slice3A_541[0] : i32 from vector<1xi32>
          %add3A_543 = arith.addi %add3A_515, %squeeze3A_542 : i32
          %mul3A_544 = arith.constant 16 : i32
          %mul3A_545 = arith.muli %while3A_342, %mul3A_544 : i32
          %add3A_546 = arith.constant 7 : i32
          %add3A_547 = arith.addi %mul3A_545, %add3A_546 : i32
          %slice3A_548 = vector.extract_strided_slice %get3A_350 {offsets = [7], sizes = [1], strides = [1]} : vector<16xi32> to vector<1xi32>
          %squeeze3A_549 = vector.extract %slice3A_548[0] : i32 from vector<1xi32>
          %sub3A_550 = arith.subi %squeeze3A_549, %mul3A_248 : i32
          %mul3A_551 = arith.constant 16 : i32
          %mul3A_552 = arith.muli %sub3A_550, %mul3A_551 : i32
          %get3A_553 = arith.index_cast %add3A_547 : i32 to index
          %get3A_554 = arith.constant 0 : index
          %get3A_555 = tpu.vector_load %arg10[%get3A_553, %get3A_554] {strides = array<i32>} : memref<192x16xf32, #tpu.memory_space<vmem>>, vector<16xf32>,
          %le3A_556 = arith.cmpf ole, %get3A_555, %broadcast_in_dim3A_246 : vector<16xf32>
          %lt3A_557 = arith.cmpi slt, %add3A_547, %get3A_243 : i32
          %broadcast_in_dim3A_558 = vector.broadcast %lt3A_557 : i1 to vector<16xi1>
          %and3A_559 = arith.andi %le3A_556, %broadcast_in_dim3A_558 : vector<16xi1>
          %min3A_560 = arith.constant 208 : i32
          %min3A_561 = arith.minsi %add3A_543, %min3A_560 : i32
          %broadcast_in_dim3A_562 = vector.broadcast %mul3A_552 : i32 to vector<16xi32>
          %add3A_563 = arith.addi %broadcast_in_dim3A_562, %iota3A : vector<16xi32>
          %swap3A_564 = arith.index_cast %min3A_561 : i32 to index
          %swap3A_565 = tpu.vector_load %arg11[%swap3A_564] masked %and3A_559 {strides = array<i32>} : memref<224xf32, #tpu.memory_space<vmem>>, vector<16xf32>, vector<16xi1>
          tpu.vector_store %arg11[%swap3A_564], %get3A_555 masked %and3A_559 {strides = array<i32>} : memref<224xf32, #tpu.memory_space<vmem>>, vector<16xf32>, vector<16xi1>
          %swap3A_566 = arith.index_cast %min3A_561 : i32 to index
          %swap3A_567 = tpu.vector_load %arg12[%swap3A_566] masked %and3A_559 {strides = array<i32>} : memref<224xi32, #tpu.memory_space<vmem>>, vector<16xi32>, vector<16xi1>
          tpu.vector_store %arg12[%swap3A_566], %add3A_563 masked %and3A_559 {strides = array<i32>} : memref<224xi32, #tpu.memory_space<vmem>>, vector<16xi32>, vector<16xi1>
          %all_reduce_population_count3A_568 = tpu.all_reduce %and3A_559 {dim = 0 : i64, kind = #tpu.reduction_kind<sum>} : vector<16xi1> -> vector<16xi32>
          %slice3A_569 = vector.extract_strided_slice %all_reduce_population_count3A_568 {offsets = [0], sizes = [1], strides = [1]} : vector<16xi32> to vector<1xi32>
          %squeeze3A_570 = vector.extract %slice3A_569[0] : i32 from vector<1xi32>
          %add3A_571 = arith.addi %add3A_543, %squeeze3A_570 : i32
          %mul3A_572 = arith.constant 16 : i32
          %mul3A_573 = arith.muli %while3A_342, %mul3A_572 : i32
          %add3A_574 = arith.constant 8 : i32
          %add3A_575 = arith.addi %mul3A_573, %add3A_574 : i32
          %slice3A_576 = vector.extract_strided_slice %get3A_350 {offsets = [8], sizes = [1], strides = [1]} : vector<16xi32> to vector<1xi32>
          %squeeze3A_577 = vector.extract %slice3A_576[0] : i32 from vector<1xi32>
          %sub3A_578 = arith.subi %squeeze3A_577, %mul3A_248 : i32
          %mul3A_579 = arith.constant 16 : i32
          %mul3A_580 = arith.muli %sub3A_578, %mul3A_579 : i32
          %get3A_581 = arith.index_cast %add3A_575 : i32 to index
          %get3A_582 = arith.constant 0 : index
          %get3A_583 = tpu.vector_load %arg10[%get3A_581, %get3A_582] {strides = array<i32>} : memref<192x16xf32, #tpu.memory_space<vmem>>, vector<16xf32>,
          %le3A_584 = arith.cmpf ole, %get3A_583, %broadcast_in_dim3A_246 : vector<16xf32>
          %lt3A_585 = arith.cmpi slt, %add3A_575, %get3A_243 : i32
          %broadcast_in_dim3A_586 = vector.broadcast %lt3A_585 : i1 to vector<16xi1>
          %and3A_587 = arith.andi %le3A_584, %broadcast_in_dim3A_586 : vector<16xi1>
          %min3A_588 = arith.constant 208 : i32
          %min3A_589 = arith.minsi %add3A_571, %min3A_588 : i32
          %broadcast_in_dim3A_590 = vector.broadcast %mul3A_580 : i32 to vector<16xi32>
          %add3A_591 = arith.addi %broadcast_in_dim3A_590, %iota3A : vector<16xi32>
          %swap3A_592 = arith.index_cast %min3A_589 : i32 to index
          %swap3A_593 = tpu.vector_load %arg11[%swap3A_592] masked %and3A_587 {strides = array<i32>} : memref<224xf32, #tpu.memory_space<vmem>>, vector<16xf32>, vector<16xi1>
          tpu.vector_store %arg11[%swap3A_592], %get3A_583 masked %and3A_587 {strides = array<i32>} : memref<224xf32, #tpu.memory_space<vmem>>, vector<16xf32>, vector<16xi1>
          %swap3A_594 = arith.index_cast %min3A_589 : i32 to index
          %swap3A_595 = tpu.vector_load %arg12[%swap3A_594] masked %and3A_587 {strides = array<i32>} : memref<224xi32, #tpu.memory_space<vmem>>, vector<16xi32>, vector<16xi1>
          tpu.vector_store %arg12[%swap3A_594], %add3A_591 masked %and3A_587 {strides = array<i32>} : memref<224xi32, #tpu.memory_space<vmem>>, vector<16xi32>, vector<16xi1>
          %all_reduce_population_count3A_596 = tpu.all_reduce %and3A_587 {dim = 0 : i64, kind = #tpu.reduction_kind<sum>} : vector<16xi1> -> vector<16xi32>
          %slice3A_597 = vector.extract_strided_slice %all_reduce_population_count3A_596 {offsets = [0], sizes = [1], strides = [1]} : vector<16xi32> to vector<1xi32>
          %squeeze3A_598 = vector.extract %slice3A_597[0] : i32 from vector<1xi32>
          %add3A_599 = arith.addi %add3A_571, %squeeze3A_598 : i32
          %mul3A_600 = arith.constant 16 : i32
          %mul3A_601 = arith.muli %while3A_342, %mul3A_600 : i32
          %add3A_602 = arith.constant 9 : i32
          %add3A_603 = arith.addi %mul3A_601, %add3A_602 : i32
          %slice3A_604 = vector.extract_strided_slice %get3A_350 {offsets = [9], sizes = [1], strides = [1]} : vector<16xi32> to vector<1xi32>
          %squeeze3A_605 = vector.extract %slice3A_604[0] : i32 from vector<1xi32>
          %sub3A_606 = arith.subi %squeeze3A_605, %mul3A_248 : i32
          %mul3A_607 = arith.constant 16 : i32
          %mul3A_608 = arith.muli %sub3A_606, %mul3A_607 : i32
          %get3A_609 = arith.index_cast %add3A_603 : i32 to index
          %get3A_610 = arith.constant 0 : index
          %get3A_611 = tpu.vector_load %arg10[%get3A_609, %get3A_610] {strides = array<i32>} : memref<192x16xf32, #tpu.memory_space<vmem>>, vector<16xf32>,
          %le3A_612 = arith.cmpf ole, %get3A_611, %broadcast_in_dim3A_246 : vector<16xf32>
          %lt3A_613 = arith.cmpi slt, %add3A_603, %get3A_243 : i32
          %broadcast_in_dim3A_614 = vector.broadcast %lt3A_613 : i1 to vector<16xi1>
          %and3A_615 = arith.andi %le3A_612, %broadcast_in_dim3A_614 : vector<16xi1>
          %min3A_616 = arith.constant 208 : i32
          %min3A_617 = arith.minsi %add3A_599, %min3A_616 : i32
          %broadcast_in_dim3A_618 = vector.broadcast %mul3A_608 : i32 to vector<16xi32>
          %add3A_619 = arith.addi %broadcast_in_dim3A_618, %iota3A : vector<16xi32>
          %swap3A_620 = arith.index_cast %min3A_617 : i32 to index
          %swap3A_621 = tpu.vector_load %arg11[%swap3A_620] masked %and3A_615 {strides = array<i32>} : memref<224xf32, #tpu.memory_space<vmem>>, vector<16xf32>, vector<16xi1>
          tpu.vector_store %arg11[%swap3A_620], %get3A_611 masked %and3A_615 {strides = array<i32>} : memref<224xf32, #tpu.memory_space<vmem>>, vector<16xf32>, vector<16xi1>
          %swap3A_622 = arith.index_cast %min3A_617 : i32 to index
          %swap3A_623 = tpu.vector_load %arg12[%swap3A_622] masked %and3A_615 {strides = array<i32>} : memref<224xi32, #tpu.memory_space<vmem>>, vector<16xi32>, vector<16xi1>
          tpu.vector_store %arg12[%swap3A_622], %add3A_619 masked %and3A_615 {strides = array<i32>} : memref<224xi32, #tpu.memory_space<vmem>>, vector<16xi32>, vector<16xi1>
          %all_reduce_population_count3A_624 = tpu.all_reduce %and3A_615 {dim = 0 : i64, kind = #tpu.reduction_kind<sum>} : vector<16xi1> -> vector<16xi32>
          %slice3A_625 = vector.extract_strided_slice %all_reduce_population_count3A_624 {offsets = [0], sizes = [1], strides = [1]} : vector<16xi32> to vector<1xi32>
          %squeeze3A_626 = vector.extract %slice3A_625[0] : i32 from vector<1xi32>
          %add3A_627 = arith.addi %add3A_599, %squeeze3A_626 : i32
          %mul3A_628 = arith.constant 16 : i32
          %mul3A_629 = arith.muli %while3A_342, %mul3A_628 : i32
          %add3A_630 = arith.constant 10 : i32
          %add3A_631 = arith.addi %mul3A_629, %add3A_630 : i32
          %slice3A_632 = vector.extract_strided_slice %get3A_350 {offsets = [10], sizes = [1], strides = [1]} : vector<16xi32> to vector<1xi32>
          %squeeze3A_633 = vector.extract %slice3A_632[0] : i32 from vector<1xi32>
          %sub3A_634 = arith.subi %squeeze3A_633, %mul3A_248 : i32
          %mul3A_635 = arith.constant 16 : i32
          %mul3A_636 = arith.muli %sub3A_634, %mul3A_635 : i32
          %get3A_637 = arith.index_cast %add3A_631 : i32 to index
          %get3A_638 = arith.constant 0 : index
          %get3A_639 = tpu.vector_load %arg10[%get3A_637, %get3A_638] {strides = array<i32>} : memref<192x16xf32, #tpu.memory_space<vmem>>, vector<16xf32>,
          %le3A_640 = arith.cmpf ole, %get3A_639, %broadcast_in_dim3A_246 : vector<16xf32>
          %lt3A_641 = arith.cmpi slt, %add3A_631, %get3A_243 : i32
          %broadcast_in_dim3A_642 = vector.broadcast %lt3A_641 : i1 to vector<16xi1>
          %and3A_643 = arith.andi %le3A_640, %broadcast_in_dim3A_642 : vector<16xi1>
          %min3A_644 = arith.constant 208 : i32
          %min3A_645 = arith.minsi %add3A_627, %min3A_644 : i32
          %broadcast_in_dim3A_646 = vector.broadcast %mul3A_636 : i32 to vector<16xi32>
          %add3A_647 = arith.addi %broadcast_in_dim3A_646, %iota3A : vector<16xi32>
          %swap3A_648 = arith.index_cast %min3A_645 : i32 to index
          %swap3A_649 = tpu.vector_load %arg11[%swap3A_648] masked %and3A_643 {strides = array<i32>} : memref<224xf32, #tpu.memory_space<vmem>>, vector<16xf32>, vector<16xi1>
          tpu.vector_store %arg11[%swap3A_648], %get3A_639 masked %and3A_643 {strides = array<i32>} : memref<224xf32, #tpu.memory_space<vmem>>, vector<16xf32>, vector<16xi1>
          %swap3A_650 = arith.index_cast %min3A_645 : i32 to index
          %swap3A_651 = tpu.vector_load %arg12[%swap3A_650] masked %and3A_643 {strides = array<i32>} : memref<224xi32, #tpu.memory_space<vmem>>, vector<16xi32>, vector<16xi1>
          tpu.vector_store %arg12[%swap3A_650], %add3A_647 masked %and3A_643 {strides = array<i32>} : memref<224xi32, #tpu.memory_space<vmem>>, vector<16xi32>, vector<16xi1>
          %all_reduce_population_count3A_652 = tpu.all_reduce %and3A_643 {dim = 0 : i64, kind = #tpu.reduction_kind<sum>} : vector<16xi1> -> vector<16xi32>
          %slice3A_653 = vector.extract_strided_slice %all_reduce_population_count3A_652 {offsets = [0], sizes = [1], strides = [1]} : vector<16xi32> to vector<1xi32>
          %squeeze3A_654 = vector.extract %slice3A_653[0] : i32 from vector<1xi32>
          %add3A_655 = arith.addi %add3A_627, %squeeze3A_654 : i32
          %mul3A_656 = arith.constant 16 : i32
          %mul3A_657 = arith.muli %while3A_342, %mul3A_656 : i32
          %add3A_658 = arith.constant 11 : i32
          %add3A_659 = arith.addi %mul3A_657, %add3A_658 : i32
          %slice3A_660 = vector.extract_strided_slice %get3A_350 {offsets = [11], sizes = [1], strides = [1]} : vector<16xi32> to vector<1xi32>
          %squeeze3A_661 = vector.extract %slice3A_660[0] : i32 from vector<1xi32>
          %sub3A_662 = arith.subi %squeeze3A_661, %mul3A_248 : i32
          %mul3A_663 = arith.constant 16 : i32
          %mul3A_664 = arith.muli %sub3A_662, %mul3A_663 : i32
          %get3A_665 = arith.index_cast %add3A_659 : i32 to index
          %get3A_666 = arith.constant 0 : index
          %get3A_667 = tpu.vector_load %arg10[%get3A_665, %get3A_666] {strides = array<i32>} : memref<192x16xf32, #tpu.memory_space<vmem>>, vector<16xf32>,
          %le3A_668 = arith.cmpf ole, %get3A_667, %broadcast_in_dim3A_246 : vector<16xf32>
          %lt3A_669 = arith.cmpi slt, %add3A_659, %get3A_243 : i32
          %broadcast_in_dim3A_670 = vector.broadcast %lt3A_669 : i1 to vector<16xi1>
          %and3A_671 = arith.andi %le3A_668, %broadcast_in_dim3A_670 : vector<16xi1>
          %min3A_672 = arith.constant 208 : i32
          %min3A_673 = arith.minsi %add3A_655, %min3A_672 : i32
          %broadcast_in_dim3A_674 = vector.broadcast %mul3A_664 : i32 to vector<16xi32>
          %add3A_675 = arith.addi %broadcast_in_dim3A_674, %iota3A : vector<16xi32>
          %swap3A_676 = arith.index_cast %min3A_673 : i32 to index
          %swap3A_677 = tpu.vector_load %arg11[%swap3A_676] masked %and3A_671 {strides = array<i32>} : memref<224xf32, #tpu.memory_space<vmem>>, vector<16xf32>, vector<16xi1>
          tpu.vector_store %arg11[%swap3A_676], %get3A_667 masked %and3A_671 {strides = array<i32>} : memref<224xf32, #tpu.memory_space<vmem>>, vector<16xf32>, vector<16xi1>
          %swap3A_678 = arith.index_cast %min3A_673 : i32 to index
          %swap3A_679 = tpu.vector_load %arg12[%swap3A_678] masked %and3A_671 {strides = array<i32>} : memref<224xi32, #tpu.memory_space<vmem>>, vector<16xi32>, vector<16xi1>
          tpu.vector_store %arg12[%swap3A_678], %add3A_675 masked %and3A_671 {strides = array<i32>} : memref<224xi32, #tpu.memory_space<vmem>>, vector<16xi32>, vector<16xi1>
          %all_reduce_population_count3A_680 = tpu.all_reduce %and3A_671 {dim = 0 : i64, kind = #tpu.reduction_kind<sum>} : vector<16xi1> -> vector<16xi32>
          %slice3A_681 = vector.extract_strided_slice %all_reduce_population_count3A_680 {offsets = [0], sizes = [1], strides = [1]} : vector<16xi32> to vector<1xi32>
          %squeeze3A_682 = vector.extract %slice3A_681[0] : i32 from vector<1xi32>
          %add3A_683 = arith.addi %add3A_655, %squeeze3A_682 : i32
          %mul3A_684 = arith.constant 16 : i32
          %mul3A_685 = arith.muli %while3A_342, %mul3A_684 : i32
          %add3A_686 = arith.constant 12 : i32
          %add3A_687 = arith.addi %mul3A_685, %add3A_686 : i32
          %slice3A_688 = vector.extract_strided_slice %get3A_350 {offsets = [12], sizes = [1], strides = [1]} : vector<16xi32> to vector<1xi32>
          %squeeze3A_689 = vector.extract %slice3A_688[0] : i32 from vector<1xi32>
          %sub3A_690 = arith.subi %squeeze3A_689, %mul3A_248 : i32
          %mul3A_691 = arith.constant 16 : i32
          %mul3A_692 = arith.muli %sub3A_690, %mul3A_691 : i32
          %get3A_693 = arith.index_cast %add3A_687 : i32 to index
          %get3A_694 = arith.constant 0 : index
          %get3A_695 = tpu.vector_load %arg10[%get3A_693, %get3A_694] {strides = array<i32>} : memref<192x16xf32, #tpu.memory_space<vmem>>, vector<16xf32>,
          %le3A_696 = arith.cmpf ole, %get3A_695, %broadcast_in_dim3A_246 : vector<16xf32>
          %lt3A_697 = arith.cmpi slt, %add3A_687, %get3A_243 : i32
          %broadcast_in_dim3A_698 = vector.broadcast %lt3A_697 : i1 to vector<16xi1>
          %and3A_699 = arith.andi %le3A_696, %broadcast_in_dim3A_698 : vector<16xi1>
          %min3A_700 = arith.constant 208 : i32
          %min3A_701 = arith.minsi %add3A_683, %min3A_700 : i32
          %broadcast_in_dim3A_702 = vector.broadcast %mul3A_692 : i32 to vector<16xi32>
          %add3A_703 = arith.addi %broadcast_in_dim3A_702, %iota3A : vector<16xi32>
          %swap3A_704 = arith.index_cast %min3A_701 : i32 to index
          %swap3A_705 = tpu.vector_load %arg11[%swap3A_704] masked %and3A_699 {strides = array<i32>} : memref<224xf32, #tpu.memory_space<vmem>>, vector<16xf32>, vector<16xi1>
          tpu.vector_store %arg11[%swap3A_704], %get3A_695 masked %and3A_699 {strides = array<i32>} : memref<224xf32, #tpu.memory_space<vmem>>, vector<16xf32>, vector<16xi1>
          %swap3A_706 = arith.index_cast %min3A_701 : i32 to index
          %swap3A_707 = tpu.vector_load %arg12[%swap3A_706] masked %and3A_699 {strides = array<i32>} : memref<224xi32, #tpu.memory_space<vmem>>, vector<16xi32>, vector<16xi1>
          tpu.vector_store %arg12[%swap3A_706], %add3A_703 masked %and3A_699 {strides = array<i32>} : memref<224xi32, #tpu.memory_space<vmem>>, vector<16xi32>, vector<16xi1>
          %all_reduce_population_count3A_708 = tpu.all_reduce %and3A_699 {dim = 0 : i64, kind = #tpu.reduction_kind<sum>} : vector<16xi1> -> vector<16xi32>
          %slice3A_709 = vector.extract_strided_slice %all_reduce_population_count3A_708 {offsets = [0], sizes = [1], strides = [1]} : vector<16xi32> to vector<1xi32>
          %squeeze3A_710 = vector.extract %slice3A_709[0] : i32 from vector<1xi32>
          %add3A_711 = arith.addi %add3A_683, %squeeze3A_710 : i32
          %mul3A_712 = arith.constant 16 : i32
          %mul3A_713 = arith.muli %while3A_342, %mul3A_712 : i32
          %add3A_714 = arith.constant 13 : i32
          %add3A_715 = arith.addi %mul3A_713, %add3A_714 : i32
          %slice3A_716 = vector.extract_strided_slice %get3A_350 {offsets = [13], sizes = [1], strides = [1]} : vector<16xi32> to vector<1xi32>
          %squeeze3A_717 = vector.extract %slice3A_716[0] : i32 from vector<1xi32>
          %sub3A_718 = arith.subi %squeeze3A_717, %mul3A_248 : i32
          %mul3A_719 = arith.constant 16 : i32
          %mul3A_720 = arith.muli %sub3A_718, %mul3A_719 : i32
          %get3A_721 = arith.index_cast %add3A_715 : i32 to index
          %get3A_722 = arith.constant 0 : index
          %get3A_723 = tpu.vector_load %arg10[%get3A_721, %get3A_722] {strides = array<i32>} : memref<192x16xf32, #tpu.memory_space<vmem>>, vector<16xf32>,
          %le3A_724 = arith.cmpf ole, %get3A_723, %broadcast_in_dim3A_246 : vector<16xf32>
          %lt3A_725 = arith.cmpi slt, %add3A_715, %get3A_243 : i32
          %broadcast_in_dim3A_726 = vector.broadcast %lt3A_725 : i1 to vector<16xi1>
          %and3A_727 = arith.andi %le3A_724, %broadcast_in_dim3A_726 : vector<16xi1>
          %min3A_728 = arith.constant 208 : i32
          %min3A_729 = arith.minsi %add3A_711, %min3A_728 : i32
          %broadcast_in_dim3A_730 = vector.broadcast %mul3A_720 : i32 to vector<16xi32>
          %add3A_731 = arith.addi %broadcast_in_dim3A_730, %iota3A : vector<16xi32>
          %swap3A_732 = arith.index_cast %min3A_729 : i32 to index
          %swap3A_733 = tpu.vector_load %arg11[%swap3A_732] masked %and3A_727 {strides = array<i32>} : memref<224xf32, #tpu.memory_space<vmem>>, vector<16xf32>, vector<16xi1>
          tpu.vector_store %arg11[%swap3A_732], %get3A_723 masked %and3A_727 {strides = array<i32>} : memref<224xf32, #tpu.memory_space<vmem>>, vector<16xf32>, vector<16xi1>
          %swap3A_734 = arith.index_cast %min3A_729 : i32 to index
          %swap3A_735 = tpu.vector_load %arg12[%swap3A_734] masked %and3A_727 {strides = array<i32>} : memref<224xi32, #tpu.memory_space<vmem>>, vector<16xi32>, vector<16xi1>
          tpu.vector_store %arg12[%swap3A_734], %add3A_731 masked %and3A_727 {strides = array<i32>} : memref<224xi32, #tpu.memory_space<vmem>>, vector<16xi32>, vector<16xi1>
          %all_reduce_population_count3A_736 = tpu.all_reduce %and3A_727 {dim = 0 : i64, kind = #tpu.reduction_kind<sum>} : vector<16xi1> -> vector<16xi32>
          %slice3A_737 = vector.extract_strided_slice %all_reduce_population_count3A_736 {offsets = [0], sizes = [1], strides = [1]} : vector<16xi32> to vector<1xi32>
          %squeeze3A_738 = vector.extract %slice3A_737[0] : i32 from vector<1xi32>
          %add3A_739 = arith.addi %add3A_711, %squeeze3A_738 : i32
          %mul3A_740 = arith.constant 16 : i32
          %mul3A_741 = arith.muli %while3A_342, %mul3A_740 : i32
          %add3A_742 = arith.constant 14 : i32
          %add3A_743 = arith.addi %mul3A_741, %add3A_742 : i32
          %slice3A_744 = vector.extract_strided_slice %get3A_350 {offsets = [14], sizes = [1], strides = [1]} : vector<16xi32> to vector<1xi32>
          %squeeze3A_745 = vector.extract %slice3A_744[0] : i32 from vector<1xi32>
          %sub3A_746 = arith.subi %squeeze3A_745, %mul3A_248 : i32
          %mul3A_747 = arith.constant 16 : i32
          %mul3A_748 = arith.muli %sub3A_746, %mul3A_747 : i32
          %get3A_749 = arith.index_cast %add3A_743 : i32 to index
          %get3A_750 = arith.constant 0 : index
          %get3A_751 = tpu.vector_load %arg10[%get3A_749, %get3A_750] {strides = array<i32>} : memref<192x16xf32, #tpu.memory_space<vmem>>, vector<16xf32>,
          %le3A_752 = arith.cmpf ole, %get3A_751, %broadcast_in_dim3A_246 : vector<16xf32>
          %lt3A_753 = arith.cmpi slt, %add3A_743, %get3A_243 : i32
          %broadcast_in_dim3A_754 = vector.broadcast %lt3A_753 : i1 to vector<16xi1>
          %and3A_755 = arith.andi %le3A_752, %broadcast_in_dim3A_754 : vector<16xi1>
          %min3A_756 = arith.constant 208 : i32
          %min3A_757 = arith.minsi %add3A_739, %min3A_756 : i32
          %broadcast_in_dim3A_758 = vector.broadcast %mul3A_748 : i32 to vector<16xi32>
          %add3A_759 = arith.addi %broadcast_in_dim3A_758, %iota3A : vector<16xi32>
          %swap3A_760 = arith.index_cast %min3A_757 : i32 to index
          %swap3A_761 = tpu.vector_load %arg11[%swap3A_760] masked %and3A_755 {strides = array<i32>} : memref<224xf32, #tpu.memory_space<vmem>>, vector<16xf32>, vector<16xi1>
          tpu.vector_store %arg11[%swap3A_760], %get3A_751 masked %and3A_755 {strides = array<i32>} : memref<224xf32, #tpu.memory_space<vmem>>, vector<16xf32>, vector<16xi1>
          %swap3A_762 = arith.index_cast %min3A_757 : i32 to index
          %swap3A_763 = tpu.vector_load %arg12[%swap3A_762] masked %and3A_755 {strides = array<i32>} : memref<224xi32, #tpu.memory_space<vmem>>, vector<16xi32>, vector<16xi1>
          tpu.vector_store %arg12[%swap3A_762], %add3A_759 masked %and3A_755 {strides = array<i32>} : memref<224xi32, #tpu.memory_space<vmem>>, vector<16xi32>, vector<16xi1>
          %all_reduce_population_count3A_764 = tpu.all_reduce %and3A_755 {dim = 0 : i64, kind = #tpu.reduction_kind<sum>} : vector<16xi1> -> vector<16xi32>
          %slice3A_765 = vector.extract_strided_slice %all_reduce_population_count3A_764 {offsets = [0], sizes = [1], strides = [1]} : vector<16xi32> to vector<1xi32>
          %squeeze3A_766 = vector.extract %slice3A_765[0] : i32 from vector<1xi32>
          %add3A_767 = arith.addi %add3A_739, %squeeze3A_766 : i32
          %mul3A_768 = arith.constant 16 : i32
          %mul3A_769 = arith.muli %while3A_342, %mul3A_768 : i32
          %add3A_770 = arith.constant 15 : i32
          %add3A_771 = arith.addi %mul3A_769, %add3A_770 : i32
          %slice3A_772 = vector.extract_strided_slice %get3A_350 {offsets = [15], sizes = [1], strides = [1]} : vector<16xi32> to vector<1xi32>
          %squeeze3A_773 = vector.extract %slice3A_772[0] : i32 from vector<1xi32>
          %sub3A_774 = arith.subi %squeeze3A_773, %mul3A_248 : i32
          %mul3A_775 = arith.constant 16 : i32
          %mul3A_776 = arith.muli %sub3A_774, %mul3A_775 : i32
          %get3A_777 = arith.index_cast %add3A_771 : i32 to index
          %get3A_778 = arith.constant 0 : index
          %get3A_779 = tpu.vector_load %arg10[%get3A_777, %get3A_778] {strides = array<i32>} : memref<192x16xf32, #tpu.memory_space<vmem>>, vector<16xf32>,
          %le3A_780 = arith.cmpf ole, %get3A_779, %broadcast_in_dim3A_246 : vector<16xf32>
          %lt3A_781 = arith.cmpi slt, %add3A_771, %get3A_243 : i32
          %broadcast_in_dim3A_782 = vector.broadcast %lt3A_781 : i1 to vector<16xi1>
          %and3A_783 = arith.andi %le3A_780, %broadcast_in_dim3A_782 : vector<16xi1>
          %min3A_784 = arith.constant 208 : i32
          %min3A_785 = arith.minsi %add3A_767, %min3A_784 : i32
          %broadcast_in_dim3A_786 = vector.broadcast %mul3A_776 : i32 to vector<16xi32>
          %add3A_787 = arith.addi %broadcast_in_dim3A_786, %iota3A : vector<16xi32>
          %swap3A_788 = arith.index_cast %min3A_785 : i32 to index
          %swap3A_789 = tpu.vector_load %arg11[%swap3A_788] masked %and3A_783 {strides = array<i32>} : memref<224xf32, #tpu.memory_space<vmem>>, vector<16xf32>, vector<16xi1>
          tpu.vector_store %arg11[%swap3A_788], %get3A_779 masked %and3A_783 {strides = array<i32>} : memref<224xf32, #tpu.memory_space<vmem>>, vector<16xf32>, vector<16xi1>
          %swap3A_790 = arith.index_cast %min3A_785 : i32 to index
          %swap3A_791 = tpu.vector_load %arg12[%swap3A_790] masked %and3A_783 {strides = array<i32>} : memref<224xi32, #tpu.memory_space<vmem>>, vector<16xi32>, vector<16xi1>
          tpu.vector_store %arg12[%swap3A_790], %add3A_787 masked %and3A_783 {strides = array<i32>} : memref<224xi32, #tpu.memory_space<vmem>>, vector<16xi32>, vector<16xi1>
          %all_reduce_population_count3A_792 = tpu.all_reduce %and3A_783 {dim = 0 : i64, kind = #tpu.reduction_kind<sum>} : vector<16xi1> -> vector<16xi32>
          %slice3A_793 = vector.extract_strided_slice %all_reduce_population_count3A_792 {offsets = [0], sizes = [1], strides = [1]} : vector<16xi32> to vector<1xi32>
          %squeeze3A_794 = vector.extract %slice3A_793[0] : i32 from vector<1xi32>
          %add3A_795 = arith.addi %add3A_767, %squeeze3A_794 : i32
          scf.yield %add3A_795 : i32
        }
        %min3A_301 = arith.constant 224 : i32
        %min3A_302 = arith.minsi %while3A_300, %min3A_301 : i32
        %add3A_303 = arith.constant 15 : i32
        %add3A_304 = arith.addi %min3A_302, %add3A_303 : i32
        %jit3A_305 = arith.constant 16 : i32
        %div3A_306 = arith.divsi %add3A_304, %jit3A_305 : i32
        %sign3A_307 = arith.constant 0 : i32
        %sign3A_308 = arith.cmpi sgt, %add3A_304, %sign3A_307 : i32
        %sign3A_309 = arith.extui %sign3A_308 : i1 to i32
        %sign3A_310 = arith.constant 0 : i32
        %sign3A_311 = arith.cmpi slt, %add3A_304, %sign3A_310 : i32
        %sign3A_312 = arith.extui %sign3A_311 : i1 to i32
        %sign3A_313 = arith.subi %sign3A_309, %sign3A_312 : i32
        %sign3A_314 = arith.constant 0 : i32
        %sign3A_315 = arith.cmpi sgt, %jit3A_305, %sign3A_314 : i32
        %sign3A_316 = arith.extui %sign3A_315 : i1 to i32
        %sign3A_317 = arith.constant 0 : i32
        %sign3A_318 = arith.cmpi slt, %jit3A_305, %sign3A_317 : i32
        %sign3A_319 = arith.extui %sign3A_318 : i1 to i32
        %sign3A_320 = arith.subi %sign3A_316, %sign3A_319 : i32
        %ne3A_321 = arith.cmpi ne, %sign3A_313, %sign3A_320 : i32
        %rem3A_322 = arith.remsi %add3A_304, %jit3A_305 : i32
        %ne3A_323 = arith.constant 0 : i32
        %ne3A_324 = arith.cmpi ne, %rem3A_322, %ne3A_323 : i32
        %and3A_325 = arith.andi %ne3A_321, %ne3A_324 : i1
        %sub3A_326 = arith.constant 1 : i32
        %sub3A_327 = arith.subi %div3A_306, %sub3A_326 : i32
        %select_n3A_328 = arith.select %and3A_325, %sub3A_327, %div3A_306 : i32
        %while3A_329 = arith.constant 0 : i32
        %while3A_330 = arith.constant 0 : i32
        %while3A_331 = arith.subi %select_n3A_328, %while3A_329 : i32
        %while3A_332 = arith.addi %while3A_329, %while3A_331 : i32
        %while3A_333 = arith.constant 1 : i32
        %while3A_334 = arith.divsi %while3A_331, %while3A_333 : i32
        %while3A_335 = arith.muli %while3A_334, %while3A_333 : i32
        %while3A_336 = arith.addi %while3A_329, %while3A_335 : i32
        %while3A_337 = arith.constant 1 : i32
        %while3A_338 = scf.for %while3A_342 = %while3A_329 to %while3A_336 step %while3A_337 iter_args(%while3A_343 = %while3A_330) -> (i32)  : i32 {
          %mul3A_344 = arith.constant 16 : i32
          %mul3A_345 = arith.muli %while3A_342, %mul3A_344 : i32
          %get3A_346 = arith.index_cast %mul3A_345 : i32 to index
          %get3A_347 = tpu.vector_load %arg11[%get3A_346] {strides = array<i32>} : memref<224xf32, #tpu.memory_space<vmem>>, vector<16xf32>,
          %mul3A_348 = arith.constant 16 : i32
          %mul3A_349 = arith.muli %while3A_342, %mul3A_348 : i32
          %get3A_350 = arith.index_cast %mul3A_349 : i32 to index
          %get3A_351 = tpu.vector_load %arg12[%get3A_350] {strides = array<i32>} : memref<224xi32, #tpu.memory_space<vmem>>, vector<16xi32>,
          %while3A_352 = arith.constant 0 : i32
          %while3A_353 = arith.subi %select_n3A_328, %while3A_352 : i32
          %while3A_354 = arith.addi %while3A_352, %while3A_353 : i32
          %while3A_355 = arith.constant 1 : i32
          %while3A_356 = arith.divsi %while3A_353, %while3A_355 : i32
          %while3A_357 = arith.muli %while3A_356, %while3A_355 : i32
          %while3A_358 = arith.addi %while3A_352, %while3A_357 : i32
          %while3A_359 = arith.constant 1 : i32
          %while3A_360 = scf.for %while3A_366 = %while3A_352 to %while3A_358 step %while3A_359 iter_args(%while3A_367 = %broadcast_in_dim3A_1) -> (vector<16xi32>)  : i32 {
            %mul3A_368 = arith.constant 16 : i32
            %mul3A_369 = arith.muli %while3A_366, %mul3A_368 : i32
            %get3A_370 = arith.index_cast %mul3A_369 : i32 to index
            %get3A_371 = tpu.vector_load %arg11[%get3A_370] {strides = array<i32>} : memref<224xf32, #tpu.memory_space<vmem>>, vector<16xf32>,
            %mul3A_372 = arith.constant 16 : i32
            %mul3A_373 = arith.muli %while3A_366, %mul3A_372 : i32
            %get3A_374 = arith.index_cast %mul3A_373 : i32 to index
            %get3A_375 = tpu.vector_load %arg12[%get3A_374] {strides = array<i32>} : memref<224xi32, #tpu.memory_space<vmem>>, vector<16xi32>,
            %slice3A_376 = vector.extract_strided_slice %get3A_371 {offsets = [0], sizes = [1], strides = [1]} : vector<16xf32> to vector<1xf32>
            %squeeze3A_377 = vector.extract %slice3A_376[0] : f32 from vector<1xf32>
            %broadcast_in_dim3A_378 = vector.broadcast %squeeze3A_377 : f32 to vector<16xf32>
            %slice3A_379 = vector.extract_strided_slice %get3A_375 {offsets = [0], sizes = [1], strides = [1]} : vector<16xi32> to vector<1xi32>
            %squeeze3A_380 = vector.extract %slice3A_379[0] : i32 from vector<1xi32>
            %broadcast_in_dim3A_381 = vector.broadcast %squeeze3A_380 : i32 to vector<16xi32>
            %lt3A_382 = arith.cmpf olt, %broadcast_in_dim3A_378, %get3A_347 : vector<16xf32>
            %eq3A = arith.cmpf oeq, %broadcast_in_dim3A_378, %get3A_347 : vector<16xf32>
            %lt3A_383 = arith.cmpi slt, %broadcast_in_dim3A_381, %get3A_351 : vector<16xi32>
            %and3A_384 = arith.andi %eq3A, %lt3A_383 : vector<16xi1>
            %or3A = arith.ori %lt3A_382, %and3A_384 : vector<16xi1>
            %jit3A_385 = arith.constant 1 : i32
            %broadcast_in_dim3A_386 = vector.broadcast %jit3A_385 : i32 to vector<16xi32>
            %select_n3A_387 = arith.select %or3A, %broadcast_in_dim3A_386, %broadcast_in_dim3A_1 : vector<16xi1>, vector<16xi32>
            %add3A_388 = arith.addi %while3A_367, %select_n3A_387 : vector<16xi32>
            %slice3A_389 = vector.extract_strided_slice %get3A_371 {offsets = [1], sizes = [1], strides = [1]} : vector<16xf32> to vector<1xf32>
            %squeeze3A_390 = vector.extract %slice3A_389[0] : f32 from vector<1xf32>
            %broadcast_in_dim3A_391 = vector.broadcast %squeeze3A_390 : f32 to vector<16xf32>
            %slice3A_392 = vector.extract_strided_slice %get3A_375 {offsets = [1], sizes = [1], strides = [1]} : vector<16xi32> to vector<1xi32>
            %squeeze3A_393 = vector.extract %slice3A_392[0] : i32 from vector<1xi32>
            %broadcast_in_dim3A_394 = vector.broadcast %squeeze3A_393 : i32 to vector<16xi32>
            %lt3A_395 = arith.cmpf olt, %broadcast_in_dim3A_391, %get3A_347 : vector<16xf32>
            %eq3A_396 = arith.cmpf oeq, %broadcast_in_dim3A_391, %get3A_347 : vector<16xf32>
            %lt3A_397 = arith.cmpi slt, %broadcast_in_dim3A_394, %get3A_351 : vector<16xi32>
            %and3A_398 = arith.andi %eq3A_396, %lt3A_397 : vector<16xi1>
            %or3A_399 = arith.ori %lt3A_395, %and3A_398 : vector<16xi1>
            %jit3A_400 = arith.constant 1 : i32
            %broadcast_in_dim3A_401 = vector.broadcast %jit3A_400 : i32 to vector<16xi32>
            %select_n3A_402 = arith.select %or3A_399, %broadcast_in_dim3A_401, %broadcast_in_dim3A_1 : vector<16xi1>, vector<16xi32>
            %add3A_403 = arith.addi %add3A_388, %select_n3A_402 : vector<16xi32>
            %slice3A_404 = vector.extract_strided_slice %get3A_371 {offsets = [2], sizes = [1], strides = [1]} : vector<16xf32> to vector<1xf32>
            %squeeze3A_405 = vector.extract %slice3A_404[0] : f32 from vector<1xf32>
            %broadcast_in_dim3A_406 = vector.broadcast %squeeze3A_405 : f32 to vector<16xf32>
            %slice3A_407 = vector.extract_strided_slice %get3A_375 {offsets = [2], sizes = [1], strides = [1]} : vector<16xi32> to vector<1xi32>
            %squeeze3A_408 = vector.extract %slice3A_407[0] : i32 from vector<1xi32>
            %broadcast_in_dim3A_409 = vector.broadcast %squeeze3A_408 : i32 to vector<16xi32>
            %lt3A_410 = arith.cmpf olt, %broadcast_in_dim3A_406, %get3A_347 : vector<16xf32>
            %eq3A_411 = arith.cmpf oeq, %broadcast_in_dim3A_406, %get3A_347 : vector<16xf32>
            %lt3A_412 = arith.cmpi slt, %broadcast_in_dim3A_409, %get3A_351 : vector<16xi32>
            %and3A_413 = arith.andi %eq3A_411, %lt3A_412 : vector<16xi1>
            %or3A_414 = arith.ori %lt3A_410, %and3A_413 : vector<16xi1>
            %jit3A_415 = arith.constant 1 : i32
            %broadcast_in_dim3A_416 = vector.broadcast %jit3A_415 : i32 to vector<16xi32>
            %select_n3A_417 = arith.select %or3A_414, %broadcast_in_dim3A_416, %broadcast_in_dim3A_1 : vector<16xi1>, vector<16xi32>
            %add3A_418 = arith.addi %add3A_403, %select_n3A_417 : vector<16xi32>
            %slice3A_419 = vector.extract_strided_slice %get3A_371 {offsets = [3], sizes = [1], strides = [1]} : vector<16xf32> to vector<1xf32>
            %squeeze3A_420 = vector.extract %slice3A_419[0] : f32 from vector<1xf32>
            %broadcast_in_dim3A_421 = vector.broadcast %squeeze3A_420 : f32 to vector<16xf32>
            %slice3A_422 = vector.extract_strided_slice %get3A_375 {offsets = [3], sizes = [1], strides = [1]} : vector<16xi32> to vector<1xi32>
            %squeeze3A_423 = vector.extract %slice3A_422[0] : i32 from vector<1xi32>
            %broadcast_in_dim3A_424 = vector.broadcast %squeeze3A_423 : i32 to vector<16xi32>
            %lt3A_425 = arith.cmpf olt, %broadcast_in_dim3A_421, %get3A_347 : vector<16xf32>
            %eq3A_426 = arith.cmpf oeq, %broadcast_in_dim3A_421, %get3A_347 : vector<16xf32>
            %lt3A_427 = arith.cmpi slt, %broadcast_in_dim3A_424, %get3A_351 : vector<16xi32>
            %and3A_428 = arith.andi %eq3A_426, %lt3A_427 : vector<16xi1>
            %or3A_429 = arith.ori %lt3A_425, %and3A_428 : vector<16xi1>
            %jit3A_430 = arith.constant 1 : i32
            %broadcast_in_dim3A_431 = vector.broadcast %jit3A_430 : i32 to vector<16xi32>
            %select_n3A_432 = arith.select %or3A_429, %broadcast_in_dim3A_431, %broadcast_in_dim3A_1 : vector<16xi1>, vector<16xi32>
            %add3A_433 = arith.addi %add3A_418, %select_n3A_432 : vector<16xi32>
            %slice3A_434 = vector.extract_strided_slice %get3A_371 {offsets = [4], sizes = [1], strides = [1]} : vector<16xf32> to vector<1xf32>
            %squeeze3A_435 = vector.extract %slice3A_434[0] : f32 from vector<1xf32>
            %broadcast_in_dim3A_436 = vector.broadcast %squeeze3A_435 : f32 to vector<16xf32>
            %slice3A_437 = vector.extract_strided_slice %get3A_375 {offsets = [4], sizes = [1], strides = [1]} : vector<16xi32> to vector<1xi32>
            %squeeze3A_438 = vector.extract %slice3A_437[0] : i32 from vector<1xi32>
            %broadcast_in_dim3A_439 = vector.broadcast %squeeze3A_438 : i32 to vector<16xi32>
            %lt3A_440 = arith.cmpf olt, %broadcast_in_dim3A_436, %get3A_347 : vector<16xf32>
            %eq3A_441 = arith.cmpf oeq, %broadcast_in_dim3A_436, %get3A_347 : vector<16xf32>
            %lt3A_442 = arith.cmpi slt, %broadcast_in_dim3A_439, %get3A_351 : vector<16xi32>
            %and3A_443 = arith.andi %eq3A_441, %lt3A_442 : vector<16xi1>
            %or3A_444 = arith.ori %lt3A_440, %and3A_443 : vector<16xi1>
            %jit3A_445 = arith.constant 1 : i32
            %broadcast_in_dim3A_446 = vector.broadcast %jit3A_445 : i32 to vector<16xi32>
            %select_n3A_447 = arith.select %or3A_444, %broadcast_in_dim3A_446, %broadcast_in_dim3A_1 : vector<16xi1>, vector<16xi32>
            %add3A_448 = arith.addi %add3A_433, %select_n3A_447 : vector<16xi32>
            %slice3A_449 = vector.extract_strided_slice %get3A_371 {offsets = [5], sizes = [1], strides = [1]} : vector<16xf32> to vector<1xf32>
            %squeeze3A_450 = vector.extract %slice3A_449[0] : f32 from vector<1xf32>
            %broadcast_in_dim3A_451 = vector.broadcast %squeeze3A_450 : f32 to vector<16xf32>
            %slice3A_452 = vector.extract_strided_slice %get3A_375 {offsets = [5], sizes = [1], strides = [1]} : vector<16xi32> to vector<1xi32>
            %squeeze3A_453 = vector.extract %slice3A_452[0] : i32 from vector<1xi32>
            %broadcast_in_dim3A_454 = vector.broadcast %squeeze3A_453 : i32 to vector<16xi32>
            %lt3A_455 = arith.cmpf olt, %broadcast_in_dim3A_451, %get3A_347 : vector<16xf32>
            %eq3A_456 = arith.cmpf oeq, %broadcast_in_dim3A_451, %get3A_347 : vector<16xf32>
            %lt3A_457 = arith.cmpi slt, %broadcast_in_dim3A_454, %get3A_351 : vector<16xi32>
            %and3A_458 = arith.andi %eq3A_456, %lt3A_457 : vector<16xi1>
            %or3A_459 = arith.ori %lt3A_455, %and3A_458 : vector<16xi1>
            %jit3A_460 = arith.constant 1 : i32
            %broadcast_in_dim3A_461 = vector.broadcast %jit3A_460 : i32 to vector<16xi32>
            %select_n3A_462 = arith.select %or3A_459, %broadcast_in_dim3A_461, %broadcast_in_dim3A_1 : vector<16xi1>, vector<16xi32>
            %add3A_463 = arith.addi %add3A_448, %select_n3A_462 : vector<16xi32>
            %slice3A_464 = vector.extract_strided_slice %get3A_371 {offsets = [6], sizes = [1], strides = [1]} : vector<16xf32> to vector<1xf32>
            %squeeze3A_465 = vector.extract %slice3A_464[0] : f32 from vector<1xf32>
            %broadcast_in_dim3A_466 = vector.broadcast %squeeze3A_465 : f32 to vector<16xf32>
            %slice3A_467 = vector.extract_strided_slice %get3A_375 {offsets = [6], sizes = [1], strides = [1]} : vector<16xi32> to vector<1xi32>
            %squeeze3A_468 = vector.extract %slice3A_467[0] : i32 from vector<1xi32>
            %broadcast_in_dim3A_469 = vector.broadcast %squeeze3A_468 : i32 to vector<16xi32>
            %lt3A_470 = arith.cmpf olt, %broadcast_in_dim3A_466, %get3A_347 : vector<16xf32>
            %eq3A_471 = arith.cmpf oeq, %broadcast_in_dim3A_466, %get3A_347 : vector<16xf32>
            %lt3A_472 = arith.cmpi slt, %broadcast_in_dim3A_469, %get3A_351 : vector<16xi32>
            %and3A_473 = arith.andi %eq3A_471, %lt3A_472 : vector<16xi1>
            %or3A_474 = arith.ori %lt3A_470, %and3A_473 : vector<16xi1>
            %jit3A_475 = arith.constant 1 : i32
            %broadcast_in_dim3A_476 = vector.broadcast %jit3A_475 : i32 to vector<16xi32>
            %select_n3A_477 = arith.select %or3A_474, %broadcast_in_dim3A_476, %broadcast_in_dim3A_1 : vector<16xi1>, vector<16xi32>
            %add3A_478 = arith.addi %add3A_463, %select_n3A_477 : vector<16xi32>
            %slice3A_479 = vector.extract_strided_slice %get3A_371 {offsets = [7], sizes = [1], strides = [1]} : vector<16xf32> to vector<1xf32>
            %squeeze3A_480 = vector.extract %slice3A_479[0] : f32 from vector<1xf32>
            %broadcast_in_dim3A_481 = vector.broadcast %squeeze3A_480 : f32 to vector<16xf32>
            %slice3A_482 = vector.extract_strided_slice %get3A_375 {offsets = [7], sizes = [1], strides = [1]} : vector<16xi32> to vector<1xi32>
            %squeeze3A_483 = vector.extract %slice3A_482[0] : i32 from vector<1xi32>
            %broadcast_in_dim3A_484 = vector.broadcast %squeeze3A_483 : i32 to vector<16xi32>
            %lt3A_485 = arith.cmpf olt, %broadcast_in_dim3A_481, %get3A_347 : vector<16xf32>
            %eq3A_486 = arith.cmpf oeq, %broadcast_in_dim3A_481, %get3A_347 : vector<16xf32>
            %lt3A_487 = arith.cmpi slt, %broadcast_in_dim3A_484, %get3A_351 : vector<16xi32>
            %and3A_488 = arith.andi %eq3A_486, %lt3A_487 : vector<16xi1>
            %or3A_489 = arith.ori %lt3A_485, %and3A_488 : vector<16xi1>
            %jit3A_490 = arith.constant 1 : i32
            %broadcast_in_dim3A_491 = vector.broadcast %jit3A_490 : i32 to vector<16xi32>
            %select_n3A_492 = arith.select %or3A_489, %broadcast_in_dim3A_491, %broadcast_in_dim3A_1 : vector<16xi1>, vector<16xi32>
            %add3A_493 = arith.addi %add3A_478, %select_n3A_492 : vector<16xi32>
            %slice3A_494 = vector.extract_strided_slice %get3A_371 {offsets = [8], sizes = [1], strides = [1]} : vector<16xf32> to vector<1xf32>
            %squeeze3A_495 = vector.extract %slice3A_494[0] : f32 from vector<1xf32>
            %broadcast_in_dim3A_496 = vector.broadcast %squeeze3A_495 : f32 to vector<16xf32>
            %slice3A_497 = vector.extract_strided_slice %get3A_375 {offsets = [8], sizes = [1], strides = [1]} : vector<16xi32> to vector<1xi32>
            %squeeze3A_498 = vector.extract %slice3A_497[0] : i32 from vector<1xi32>
            %broadcast_in_dim3A_499 = vector.broadcast %squeeze3A_498 : i32 to vector<16xi32>
            %lt3A_500 = arith.cmpf olt, %broadcast_in_dim3A_496, %get3A_347 : vector<16xf32>
            %eq3A_501 = arith.cmpf oeq, %broadcast_in_dim3A_496, %get3A_347 : vector<16xf32>
            %lt3A_502 = arith.cmpi slt, %broadcast_in_dim3A_499, %get3A_351 : vector<16xi32>
            %and3A_503 = arith.andi %eq3A_501, %lt3A_502 : vector<16xi1>
            %or3A_504 = arith.ori %lt3A_500, %and3A_503 : vector<16xi1>
            %jit3A_505 = arith.constant 1 : i32
            %broadcast_in_dim3A_506 = vector.broadcast %jit3A_505 : i32 to vector<16xi32>
            %select_n3A_507 = arith.select %or3A_504, %broadcast_in_dim3A_506, %broadcast_in_dim3A_1 : vector<16xi1>, vector<16xi32>
            %add3A_508 = arith.addi %add3A_493, %select_n3A_507 : vector<16xi32>
            %slice3A_509 = vector.extract_strided_slice %get3A_371 {offsets = [9], sizes = [1], strides = [1]} : vector<16xf32> to vector<1xf32>
            %squeeze3A_510 = vector.extract %slice3A_509[0] : f32 from vector<1xf32>
            %broadcast_in_dim3A_511 = vector.broadcast %squeeze3A_510 : f32 to vector<16xf32>
            %slice3A_512 = vector.extract_strided_slice %get3A_375 {offsets = [9], sizes = [1], strides = [1]} : vector<16xi32> to vector<1xi32>
            %squeeze3A_513 = vector.extract %slice3A_512[0] : i32 from vector<1xi32>
            %broadcast_in_dim3A_514 = vector.broadcast %squeeze3A_513 : i32 to vector<16xi32>
            %lt3A_515 = arith.cmpf olt, %broadcast_in_dim3A_511, %get3A_347 : vector<16xf32>
            %eq3A_516 = arith.cmpf oeq, %broadcast_in_dim3A_511, %get3A_347 : vector<16xf32>
            %lt3A_517 = arith.cmpi slt, %broadcast_in_dim3A_514, %get3A_351 : vector<16xi32>
            %and3A_518 = arith.andi %eq3A_516, %lt3A_517 : vector<16xi1>
            %or3A_519 = arith.ori %lt3A_515, %and3A_518 : vector<16xi1>
            %jit3A_520 = arith.constant 1 : i32
            %broadcast_in_dim3A_521 = vector.broadcast %jit3A_520 : i32 to vector<16xi32>
            %select_n3A_522 = arith.select %or3A_519, %broadcast_in_dim3A_521, %broadcast_in_dim3A_1 : vector<16xi1>, vector<16xi32>
            %add3A_523 = arith.addi %add3A_508, %select_n3A_522 : vector<16xi32>
            %slice3A_524 = vector.extract_strided_slice %get3A_371 {offsets = [10], sizes = [1], strides = [1]} : vector<16xf32> to vector<1xf32>
            %squeeze3A_525 = vector.extract %slice3A_524[0] : f32 from vector<1xf32>
            %broadcast_in_dim3A_526 = vector.broadcast %squeeze3A_525 : f32 to vector<16xf32>
            %slice3A_527 = vector.extract_strided_slice %get3A_375 {offsets = [10], sizes = [1], strides = [1]} : vector<16xi32> to vector<1xi32>
            %squeeze3A_528 = vector.extract %slice3A_527[0] : i32 from vector<1xi32>
            %broadcast_in_dim3A_529 = vector.broadcast %squeeze3A_528 : i32 to vector<16xi32>
            %lt3A_530 = arith.cmpf olt, %broadcast_in_dim3A_526, %get3A_347 : vector<16xf32>
            %eq3A_531 = arith.cmpf oeq, %broadcast_in_dim3A_526, %get3A_347 : vector<16xf32>
            %lt3A_532 = arith.cmpi slt, %broadcast_in_dim3A_529, %get3A_351 : vector<16xi32>
            %and3A_533 = arith.andi %eq3A_531, %lt3A_532 : vector<16xi1>
            %or3A_534 = arith.ori %lt3A_530, %and3A_533 : vector<16xi1>
            %jit3A_535 = arith.constant 1 : i32
            %broadcast_in_dim3A_536 = vector.broadcast %jit3A_535 : i32 to vector<16xi32>
            %select_n3A_537 = arith.select %or3A_534, %broadcast_in_dim3A_536, %broadcast_in_dim3A_1 : vector<16xi1>, vector<16xi32>
            %add3A_538 = arith.addi %add3A_523, %select_n3A_537 : vector<16xi32>
            %slice3A_539 = vector.extract_strided_slice %get3A_371 {offsets = [11], sizes = [1], strides = [1]} : vector<16xf32> to vector<1xf32>
            %squeeze3A_540 = vector.extract %slice3A_539[0] : f32 from vector<1xf32>
            %broadcast_in_dim3A_541 = vector.broadcast %squeeze3A_540 : f32 to vector<16xf32>
            %slice3A_542 = vector.extract_strided_slice %get3A_375 {offsets = [11], sizes = [1], strides = [1]} : vector<16xi32> to vector<1xi32>
            %squeeze3A_543 = vector.extract %slice3A_542[0] : i32 from vector<1xi32>
            %broadcast_in_dim3A_544 = vector.broadcast %squeeze3A_543 : i32 to vector<16xi32>
            %lt3A_545 = arith.cmpf olt, %broadcast_in_dim3A_541, %get3A_347 : vector<16xf32>
            %eq3A_546 = arith.cmpf oeq, %broadcast_in_dim3A_541, %get3A_347 : vector<16xf32>
            %lt3A_547 = arith.cmpi slt, %broadcast_in_dim3A_544, %get3A_351 : vector<16xi32>
            %and3A_548 = arith.andi %eq3A_546, %lt3A_547 : vector<16xi1>
            %or3A_549 = arith.ori %lt3A_545, %and3A_548 : vector<16xi1>
            %jit3A_550 = arith.constant 1 : i32
            %broadcast_in_dim3A_551 = vector.broadcast %jit3A_550 : i32 to vector<16xi32>
            %select_n3A_552 = arith.select %or3A_549, %broadcast_in_dim3A_551, %broadcast_in_dim3A_1 : vector<16xi1>, vector<16xi32>
            %add3A_553 = arith.addi %add3A_538, %select_n3A_552 : vector<16xi32>
            %slice3A_554 = vector.extract_strided_slice %get3A_371 {offsets = [12], sizes = [1], strides = [1]} : vector<16xf32> to vector<1xf32>
            %squeeze3A_555 = vector.extract %slice3A_554[0] : f32 from vector<1xf32>
            %broadcast_in_dim3A_556 = vector.broadcast %squeeze3A_555 : f32 to vector<16xf32>
            %slice3A_557 = vector.extract_strided_slice %get3A_375 {offsets = [12], sizes = [1], strides = [1]} : vector<16xi32> to vector<1xi32>
            %squeeze3A_558 = vector.extract %slice3A_557[0] : i32 from vector<1xi32>
            %broadcast_in_dim3A_559 = vector.broadcast %squeeze3A_558 : i32 to vector<16xi32>
            %lt3A_560 = arith.cmpf olt, %broadcast_in_dim3A_556, %get3A_347 : vector<16xf32>
            %eq3A_561 = arith.cmpf oeq, %broadcast_in_dim3A_556, %get3A_347 : vector<16xf32>
            %lt3A_562 = arith.cmpi slt, %broadcast_in_dim3A_559, %get3A_351 : vector<16xi32>
            %and3A_563 = arith.andi %eq3A_561, %lt3A_562 : vector<16xi1>
            %or3A_564 = arith.ori %lt3A_560, %and3A_563 : vector<16xi1>
            %jit3A_565 = arith.constant 1 : i32
            %broadcast_in_dim3A_566 = vector.broadcast %jit3A_565 : i32 to vector<16xi32>
            %select_n3A_567 = arith.select %or3A_564, %broadcast_in_dim3A_566, %broadcast_in_dim3A_1 : vector<16xi1>, vector<16xi32>
            %add3A_568 = arith.addi %add3A_553, %select_n3A_567 : vector<16xi32>
            %slice3A_569 = vector.extract_strided_slice %get3A_371 {offsets = [13], sizes = [1], strides = [1]} : vector<16xf32> to vector<1xf32>
            %squeeze3A_570 = vector.extract %slice3A_569[0] : f32 from vector<1xf32>
            %broadcast_in_dim3A_571 = vector.broadcast %squeeze3A_570 : f32 to vector<16xf32>
            %slice3A_572 = vector.extract_strided_slice %get3A_375 {offsets = [13], sizes = [1], strides = [1]} : vector<16xi32> to vector<1xi32>
            %squeeze3A_573 = vector.extract %slice3A_572[0] : i32 from vector<1xi32>
            %broadcast_in_dim3A_574 = vector.broadcast %squeeze3A_573 : i32 to vector<16xi32>
            %lt3A_575 = arith.cmpf olt, %broadcast_in_dim3A_571, %get3A_347 : vector<16xf32>
            %eq3A_576 = arith.cmpf oeq, %broadcast_in_dim3A_571, %get3A_347 : vector<16xf32>
            %lt3A_577 = arith.cmpi slt, %broadcast_in_dim3A_574, %get3A_351 : vector<16xi32>
            %and3A_578 = arith.andi %eq3A_576, %lt3A_577 : vector<16xi1>
            %or3A_579 = arith.ori %lt3A_575, %and3A_578 : vector<16xi1>
            %jit3A_580 = arith.constant 1 : i32
            %broadcast_in_dim3A_581 = vector.broadcast %jit3A_580 : i32 to vector<16xi32>
            %select_n3A_582 = arith.select %or3A_579, %broadcast_in_dim3A_581, %broadcast_in_dim3A_1 : vector<16xi1>, vector<16xi32>
            %add3A_583 = arith.addi %add3A_568, %select_n3A_582 : vector<16xi32>
            %slice3A_584 = vector.extract_strided_slice %get3A_371 {offsets = [14], sizes = [1], strides = [1]} : vector<16xf32> to vector<1xf32>
            %squeeze3A_585 = vector.extract %slice3A_584[0] : f32 from vector<1xf32>
            %broadcast_in_dim3A_586 = vector.broadcast %squeeze3A_585 : f32 to vector<16xf32>
            %slice3A_587 = vector.extract_strided_slice %get3A_375 {offsets = [14], sizes = [1], strides = [1]} : vector<16xi32> to vector<1xi32>
            %squeeze3A_588 = vector.extract %slice3A_587[0] : i32 from vector<1xi32>
            %broadcast_in_dim3A_589 = vector.broadcast %squeeze3A_588 : i32 to vector<16xi32>
            %lt3A_590 = arith.cmpf olt, %broadcast_in_dim3A_586, %get3A_347 : vector<16xf32>
            %eq3A_591 = arith.cmpf oeq, %broadcast_in_dim3A_586, %get3A_347 : vector<16xf32>
            %lt3A_592 = arith.cmpi slt, %broadcast_in_dim3A_589, %get3A_351 : vector<16xi32>
            %and3A_593 = arith.andi %eq3A_591, %lt3A_592 : vector<16xi1>
            %or3A_594 = arith.ori %lt3A_590, %and3A_593 : vector<16xi1>
            %jit3A_595 = arith.constant 1 : i32
            %broadcast_in_dim3A_596 = vector.broadcast %jit3A_595 : i32 to vector<16xi32>
            %select_n3A_597 = arith.select %or3A_594, %broadcast_in_dim3A_596, %broadcast_in_dim3A_1 : vector<16xi1>, vector<16xi32>
            %add3A_598 = arith.addi %add3A_583, %select_n3A_597 : vector<16xi32>
            %slice3A_599 = vector.extract_strided_slice %get3A_371 {offsets = [15], sizes = [1], strides = [1]} : vector<16xf32> to vector<1xf32>
            %squeeze3A_600 = vector.extract %slice3A_599[0] : f32 from vector<1xf32>
            %broadcast_in_dim3A_601 = vector.broadcast %squeeze3A_600 : f32 to vector<16xf32>
            %slice3A_602 = vector.extract_strided_slice %get3A_375 {offsets = [15], sizes = [1], strides = [1]} : vector<16xi32> to vector<1xi32>
            %squeeze3A_603 = vector.extract %slice3A_602[0] : i32 from vector<1xi32>
            %broadcast_in_dim3A_604 = vector.broadcast %squeeze3A_603 : i32 to vector<16xi32>
            %lt3A_605 = arith.cmpf olt, %broadcast_in_dim3A_601, %get3A_347 : vector<16xf32>
            %eq3A_606 = arith.cmpf oeq, %broadcast_in_dim3A_601, %get3A_347 : vector<16xf32>
            %lt3A_607 = arith.cmpi slt, %broadcast_in_dim3A_604, %get3A_351 : vector<16xi32>
            %and3A_608 = arith.andi %eq3A_606, %lt3A_607 : vector<16xi1>
            %or3A_609 = arith.ori %lt3A_605, %and3A_608 : vector<16xi1>
            %jit3A_610 = arith.constant 1 : i32
            %broadcast_in_dim3A_611 = vector.broadcast %jit3A_610 : i32 to vector<16xi32>
            %select_n3A_612 = arith.select %or3A_609, %broadcast_in_dim3A_611, %broadcast_in_dim3A_1 : vector<16xi1>, vector<16xi32>
            %add3A_613 = arith.addi %add3A_598, %select_n3A_612 : vector<16xi32>
            scf.yield %add3A_613 : vector<16xi32>
          }
          %while3A_361 = arith.constant 1 : i32
          %while3A_362 = scf.for %while3A_366 = %while3A_358 to %while3A_354 step %while3A_361 iter_args(%while3A_367 = %while3A_360) -> (vector<16xi32>)  : i32 {
            %mul3A_368 = arith.constant 16 : i32
            %mul3A_369 = arith.muli %while3A_366, %mul3A_368 : i32
            %get3A_370 = arith.index_cast %mul3A_369 : i32 to index
            %get3A_371 = tpu.vector_load %arg11[%get3A_370] {strides = array<i32>} : memref<224xf32, #tpu.memory_space<vmem>>, vector<16xf32>,
            %mul3A_372 = arith.constant 16 : i32
            %mul3A_373 = arith.muli %while3A_366, %mul3A_372 : i32
            %get3A_374 = arith.index_cast %mul3A_373 : i32 to index
            %get3A_375 = tpu.vector_load %arg12[%get3A_374] {strides = array<i32>} : memref<224xi32, #tpu.memory_space<vmem>>, vector<16xi32>,
            %slice3A_376 = vector.extract_strided_slice %get3A_371 {offsets = [0], sizes = [1], strides = [1]} : vector<16xf32> to vector<1xf32>
            %squeeze3A_377 = vector.extract %slice3A_376[0] : f32 from vector<1xf32>
            %broadcast_in_dim3A_378 = vector.broadcast %squeeze3A_377 : f32 to vector<16xf32>
            %slice3A_379 = vector.extract_strided_slice %get3A_375 {offsets = [0], sizes = [1], strides = [1]} : vector<16xi32> to vector<1xi32>
            %squeeze3A_380 = vector.extract %slice3A_379[0] : i32 from vector<1xi32>
            %broadcast_in_dim3A_381 = vector.broadcast %squeeze3A_380 : i32 to vector<16xi32>
            %lt3A_382 = arith.cmpf olt, %broadcast_in_dim3A_378, %get3A_347 : vector<16xf32>
            %eq3A = arith.cmpf oeq, %broadcast_in_dim3A_378, %get3A_347 : vector<16xf32>
            %lt3A_383 = arith.cmpi slt, %broadcast_in_dim3A_381, %get3A_351 : vector<16xi32>
            %and3A_384 = arith.andi %eq3A, %lt3A_383 : vector<16xi1>
            %or3A = arith.ori %lt3A_382, %and3A_384 : vector<16xi1>
            %jit3A_385 = arith.constant 1 : i32
            %broadcast_in_dim3A_386 = vector.broadcast %jit3A_385 : i32 to vector<16xi32>
            %select_n3A_387 = arith.select %or3A, %broadcast_in_dim3A_386, %broadcast_in_dim3A_1 : vector<16xi1>, vector<16xi32>
            %add3A_388 = arith.addi %while3A_367, %select_n3A_387 : vector<16xi32>
            %slice3A_389 = vector.extract_strided_slice %get3A_371 {offsets = [1], sizes = [1], strides = [1]} : vector<16xf32> to vector<1xf32>
            %squeeze3A_390 = vector.extract %slice3A_389[0] : f32 from vector<1xf32>
            %broadcast_in_dim3A_391 = vector.broadcast %squeeze3A_390 : f32 to vector<16xf32>
            %slice3A_392 = vector.extract_strided_slice %get3A_375 {offsets = [1], sizes = [1], strides = [1]} : vector<16xi32> to vector<1xi32>
            %squeeze3A_393 = vector.extract %slice3A_392[0] : i32 from vector<1xi32>
            %broadcast_in_dim3A_394 = vector.broadcast %squeeze3A_393 : i32 to vector<16xi32>
            %lt3A_395 = arith.cmpf olt, %broadcast_in_dim3A_391, %get3A_347 : vector<16xf32>
            %eq3A_396 = arith.cmpf oeq, %broadcast_in_dim3A_391, %get3A_347 : vector<16xf32>
            %lt3A_397 = arith.cmpi slt, %broadcast_in_dim3A_394, %get3A_351 : vector<16xi32>
            %and3A_398 = arith.andi %eq3A_396, %lt3A_397 : vector<16xi1>
            %or3A_399 = arith.ori %lt3A_395, %and3A_398 : vector<16xi1>
            %jit3A_400 = arith.constant 1 : i32
            %broadcast_in_dim3A_401 = vector.broadcast %jit3A_400 : i32 to vector<16xi32>
            %select_n3A_402 = arith.select %or3A_399, %broadcast_in_dim3A_401, %broadcast_in_dim3A_1 : vector<16xi1>, vector<16xi32>
            %add3A_403 = arith.addi %add3A_388, %select_n3A_402 : vector<16xi32>
            %slice3A_404 = vector.extract_strided_slice %get3A_371 {offsets = [2], sizes = [1], strides = [1]} : vector<16xf32> to vector<1xf32>
            %squeeze3A_405 = vector.extract %slice3A_404[0] : f32 from vector<1xf32>
            %broadcast_in_dim3A_406 = vector.broadcast %squeeze3A_405 : f32 to vector<16xf32>
            %slice3A_407 = vector.extract_strided_slice %get3A_375 {offsets = [2], sizes = [1], strides = [1]} : vector<16xi32> to vector<1xi32>
            %squeeze3A_408 = vector.extract %slice3A_407[0] : i32 from vector<1xi32>
            %broadcast_in_dim3A_409 = vector.broadcast %squeeze3A_408 : i32 to vector<16xi32>
            %lt3A_410 = arith.cmpf olt, %broadcast_in_dim3A_406, %get3A_347 : vector<16xf32>
            %eq3A_411 = arith.cmpf oeq, %broadcast_in_dim3A_406, %get3A_347 : vector<16xf32>
            %lt3A_412 = arith.cmpi slt, %broadcast_in_dim3A_409, %get3A_351 : vector<16xi32>
            %and3A_413 = arith.andi %eq3A_411, %lt3A_412 : vector<16xi1>
            %or3A_414 = arith.ori %lt3A_410, %and3A_413 : vector<16xi1>
            %jit3A_415 = arith.constant 1 : i32
            %broadcast_in_dim3A_416 = vector.broadcast %jit3A_415 : i32 to vector<16xi32>
            %select_n3A_417 = arith.select %or3A_414, %broadcast_in_dim3A_416, %broadcast_in_dim3A_1 : vector<16xi1>, vector<16xi32>
            %add3A_418 = arith.addi %add3A_403, %select_n3A_417 : vector<16xi32>
            %slice3A_419 = vector.extract_strided_slice %get3A_371 {offsets = [3], sizes = [1], strides = [1]} : vector<16xf32> to vector<1xf32>
            %squeeze3A_420 = vector.extract %slice3A_419[0] : f32 from vector<1xf32>
            %broadcast_in_dim3A_421 = vector.broadcast %squeeze3A_420 : f32 to vector<16xf32>
            %slice3A_422 = vector.extract_strided_slice %get3A_375 {offsets = [3], sizes = [1], strides = [1]} : vector<16xi32> to vector<1xi32>
            %squeeze3A_423 = vector.extract %slice3A_422[0] : i32 from vector<1xi32>
            %broadcast_in_dim3A_424 = vector.broadcast %squeeze3A_423 : i32 to vector<16xi32>
            %lt3A_425 = arith.cmpf olt, %broadcast_in_dim3A_421, %get3A_347 : vector<16xf32>
            %eq3A_426 = arith.cmpf oeq, %broadcast_in_dim3A_421, %get3A_347 : vector<16xf32>
            %lt3A_427 = arith.cmpi slt, %broadcast_in_dim3A_424, %get3A_351 : vector<16xi32>
            %and3A_428 = arith.andi %eq3A_426, %lt3A_427 : vector<16xi1>
            %or3A_429 = arith.ori %lt3A_425, %and3A_428 : vector<16xi1>
            %jit3A_430 = arith.constant 1 : i32
            %broadcast_in_dim3A_431 = vector.broadcast %jit3A_430 : i32 to vector<16xi32>
            %select_n3A_432 = arith.select %or3A_429, %broadcast_in_dim3A_431, %broadcast_in_dim3A_1 : vector<16xi1>, vector<16xi32>
            %add3A_433 = arith.addi %add3A_418, %select_n3A_432 : vector<16xi32>
            %slice3A_434 = vector.extract_strided_slice %get3A_371 {offsets = [4], sizes = [1], strides = [1]} : vector<16xf32> to vector<1xf32>
            %squeeze3A_435 = vector.extract %slice3A_434[0] : f32 from vector<1xf32>
            %broadcast_in_dim3A_436 = vector.broadcast %squeeze3A_435 : f32 to vector<16xf32>
            %slice3A_437 = vector.extract_strided_slice %get3A_375 {offsets = [4], sizes = [1], strides = [1]} : vector<16xi32> to vector<1xi32>
            %squeeze3A_438 = vector.extract %slice3A_437[0] : i32 from vector<1xi32>
            %broadcast_in_dim3A_439 = vector.broadcast %squeeze3A_438 : i32 to vector<16xi32>
            %lt3A_440 = arith.cmpf olt, %broadcast_in_dim3A_436, %get3A_347 : vector<16xf32>
            %eq3A_441 = arith.cmpf oeq, %broadcast_in_dim3A_436, %get3A_347 : vector<16xf32>
            %lt3A_442 = arith.cmpi slt, %broadcast_in_dim3A_439, %get3A_351 : vector<16xi32>
            %and3A_443 = arith.andi %eq3A_441, %lt3A_442 : vector<16xi1>
            %or3A_444 = arith.ori %lt3A_440, %and3A_443 : vector<16xi1>
            %jit3A_445 = arith.constant 1 : i32
            %broadcast_in_dim3A_446 = vector.broadcast %jit3A_445 : i32 to vector<16xi32>
            %select_n3A_447 = arith.select %or3A_444, %broadcast_in_dim3A_446, %broadcast_in_dim3A_1 : vector<16xi1>, vector<16xi32>
            %add3A_448 = arith.addi %add3A_433, %select_n3A_447 : vector<16xi32>
            %slice3A_449 = vector.extract_strided_slice %get3A_371 {offsets = [5], sizes = [1], strides = [1]} : vector<16xf32> to vector<1xf32>
            %squeeze3A_450 = vector.extract %slice3A_449[0] : f32 from vector<1xf32>
            %broadcast_in_dim3A_451 = vector.broadcast %squeeze3A_450 : f32 to vector<16xf32>
            %slice3A_452 = vector.extract_strided_slice %get3A_375 {offsets = [5], sizes = [1], strides = [1]} : vector<16xi32> to vector<1xi32>
            %squeeze3A_453 = vector.extract %slice3A_452[0] : i32 from vector<1xi32>
            %broadcast_in_dim3A_454 = vector.broadcast %squeeze3A_453 : i32 to vector<16xi32>
            %lt3A_455 = arith.cmpf olt, %broadcast_in_dim3A_451, %get3A_347 : vector<16xf32>
            %eq3A_456 = arith.cmpf oeq, %broadcast_in_dim3A_451, %get3A_347 : vector<16xf32>
            %lt3A_457 = arith.cmpi slt, %broadcast_in_dim3A_454, %get3A_351 : vector<16xi32>
            %and3A_458 = arith.andi %eq3A_456, %lt3A_457 : vector<16xi1>
            %or3A_459 = arith.ori %lt3A_455, %and3A_458 : vector<16xi1>
            %jit3A_460 = arith.constant 1 : i32
            %broadcast_in_dim3A_461 = vector.broadcast %jit3A_460 : i32 to vector<16xi32>
            %select_n3A_462 = arith.select %or3A_459, %broadcast_in_dim3A_461, %broadcast_in_dim3A_1 : vector<16xi1>, vector<16xi32>
            %add3A_463 = arith.addi %add3A_448, %select_n3A_462 : vector<16xi32>
            %slice3A_464 = vector.extract_strided_slice %get3A_371 {offsets = [6], sizes = [1], strides = [1]} : vector<16xf32> to vector<1xf32>
            %squeeze3A_465 = vector.extract %slice3A_464[0] : f32 from vector<1xf32>
            %broadcast_in_dim3A_466 = vector.broadcast %squeeze3A_465 : f32 to vector<16xf32>
            %slice3A_467 = vector.extract_strided_slice %get3A_375 {offsets = [6], sizes = [1], strides = [1]} : vector<16xi32> to vector<1xi32>
            %squeeze3A_468 = vector.extract %slice3A_467[0] : i32 from vector<1xi32>
            %broadcast_in_dim3A_469 = vector.broadcast %squeeze3A_468 : i32 to vector<16xi32>
            %lt3A_470 = arith.cmpf olt, %broadcast_in_dim3A_466, %get3A_347 : vector<16xf32>
            %eq3A_471 = arith.cmpf oeq, %broadcast_in_dim3A_466, %get3A_347 : vector<16xf32>
            %lt3A_472 = arith.cmpi slt, %broadcast_in_dim3A_469, %get3A_351 : vector<16xi32>
            %and3A_473 = arith.andi %eq3A_471, %lt3A_472 : vector<16xi1>
            %or3A_474 = arith.ori %lt3A_470, %and3A_473 : vector<16xi1>
            %jit3A_475 = arith.constant 1 : i32
            %broadcast_in_dim3A_476 = vector.broadcast %jit3A_475 : i32 to vector<16xi32>
            %select_n3A_477 = arith.select %or3A_474, %broadcast_in_dim3A_476, %broadcast_in_dim3A_1 : vector<16xi1>, vector<16xi32>
            %add3A_478 = arith.addi %add3A_463, %select_n3A_477 : vector<16xi32>
            %slice3A_479 = vector.extract_strided_slice %get3A_371 {offsets = [7], sizes = [1], strides = [1]} : vector<16xf32> to vector<1xf32>
            %squeeze3A_480 = vector.extract %slice3A_479[0] : f32 from vector<1xf32>
            %broadcast_in_dim3A_481 = vector.broadcast %squeeze3A_480 : f32 to vector<16xf32>
            %slice3A_482 = vector.extract_strided_slice %get3A_375 {offsets = [7], sizes = [1], strides = [1]} : vector<16xi32> to vector<1xi32>
            %squeeze3A_483 = vector.extract %slice3A_482[0] : i32 from vector<1xi32>
            %broadcast_in_dim3A_484 = vector.broadcast %squeeze3A_483 : i32 to vector<16xi32>
            %lt3A_485 = arith.cmpf olt, %broadcast_in_dim3A_481, %get3A_347 : vector<16xf32>
            %eq3A_486 = arith.cmpf oeq, %broadcast_in_dim3A_481, %get3A_347 : vector<16xf32>
            %lt3A_487 = arith.cmpi slt, %broadcast_in_dim3A_484, %get3A_351 : vector<16xi32>
            %and3A_488 = arith.andi %eq3A_486, %lt3A_487 : vector<16xi1>
            %or3A_489 = arith.ori %lt3A_485, %and3A_488 : vector<16xi1>
            %jit3A_490 = arith.constant 1 : i32
            %broadcast_in_dim3A_491 = vector.broadcast %jit3A_490 : i32 to vector<16xi32>
            %select_n3A_492 = arith.select %or3A_489, %broadcast_in_dim3A_491, %broadcast_in_dim3A_1 : vector<16xi1>, vector<16xi32>
            %add3A_493 = arith.addi %add3A_478, %select_n3A_492 : vector<16xi32>
            %slice3A_494 = vector.extract_strided_slice %get3A_371 {offsets = [8], sizes = [1], strides = [1]} : vector<16xf32> to vector<1xf32>
            %squeeze3A_495 = vector.extract %slice3A_494[0] : f32 from vector<1xf32>
            %broadcast_in_dim3A_496 = vector.broadcast %squeeze3A_495 : f32 to vector<16xf32>
            %slice3A_497 = vector.extract_strided_slice %get3A_375 {offsets = [8], sizes = [1], strides = [1]} : vector<16xi32> to vector<1xi32>
            %squeeze3A_498 = vector.extract %slice3A_497[0] : i32 from vector<1xi32>
            %broadcast_in_dim3A_499 = vector.broadcast %squeeze3A_498 : i32 to vector<16xi32>
            %lt3A_500 = arith.cmpf olt, %broadcast_in_dim3A_496, %get3A_347 : vector<16xf32>
            %eq3A_501 = arith.cmpf oeq, %broadcast_in_dim3A_496, %get3A_347 : vector<16xf32>
            %lt3A_502 = arith.cmpi slt, %broadcast_in_dim3A_499, %get3A_351 : vector<16xi32>
            %and3A_503 = arith.andi %eq3A_501, %lt3A_502 : vector<16xi1>
            %or3A_504 = arith.ori %lt3A_500, %and3A_503 : vector<16xi1>
            %jit3A_505 = arith.constant 1 : i32
            %broadcast_in_dim3A_506 = vector.broadcast %jit3A_505 : i32 to vector<16xi32>
            %select_n3A_507 = arith.select %or3A_504, %broadcast_in_dim3A_506, %broadcast_in_dim3A_1 : vector<16xi1>, vector<16xi32>
            %add3A_508 = arith.addi %add3A_493, %select_n3A_507 : vector<16xi32>
            %slice3A_509 = vector.extract_strided_slice %get3A_371 {offsets = [9], sizes = [1], strides = [1]} : vector<16xf32> to vector<1xf32>
            %squeeze3A_510 = vector.extract %slice3A_509[0] : f32 from vector<1xf32>
            %broadcast_in_dim3A_511 = vector.broadcast %squeeze3A_510 : f32 to vector<16xf32>
            %slice3A_512 = vector.extract_strided_slice %get3A_375 {offsets = [9], sizes = [1], strides = [1]} : vector<16xi32> to vector<1xi32>
            %squeeze3A_513 = vector.extract %slice3A_512[0] : i32 from vector<1xi32>
            %broadcast_in_dim3A_514 = vector.broadcast %squeeze3A_513 : i32 to vector<16xi32>
            %lt3A_515 = arith.cmpf olt, %broadcast_in_dim3A_511, %get3A_347 : vector<16xf32>
            %eq3A_516 = arith.cmpf oeq, %broadcast_in_dim3A_511, %get3A_347 : vector<16xf32>
            %lt3A_517 = arith.cmpi slt, %broadcast_in_dim3A_514, %get3A_351 : vector<16xi32>
            %and3A_518 = arith.andi %eq3A_516, %lt3A_517 : vector<16xi1>
            %or3A_519 = arith.ori %lt3A_515, %and3A_518 : vector<16xi1>
            %jit3A_520 = arith.constant 1 : i32
            %broadcast_in_dim3A_521 = vector.broadcast %jit3A_520 : i32 to vector<16xi32>
            %select_n3A_522 = arith.select %or3A_519, %broadcast_in_dim3A_521, %broadcast_in_dim3A_1 : vector<16xi1>, vector<16xi32>
            %add3A_523 = arith.addi %add3A_508, %select_n3A_522 : vector<16xi32>
            %slice3A_524 = vector.extract_strided_slice %get3A_371 {offsets = [10], sizes = [1], strides = [1]} : vector<16xf32> to vector<1xf32>
            %squeeze3A_525 = vector.extract %slice3A_524[0] : f32 from vector<1xf32>
            %broadcast_in_dim3A_526 = vector.broadcast %squeeze3A_525 : f32 to vector<16xf32>
            %slice3A_527 = vector.extract_strided_slice %get3A_375 {offsets = [10], sizes = [1], strides = [1]} : vector<16xi32> to vector<1xi32>
            %squeeze3A_528 = vector.extract %slice3A_527[0] : i32 from vector<1xi32>
            %broadcast_in_dim3A_529 = vector.broadcast %squeeze3A_528 : i32 to vector<16xi32>
            %lt3A_530 = arith.cmpf olt, %broadcast_in_dim3A_526, %get3A_347 : vector<16xf32>
            %eq3A_531 = arith.cmpf oeq, %broadcast_in_dim3A_526, %get3A_347 : vector<16xf32>
            %lt3A_532 = arith.cmpi slt, %broadcast_in_dim3A_529, %get3A_351 : vector<16xi32>
            %and3A_533 = arith.andi %eq3A_531, %lt3A_532 : vector<16xi1>
            %or3A_534 = arith.ori %lt3A_530, %and3A_533 : vector<16xi1>
            %jit3A_535 = arith.constant 1 : i32
            %broadcast_in_dim3A_536 = vector.broadcast %jit3A_535 : i32 to vector<16xi32>
            %select_n3A_537 = arith.select %or3A_534, %broadcast_in_dim3A_536, %broadcast_in_dim3A_1 : vector<16xi1>, vector<16xi32>
            %add3A_538 = arith.addi %add3A_523, %select_n3A_537 : vector<16xi32>
            %slice3A_539 = vector.extract_strided_slice %get3A_371 {offsets = [11], sizes = [1], strides = [1]} : vector<16xf32> to vector<1xf32>
            %squeeze3A_540 = vector.extract %slice3A_539[0] : f32 from vector<1xf32>
            %broadcast_in_dim3A_541 = vector.broadcast %squeeze3A_540 : f32 to vector<16xf32>
            %slice3A_542 = vector.extract_strided_slice %get3A_375 {offsets = [11], sizes = [1], strides = [1]} : vector<16xi32> to vector<1xi32>
            %squeeze3A_543 = vector.extract %slice3A_542[0] : i32 from vector<1xi32>
            %broadcast_in_dim3A_544 = vector.broadcast %squeeze3A_543 : i32 to vector<16xi32>
            %lt3A_545 = arith.cmpf olt, %broadcast_in_dim3A_541, %get3A_347 : vector<16xf32>
            %eq3A_546 = arith.cmpf oeq, %broadcast_in_dim3A_541, %get3A_347 : vector<16xf32>
            %lt3A_547 = arith.cmpi slt, %broadcast_in_dim3A_544, %get3A_351 : vector<16xi32>
            %and3A_548 = arith.andi %eq3A_546, %lt3A_547 : vector<16xi1>
            %or3A_549 = arith.ori %lt3A_545, %and3A_548 : vector<16xi1>
            %jit3A_550 = arith.constant 1 : i32
            %broadcast_in_dim3A_551 = vector.broadcast %jit3A_550 : i32 to vector<16xi32>
            %select_n3A_552 = arith.select %or3A_549, %broadcast_in_dim3A_551, %broadcast_in_dim3A_1 : vector<16xi1>, vector<16xi32>
            %add3A_553 = arith.addi %add3A_538, %select_n3A_552 : vector<16xi32>
            %slice3A_554 = vector.extract_strided_slice %get3A_371 {offsets = [12], sizes = [1], strides = [1]} : vector<16xf32> to vector<1xf32>
            %squeeze3A_555 = vector.extract %slice3A_554[0] : f32 from vector<1xf32>
            %broadcast_in_dim3A_556 = vector.broadcast %squeeze3A_555 : f32 to vector<16xf32>
            %slice3A_557 = vector.extract_strided_slice %get3A_375 {offsets = [12], sizes = [1], strides = [1]} : vector<16xi32> to vector<1xi32>
            %squeeze3A_558 = vector.extract %slice3A_557[0] : i32 from vector<1xi32>
            %broadcast_in_dim3A_559 = vector.broadcast %squeeze3A_558 : i32 to vector<16xi32>
            %lt3A_560 = arith.cmpf olt, %broadcast_in_dim3A_556, %get3A_347 : vector<16xf32>
            %eq3A_561 = arith.cmpf oeq, %broadcast_in_dim3A_556, %get3A_347 : vector<16xf32>
            %lt3A_562 = arith.cmpi slt, %broadcast_in_dim3A_559, %get3A_351 : vector<16xi32>
            %and3A_563 = arith.andi %eq3A_561, %lt3A_562 : vector<16xi1>
            %or3A_564 = arith.ori %lt3A_560, %and3A_563 : vector<16xi1>
            %jit3A_565 = arith.constant 1 : i32
            %broadcast_in_dim3A_566 = vector.broadcast %jit3A_565 : i32 to vector<16xi32>
            %select_n3A_567 = arith.select %or3A_564, %broadcast_in_dim3A_566, %broadcast_in_dim3A_1 : vector<16xi1>, vector<16xi32>
            %add3A_568 = arith.addi %add3A_553, %select_n3A_567 : vector<16xi32>
            %slice3A_569 = vector.extract_strided_slice %get3A_371 {offsets = [13], sizes = [1], strides = [1]} : vector<16xf32> to vector<1xf32>
            %squeeze3A_570 = vector.extract %slice3A_569[0] : f32 from vector<1xf32>
            %broadcast_in_dim3A_571 = vector.broadcast %squeeze3A_570 : f32 to vector<16xf32>
            %slice3A_572 = vector.extract_strided_slice %get3A_375 {offsets = [13], sizes = [1], strides = [1]} : vector<16xi32> to vector<1xi32>
            %squeeze3A_573 = vector.extract %slice3A_572[0] : i32 from vector<1xi32>
            %broadcast_in_dim3A_574 = vector.broadcast %squeeze3A_573 : i32 to vector<16xi32>
            %lt3A_575 = arith.cmpf olt, %broadcast_in_dim3A_571, %get3A_347 : vector<16xf32>
            %eq3A_576 = arith.cmpf oeq, %broadcast_in_dim3A_571, %get3A_347 : vector<16xf32>
            %lt3A_577 = arith.cmpi slt, %broadcast_in_dim3A_574, %get3A_351 : vector<16xi32>
            %and3A_578 = arith.andi %eq3A_576, %lt3A_577 : vector<16xi1>
            %or3A_579 = arith.ori %lt3A_575, %and3A_578 : vector<16xi1>
            %jit3A_580 = arith.constant 1 : i32
            %broadcast_in_dim3A_581 = vector.broadcast %jit3A_580 : i32 to vector<16xi32>
            %select_n3A_582 = arith.select %or3A_579, %broadcast_in_dim3A_581, %broadcast_in_dim3A_1 : vector<16xi1>, vector<16xi32>
            %add3A_583 = arith.addi %add3A_568, %select_n3A_582 : vector<16xi32>
            %slice3A_584 = vector.extract_strided_slice %get3A_371 {offsets = [14], sizes = [1], strides = [1]} : vector<16xf32> to vector<1xf32>
            %squeeze3A_585 = vector.extract %slice3A_584[0] : f32 from vector<1xf32>
            %broadcast_in_dim3A_586 = vector.broadcast %squeeze3A_585 : f32 to vector<16xf32>
            %slice3A_587 = vector.extract_strided_slice %get3A_375 {offsets = [14], sizes = [1], strides = [1]} : vector<16xi32> to vector<1xi32>
            %squeeze3A_588 = vector.extract %slice3A_587[0] : i32 from vector<1xi32>
            %broadcast_in_dim3A_589 = vector.broadcast %squeeze3A_588 : i32 to vector<16xi32>
            %lt3A_590 = arith.cmpf olt, %broadcast_in_dim3A_586, %get3A_347 : vector<16xf32>
            %eq3A_591 = arith.cmpf oeq, %broadcast_in_dim3A_586, %get3A_347 : vector<16xf32>
            %lt3A_592 = arith.cmpi slt, %broadcast_in_dim3A_589, %get3A_351 : vector<16xi32>
            %and3A_593 = arith.andi %eq3A_591, %lt3A_592 : vector<16xi1>
            %or3A_594 = arith.ori %lt3A_590, %and3A_593 : vector<16xi1>
            %jit3A_595 = arith.constant 1 : i32
            %broadcast_in_dim3A_596 = vector.broadcast %jit3A_595 : i32 to vector<16xi32>
            %select_n3A_597 = arith.select %or3A_594, %broadcast_in_dim3A_596, %broadcast_in_dim3A_1 : vector<16xi1>, vector<16xi32>
            %add3A_598 = arith.addi %add3A_583, %select_n3A_597 : vector<16xi32>
            %slice3A_599 = vector.extract_strided_slice %get3A_371 {offsets = [15], sizes = [1], strides = [1]} : vector<16xf32> to vector<1xf32>
            %squeeze3A_600 = vector.extract %slice3A_599[0] : f32 from vector<1xf32>
            %broadcast_in_dim3A_601 = vector.broadcast %squeeze3A_600 : f32 to vector<16xf32>
            %slice3A_602 = vector.extract_strided_slice %get3A_375 {offsets = [15], sizes = [1], strides = [1]} : vector<16xi32> to vector<1xi32>
            %squeeze3A_603 = vector.extract %slice3A_602[0] : i32 from vector<1xi32>
            %broadcast_in_dim3A_604 = vector.broadcast %squeeze3A_603 : i32 to vector<16xi32>
            %lt3A_605 = arith.cmpf olt, %broadcast_in_dim3A_601, %get3A_347 : vector<16xf32>
            %eq3A_606 = arith.cmpf oeq, %broadcast_in_dim3A_601, %get3A_347 : vector<16xf32>
            %lt3A_607 = arith.cmpi slt, %broadcast_in_dim3A_604, %get3A_351 : vector<16xi32>
            %and3A_608 = arith.andi %eq3A_606, %lt3A_607 : vector<16xi1>
            %or3A_609 = arith.ori %lt3A_605, %and3A_608 : vector<16xi1>
            %jit3A_610 = arith.constant 1 : i32
            %broadcast_in_dim3A_611 = vector.broadcast %jit3A_610 : i32 to vector<16xi32>
            %select_n3A_612 = arith.select %or3A_609, %broadcast_in_dim3A_611, %broadcast_in_dim3A_1 : vector<16xi1>, vector<16xi32>
            %add3A_613 = arith.addi %add3A_598, %select_n3A_612 : vector<16xi32>
            scf.yield %add3A_613 : vector<16xi32>
          }
          %lt3A = arith.constant 128 : i32
          %lt3A_363 = vector.broadcast %lt3A : i32 to vector<16xi32>
          %lt3A_364 = arith.cmpi slt, %while3A_362, %lt3A_363 : vector<16xi32>
          tpu.vector_store_idx %arg14[%while3A_362], %get3A_347 masked %lt3A_364 : memref<128xf32, #tpu.memory_space<vmem>>[vector<16xi32>], vector<16xf32>, vector<16xi1>
          tpu.vector_store_idx %arg15[%while3A_362], %get3A_351 masked %lt3A_364 : memref<128xi32, #tpu.memory_space<vmem>>[vector<16xi32>], vector<16xi32>, vector<16xi1>
          %while3A_365 = arith.constant 0 : i32
          scf.yield %while3A_365 : i32
        }
        %while3A_339 = arith.constant 1 : i32
        %while3A_340 = scf.for %while3A_342 = %while3A_336 to %while3A_332 step %while3A_339 iter_args(%while3A_343 = %while3A_338) -> (i32)  : i32 {
          %mul3A_344 = arith.constant 16 : i32
          %mul3A_345 = arith.muli %while3A_342, %mul3A_344 : i32
          %get3A_346 = arith.index_cast %mul3A_345 : i32 to index
          %get3A_347 = tpu.vector_load %arg11[%get3A_346] {strides = array<i32>} : memref<224xf32, #tpu.memory_space<vmem>>, vector<16xf32>,
          %mul3A_348 = arith.constant 16 : i32
          %mul3A_349 = arith.muli %while3A_342, %mul3A_348 : i32
          %get3A_350 = arith.index_cast %mul3A_349 : i32 to index
          %get3A_351 = tpu.vector_load %arg12[%get3A_350] {strides = array<i32>} : memref<224xi32, #tpu.memory_space<vmem>>, vector<16xi32>,
          %while3A_352 = arith.constant 0 : i32
          %while3A_353 = arith.subi %select_n3A_328, %while3A_352 : i32
          %while3A_354 = arith.addi %while3A_352, %while3A_353 : i32
          %while3A_355 = arith.constant 1 : i32
          %while3A_356 = arith.divsi %while3A_353, %while3A_355 : i32
          %while3A_357 = arith.muli %while3A_356, %while3A_355 : i32
          %while3A_358 = arith.addi %while3A_352, %while3A_357 : i32
          %while3A_359 = arith.constant 1 : i32
          %while3A_360 = scf.for %while3A_366 = %while3A_352 to %while3A_358 step %while3A_359 iter_args(%while3A_367 = %broadcast_in_dim3A_1) -> (vector<16xi32>)  : i32 {
            %mul3A_368 = arith.constant 16 : i32
            %mul3A_369 = arith.muli %while3A_366, %mul3A_368 : i32
            %get3A_370 = arith.index_cast %mul3A_369 : i32 to index
            %get3A_371 = tpu.vector_load %arg11[%get3A_370] {strides = array<i32>} : memref<224xf32, #tpu.memory_space<vmem>>, vector<16xf32>,
            %mul3A_372 = arith.constant 16 : i32
            %mul3A_373 = arith.muli %while3A_366, %mul3A_372 : i32
            %get3A_374 = arith.index_cast %mul3A_373 : i32 to index
            %get3A_375 = tpu.vector_load %arg12[%get3A_374] {strides = array<i32>} : memref<224xi32, #tpu.memory_space<vmem>>, vector<16xi32>,
            %slice3A_376 = vector.extract_strided_slice %get3A_371 {offsets = [0], sizes = [1], strides = [1]} : vector<16xf32> to vector<1xf32>
            %squeeze3A_377 = vector.extract %slice3A_376[0] : f32 from vector<1xf32>
            %broadcast_in_dim3A_378 = vector.broadcast %squeeze3A_377 : f32 to vector<16xf32>
            %slice3A_379 = vector.extract_strided_slice %get3A_375 {offsets = [0], sizes = [1], strides = [1]} : vector<16xi32> to vector<1xi32>
            %squeeze3A_380 = vector.extract %slice3A_379[0] : i32 from vector<1xi32>
            %broadcast_in_dim3A_381 = vector.broadcast %squeeze3A_380 : i32 to vector<16xi32>
            %lt3A_382 = arith.cmpf olt, %broadcast_in_dim3A_378, %get3A_347 : vector<16xf32>
            %eq3A = arith.cmpf oeq, %broadcast_in_dim3A_378, %get3A_347 : vector<16xf32>
            %lt3A_383 = arith.cmpi slt, %broadcast_in_dim3A_381, %get3A_351 : vector<16xi32>
            %and3A_384 = arith.andi %eq3A, %lt3A_383 : vector<16xi1>
            %or3A = arith.ori %lt3A_382, %and3A_384 : vector<16xi1>
            %jit3A_385 = arith.constant 1 : i32
            %broadcast_in_dim3A_386 = vector.broadcast %jit3A_385 : i32 to vector<16xi32>
            %select_n3A_387 = arith.select %or3A, %broadcast_in_dim3A_386, %broadcast_in_dim3A_1 : vector<16xi1>, vector<16xi32>
            %add3A_388 = arith.addi %while3A_367, %select_n3A_387 : vector<16xi32>
            %slice3A_389 = vector.extract_strided_slice %get3A_371 {offsets = [1], sizes = [1], strides = [1]} : vector<16xf32> to vector<1xf32>
            %squeeze3A_390 = vector.extract %slice3A_389[0] : f32 from vector<1xf32>
            %broadcast_in_dim3A_391 = vector.broadcast %squeeze3A_390 : f32 to vector<16xf32>
            %slice3A_392 = vector.extract_strided_slice %get3A_375 {offsets = [1], sizes = [1], strides = [1]} : vector<16xi32> to vector<1xi32>
            %squeeze3A_393 = vector.extract %slice3A_392[0] : i32 from vector<1xi32>
            %broadcast_in_dim3A_394 = vector.broadcast %squeeze3A_393 : i32 to vector<16xi32>
            %lt3A_395 = arith.cmpf olt, %broadcast_in_dim3A_391, %get3A_347 : vector<16xf32>
            %eq3A_396 = arith.cmpf oeq, %broadcast_in_dim3A_391, %get3A_347 : vector<16xf32>
            %lt3A_397 = arith.cmpi slt, %broadcast_in_dim3A_394, %get3A_351 : vector<16xi32>
            %and3A_398 = arith.andi %eq3A_396, %lt3A_397 : vector<16xi1>
            %or3A_399 = arith.ori %lt3A_395, %and3A_398 : vector<16xi1>
            %jit3A_400 = arith.constant 1 : i32
            %broadcast_in_dim3A_401 = vector.broadcast %jit3A_400 : i32 to vector<16xi32>
            %select_n3A_402 = arith.select %or3A_399, %broadcast_in_dim3A_401, %broadcast_in_dim3A_1 : vector<16xi1>, vector<16xi32>
            %add3A_403 = arith.addi %add3A_388, %select_n3A_402 : vector<16xi32>
            %slice3A_404 = vector.extract_strided_slice %get3A_371 {offsets = [2], sizes = [1], strides = [1]} : vector<16xf32> to vector<1xf32>
            %squeeze3A_405 = vector.extract %slice3A_404[0] : f32 from vector<1xf32>
            %broadcast_in_dim3A_406 = vector.broadcast %squeeze3A_405 : f32 to vector<16xf32>
            %slice3A_407 = vector.extract_strided_slice %get3A_375 {offsets = [2], sizes = [1], strides = [1]} : vector<16xi32> to vector<1xi32>
            %squeeze3A_408 = vector.extract %slice3A_407[0] : i32 from vector<1xi32>
            %broadcast_in_dim3A_409 = vector.broadcast %squeeze3A_408 : i32 to vector<16xi32>
            %lt3A_410 = arith.cmpf olt, %broadcast_in_dim3A_406, %get3A_347 : vector<16xf32>
            %eq3A_411 = arith.cmpf oeq, %broadcast_in_dim3A_406, %get3A_347 : vector<16xf32>
            %lt3A_412 = arith.cmpi slt, %broadcast_in_dim3A_409, %get3A_351 : vector<16xi32>
            %and3A_413 = arith.andi %eq3A_411, %lt3A_412 : vector<16xi1>
            %or3A_414 = arith.ori %lt3A_410, %and3A_413 : vector<16xi1>
            %jit3A_415 = arith.constant 1 : i32
            %broadcast_in_dim3A_416 = vector.broadcast %jit3A_415 : i32 to vector<16xi32>
            %select_n3A_417 = arith.select %or3A_414, %broadcast_in_dim3A_416, %broadcast_in_dim3A_1 : vector<16xi1>, vector<16xi32>
            %add3A_418 = arith.addi %add3A_403, %select_n3A_417 : vector<16xi32>
            %slice3A_419 = vector.extract_strided_slice %get3A_371 {offsets = [3], sizes = [1], strides = [1]} : vector<16xf32> to vector<1xf32>
            %squeeze3A_420 = vector.extract %slice3A_419[0] : f32 from vector<1xf32>
            %broadcast_in_dim3A_421 = vector.broadcast %squeeze3A_420 : f32 to vector<16xf32>
            %slice3A_422 = vector.extract_strided_slice %get3A_375 {offsets = [3], sizes = [1], strides = [1]} : vector<16xi32> to vector<1xi32>
            %squeeze3A_423 = vector.extract %slice3A_422[0] : i32 from vector<1xi32>
            %broadcast_in_dim3A_424 = vector.broadcast %squeeze3A_423 : i32 to vector<16xi32>
            %lt3A_425 = arith.cmpf olt, %broadcast_in_dim3A_421, %get3A_347 : vector<16xf32>
            %eq3A_426 = arith.cmpf oeq, %broadcast_in_dim3A_421, %get3A_347 : vector<16xf32>
            %lt3A_427 = arith.cmpi slt, %broadcast_in_dim3A_424, %get3A_351 : vector<16xi32>
            %and3A_428 = arith.andi %eq3A_426, %lt3A_427 : vector<16xi1>
            %or3A_429 = arith.ori %lt3A_425, %and3A_428 : vector<16xi1>
            %jit3A_430 = arith.constant 1 : i32
            %broadcast_in_dim3A_431 = vector.broadcast %jit3A_430 : i32 to vector<16xi32>
            %select_n3A_432 = arith.select %or3A_429, %broadcast_in_dim3A_431, %broadcast_in_dim3A_1 : vector<16xi1>, vector<16xi32>
            %add3A_433 = arith.addi %add3A_418, %select_n3A_432 : vector<16xi32>
            %slice3A_434 = vector.extract_strided_slice %get3A_371 {offsets = [4], sizes = [1], strides = [1]} : vector<16xf32> to vector<1xf32>
            %squeeze3A_435 = vector.extract %slice3A_434[0] : f32 from vector<1xf32>
            %broadcast_in_dim3A_436 = vector.broadcast %squeeze3A_435 : f32 to vector<16xf32>
            %slice3A_437 = vector.extract_strided_slice %get3A_375 {offsets = [4], sizes = [1], strides = [1]} : vector<16xi32> to vector<1xi32>
            %squeeze3A_438 = vector.extract %slice3A_437[0] : i32 from vector<1xi32>
            %broadcast_in_dim3A_439 = vector.broadcast %squeeze3A_438 : i32 to vector<16xi32>
            %lt3A_440 = arith.cmpf olt, %broadcast_in_dim3A_436, %get3A_347 : vector<16xf32>
            %eq3A_441 = arith.cmpf oeq, %broadcast_in_dim3A_436, %get3A_347 : vector<16xf32>
            %lt3A_442 = arith.cmpi slt, %broadcast_in_dim3A_439, %get3A_351 : vector<16xi32>
            %and3A_443 = arith.andi %eq3A_441, %lt3A_442 : vector<16xi1>
            %or3A_444 = arith.ori %lt3A_440, %and3A_443 : vector<16xi1>
            %jit3A_445 = arith.constant 1 : i32
            %broadcast_in_dim3A_446 = vector.broadcast %jit3A_445 : i32 to vector<16xi32>
            %select_n3A_447 = arith.select %or3A_444, %broadcast_in_dim3A_446, %broadcast_in_dim3A_1 : vector<16xi1>, vector<16xi32>
            %add3A_448 = arith.addi %add3A_433, %select_n3A_447 : vector<16xi32>
            %slice3A_449 = vector.extract_strided_slice %get3A_371 {offsets = [5], sizes = [1], strides = [1]} : vector<16xf32> to vector<1xf32>
            %squeeze3A_450 = vector.extract %slice3A_449[0] : f32 from vector<1xf32>
            %broadcast_in_dim3A_451 = vector.broadcast %squeeze3A_450 : f32 to vector<16xf32>
            %slice3A_452 = vector.extract_strided_slice %get3A_375 {offsets = [5], sizes = [1], strides = [1]} : vector<16xi32> to vector<1xi32>
            %squeeze3A_453 = vector.extract %slice3A_452[0] : i32 from vector<1xi32>
            %broadcast_in_dim3A_454 = vector.broadcast %squeeze3A_453 : i32 to vector<16xi32>
            %lt3A_455 = arith.cmpf olt, %broadcast_in_dim3A_451, %get3A_347 : vector<16xf32>
            %eq3A_456 = arith.cmpf oeq, %broadcast_in_dim3A_451, %get3A_347 : vector<16xf32>
            %lt3A_457 = arith.cmpi slt, %broadcast_in_dim3A_454, %get3A_351 : vector<16xi32>
            %and3A_458 = arith.andi %eq3A_456, %lt3A_457 : vector<16xi1>
            %or3A_459 = arith.ori %lt3A_455, %and3A_458 : vector<16xi1>
            %jit3A_460 = arith.constant 1 : i32
            %broadcast_in_dim3A_461 = vector.broadcast %jit3A_460 : i32 to vector<16xi32>
            %select_n3A_462 = arith.select %or3A_459, %broadcast_in_dim3A_461, %broadcast_in_dim3A_1 : vector<16xi1>, vector<16xi32>
            %add3A_463 = arith.addi %add3A_448, %select_n3A_462 : vector<16xi32>
            %slice3A_464 = vector.extract_strided_slice %get3A_371 {offsets = [6], sizes = [1], strides = [1]} : vector<16xf32> to vector<1xf32>
            %squeeze3A_465 = vector.extract %slice3A_464[0] : f32 from vector<1xf32>
            %broadcast_in_dim3A_466 = vector.broadcast %squeeze3A_465 : f32 to vector<16xf32>
            %slice3A_467 = vector.extract_strided_slice %get3A_375 {offsets = [6], sizes = [1], strides = [1]} : vector<16xi32> to vector<1xi32>
            %squeeze3A_468 = vector.extract %slice3A_467[0] : i32 from vector<1xi32>
            %broadcast_in_dim3A_469 = vector.broadcast %squeeze3A_468 : i32 to vector<16xi32>
            %lt3A_470 = arith.cmpf olt, %broadcast_in_dim3A_466, %get3A_347 : vector<16xf32>
            %eq3A_471 = arith.cmpf oeq, %broadcast_in_dim3A_466, %get3A_347 : vector<16xf32>
            %lt3A_472 = arith.cmpi slt, %broadcast_in_dim3A_469, %get3A_351 : vector<16xi32>
            %and3A_473 = arith.andi %eq3A_471, %lt3A_472 : vector<16xi1>
            %or3A_474 = arith.ori %lt3A_470, %and3A_473 : vector<16xi1>
            %jit3A_475 = arith.constant 1 : i32
            %broadcast_in_dim3A_476 = vector.broadcast %jit3A_475 : i32 to vector<16xi32>
            %select_n3A_477 = arith.select %or3A_474, %broadcast_in_dim3A_476, %broadcast_in_dim3A_1 : vector<16xi1>, vector<16xi32>
            %add3A_478 = arith.addi %add3A_463, %select_n3A_477 : vector<16xi32>
            %slice3A_479 = vector.extract_strided_slice %get3A_371 {offsets = [7], sizes = [1], strides = [1]} : vector<16xf32> to vector<1xf32>
            %squeeze3A_480 = vector.extract %slice3A_479[0] : f32 from vector<1xf32>
            %broadcast_in_dim3A_481 = vector.broadcast %squeeze3A_480 : f32 to vector<16xf32>
            %slice3A_482 = vector.extract_strided_slice %get3A_375 {offsets = [7], sizes = [1], strides = [1]} : vector<16xi32> to vector<1xi32>
            %squeeze3A_483 = vector.extract %slice3A_482[0] : i32 from vector<1xi32>
            %broadcast_in_dim3A_484 = vector.broadcast %squeeze3A_483 : i32 to vector<16xi32>
            %lt3A_485 = arith.cmpf olt, %broadcast_in_dim3A_481, %get3A_347 : vector<16xf32>
            %eq3A_486 = arith.cmpf oeq, %broadcast_in_dim3A_481, %get3A_347 : vector<16xf32>
            %lt3A_487 = arith.cmpi slt, %broadcast_in_dim3A_484, %get3A_351 : vector<16xi32>
            %and3A_488 = arith.andi %eq3A_486, %lt3A_487 : vector<16xi1>
            %or3A_489 = arith.ori %lt3A_485, %and3A_488 : vector<16xi1>
            %jit3A_490 = arith.constant 1 : i32
            %broadcast_in_dim3A_491 = vector.broadcast %jit3A_490 : i32 to vector<16xi32>
            %select_n3A_492 = arith.select %or3A_489, %broadcast_in_dim3A_491, %broadcast_in_dim3A_1 : vector<16xi1>, vector<16xi32>
            %add3A_493 = arith.addi %add3A_478, %select_n3A_492 : vector<16xi32>
            %slice3A_494 = vector.extract_strided_slice %get3A_371 {offsets = [8], sizes = [1], strides = [1]} : vector<16xf32> to vector<1xf32>
            %squeeze3A_495 = vector.extract %slice3A_494[0] : f32 from vector<1xf32>
            %broadcast_in_dim3A_496 = vector.broadcast %squeeze3A_495 : f32 to vector<16xf32>
            %slice3A_497 = vector.extract_strided_slice %get3A_375 {offsets = [8], sizes = [1], strides = [1]} : vector<16xi32> to vector<1xi32>
            %squeeze3A_498 = vector.extract %slice3A_497[0] : i32 from vector<1xi32>
            %broadcast_in_dim3A_499 = vector.broadcast %squeeze3A_498 : i32 to vector<16xi32>
            %lt3A_500 = arith.cmpf olt, %broadcast_in_dim3A_496, %get3A_347 : vector<16xf32>
            %eq3A_501 = arith.cmpf oeq, %broadcast_in_dim3A_496, %get3A_347 : vector<16xf32>
            %lt3A_502 = arith.cmpi slt, %broadcast_in_dim3A_499, %get3A_351 : vector<16xi32>
            %and3A_503 = arith.andi %eq3A_501, %lt3A_502 : vector<16xi1>
            %or3A_504 = arith.ori %lt3A_500, %and3A_503 : vector<16xi1>
            %jit3A_505 = arith.constant 1 : i32
            %broadcast_in_dim3A_506 = vector.broadcast %jit3A_505 : i32 to vector<16xi32>
            %select_n3A_507 = arith.select %or3A_504, %broadcast_in_dim3A_506, %broadcast_in_dim3A_1 : vector<16xi1>, vector<16xi32>
            %add3A_508 = arith.addi %add3A_493, %select_n3A_507 : vector<16xi32>
            %slice3A_509 = vector.extract_strided_slice %get3A_371 {offsets = [9], sizes = [1], strides = [1]} : vector<16xf32> to vector<1xf32>
            %squeeze3A_510 = vector.extract %slice3A_509[0] : f32 from vector<1xf32>
            %broadcast_in_dim3A_511 = vector.broadcast %squeeze3A_510 : f32 to vector<16xf32>
            %slice3A_512 = vector.extract_strided_slice %get3A_375 {offsets = [9], sizes = [1], strides = [1]} : vector<16xi32> to vector<1xi32>
            %squeeze3A_513 = vector.extract %slice3A_512[0] : i32 from vector<1xi32>
            %broadcast_in_dim3A_514 = vector.broadcast %squeeze3A_513 : i32 to vector<16xi32>
            %lt3A_515 = arith.cmpf olt, %broadcast_in_dim3A_511, %get3A_347 : vector<16xf32>
            %eq3A_516 = arith.cmpf oeq, %broadcast_in_dim3A_511, %get3A_347 : vector<16xf32>
            %lt3A_517 = arith.cmpi slt, %broadcast_in_dim3A_514, %get3A_351 : vector<16xi32>
            %and3A_518 = arith.andi %eq3A_516, %lt3A_517 : vector<16xi1>
            %or3A_519 = arith.ori %lt3A_515, %and3A_518 : vector<16xi1>
            %jit3A_520 = arith.constant 1 : i32
            %broadcast_in_dim3A_521 = vector.broadcast %jit3A_520 : i32 to vector<16xi32>
            %select_n3A_522 = arith.select %or3A_519, %broadcast_in_dim3A_521, %broadcast_in_dim3A_1 : vector<16xi1>, vector<16xi32>
            %add3A_523 = arith.addi %add3A_508, %select_n3A_522 : vector<16xi32>
            %slice3A_524 = vector.extract_strided_slice %get3A_371 {offsets = [10], sizes = [1], strides = [1]} : vector<16xf32> to vector<1xf32>
            %squeeze3A_525 = vector.extract %slice3A_524[0] : f32 from vector<1xf32>
            %broadcast_in_dim3A_526 = vector.broadcast %squeeze3A_525 : f32 to vector<16xf32>
            %slice3A_527 = vector.extract_strided_slice %get3A_375 {offsets = [10], sizes = [1], strides = [1]} : vector<16xi32> to vector<1xi32>
            %squeeze3A_528 = vector.extract %slice3A_527[0] : i32 from vector<1xi32>
            %broadcast_in_dim3A_529 = vector.broadcast %squeeze3A_528 : i32 to vector<16xi32>
            %lt3A_530 = arith.cmpf olt, %broadcast_in_dim3A_526, %get3A_347 : vector<16xf32>
            %eq3A_531 = arith.cmpf oeq, %broadcast_in_dim3A_526, %get3A_347 : vector<16xf32>
            %lt3A_532 = arith.cmpi slt, %broadcast_in_dim3A_529, %get3A_351 : vector<16xi32>
            %and3A_533 = arith.andi %eq3A_531, %lt3A_532 : vector<16xi1>
            %or3A_534 = arith.ori %lt3A_530, %and3A_533 : vector<16xi1>
            %jit3A_535 = arith.constant 1 : i32
            %broadcast_in_dim3A_536 = vector.broadcast %jit3A_535 : i32 to vector<16xi32>
            %select_n3A_537 = arith.select %or3A_534, %broadcast_in_dim3A_536, %broadcast_in_dim3A_1 : vector<16xi1>, vector<16xi32>
            %add3A_538 = arith.addi %add3A_523, %select_n3A_537 : vector<16xi32>
            %slice3A_539 = vector.extract_strided_slice %get3A_371 {offsets = [11], sizes = [1], strides = [1]} : vector<16xf32> to vector<1xf32>
            %squeeze3A_540 = vector.extract %slice3A_539[0] : f32 from vector<1xf32>
            %broadcast_in_dim3A_541 = vector.broadcast %squeeze3A_540 : f32 to vector<16xf32>
            %slice3A_542 = vector.extract_strided_slice %get3A_375 {offsets = [11], sizes = [1], strides = [1]} : vector<16xi32> to vector<1xi32>
            %squeeze3A_543 = vector.extract %slice3A_542[0] : i32 from vector<1xi32>
            %broadcast_in_dim3A_544 = vector.broadcast %squeeze3A_543 : i32 to vector<16xi32>
            %lt3A_545 = arith.cmpf olt, %broadcast_in_dim3A_541, %get3A_347 : vector<16xf32>
            %eq3A_546 = arith.cmpf oeq, %broadcast_in_dim3A_541, %get3A_347 : vector<16xf32>
            %lt3A_547 = arith.cmpi slt, %broadcast_in_dim3A_544, %get3A_351 : vector<16xi32>
            %and3A_548 = arith.andi %eq3A_546, %lt3A_547 : vector<16xi1>
            %or3A_549 = arith.ori %lt3A_545, %and3A_548 : vector<16xi1>
            %jit3A_550 = arith.constant 1 : i32
            %broadcast_in_dim3A_551 = vector.broadcast %jit3A_550 : i32 to vector<16xi32>
            %select_n3A_552 = arith.select %or3A_549, %broadcast_in_dim3A_551, %broadcast_in_dim3A_1 : vector<16xi1>, vector<16xi32>
            %add3A_553 = arith.addi %add3A_538, %select_n3A_552 : vector<16xi32>
            %slice3A_554 = vector.extract_strided_slice %get3A_371 {offsets = [12], sizes = [1], strides = [1]} : vector<16xf32> to vector<1xf32>
            %squeeze3A_555 = vector.extract %slice3A_554[0] : f32 from vector<1xf32>
            %broadcast_in_dim3A_556 = vector.broadcast %squeeze3A_555 : f32 to vector<16xf32>
            %slice3A_557 = vector.extract_strided_slice %get3A_375 {offsets = [12], sizes = [1], strides = [1]} : vector<16xi32> to vector<1xi32>
            %squeeze3A_558 = vector.extract %slice3A_557[0] : i32 from vector<1xi32>
            %broadcast_in_dim3A_559 = vector.broadcast %squeeze3A_558 : i32 to vector<16xi32>
            %lt3A_560 = arith.cmpf olt, %broadcast_in_dim3A_556, %get3A_347 : vector<16xf32>
            %eq3A_561 = arith.cmpf oeq, %broadcast_in_dim3A_556, %get3A_347 : vector<16xf32>
            %lt3A_562 = arith.cmpi slt, %broadcast_in_dim3A_559, %get3A_351 : vector<16xi32>
            %and3A_563 = arith.andi %eq3A_561, %lt3A_562 : vector<16xi1>
            %or3A_564 = arith.ori %lt3A_560, %and3A_563 : vector<16xi1>
            %jit3A_565 = arith.constant 1 : i32
            %broadcast_in_dim3A_566 = vector.broadcast %jit3A_565 : i32 to vector<16xi32>
            %select_n3A_567 = arith.select %or3A_564, %broadcast_in_dim3A_566, %broadcast_in_dim3A_1 : vector<16xi1>, vector<16xi32>
            %add3A_568 = arith.addi %add3A_553, %select_n3A_567 : vector<16xi32>
            %slice3A_569 = vector.extract_strided_slice %get3A_371 {offsets = [13], sizes = [1], strides = [1]} : vector<16xf32> to vector<1xf32>
            %squeeze3A_570 = vector.extract %slice3A_569[0] : f32 from vector<1xf32>
            %broadcast_in_dim3A_571 = vector.broadcast %squeeze3A_570 : f32 to vector<16xf32>
            %slice3A_572 = vector.extract_strided_slice %get3A_375 {offsets = [13], sizes = [1], strides = [1]} : vector<16xi32> to vector<1xi32>
            %squeeze3A_573 = vector.extract %slice3A_572[0] : i32 from vector<1xi32>
            %broadcast_in_dim3A_574 = vector.broadcast %squeeze3A_573 : i32 to vector<16xi32>
            %lt3A_575 = arith.cmpf olt, %broadcast_in_dim3A_571, %get3A_347 : vector<16xf32>
            %eq3A_576 = arith.cmpf oeq, %broadcast_in_dim3A_571, %get3A_347 : vector<16xf32>
            %lt3A_577 = arith.cmpi slt, %broadcast_in_dim3A_574, %get3A_351 : vector<16xi32>
            %and3A_578 = arith.andi %eq3A_576, %lt3A_577 : vector<16xi1>
            %or3A_579 = arith.ori %lt3A_575, %and3A_578 : vector<16xi1>
            %jit3A_580 = arith.constant 1 : i32
            %broadcast_in_dim3A_581 = vector.broadcast %jit3A_580 : i32 to vector<16xi32>
            %select_n3A_582 = arith.select %or3A_579, %broadcast_in_dim3A_581, %broadcast_in_dim3A_1 : vector<16xi1>, vector<16xi32>
            %add3A_583 = arith.addi %add3A_568, %select_n3A_582 : vector<16xi32>
            %slice3A_584 = vector.extract_strided_slice %get3A_371 {offsets = [14], sizes = [1], strides = [1]} : vector<16xf32> to vector<1xf32>
            %squeeze3A_585 = vector.extract %slice3A_584[0] : f32 from vector<1xf32>
            %broadcast_in_dim3A_586 = vector.broadcast %squeeze3A_585 : f32 to vector<16xf32>
            %slice3A_587 = vector.extract_strided_slice %get3A_375 {offsets = [14], sizes = [1], strides = [1]} : vector<16xi32> to vector<1xi32>
            %squeeze3A_588 = vector.extract %slice3A_587[0] : i32 from vector<1xi32>
            %broadcast_in_dim3A_589 = vector.broadcast %squeeze3A_588 : i32 to vector<16xi32>
            %lt3A_590 = arith.cmpf olt, %broadcast_in_dim3A_586, %get3A_347 : vector<16xf32>
            %eq3A_591 = arith.cmpf oeq, %broadcast_in_dim3A_586, %get3A_347 : vector<16xf32>
            %lt3A_592 = arith.cmpi slt, %broadcast_in_dim3A_589, %get3A_351 : vector<16xi32>
            %and3A_593 = arith.andi %eq3A_591, %lt3A_592 : vector<16xi1>
            %or3A_594 = arith.ori %lt3A_590, %and3A_593 : vector<16xi1>
            %jit3A_595 = arith.constant 1 : i32
            %broadcast_in_dim3A_596 = vector.broadcast %jit3A_595 : i32 to vector<16xi32>
            %select_n3A_597 = arith.select %or3A_594, %broadcast_in_dim3A_596, %broadcast_in_dim3A_1 : vector<16xi1>, vector<16xi32>
            %add3A_598 = arith.addi %add3A_583, %select_n3A_597 : vector<16xi32>
            %slice3A_599 = vector.extract_strided_slice %get3A_371 {offsets = [15], sizes = [1], strides = [1]} : vector<16xf32> to vector<1xf32>
            %squeeze3A_600 = vector.extract %slice3A_599[0] : f32 from vector<1xf32>
            %broadcast_in_dim3A_601 = vector.broadcast %squeeze3A_600 : f32 to vector<16xf32>
            %slice3A_602 = vector.extract_strided_slice %get3A_375 {offsets = [15], sizes = [1], strides = [1]} : vector<16xi32> to vector<1xi32>
            %squeeze3A_603 = vector.extract %slice3A_602[0] : i32 from vector<1xi32>
            %broadcast_in_dim3A_604 = vector.broadcast %squeeze3A_603 : i32 to vector<16xi32>
            %lt3A_605 = arith.cmpf olt, %broadcast_in_dim3A_601, %get3A_347 : vector<16xf32>
            %eq3A_606 = arith.cmpf oeq, %broadcast_in_dim3A_601, %get3A_347 : vector<16xf32>
            %lt3A_607 = arith.cmpi slt, %broadcast_in_dim3A_604, %get3A_351 : vector<16xi32>
            %and3A_608 = arith.andi %eq3A_606, %lt3A_607 : vector<16xi1>
            %or3A_609 = arith.ori %lt3A_605, %and3A_608 : vector<16xi1>
            %jit3A_610 = arith.constant 1 : i32
            %broadcast_in_dim3A_611 = vector.broadcast %jit3A_610 : i32 to vector<16xi32>
            %select_n3A_612 = arith.select %or3A_609, %broadcast_in_dim3A_611, %broadcast_in_dim3A_1 : vector<16xi1>, vector<16xi32>
            %add3A_613 = arith.addi %add3A_598, %select_n3A_612 : vector<16xi32>
            scf.yield %add3A_613 : vector<16xi32>
          }
          %while3A_361 = arith.constant 1 : i32
          %while3A_362 = scf.for %while3A_366 = %while3A_358 to %while3A_354 step %while3A_361 iter_args(%while3A_367 = %while3A_360) -> (vector<16xi32>)  : i32 {
            %mul3A_368 = arith.constant 16 : i32
            %mul3A_369 = arith.muli %while3A_366, %mul3A_368 : i32
            %get3A_370 = arith.index_cast %mul3A_369 : i32 to index
            %get3A_371 = tpu.vector_load %arg11[%get3A_370] {strides = array<i32>} : memref<224xf32, #tpu.memory_space<vmem>>, vector<16xf32>,
            %mul3A_372 = arith.constant 16 : i32
            %mul3A_373 = arith.muli %while3A_366, %mul3A_372 : i32
            %get3A_374 = arith.index_cast %mul3A_373 : i32 to index
            %get3A_375 = tpu.vector_load %arg12[%get3A_374] {strides = array<i32>} : memref<224xi32, #tpu.memory_space<vmem>>, vector<16xi32>,
            %slice3A_376 = vector.extract_strided_slice %get3A_371 {offsets = [0], sizes = [1], strides = [1]} : vector<16xf32> to vector<1xf32>
            %squeeze3A_377 = vector.extract %slice3A_376[0] : f32 from vector<1xf32>
            %broadcast_in_dim3A_378 = vector.broadcast %squeeze3A_377 : f32 to vector<16xf32>
            %slice3A_379 = vector.extract_strided_slice %get3A_375 {offsets = [0], sizes = [1], strides = [1]} : vector<16xi32> to vector<1xi32>
            %squeeze3A_380 = vector.extract %slice3A_379[0] : i32 from vector<1xi32>
            %broadcast_in_dim3A_381 = vector.broadcast %squeeze3A_380 : i32 to vector<16xi32>
            %lt3A_382 = arith.cmpf olt, %broadcast_in_dim3A_378, %get3A_347 : vector<16xf32>
            %eq3A = arith.cmpf oeq, %broadcast_in_dim3A_378, %get3A_347 : vector<16xf32>
            %lt3A_383 = arith.cmpi slt, %broadcast_in_dim3A_381, %get3A_351 : vector<16xi32>
            %and3A_384 = arith.andi %eq3A, %lt3A_383 : vector<16xi1>
            %or3A = arith.ori %lt3A_382, %and3A_384 : vector<16xi1>
            %jit3A_385 = arith.constant 1 : i32
            %broadcast_in_dim3A_386 = vector.broadcast %jit3A_385 : i32 to vector<16xi32>
            %select_n3A_387 = arith.select %or3A, %broadcast_in_dim3A_386, %broadcast_in_dim3A_1 : vector<16xi1>, vector<16xi32>
            %add3A_388 = arith.addi %while3A_367, %select_n3A_387 : vector<16xi32>
            %slice3A_389 = vector.extract_strided_slice %get3A_371 {offsets = [1], sizes = [1], strides = [1]} : vector<16xf32> to vector<1xf32>
            %squeeze3A_390 = vector.extract %slice3A_389[0] : f32 from vector<1xf32>
            %broadcast_in_dim3A_391 = vector.broadcast %squeeze3A_390 : f32 to vector<16xf32>
            %slice3A_392 = vector.extract_strided_slice %get3A_375 {offsets = [1], sizes = [1], strides = [1]} : vector<16xi32> to vector<1xi32>
            %squeeze3A_393 = vector.extract %slice3A_392[0] : i32 from vector<1xi32>
            %broadcast_in_dim3A_394 = vector.broadcast %squeeze3A_393 : i32 to vector<16xi32>
            %lt3A_395 = arith.cmpf olt, %broadcast_in_dim3A_391, %get3A_347 : vector<16xf32>
            %eq3A_396 = arith.cmpf oeq, %broadcast_in_dim3A_391, %get3A_347 : vector<16xf32>
            %lt3A_397 = arith.cmpi slt, %broadcast_in_dim3A_394, %get3A_351 : vector<16xi32>
            %and3A_398 = arith.andi %eq3A_396, %lt3A_397 : vector<16xi1>
            %or3A_399 = arith.ori %lt3A_395, %and3A_398 : vector<16xi1>
            %jit3A_400 = arith.constant 1 : i32
            %broadcast_in_dim3A_401 = vector.broadcast %jit3A_400 : i32 to vector<16xi32>
            %select_n3A_402 = arith.select %or3A_399, %broadcast_in_dim3A_401, %broadcast_in_dim3A_1 : vector<16xi1>, vector<16xi32>
            %add3A_403 = arith.addi %add3A_388, %select_n3A_402 : vector<16xi32>
            %slice3A_404 = vector.extract_strided_slice %get3A_371 {offsets = [2], sizes = [1], strides = [1]} : vector<16xf32> to vector<1xf32>
            %squeeze3A_405 = vector.extract %slice3A_404[0] : f32 from vector<1xf32>
            %broadcast_in_dim3A_406 = vector.broadcast %squeeze3A_405 : f32 to vector<16xf32>
            %slice3A_407 = vector.extract_strided_slice %get3A_375 {offsets = [2], sizes = [1], strides = [1]} : vector<16xi32> to vector<1xi32>
            %squeeze3A_408 = vector.extract %slice3A_407[0] : i32 from vector<1xi32>
            %broadcast_in_dim3A_409 = vector.broadcast %squeeze3A_408 : i32 to vector<16xi32>
            %lt3A_410 = arith.cmpf olt, %broadcast_in_dim3A_406, %get3A_347 : vector<16xf32>
            %eq3A_411 = arith.cmpf oeq, %broadcast_in_dim3A_406, %get3A_347 : vector<16xf32>
            %lt3A_412 = arith.cmpi slt, %broadcast_in_dim3A_409, %get3A_351 : vector<16xi32>
            %and3A_413 = arith.andi %eq3A_411, %lt3A_412 : vector<16xi1>
            %or3A_414 = arith.ori %lt3A_410, %and3A_413 : vector<16xi1>
            %jit3A_415 = arith.constant 1 : i32
            %broadcast_in_dim3A_416 = vector.broadcast %jit3A_415 : i32 to vector<16xi32>
            %select_n3A_417 = arith.select %or3A_414, %broadcast_in_dim3A_416, %broadcast_in_dim3A_1 : vector<16xi1>, vector<16xi32>
            %add3A_418 = arith.addi %add3A_403, %select_n3A_417 : vector<16xi32>
            %slice3A_419 = vector.extract_strided_slice %get3A_371 {offsets = [3], sizes = [1], strides = [1]} : vector<16xf32> to vector<1xf32>
            %squeeze3A_420 = vector.extract %slice3A_419[0] : f32 from vector<1xf32>
            %broadcast_in_dim3A_421 = vector.broadcast %squeeze3A_420 : f32 to vector<16xf32>
            %slice3A_422 = vector.extract_strided_slice %get3A_375 {offsets = [3], sizes = [1], strides = [1]} : vector<16xi32> to vector<1xi32>
            %squeeze3A_423 = vector.extract %slice3A_422[0] : i32 from vector<1xi32>
            %broadcast_in_dim3A_424 = vector.broadcast %squeeze3A_423 : i32 to vector<16xi32>
            %lt3A_425 = arith.cmpf olt, %broadcast_in_dim3A_421, %get3A_347 : vector<16xf32>
            %eq3A_426 = arith.cmpf oeq, %broadcast_in_dim3A_421, %get3A_347 : vector<16xf32>
            %lt3A_427 = arith.cmpi slt, %broadcast_in_dim3A_424, %get3A_351 : vector<16xi32>
            %and3A_428 = arith.andi %eq3A_426, %lt3A_427 : vector<16xi1>
            %or3A_429 = arith.ori %lt3A_425, %and3A_428 : vector<16xi1>
            %jit3A_430 = arith.constant 1 : i32
            %broadcast_in_dim3A_431 = vector.broadcast %jit3A_430 : i32 to vector<16xi32>
            %select_n3A_432 = arith.select %or3A_429, %broadcast_in_dim3A_431, %broadcast_in_dim3A_1 : vector<16xi1>, vector<16xi32>
            %add3A_433 = arith.addi %add3A_418, %select_n3A_432 : vector<16xi32>
            %slice3A_434 = vector.extract_strided_slice %get3A_371 {offsets = [4], sizes = [1], strides = [1]} : vector<16xf32> to vector<1xf32>
            %squeeze3A_435 = vector.extract %slice3A_434[0] : f32 from vector<1xf32>
            %broadcast_in_dim3A_436 = vector.broadcast %squeeze3A_435 : f32 to vector<16xf32>
            %slice3A_437 = vector.extract_strided_slice %get3A_375 {offsets = [4], sizes = [1], strides = [1]} : vector<16xi32> to vector<1xi32>
            %squeeze3A_438 = vector.extract %slice3A_437[0] : i32 from vector<1xi32>
            %broadcast_in_dim3A_439 = vector.broadcast %squeeze3A_438 : i32 to vector<16xi32>
            %lt3A_440 = arith.cmpf olt, %broadcast_in_dim3A_436, %get3A_347 : vector<16xf32>
            %eq3A_441 = arith.cmpf oeq, %broadcast_in_dim3A_436, %get3A_347 : vector<16xf32>
            %lt3A_442 = arith.cmpi slt, %broadcast_in_dim3A_439, %get3A_351 : vector<16xi32>
            %and3A_443 = arith.andi %eq3A_441, %lt3A_442 : vector<16xi1>
            %or3A_444 = arith.ori %lt3A_440, %and3A_443 : vector<16xi1>
            %jit3A_445 = arith.constant 1 : i32
            %broadcast_in_dim3A_446 = vector.broadcast %jit3A_445 : i32 to vector<16xi32>
            %select_n3A_447 = arith.select %or3A_444, %broadcast_in_dim3A_446, %broadcast_in_dim3A_1 : vector<16xi1>, vector<16xi32>
            %add3A_448 = arith.addi %add3A_433, %select_n3A_447 : vector<16xi32>
            %slice3A_449 = vector.extract_strided_slice %get3A_371 {offsets = [5], sizes = [1], strides = [1]} : vector<16xf32> to vector<1xf32>
            %squeeze3A_450 = vector.extract %slice3A_449[0] : f32 from vector<1xf32>
            %broadcast_in_dim3A_451 = vector.broadcast %squeeze3A_450 : f32 to vector<16xf32>
            %slice3A_452 = vector.extract_strided_slice %get3A_375 {offsets = [5], sizes = [1], strides = [1]} : vector<16xi32> to vector<1xi32>
            %squeeze3A_453 = vector.extract %slice3A_452[0] : i32 from vector<1xi32>
            %broadcast_in_dim3A_454 = vector.broadcast %squeeze3A_453 : i32 to vector<16xi32>
            %lt3A_455 = arith.cmpf olt, %broadcast_in_dim3A_451, %get3A_347 : vector<16xf32>
            %eq3A_456 = arith.cmpf oeq, %broadcast_in_dim3A_451, %get3A_347 : vector<16xf32>
            %lt3A_457 = arith.cmpi slt, %broadcast_in_dim3A_454, %get3A_351 : vector<16xi32>
            %and3A_458 = arith.andi %eq3A_456, %lt3A_457 : vector<16xi1>
            %or3A_459 = arith.ori %lt3A_455, %and3A_458 : vector<16xi1>
            %jit3A_460 = arith.constant 1 : i32
            %broadcast_in_dim3A_461 = vector.broadcast %jit3A_460 : i32 to vector<16xi32>
            %select_n3A_462 = arith.select %or3A_459, %broadcast_in_dim3A_461, %broadcast_in_dim3A_1 : vector<16xi1>, vector<16xi32>
            %add3A_463 = arith.addi %add3A_448, %select_n3A_462 : vector<16xi32>
            %slice3A_464 = vector.extract_strided_slice %get3A_371 {offsets = [6], sizes = [1], strides = [1]} : vector<16xf32> to vector<1xf32>
            %squeeze3A_465 = vector.extract %slice3A_464[0] : f32 from vector<1xf32>
            %broadcast_in_dim3A_466 = vector.broadcast %squeeze3A_465 : f32 to vector<16xf32>
            %slice3A_467 = vector.extract_strided_slice %get3A_375 {offsets = [6], sizes = [1], strides = [1]} : vector<16xi32> to vector<1xi32>
            %squeeze3A_468 = vector.extract %slice3A_467[0] : i32 from vector<1xi32>
            %broadcast_in_dim3A_469 = vector.broadcast %squeeze3A_468 : i32 to vector<16xi32>
            %lt3A_470 = arith.cmpf olt, %broadcast_in_dim3A_466, %get3A_347 : vector<16xf32>
            %eq3A_471 = arith.cmpf oeq, %broadcast_in_dim3A_466, %get3A_347 : vector<16xf32>
            %lt3A_472 = arith.cmpi slt, %broadcast_in_dim3A_469, %get3A_351 : vector<16xi32>
            %and3A_473 = arith.andi %eq3A_471, %lt3A_472 : vector<16xi1>
            %or3A_474 = arith.ori %lt3A_470, %and3A_473 : vector<16xi1>
            %jit3A_475 = arith.constant 1 : i32
            %broadcast_in_dim3A_476 = vector.broadcast %jit3A_475 : i32 to vector<16xi32>
            %select_n3A_477 = arith.select %or3A_474, %broadcast_in_dim3A_476, %broadcast_in_dim3A_1 : vector<16xi1>, vector<16xi32>
            %add3A_478 = arith.addi %add3A_463, %select_n3A_477 : vector<16xi32>
            %slice3A_479 = vector.extract_strided_slice %get3A_371 {offsets = [7], sizes = [1], strides = [1]} : vector<16xf32> to vector<1xf32>
            %squeeze3A_480 = vector.extract %slice3A_479[0] : f32 from vector<1xf32>
            %broadcast_in_dim3A_481 = vector.broadcast %squeeze3A_480 : f32 to vector<16xf32>
            %slice3A_482 = vector.extract_strided_slice %get3A_375 {offsets = [7], sizes = [1], strides = [1]} : vector<16xi32> to vector<1xi32>
            %squeeze3A_483 = vector.extract %slice3A_482[0] : i32 from vector<1xi32>
            %broadcast_in_dim3A_484 = vector.broadcast %squeeze3A_483 : i32 to vector<16xi32>
            %lt3A_485 = arith.cmpf olt, %broadcast_in_dim3A_481, %get3A_347 : vector<16xf32>
            %eq3A_486 = arith.cmpf oeq, %broadcast_in_dim3A_481, %get3A_347 : vector<16xf32>
            %lt3A_487 = arith.cmpi slt, %broadcast_in_dim3A_484, %get3A_351 : vector<16xi32>
            %and3A_488 = arith.andi %eq3A_486, %lt3A_487 : vector<16xi1>
            %or3A_489 = arith.ori %lt3A_485, %and3A_488 : vector<16xi1>
            %jit3A_490 = arith.constant 1 : i32
            %broadcast_in_dim3A_491 = vector.broadcast %jit3A_490 : i32 to vector<16xi32>
            %select_n3A_492 = arith.select %or3A_489, %broadcast_in_dim3A_491, %broadcast_in_dim3A_1 : vector<16xi1>, vector<16xi32>
            %add3A_493 = arith.addi %add3A_478, %select_n3A_492 : vector<16xi32>
            %slice3A_494 = vector.extract_strided_slice %get3A_371 {offsets = [8], sizes = [1], strides = [1]} : vector<16xf32> to vector<1xf32>
            %squeeze3A_495 = vector.extract %slice3A_494[0] : f32 from vector<1xf32>
            %broadcast_in_dim3A_496 = vector.broadcast %squeeze3A_495 : f32 to vector<16xf32>
            %slice3A_497 = vector.extract_strided_slice %get3A_375 {offsets = [8], sizes = [1], strides = [1]} : vector<16xi32> to vector<1xi32>
            %squeeze3A_498 = vector.extract %slice3A_497[0] : i32 from vector<1xi32>
            %broadcast_in_dim3A_499 = vector.broadcast %squeeze3A_498 : i32 to vector<16xi32>
            %lt3A_500 = arith.cmpf olt, %broadcast_in_dim3A_496, %get3A_347 : vector<16xf32>
            %eq3A_501 = arith.cmpf oeq, %broadcast_in_dim3A_496, %get3A_347 : vector<16xf32>
            %lt3A_502 = arith.cmpi slt, %broadcast_in_dim3A_499, %get3A_351 : vector<16xi32>
            %and3A_503 = arith.andi %eq3A_501, %lt3A_502 : vector<16xi1>
            %or3A_504 = arith.ori %lt3A_500, %and3A_503 : vector<16xi1>
            %jit3A_505 = arith.constant 1 : i32
            %broadcast_in_dim3A_506 = vector.broadcast %jit3A_505 : i32 to vector<16xi32>
            %select_n3A_507 = arith.select %or3A_504, %broadcast_in_dim3A_506, %broadcast_in_dim3A_1 : vector<16xi1>, vector<16xi32>
            %add3A_508 = arith.addi %add3A_493, %select_n3A_507 : vector<16xi32>
            %slice3A_509 = vector.extract_strided_slice %get3A_371 {offsets = [9], sizes = [1], strides = [1]} : vector<16xf32> to vector<1xf32>
            %squeeze3A_510 = vector.extract %slice3A_509[0] : f32 from vector<1xf32>
            %broadcast_in_dim3A_511 = vector.broadcast %squeeze3A_510 : f32 to vector<16xf32>
            %slice3A_512 = vector.extract_strided_slice %get3A_375 {offsets = [9], sizes = [1], strides = [1]} : vector<16xi32> to vector<1xi32>
            %squeeze3A_513 = vector.extract %slice3A_512[0] : i32 from vector<1xi32>
            %broadcast_in_dim3A_514 = vector.broadcast %squeeze3A_513 : i32 to vector<16xi32>
            %lt3A_515 = arith.cmpf olt, %broadcast_in_dim3A_511, %get3A_347 : vector<16xf32>
            %eq3A_516 = arith.cmpf oeq, %broadcast_in_dim3A_511, %get3A_347 : vector<16xf32>
            %lt3A_517 = arith.cmpi slt, %broadcast_in_dim3A_514, %get3A_351 : vector<16xi32>
            %and3A_518 = arith.andi %eq3A_516, %lt3A_517 : vector<16xi1>
            %or3A_519 = arith.ori %lt3A_515, %and3A_518 : vector<16xi1>
            %jit3A_520 = arith.constant 1 : i32
            %broadcast_in_dim3A_521 = vector.broadcast %jit3A_520 : i32 to vector<16xi32>
            %select_n3A_522 = arith.select %or3A_519, %broadcast_in_dim3A_521, %broadcast_in_dim3A_1 : vector<16xi1>, vector<16xi32>
            %add3A_523 = arith.addi %add3A_508, %select_n3A_522 : vector<16xi32>
            %slice3A_524 = vector.extract_strided_slice %get3A_371 {offsets = [10], sizes = [1], strides = [1]} : vector<16xf32> to vector<1xf32>
            %squeeze3A_525 = vector.extract %slice3A_524[0] : f32 from vector<1xf32>
            %broadcast_in_dim3A_526 = vector.broadcast %squeeze3A_525 : f32 to vector<16xf32>
            %slice3A_527 = vector.extract_strided_slice %get3A_375 {offsets = [10], sizes = [1], strides = [1]} : vector<16xi32> to vector<1xi32>
            %squeeze3A_528 = vector.extract %slice3A_527[0] : i32 from vector<1xi32>
            %broadcast_in_dim3A_529 = vector.broadcast %squeeze3A_528 : i32 to vector<16xi32>
            %lt3A_530 = arith.cmpf olt, %broadcast_in_dim3A_526, %get3A_347 : vector<16xf32>
            %eq3A_531 = arith.cmpf oeq, %broadcast_in_dim3A_526, %get3A_347 : vector<16xf32>
            %lt3A_532 = arith.cmpi slt, %broadcast_in_dim3A_529, %get3A_351 : vector<16xi32>
            %and3A_533 = arith.andi %eq3A_531, %lt3A_532 : vector<16xi1>
            %or3A_534 = arith.ori %lt3A_530, %and3A_533 : vector<16xi1>
            %jit3A_535 = arith.constant 1 : i32
            %broadcast_in_dim3A_536 = vector.broadcast %jit3A_535 : i32 to vector<16xi32>
            %select_n3A_537 = arith.select %or3A_534, %broadcast_in_dim3A_536, %broadcast_in_dim3A_1 : vector<16xi1>, vector<16xi32>
            %add3A_538 = arith.addi %add3A_523, %select_n3A_537 : vector<16xi32>
            %slice3A_539 = vector.extract_strided_slice %get3A_371 {offsets = [11], sizes = [1], strides = [1]} : vector<16xf32> to vector<1xf32>
            %squeeze3A_540 = vector.extract %slice3A_539[0] : f32 from vector<1xf32>
            %broadcast_in_dim3A_541 = vector.broadcast %squeeze3A_540 : f32 to vector<16xf32>
            %slice3A_542 = vector.extract_strided_slice %get3A_375 {offsets = [11], sizes = [1], strides = [1]} : vector<16xi32> to vector<1xi32>
            %squeeze3A_543 = vector.extract %slice3A_542[0] : i32 from vector<1xi32>
            %broadcast_in_dim3A_544 = vector.broadcast %squeeze3A_543 : i32 to vector<16xi32>
            %lt3A_545 = arith.cmpf olt, %broadcast_in_dim3A_541, %get3A_347 : vector<16xf32>
            %eq3A_546 = arith.cmpf oeq, %broadcast_in_dim3A_541, %get3A_347 : vector<16xf32>
            %lt3A_547 = arith.cmpi slt, %broadcast_in_dim3A_544, %get3A_351 : vector<16xi32>
            %and3A_548 = arith.andi %eq3A_546, %lt3A_547 : vector<16xi1>
            %or3A_549 = arith.ori %lt3A_545, %and3A_548 : vector<16xi1>
            %jit3A_550 = arith.constant 1 : i32
            %broadcast_in_dim3A_551 = vector.broadcast %jit3A_550 : i32 to vector<16xi32>
            %select_n3A_552 = arith.select %or3A_549, %broadcast_in_dim3A_551, %broadcast_in_dim3A_1 : vector<16xi1>, vector<16xi32>
            %add3A_553 = arith.addi %add3A_538, %select_n3A_552 : vector<16xi32>
            %slice3A_554 = vector.extract_strided_slice %get3A_371 {offsets = [12], sizes = [1], strides = [1]} : vector<16xf32> to vector<1xf32>
            %squeeze3A_555 = vector.extract %slice3A_554[0] : f32 from vector<1xf32>
            %broadcast_in_dim3A_556 = vector.broadcast %squeeze3A_555 : f32 to vector<16xf32>
            %slice3A_557 = vector.extract_strided_slice %get3A_375 {offsets = [12], sizes = [1], strides = [1]} : vector<16xi32> to vector<1xi32>
            %squeeze3A_558 = vector.extract %slice3A_557[0] : i32 from vector<1xi32>
            %broadcast_in_dim3A_559 = vector.broadcast %squeeze3A_558 : i32 to vector<16xi32>
            %lt3A_560 = arith.cmpf olt, %broadcast_in_dim3A_556, %get3A_347 : vector<16xf32>
            %eq3A_561 = arith.cmpf oeq, %broadcast_in_dim3A_556, %get3A_347 : vector<16xf32>
            %lt3A_562 = arith.cmpi slt, %broadcast_in_dim3A_559, %get3A_351 : vector<16xi32>
            %and3A_563 = arith.andi %eq3A_561, %lt3A_562 : vector<16xi1>
            %or3A_564 = arith.ori %lt3A_560, %and3A_563 : vector<16xi1>
            %jit3A_565 = arith.constant 1 : i32
            %broadcast_in_dim3A_566 = vector.broadcast %jit3A_565 : i32 to vector<16xi32>
            %select_n3A_567 = arith.select %or3A_564, %broadcast_in_dim3A_566, %broadcast_in_dim3A_1 : vector<16xi1>, vector<16xi32>
            %add3A_568 = arith.addi %add3A_553, %select_n3A_567 : vector<16xi32>
            %slice3A_569 = vector.extract_strided_slice %get3A_371 {offsets = [13], sizes = [1], strides = [1]} : vector<16xf32> to vector<1xf32>
            %squeeze3A_570 = vector.extract %slice3A_569[0] : f32 from vector<1xf32>
            %broadcast_in_dim3A_571 = vector.broadcast %squeeze3A_570 : f32 to vector<16xf32>
            %slice3A_572 = vector.extract_strided_slice %get3A_375 {offsets = [13], sizes = [1], strides = [1]} : vector<16xi32> to vector<1xi32>
            %squeeze3A_573 = vector.extract %slice3A_572[0] : i32 from vector<1xi32>
            %broadcast_in_dim3A_574 = vector.broadcast %squeeze3A_573 : i32 to vector<16xi32>
            %lt3A_575 = arith.cmpf olt, %broadcast_in_dim3A_571, %get3A_347 : vector<16xf32>
            %eq3A_576 = arith.cmpf oeq, %broadcast_in_dim3A_571, %get3A_347 : vector<16xf32>
            %lt3A_577 = arith.cmpi slt, %broadcast_in_dim3A_574, %get3A_351 : vector<16xi32>
            %and3A_578 = arith.andi %eq3A_576, %lt3A_577 : vector<16xi1>
            %or3A_579 = arith.ori %lt3A_575, %and3A_578 : vector<16xi1>
            %jit3A_580 = arith.constant 1 : i32
            %broadcast_in_dim3A_581 = vector.broadcast %jit3A_580 : i32 to vector<16xi32>
            %select_n3A_582 = arith.select %or3A_579, %broadcast_in_dim3A_581, %broadcast_in_dim3A_1 : vector<16xi1>, vector<16xi32>
            %add3A_583 = arith.addi %add3A_568, %select_n3A_582 : vector<16xi32>
            %slice3A_584 = vector.extract_strided_slice %get3A_371 {offsets = [14], sizes = [1], strides = [1]} : vector<16xf32> to vector<1xf32>
            %squeeze3A_585 = vector.extract %slice3A_584[0] : f32 from vector<1xf32>
            %broadcast_in_dim3A_586 = vector.broadcast %squeeze3A_585 : f32 to vector<16xf32>
            %slice3A_587 = vector.extract_strided_slice %get3A_375 {offsets = [14], sizes = [1], strides = [1]} : vector<16xi32> to vector<1xi32>
            %squeeze3A_588 = vector.extract %slice3A_587[0] : i32 from vector<1xi32>
            %broadcast_in_dim3A_589 = vector.broadcast %squeeze3A_588 : i32 to vector<16xi32>
            %lt3A_590 = arith.cmpf olt, %broadcast_in_dim3A_586, %get3A_347 : vector<16xf32>
            %eq3A_591 = arith.cmpf oeq, %broadcast_in_dim3A_586, %get3A_347 : vector<16xf32>
            %lt3A_592 = arith.cmpi slt, %broadcast_in_dim3A_589, %get3A_351 : vector<16xi32>
            %and3A_593 = arith.andi %eq3A_591, %lt3A_592 : vector<16xi1>
            %or3A_594 = arith.ori %lt3A_590, %and3A_593 : vector<16xi1>
            %jit3A_595 = arith.constant 1 : i32
            %broadcast_in_dim3A_596 = vector.broadcast %jit3A_595 : i32 to vector<16xi32>
            %select_n3A_597 = arith.select %or3A_594, %broadcast_in_dim3A_596, %broadcast_in_dim3A_1 : vector<16xi1>, vector<16xi32>
            %add3A_598 = arith.addi %add3A_583, %select_n3A_597 : vector<16xi32>
            %slice3A_599 = vector.extract_strided_slice %get3A_371 {offsets = [15], sizes = [1], strides = [1]} : vector<16xf32> to vector<1xf32>
            %squeeze3A_600 = vector.extract %slice3A_599[0] : f32 from vector<1xf32>
            %broadcast_in_dim3A_601 = vector.broadcast %squeeze3A_600 : f32 to vector<16xf32>
            %slice3A_602 = vector.extract_strided_slice %get3A_375 {offsets = [15], sizes = [1], strides = [1]} : vector<16xi32> to vector<1xi32>
            %squeeze3A_603 = vector.extract %slice3A_602[0] : i32 from vector<1xi32>
            %broadcast_in_dim3A_604 = vector.broadcast %squeeze3A_603 : i32 to vector<16xi32>
            %lt3A_605 = arith.cmpf olt, %broadcast_in_dim3A_601, %get3A_347 : vector<16xf32>
            %eq3A_606 = arith.cmpf oeq, %broadcast_in_dim3A_601, %get3A_347 : vector<16xf32>
            %lt3A_607 = arith.cmpi slt, %broadcast_in_dim3A_604, %get3A_351 : vector<16xi32>
            %and3A_608 = arith.andi %eq3A_606, %lt3A_607 : vector<16xi1>
            %or3A_609 = arith.ori %lt3A_605, %and3A_608 : vector<16xi1>
            %jit3A_610 = arith.constant 1 : i32
            %broadcast_in_dim3A_611 = vector.broadcast %jit3A_610 : i32 to vector<16xi32>
            %select_n3A_612 = arith.select %or3A_609, %broadcast_in_dim3A_611, %broadcast_in_dim3A_1 : vector<16xi1>, vector<16xi32>
            %add3A_613 = arith.addi %add3A_598, %select_n3A_612 : vector<16xi32>
            scf.yield %add3A_613 : vector<16xi32>
          }
          %lt3A = arith.constant 128 : i32
          %lt3A_363 = vector.broadcast %lt3A : i32 to vector<16xi32>
          %lt3A_364 = arith.cmpi slt, %while3A_362, %lt3A_363 : vector<16xi32>
          tpu.vector_store_idx %arg14[%while3A_362], %get3A_347 masked %lt3A_364 : memref<128xf32, #tpu.memory_space<vmem>>[vector<16xi32>], vector<16xf32>, vector<16xi1>
          tpu.vector_store_idx %arg15[%while3A_362], %get3A_351 masked %lt3A_364 : memref<128xi32, #tpu.memory_space<vmem>>[vector<16xi32>], vector<16xi32>, vector<16xi1>
          %while3A_365 = arith.constant 0 : i32
          scf.yield %while3A_365 : i32
        }
        "tpu.region"() ({
          %run_scoped3A = tpu.sem_alloc : memref<!tpu.dma_semaphore, #tpu.memory_space<semaphore_mem>>
          %dma_start3A_342 = arith.constant 0 : i32
          %dma_start3A_343 = tpu.memref_slice %arg5[%add3A_241, %dma_start3A_342] : memref<4096x128xf32, #tpu.memory_space<hbm>> -> memref<1x128xf32, #tpu.memory_space<hbm>>
          %dma_start3A_344 = tpu.memref_squeeze %dma_start3A_343 : memref<1x128xf32, #tpu.memory_space<hbm>> -> memref<128xf32, #tpu.memory_space<hbm>>
          %dma_start3A_345 = arith.constant 0 : i32
          %dma_start3A_346 = tpu.memref_slice %arg5[%add3A_241, %dma_start3A_345] : memref<4096x128xf32, #tpu.memory_space<hbm>> -> memref<1x128xf32, #tpu.memory_space<hbm>>
          %dma_start3A_347 = tpu.memref_squeeze %dma_start3A_346 : memref<1x128xf32, #tpu.memory_space<hbm>> -> memref<128xf32, #tpu.memory_space<hbm>>
          tpu.enqueue_dma source(%arg14 : memref<128xf32, #tpu.memory_space<vmem>>) target(%dma_start3A_347 : memref<128xf32, #tpu.memory_space<hbm>>) target_semaphore(%run_scoped3A : memref<!tpu.dma_semaphore, #tpu.memory_space<semaphore_mem>>)
          %dma_wait3A_348 = arith.constant 0 : i32
          %dma_wait3A_349 = tpu.memref_slice %arg5[%add3A_241, %dma_wait3A_348] : memref<4096x128xf32, #tpu.memory_space<hbm>> -> memref<1x128xf32, #tpu.memory_space<hbm>>
          %dma_wait3A_350 = tpu.memref_squeeze %dma_wait3A_349 : memref<1x128xf32, #tpu.memory_space<hbm>> -> memref<128xf32, #tpu.memory_space<hbm>>
          %dma_wait3A_351 = arith.constant 0 : i32
          %dma_wait3A_352 = tpu.memref_slice %arg5[%add3A_241, %dma_wait3A_351] : memref<4096x128xf32, #tpu.memory_space<hbm>> -> memref<1x128xf32, #tpu.memory_space<hbm>>
          %dma_wait3A_353 = tpu.memref_squeeze %dma_wait3A_352 : memref<1x128xf32, #tpu.memory_space<hbm>> -> memref<128xf32, #tpu.memory_space<hbm>>
          tpu.wait_dma2 semaphore(%run_scoped3A : memref<!tpu.dma_semaphore, #tpu.memory_space<semaphore_mem>>) src(%arg14 : memref<128xf32, #tpu.memory_space<vmem>>) dst(%dma_wait3A_353 : memref<128xf32, #tpu.memory_space<hbm>>)
          tpu.yield
        }) : () -> ()
        "tpu.region"() ({
          %run_scoped3A = tpu.sem_alloc : memref<!tpu.dma_semaphore, #tpu.memory_space<semaphore_mem>>
          %dma_start3A_342 = arith.constant 0 : i32
          %dma_start3A_343 = tpu.memref_slice %arg6[%add3A_241, %dma_start3A_342] : memref<4096x128xi32, #tpu.memory_space<hbm>> -> memref<1x128xi32, #tpu.memory_space<hbm>>
          %dma_start3A_344 = tpu.memref_squeeze %dma_start3A_343 : memref<1x128xi32, #tpu.memory_space<hbm>> -> memref<128xi32, #tpu.memory_space<hbm>>
          %dma_start3A_345 = arith.constant 0 : i32
          %dma_start3A_346 = tpu.memref_slice %arg6[%add3A_241, %dma_start3A_345] : memref<4096x128xi32, #tpu.memory_space<hbm>> -> memref<1x128xi32, #tpu.memory_space<hbm>>
          %dma_start3A_347 = tpu.memref_squeeze %dma_start3A_346 : memref<1x128xi32, #tpu.memory_space<hbm>> -> memref<128xi32, #tpu.memory_space<hbm>>
          tpu.enqueue_dma source(%arg15 : memref<128xi32, #tpu.memory_space<vmem>>) target(%dma_start3A_347 : memref<128xi32, #tpu.memory_space<hbm>>) target_semaphore(%run_scoped3A : memref<!tpu.dma_semaphore, #tpu.memory_space<semaphore_mem>>)
          %dma_wait3A_348 = arith.constant 0 : i32
          %dma_wait3A_349 = tpu.memref_slice %arg6[%add3A_241, %dma_wait3A_348] : memref<4096x128xi32, #tpu.memory_space<hbm>> -> memref<1x128xi32, #tpu.memory_space<hbm>>
          %dma_wait3A_350 = tpu.memref_squeeze %dma_wait3A_349 : memref<1x128xi32, #tpu.memory_space<hbm>> -> memref<128xi32, #tpu.memory_space<hbm>>
          %dma_wait3A_351 = arith.constant 0 : i32
          %dma_wait3A_352 = tpu.memref_slice %arg6[%add3A_241, %dma_wait3A_351] : memref<4096x128xi32, #tpu.memory_space<hbm>> -> memref<1x128xi32, #tpu.memory_space<hbm>>
          %dma_wait3A_353 = tpu.memref_squeeze %dma_wait3A_352 : memref<1x128xi32, #tpu.memory_space<hbm>> -> memref<128xi32, #tpu.memory_space<hbm>>
          tpu.wait_dma2 semaphore(%run_scoped3A : memref<!tpu.dma_semaphore, #tpu.memory_space<semaphore_mem>>) src(%arg15 : memref<128xi32, #tpu.memory_space<vmem>>) dst(%dma_wait3A_353 : memref<128xi32, #tpu.memory_space<hbm>>)
          tpu.yield
        }) : () -> ()
        %scan3A_341 = arith.constant 0 : i32
        scf.yield %scan3A_341 : i32
      }
      %scan3A_237 = arith.constant 16 : i32
      %scan3A_238 = arith.constant 0 : i32
      scf.yield %scan3A_238 : i32
    }
    %scan3A_7 = arith.constant 8 : i32
    return
  }
}

module attributes {stable_mosaic.version = 14 : i64} {
  func.func @_dist_body(%arg0: i32, %arg1: i32, %arg2: memref<256x128xf32, #tpu.memory_space<vmem>>, %arg3: memref<1024x128xf32, #tpu.memory_space<vmem>>, %arg4: memref<256x8x128xf32, #tpu.memory_space<vmem>>, %arg5: memref<64x256xf32, #tpu.memory_space<vmem>>, %arg6: memref<256x128xf32, #tpu.memory_space<vmem>>, %arg7: memref<16x256x128xf32, #tpu.memory_space<vmem>>, %arg8: memref<16x256x128xf32, #tpu.memory_space<vmem>>, %arg9: memref<1x1024xf32, #tpu.memory_space<vmem>>, %arg10: memref<1024x1xf32, #tpu.memory_space<vmem>>, %arg11: memref<16x256x1xf32, #tpu.memory_space<vmem>>, %arg12: memref<16x1x256xf32, #tpu.memory_space<vmem>>) attributes {dimension_semantics = [#tpu.dimension_semantics<arbitrary>, #tpu.dimension_semantics<arbitrary>], iteration_bounds = array<i64: 98, 16>, scalar_prefetch = 0 : i64, scratch_operands = 6 : i64, tpu.core_type = #tpu.core_type<tc>, window_params = [{transform_indices = @transform_0, window_bounds = array<i64: 256, 128>}, {transform_indices = @transform_1, window_bounds = array<i64: 1024, 128>}, {transform_indices = @transform_2, window_bounds = array<i64: 256, 8, 128>}, {transform_indices = @transform_3, window_bounds = array<i64: 64, 256>}, {transform_indices = @transform_4, window_bounds = array<i64: 256, 128>}]} {
    %get3A = arith.constant 0 : index
    %get3A_0 = arith.constant 0 : index
    %get3A_1 = vector.load %arg3[%get3A, %get3A_0] : memref<1024x128xf32, #tpu.memory_space<vmem>>, vector<1024x128xf32>
    %eq3A = arith.constant 0 : i32
    %eq3A_2 = arith.cmpi eq, %arg1, %eq3A : i32
    %convert_element_type3A = arith.extui %eq3A_2 : i1 to i32
    %cond3A = arith.constant 0 : i32
    %cond3A_3 = arith.cmpi ne, %convert_element_type3A, %cond3A : i32
    scf.if %cond3A_3 {
      %mul3A_111 = arith.mulf %get3A_1, %get3A_1 : vector<1024x128xf32>
      %reduce_sum3A = arith.constant dense<0.000000e+00> : vector<1024xf32>
      %reduce_sum3A_112 = vector.multi_reduction <add>, %mul3A_111, %reduce_sum3A [1] : vector<1024x128xf32> to vector<1024xf32>
      %broadcast_in_dim3A = vector.shape_cast %reduce_sum3A_112 : vector<1024xf32> to vector<1024x1xf32>
      %mul3A_113 = arith.constant 7.812500e-03 : f32
      %mul3A_114 = vector.broadcast %mul3A_113 : f32 to vector<1024x1xf32>
      %mul3A_115 = arith.mulf %broadcast_in_dim3A, %mul3A_114 : vector<1024x1xf32>
      %swap3A_116 = arith.constant 0 : index
      %swap3A_117 = arith.constant 0 : index
      %swap3A_118 = vector.load %arg10[%swap3A_116, %swap3A_117] : memref<1024x1xf32, #tpu.memory_space<vmem>>, vector<1024x1xf32>
      tpu.vector_store %arg10[%swap3A_116, %swap3A_117], %mul3A_115 {strides = array<i32>} : memref<1024x1xf32, #tpu.memory_space<vmem>>, vector<1024x1xf32>,
      %broadcast_in_dim3A_119 = arith.constant 1.000000e+00 : f32
      %broadcast_in_dim3A_120 = vector.broadcast %broadcast_in_dim3A_119 : f32 to vector<8x128xf32>
      %mul3A_121 = arith.mulf %get3A_1, %get3A_1 : vector<1024x128xf32>
      %dot_general3A_122 = arith.constant dense<0.000000e+00> : vector<8x1024xf32>
      %dot_general3A_123 = tpu.matmul %broadcast_in_dim3A_120, %mul3A_121, %dot_general3A_122 {dimension_numbers = #tpu.dot_dimension_numbers<[1], [1], [0], [0], [0, 0, 1, 0], [], []>, precision = #tpu.contract_precision<fp32>, transpose_lhs_hint = false} : vector<8x128xf32>, vector<1024x128xf32>, vector<8x1024xf32> -> vector<8x1024xf32>
      %slice3A_124 = vector.extract_strided_slice %dot_general3A_123 {offsets = [0, 0], sizes = [1, 1024], strides = [1, 1]} : vector<8x1024xf32> to vector<1x1024xf32>
      %mul3A_125 = arith.constant 7.812500e-03 : f32
      %mul3A_126 = vector.broadcast %mul3A_125 : f32 to vector<1x1024xf32>
      %mul3A_127 = arith.mulf %slice3A_124, %mul3A_126 : vector<1x1024xf32>
      %swap3A_128 = arith.constant 0 : index
      %swap3A_129 = arith.constant 0 : index
      %swap3A_130 = vector.load %arg9[%swap3A_128, %swap3A_129] : memref<1x1024xf32, #tpu.memory_space<vmem>>, vector<1x1024xf32>
      tpu.vector_store %arg9[%swap3A_128, %swap3A_129], %mul3A_127 {strides = array<i32>} : memref<1x1024xf32, #tpu.memory_space<vmem>>, vector<1x1024xf32>,
    } else {
    }
    %eq3A_4 = arith.constant 0 : i32
    %eq3A_5 = arith.cmpi eq, %arg0, %eq3A_4 : i32
    %convert_element_type3A_6 = arith.extui %eq3A_5 : i1 to i32
    %cond3A_7 = arith.constant 0 : i32
    %cond3A_8 = arith.cmpi ne, %convert_element_type3A_6, %cond3A_7 : i32
    scf.if %cond3A_8 {
      %get3A_111 = arith.constant 0 : index
      %get3A_112 = arith.constant 0 : index
      %get3A_113 = vector.load %arg2[%get3A_111, %get3A_112] : memref<256x128xf32, #tpu.memory_space<vmem>>, vector<256x128xf32>
      %mul3A_114 = arith.mulf %get3A_113, %get3A_113 : vector<256x128xf32>
      %reduce_sum3A = arith.constant dense<0.000000e+00> : vector<256xf32>
      %reduce_sum3A_115 = vector.multi_reduction <add>, %mul3A_114, %reduce_sum3A [1] : vector<256x128xf32> to vector<256xf32>
      %broadcast_in_dim3A = vector.shape_cast %reduce_sum3A_115 : vector<256xf32> to vector<256x1xf32>
      %mul3A_116 = arith.constant 7.812500e-03 : f32
      %mul3A_117 = vector.broadcast %mul3A_116 : f32 to vector<256x1xf32>
      %mul3A_118 = arith.mulf %broadcast_in_dim3A, %mul3A_117 : vector<256x1xf32>
      %swap3A_119 = arith.index_cast %arg1 : i32 to index
      %swap3A_120 = arith.constant 0 : index
      %swap3A_121 = arith.constant 0 : index
      %swap3A_122 = vector.load %arg11[%swap3A_119, %swap3A_120, %swap3A_121] : memref<16x256x1xf32, #tpu.memory_space<vmem>>, vector<1x256x1xf32>
      %swap3A_123 = vector.shape_cast %swap3A_122 : vector<1x256x1xf32> to vector<256x1xf32>
      %swap3A_124 = vector.shape_cast %mul3A_118 : vector<256x1xf32> to vector<1x256x1xf32>
      tpu.vector_store %arg11[%swap3A_119, %swap3A_120, %swap3A_121], %swap3A_124 {strides = array<i32>} : memref<16x256x1xf32, #tpu.memory_space<vmem>>, vector<1x256x1xf32>,
      %broadcast_in_dim3A_125 = arith.constant 1.000000e+00 : f32
      %broadcast_in_dim3A_126 = vector.broadcast %broadcast_in_dim3A_125 : f32 to vector<8x128xf32>
      %mul3A_127 = arith.mulf %get3A_113, %get3A_113 : vector<256x128xf32>
      %dot_general3A_128 = arith.constant dense<0.000000e+00> : vector<8x256xf32>
      %dot_general3A_129 = tpu.matmul %broadcast_in_dim3A_126, %mul3A_127, %dot_general3A_128 {dimension_numbers = #tpu.dot_dimension_numbers<[1], [1], [0], [0], [0, 0, 1, 0], [], []>, precision = #tpu.contract_precision<fp32>, transpose_lhs_hint = false} : vector<8x128xf32>, vector<256x128xf32>, vector<8x256xf32> -> vector<8x256xf32>
      %slice3A_130 = vector.extract_strided_slice %dot_general3A_129 {offsets = [0, 0], sizes = [1, 256], strides = [1, 1]} : vector<8x256xf32> to vector<1x256xf32>
      %mul3A_131 = arith.constant 7.812500e-03 : f32
      %mul3A_132 = vector.broadcast %mul3A_131 : f32 to vector<1x256xf32>
      %mul3A_133 = arith.mulf %slice3A_130, %mul3A_132 : vector<1x256xf32>
      %swap3A_134 = arith.index_cast %arg1 : i32 to index
      %swap3A_135 = arith.constant 0 : index
      %swap3A_136 = arith.constant 0 : index
      %swap3A_137 = vector.load %arg12[%swap3A_134, %swap3A_135, %swap3A_136] : memref<16x1x256xf32, #tpu.memory_space<vmem>>, vector<1x1x256xf32>
      %swap3A_138 = vector.shape_cast %swap3A_137 : vector<1x1x256xf32> to vector<1x256xf32>
      %swap3A_139 = vector.shape_cast %mul3A_133 : vector<1x256xf32> to vector<1x1x256xf32>
      tpu.vector_store %arg12[%swap3A_134, %swap3A_135, %swap3A_136], %swap3A_139 {strides = array<i32>} : memref<16x1x256xf32, #tpu.memory_space<vmem>>, vector<1x1x256xf32>,
    } else {
    }
    %get3A_9 = arith.constant 0 : index
    %get3A_10 = arith.constant 0 : index
    %get3A_11 = vector.load %arg2[%get3A_9, %get3A_10] : memref<256x128xf32, #tpu.memory_space<vmem>>, vector<256x128xf32>
    %mul3A = arith.constant 1.562500e-02 : f32
    %mul3A_12 = vector.broadcast %mul3A : f32 to vector<256x128xf32>
    %mul3A_13 = arith.mulf %get3A_11, %mul3A_12 : vector<256x128xf32>
    %get3A_14 = arith.index_cast %arg1 : i32 to index
    %get3A_15 = arith.constant 0 : index
    %get3A_16 = arith.constant 0 : index
    %get3A_17 = vector.load %arg11[%get3A_14, %get3A_15, %get3A_16] : memref<16x256x1xf32, #tpu.memory_space<vmem>>, vector<1x256x1xf32>
    %get3A_18 = vector.shape_cast %get3A_17 : vector<1x256x1xf32> to vector<256x1xf32>
    %get3A_19 = arith.constant 0 : index
    %get3A_20 = arith.constant 0 : index
    %get3A_21 = vector.load %arg9[%get3A_19, %get3A_20] : memref<1x1024xf32, #tpu.memory_space<vmem>>, vector<1x1024xf32>
    %dot_general3A = arith.constant dense<0.000000e+00> : vector<256x1024xf32>
    %dot_general3A_22 = tpu.matmul %mul3A_13, %get3A_1, %dot_general3A {dimension_numbers = #tpu.dot_dimension_numbers<[1], [1], [0], [0], [0, 0, 1, 0], [], []>, transpose_lhs_hint = false} : vector<256x128xf32>, vector<1024x128xf32>, vector<256x1024xf32> -> vector<256x1024xf32>
    %sub3A = vector.broadcast %get3A_18 : vector<256x1xf32> to vector<256x1024xf32>
    %sub3A_23 = arith.subf %sub3A, %dot_general3A_22 : vector<256x1024xf32>
    %add3A = vector.broadcast %get3A_21 : vector<1x1024xf32> to vector<256x1024xf32>
    %add3A_24 = arith.addf %sub3A_23, %add3A : vector<256x1024xf32>
    %reshape3A = vector.shape_cast %add3A_24 : vector<256x1024xf32> to vector<256x8x128xf32>
    %swap3A = arith.constant 0 : index
    %swap3A_25 = arith.constant 0 : index
    %swap3A_26 = arith.constant 0 : index
    %swap3A_27 = vector.load %arg4[%swap3A, %swap3A_25, %swap3A_26] : memref<256x8x128xf32, #tpu.memory_space<vmem>>, vector<256x8x128xf32>
    tpu.vector_store %arg4[%swap3A, %swap3A_25, %swap3A_26], %reshape3A {strides = array<i32>} : memref<256x8x128xf32, #tpu.memory_space<vmem>>, vector<256x8x128xf32>,
    %dot_general3A_28 = arith.constant dense<0.000000e+00> : vector<1024x256xf32>
    %dot_general3A_29 = tpu.matmul %get3A_1, %mul3A_13, %dot_general3A_28 {dimension_numbers = #tpu.dot_dimension_numbers<[1], [1], [0], [0], [0, 0, 1, 0], [], []>, transpose_lhs_hint = false} : vector<1024x128xf32>, vector<256x128xf32>, vector<1024x256xf32> -> vector<1024x256xf32>
    %get3A_30 = arith.constant 0 : index
    %get3A_31 = arith.constant 0 : index
    %get3A_32 = vector.load %arg10[%get3A_30, %get3A_31] : memref<1024x1xf32, #tpu.memory_space<vmem>>, vector<1024x1xf32>
    %sub3A_33 = vector.broadcast %get3A_32 : vector<1024x1xf32> to vector<1024x256xf32>
    %sub3A_34 = arith.subf %sub3A_33, %dot_general3A_29 : vector<1024x256xf32>
    %get3A_35 = arith.index_cast %arg1 : i32 to index
    %get3A_36 = arith.constant 0 : index
    %get3A_37 = arith.constant 0 : index
    %get3A_38 = vector.load %arg12[%get3A_35, %get3A_36, %get3A_37] : memref<16x1x256xf32, #tpu.memory_space<vmem>>, vector<1x1x256xf32>
    %get3A_39 = vector.shape_cast %get3A_38 : vector<1x1x256xf32> to vector<1x256xf32>
    %add3A_40 = vector.broadcast %get3A_39 : vector<1x256xf32> to vector<1024x256xf32>
    %add3A_41 = arith.addf %sub3A_34, %add3A_40 : vector<1024x256xf32>
    %reshape3A_42 = vector.shape_cast %add3A_41 : vector<1024x256xf32> to vector<64x16x256xf32>
    %slice3A = vector.extract_strided_slice %reshape3A_42 {offsets = [0, 0, 0], sizes = [64, 8, 256], strides = [1, 1, 1]} : vector<64x16x256xf32> to vector<64x8x256xf32>
    %slice3A_43 = vector.extract_strided_slice %reshape3A_42 {offsets = [0, 8, 0], sizes = [64, 8, 256], strides = [1, 1, 1]} : vector<64x16x256xf32> to vector<64x8x256xf32>
    %min3A = arith.minimumf %slice3A, %slice3A_43 : vector<64x8x256xf32>
    %reduce_min3A = arith.constant dense<0x7F800000> : vector<64x256xf32>
    %reduce_min3A_44 = vector.multi_reduction <minimumf>, %min3A, %reduce_min3A [1] : vector<64x8x256xf32> to vector<64x256xf32>
    %swap3A_45 = arith.constant 0 : index
    %swap3A_46 = arith.constant 0 : index
    %swap3A_47 = vector.load %arg5[%swap3A_45, %swap3A_46] : memref<64x256xf32, #tpu.memory_space<vmem>>, vector<64x256xf32>
    tpu.vector_store %arg5[%swap3A_45, %swap3A_46], %reduce_min3A_44 {strides = array<i32>} : memref<64x256xf32, #tpu.memory_space<vmem>>, vector<64x256xf32>,
    %eq3A_48 = arith.constant 0 : i32
    %eq3A_49 = arith.cmpi eq, %arg0, %eq3A_48 : i32
    %convert_element_type3A_50 = arith.extui %eq3A_49 : i1 to i32
    %cond3A_51 = arith.constant 0 : i32
    %cond3A_52 = arith.cmpi ne, %convert_element_type3A_50, %cond3A_51 : i32
    scf.if %cond3A_52 {
      %broadcast_in_dim3A = arith.constant 3.000000e+38 : f32
      %broadcast_in_dim3A_111 = vector.broadcast %broadcast_in_dim3A : f32 to vector<256x128xf32>
      %swap3A_112 = arith.index_cast %arg1 : i32 to index
      %swap3A_113 = arith.constant 0 : index
      %swap3A_114 = arith.constant 0 : index
      %swap3A_115 = vector.load %arg7[%swap3A_112, %swap3A_113, %swap3A_114] : memref<16x256x128xf32, #tpu.memory_space<vmem>>, vector<1x256x128xf32>
      %swap3A_116 = vector.shape_cast %swap3A_115 : vector<1x256x128xf32> to vector<256x128xf32>
      %swap3A_117 = vector.shape_cast %broadcast_in_dim3A_111 : vector<256x128xf32> to vector<1x256x128xf32>
      tpu.vector_store %arg7[%swap3A_112, %swap3A_113, %swap3A_114], %swap3A_117 {strides = array<i32>} : memref<16x256x128xf32, #tpu.memory_space<vmem>>, vector<1x256x128xf32>,
      %broadcast_in_dim3A_118 = arith.constant 3.000000e+38 : f32
      %broadcast_in_dim3A_119 = vector.broadcast %broadcast_in_dim3A_118 : f32 to vector<256x128xf32>
      %swap3A_120 = arith.index_cast %arg1 : i32 to index
      %swap3A_121 = arith.constant 0 : index
      %swap3A_122 = arith.constant 0 : index
      %swap3A_123 = vector.load %arg8[%swap3A_120, %swap3A_121, %swap3A_122] : memref<16x256x128xf32, #tpu.memory_space<vmem>>, vector<1x256x128xf32>
      %swap3A_124 = vector.shape_cast %swap3A_123 : vector<1x256x128xf32> to vector<256x128xf32>
      %swap3A_125 = vector.shape_cast %broadcast_in_dim3A_119 : vector<256x128xf32> to vector<1x256x128xf32>
      tpu.vector_store %arg8[%swap3A_120, %swap3A_121, %swap3A_122], %swap3A_125 {strides = array<i32>} : memref<16x256x128xf32, #tpu.memory_space<vmem>>, vector<1x256x128xf32>,
    } else {
    }
    %get3A_53 = arith.index_cast %arg1 : i32 to index
    %get3A_54 = arith.constant 0 : index
    %get3A_55 = arith.constant 0 : index
    %get3A_56 = vector.load %arg7[%get3A_53, %get3A_54, %get3A_55] : memref<16x256x128xf32, #tpu.memory_space<vmem>>, vector<1x256x128xf32>
    %get3A_57 = vector.shape_cast %get3A_56 : vector<1x256x128xf32> to vector<256x128xf32>
    %get3A_58 = arith.index_cast %arg1 : i32 to index
    %get3A_59 = arith.constant 0 : index
    %get3A_60 = arith.constant 0 : index
    %get3A_61 = vector.load %arg8[%get3A_58, %get3A_59, %get3A_60] : memref<16x256x128xf32, #tpu.memory_space<vmem>>, vector<1x256x128xf32>
    %get3A_62 = vector.shape_cast %get3A_61 : vector<1x256x128xf32> to vector<256x128xf32>
    %slice3A_63 = vector.extract_strided_slice %add3A_24 {offsets = [0, 0], sizes = [256, 128], strides = [1, 1]} : vector<256x1024xf32> to vector<256x128xf32>
    %max3A = arith.maximumf %get3A_57, %slice3A_63 : vector<256x128xf32>
    %min3A_64 = arith.minimumf %get3A_62, %max3A : vector<256x128xf32>
    %min3A_65 = arith.minimumf %get3A_57, %slice3A_63 : vector<256x128xf32>
    %slice3A_66 = vector.extract_strided_slice %add3A_24 {offsets = [0, 128], sizes = [256, 128], strides = [1, 1]} : vector<256x1024xf32> to vector<256x128xf32>
    %max3A_67 = arith.maximumf %min3A_65, %slice3A_66 : vector<256x128xf32>
    %min3A_68 = arith.minimumf %min3A_64, %max3A_67 : vector<256x128xf32>
    %min3A_69 = arith.minimumf %min3A_65, %slice3A_66 : vector<256x128xf32>
    %slice3A_70 = vector.extract_strided_slice %add3A_24 {offsets = [0, 256], sizes = [256, 128], strides = [1, 1]} : vector<256x1024xf32> to vector<256x128xf32>
    %max3A_71 = arith.maximumf %min3A_69, %slice3A_70 : vector<256x128xf32>
    %min3A_72 = arith.minimumf %min3A_68, %max3A_71 : vector<256x128xf32>
    %min3A_73 = arith.minimumf %min3A_69, %slice3A_70 : vector<256x128xf32>
    %slice3A_74 = vector.extract_strided_slice %add3A_24 {offsets = [0, 384], sizes = [256, 128], strides = [1, 1]} : vector<256x1024xf32> to vector<256x128xf32>
    %max3A_75 = arith.maximumf %min3A_73, %slice3A_74 : vector<256x128xf32>
    %min3A_76 = arith.minimumf %min3A_72, %max3A_75 : vector<256x128xf32>
    %min3A_77 = arith.minimumf %min3A_73, %slice3A_74 : vector<256x128xf32>
    %slice3A_78 = vector.extract_strided_slice %add3A_24 {offsets = [0, 512], sizes = [256, 128], strides = [1, 1]} : vector<256x1024xf32> to vector<256x128xf32>
    %max3A_79 = arith.maximumf %min3A_77, %slice3A_78 : vector<256x128xf32>
    %min3A_80 = arith.minimumf %min3A_76, %max3A_79 : vector<256x128xf32>
    %min3A_81 = arith.minimumf %min3A_77, %slice3A_78 : vector<256x128xf32>
    %slice3A_82 = vector.extract_strided_slice %add3A_24 {offsets = [0, 640], sizes = [256, 128], strides = [1, 1]} : vector<256x1024xf32> to vector<256x128xf32>
    %max3A_83 = arith.maximumf %min3A_81, %slice3A_82 : vector<256x128xf32>
    %min3A_84 = arith.minimumf %min3A_80, %max3A_83 : vector<256x128xf32>
    %min3A_85 = arith.minimumf %min3A_81, %slice3A_82 : vector<256x128xf32>
    %slice3A_86 = vector.extract_strided_slice %add3A_24 {offsets = [0, 768], sizes = [256, 128], strides = [1, 1]} : vector<256x1024xf32> to vector<256x128xf32>
    %max3A_87 = arith.maximumf %min3A_85, %slice3A_86 : vector<256x128xf32>
    %min3A_88 = arith.minimumf %min3A_84, %max3A_87 : vector<256x128xf32>
    %min3A_89 = arith.minimumf %min3A_85, %slice3A_86 : vector<256x128xf32>
    %slice3A_90 = vector.extract_strided_slice %add3A_24 {offsets = [0, 896], sizes = [256, 128], strides = [1, 1]} : vector<256x1024xf32> to vector<256x128xf32>
    %max3A_91 = arith.maximumf %min3A_89, %slice3A_90 : vector<256x128xf32>
    %min3A_92 = arith.minimumf %min3A_88, %max3A_91 : vector<256x128xf32>
    %min3A_93 = arith.minimumf %min3A_89, %slice3A_90 : vector<256x128xf32>
    %swap3A_94 = arith.index_cast %arg1 : i32 to index
    %swap3A_95 = arith.constant 0 : index
    %swap3A_96 = arith.constant 0 : index
    %swap3A_97 = vector.load %arg7[%swap3A_94, %swap3A_95, %swap3A_96] : memref<16x256x128xf32, #tpu.memory_space<vmem>>, vector<1x256x128xf32>
    %swap3A_98 = vector.shape_cast %swap3A_97 : vector<1x256x128xf32> to vector<256x128xf32>
    %swap3A_99 = vector.shape_cast %min3A_93 : vector<256x128xf32> to vector<1x256x128xf32>
    tpu.vector_store %arg7[%swap3A_94, %swap3A_95, %swap3A_96], %swap3A_99 {strides = array<i32>} : memref<16x256x128xf32, #tpu.memory_space<vmem>>, vector<1x256x128xf32>,
    %swap3A_100 = arith.index_cast %arg1 : i32 to index
    %swap3A_101 = arith.constant 0 : index
    %swap3A_102 = arith.constant 0 : index
    %swap3A_103 = vector.load %arg8[%swap3A_100, %swap3A_101, %swap3A_102] : memref<16x256x128xf32, #tpu.memory_space<vmem>>, vector<1x256x128xf32>
    %swap3A_104 = vector.shape_cast %swap3A_103 : vector<1x256x128xf32> to vector<256x128xf32>
    %swap3A_105 = vector.shape_cast %min3A_92 : vector<256x128xf32> to vector<1x256x128xf32>
    tpu.vector_store %arg8[%swap3A_100, %swap3A_101, %swap3A_102], %swap3A_105 {strides = array<i32>} : memref<16x256x128xf32, #tpu.memory_space<vmem>>, vector<1x256x128xf32>,
    %eq3A_106 = arith.constant 97 : i32
    %eq3A_107 = arith.cmpi eq, %arg0, %eq3A_106 : i32
    %convert_element_type3A_108 = arith.extui %eq3A_107 : i1 to i32
    %cond3A_109 = arith.constant 0 : i32
    %cond3A_110 = arith.cmpi ne, %convert_element_type3A_108, %cond3A_109 : i32
    scf.if %cond3A_110 {
      %get3A_111 = arith.index_cast %arg1 : i32 to index
      %get3A_112 = arith.constant 0 : index
      %get3A_113 = arith.constant 0 : index
      %get3A_114 = vector.load %arg7[%get3A_111, %get3A_112, %get3A_113] : memref<16x256x128xf32, #tpu.memory_space<vmem>>, vector<1x256x128xf32>
      %get3A_115 = vector.shape_cast %get3A_114 : vector<1x256x128xf32> to vector<256x128xf32>
      %get3A_116 = arith.index_cast %arg1 : i32 to index
      %get3A_117 = arith.constant 0 : index
      %get3A_118 = arith.constant 0 : index
      %get3A_119 = vector.load %arg8[%get3A_116, %get3A_117, %get3A_118] : memref<16x256x128xf32, #tpu.memory_space<vmem>>, vector<1x256x128xf32>
      %get3A_120 = vector.shape_cast %get3A_119 : vector<1x256x128xf32> to vector<256x128xf32>
      %concatenate3A = tpu.concatenate %get3A_115, %get3A_120 in 1 : vector<256x128xf32>, vector<256x128xf32> -> vector<256x256xf32>
      %reduce_min3A_121 = arith.constant dense<0x7F800000> : vector<256xf32>
      %reduce_min3A_122 = vector.multi_reduction <minimumf>, %concatenate3A, %reduce_min3A_121 [1] : vector<256x256xf32> to vector<256xf32>
      %broadcast_in_dim3A = vector.shape_cast %reduce_min3A_122 : vector<256xf32> to vector<256x1xf32>
      %reduce_max3A = arith.constant dense<0xFF800000> : vector<256xf32>
      %reduce_max3A_123 = vector.multi_reduction <maximumf>, %concatenate3A, %reduce_max3A [1] : vector<256x256xf32> to vector<256xf32>
      %broadcast_in_dim3A_124 = vector.shape_cast %reduce_max3A_123 : vector<256xf32> to vector<256x1xf32>
      %scan3A = arith.constant 0 : i32
      %scan3A_125 = arith.constant 30 : i32
      %scan3A_126 = arith.addi %scan3A, %scan3A_125 : i32
      %scan3A_127 = arith.constant 1 : i32
      %scan3A_128:2 = scf.for %scan3A_141 = %scan3A to %scan3A_126 step %scan3A_127 iter_args(%scan3A_142 = %broadcast_in_dim3A, %scan3A_143 = %broadcast_in_dim3A_124) -> (vector<256x1xf32>, vector<256x1xf32>)  : i32 {
        %add3A_144 = arith.addf %scan3A_142, %scan3A_143 : vector<256x1xf32>
        %mul3A_145 = arith.constant 5.000000e-01 : f32
        %mul3A_146 = vector.broadcast %mul3A_145 : f32 to vector<256x1xf32>
        %mul3A_147 = arith.mulf %mul3A_146, %add3A_144 : vector<256x1xf32>
        %le3A = vector.broadcast %mul3A_147 : vector<256x1xf32> to vector<256x256xf32>
        %le3A_148 = arith.cmpf ole, %concatenate3A, %le3A : vector<256x256xf32>
        %convert_element_type3A_149 = arith.extui %le3A_148 : vector<256x256xi1> to vector<256x256xi32>
        %reduce_sum3A = arith.constant dense<0> : vector<256xi32>
        %reduce_sum3A_150 = vector.multi_reduction <add>, %convert_element_type3A_149, %reduce_sum3A [1] : vector<256x256xi32> to vector<256xi32>
        %broadcast_in_dim3A_151 = vector.shape_cast %reduce_sum3A_150 : vector<256xi32> to vector<256x1xi32>
        %ge3A = arith.constant 100 : i32
        %ge3A_152 = vector.broadcast %ge3A : i32 to vector<256x1xi32>
        %ge3A_153 = arith.cmpi sge, %broadcast_in_dim3A_151, %ge3A_152 : vector<256x1xi32>
        %select_n3A = arith.select %ge3A_153, %scan3A_142, %mul3A_147 : vector<256x1xi1>, vector<256x1xf32>
        %select_n3A_154 = arith.select %ge3A_153, %mul3A_147, %scan3A_143 : vector<256x1xi1>, vector<256x1xf32>
        scf.yield %select_n3A, %select_n3A_154 : vector<256x1xf32>, vector<256x1xf32>
      }
      %abs3A = math.absf %scan3A_128#1 : vector<256x1xf32>
      %mul3A_129 = arith.constant 9.99999974E-6 : f32
      %mul3A_130 = vector.broadcast %mul3A_129 : f32 to vector<256x1xf32>
      %mul3A_131 = arith.mulf %mul3A_130, %abs3A : vector<256x1xf32>
      %add3A_132 = arith.constant 1.000000e-03 : f32
      %add3A_133 = vector.broadcast %add3A_132 : f32 to vector<256x1xf32>
      %add3A_134 = arith.addf %add3A_133, %mul3A_131 : vector<256x1xf32>
      %add3A_135 = arith.addf %scan3A_128#1, %add3A_134 : vector<256x1xf32>
      %broadcast_in_dim3A_136 = vector.shape_cast %add3A_135 : vector<256x1xf32> to vector<256x1xf32>
      %broadcast_in_dim3A_137 = vector.broadcast %broadcast_in_dim3A_136 : vector<256x1xf32> to vector<256x128xf32>
      %swap3A_138 = arith.constant 0 : index
      %swap3A_139 = arith.constant 0 : index
      %swap3A_140 = vector.load %arg6[%swap3A_138, %swap3A_139] : memref<256x128xf32, #tpu.memory_space<vmem>>, vector<256x128xf32>
      tpu.vector_store %arg6[%swap3A_138, %swap3A_139], %broadcast_in_dim3A_137 {strides = array<i32>} : memref<256x128xf32, #tpu.memory_space<vmem>>, vector<256x128xf32>,
    } else {
    }
    return
  }
  func.func @transform_0(%arg0: i32, %arg1: i32) -> (i32, i32) {
    %c0_i32 = arith.constant 0 : i32
    %c0_i32_0 = arith.constant 0 : i32
    return %arg1, %c0_i32 : i32, i32
  }
  func.func @transform_1(%arg0: i32, %arg1: i32) -> (i32, i32) {
    %c0_i32 = arith.constant 0 : i32
    %c0_i32_0 = arith.constant 0 : i32
    return %arg0, %c0_i32 : i32, i32
  }
  func.func @transform_2(%arg0: i32, %arg1: i32) -> (i32, i32, i32) {
    %c0_i32 = arith.constant 0 : i32
    %c0_i32_0 = arith.constant 0 : i32
    return %arg1, %arg0, %c0_i32 : i32, i32, i32
  }
  func.func @transform_3(%arg0: i32, %arg1: i32) -> (i32, i32) {
    %c0_i32 = arith.constant 0 : i32
    return %arg0, %arg1 : i32, i32
  }
  func.func @transform_4(%arg0: i32, %arg1: i32) -> (i32, i32) {
    %c0_i32 = arith.constant 0 : i32
    %c0_i32_0 = arith.constant 0 : i32
    return %arg1, %c0_i32 : i32, i32
  }
}

</mosaic_0001>

<sc_bundles>
// kernel: kernel.4.cloned.1.call-start
scs
__scs_entry_jumppad:
0x0: {  	(pc) =	sbr.rel $0x88, $3  }
0x1: {  	(tag) =	ssettag $0x0;
	lr =	simm.s32 $0x1  }
0x2: {  	[smem:$0x3F9F] =	sst lr;
	_ =	strace $0xD0000000  }
0x3: {  	_ = 	snop  }
0x4: {  	_ = 	snop  }
0x5: {  	_ = 	snop  }
0x6: {  	_ = 	snop  }
0x7: {  	_ = 	snop  }
__scs_overlays_trampoline_lowered:
0x8: {  	[smem:$0x3FAE] =	sst s0  }
0x9: {  	[smem:$0x3FAF] =	sst s1  }
0xa: {  	[smem:$0x3FB0] =	sst s2  }
0xb: {  	[smem:$0x3FB1] =	sst s3  }
0xc: {  	[smem:$0x3FB2] =	sst s4  }
0xd: {  	[smem:$0x3FB3] =	sst s5  }
0xe: {  	[smem:$0x3FB4] =	sst s6  }
0xf: {  	[smem:$0x3FB5] =	sst s7  }
0x10: {  	[smem:$0x3FB6] =	sst s8  }
0x11: {  	[smem:$0x3FB7] =	sst s9;
	s0 =	simm.s32 @!p0 $0x0  }
0x12: {  	s1 =	sld [smem:$0x3F9D];
	s0 =	simm.s32 @p0 $0x1  }
0x13: {  	[smem:$0x3FB8] =	sst s0;
	s0 =	simm.s32 @!p1 $0x0  }
0x14: {  	s2 =	sld [smem:$0x3F9C];
	s0 =	simm.s32 @p1 $0x1  }
0x15: {  	[smem:$0x3FB9] =	sst s0;
	s0 =	simm.s32 @!p2 $0x0  }
0x16: {  	s3 =	sld [smem:$0x3FDB];
	s0 =	simm.s32 @p2 $0x1  }
0x17: {  	s4 =	simm.s32 $0x1BF5;
	[smem:$0x3FBB] =	sst s0  }
0x18: {  	s0 =	sld [smem:$0x3F9E];
	_ =	swait.ge [sflag:s4], $0x0  }
0x19: {  	s7 =	sld [smem:$0x3F9F]  }
0x1a: {  	s8 =	sadd.s32 $0xFFFFE003, lr  }
0x1b: {  	s9 =	sadd.s32 $0xFFFFFEF7, lr;
	s5 =	simm.s32 $0xFFFFFFFF;
	p2 =	slt.u32 s8, $0xFFFFF086  }
0x1c: {  	p1 =	slt.u32 s9, $0xF7A;
	s5 =	simm.s32 @!p2 $0x0  }
0x1d: {  	s5 =	simm.s32 @p1 $0x1;
	p0 =	seq.s32 s7, s2  }
0x1e: {  	s7 =	smul.u32 @!p0 $0xF7A, s2;
	p2 =	seq.s32 @!p0 s5, $0x0  }
0x1f: {  	s9 =	smul.u32 $0xF7A, s1;
	s8 =	simm.s32 @!p0 $0x1BF5;
	p2 =	por !p2, p0  }
0x20: {  	[sflag:s8] =	ssyncset.s32 @!p0 $0xFFFFF086;
	s6 =	sadd.s32 @!p0 s3, s7;
	s7 =	simm.s32 @!p0 $0x108  }
0x21: {  	s3 =	sadd.s32 s3, s9;
	s6 =	sadd.s32 @!p0 $0x88, s6;
	s7 =	simm.s32 @p2 $0x1082  }
0x22: {  	[simem:s7], [sflag:s8] =	dma.local @!p0 [hbm:s6], $0xF7A  }
0x23: {  	s9 =	sor.u32 $0xD0000000, s2;
	s6 =	simm.s32 $0x108;
	_ =	swait.ge @!p0 [sflag:s8], $0x0  }
0x24: {  	s3 =	sadd.s32 $0x88, s3;
	s6 =	simm.s32 @!p1 $0x1082;
	[sflag:s4] =	ssyncset.s32 $0xFFFFF086  }
0x25: {  	[simem:s6], [sflag:s4] =	dma.local [hbm:s3], $0xF7A  }
0x26: {  	[smem:$0x3F9F] =	sst s1;
	(tag) =	ssettag s2;
	_ =	strace s9  }
0x27: {  	s1 =	sld [smem:$0x3FAF]  }
0x28: {  	s2 =	sld [smem:$0x3FB0]  }
0x29: {  	s4 =	sld [smem:$0x3FB2]  }
0x2a: {  	p0 =	seq.s32 s5, $0x0;
	s5 =	sld [smem:$0x3FB3]  }
0x2b: {  	s6 =	sld [smem:$0x3FB4]  }
0x2c: {  	s7 =	sld [smem:$0x3FB5]  }
0x2d: {  	s3 =	simm.s32 $0x108;
	s8 =	sld [smem:$0x3FB6]  }
0x2e: {  	s3 =	simm.s32 @!p0 $0x1082;
	s9 =	sld [smem:$0x3FB7]  }
0x2f: {  	lr =	sadd.s32 s0, s3;
	s0 =	sld [smem:$0x3FAE]  }
0x30: {  	s3 =	sld [smem:$0x3FB1]  }
0x31: {  	[smem:$0x3FBA] =	sst s10  }
0x32: {  	s10 =	sld [smem:$0x3FB8];
	_ =	sdelay $0x3  }
0x33: {  	p0 =	seq.s32 s10, $0x1;
	s10 =	sld [smem:$0x3FBA];
	_ =	sdelay $0x3  }
0x34: {  	[smem:$0x3FBA] =	sst s10  }
0x35: {  	s10 =	sld [smem:$0x3FB9];
	_ =	sdelay $0x3  }
0x36: {  	p1 =	seq.s32 s10, $0x1;
	s10 =	sld [smem:$0x3FBA];
	_ =	sdelay $0x3  }
0x37: {  	[smem:$0x3FBA] =	sst s10  }
0x38: {  	s10 =	sld [smem:$0x3FBB]  }
0x39: {  	_ = 	snop;
	(pc) =	sbr.ind lr, $3  }
0x3a: {  	_ = 	snop  }
0x3b: {  	_ = 	snop  }
0x3c: {  	p2 =	seq.s32 s10, $0x1;
	s10 =	sld [smem:$0x3FBA]  }
0x3d: {  	_ =	shalt  }
0x3e: {  	_ =	shalt  }
0x3f: {  	_ =	shalt  }
0x40: {  	_ =	shalt  }
0x41: {  	_ =	shalt  }
0x42: {  	_ =	shalt  }
0x43: {  	_ =	shalt  }
0x44: {  	_ =	shalt  }
0x45: {  	_ =	shalt  }
0x46: {  	_ =	shalt  }
0x47: {  	_ =	shalt  }
0x48: {  	_ =	shalt  }
0x49: {  	_ =	shalt  }
0x4a: {  	_ =	shalt  }
0x4b: {  	_ =	shalt  }
0x4c: {  	_ =	shalt  }
0x4d: {  	_ =	shalt  }
0x4e: {  	_ =	shalt  }
0x4f: {  	_ =	shalt  }
0x50: {  	_ =	shalt  }
0x51: {  	_ =	shalt  }
0x52: {  	_ =	shalt  }
0x53: {  	_ =	shalt  }
0x54: {  	_ =	shalt  }
0x55: {  	_ =	shalt  }
0x56: {  	_ =	shalt  }
0x57: {  	_ =	shalt  }
0x58: {  	_ =	shalt  }
0x59: {  	_ =	shalt  }
0x5a: {  	_ =	shalt  }
0x5b: {  	_ =	shalt  }
0x5c: {  	_ =	shalt  }
0x5d: {  	_ =	shalt  }
0x5e: {  	_ =	shalt  }
0x5f: {  	_ =	shalt  }
0x60: {  	_ =	shalt  }
0x61: {  	_ =	shalt  }
0x62: {  	_ =	shalt  }
0x63: {  	_ =	shalt  }
0x64: {  	_ =	shalt  }
0x65: {  	_ =	shalt  }
0x66: {  	_ =	shalt  }
0x67: {  	_ =	shalt  }
0x68: {  	_ =	shalt  }
0x69: {  	_ =	shalt  }
0x6a: {  	_ =	shalt  }
0x6b: {  	_ =	shalt  }
0x6c: {  	_ =	shalt  }
0x6d: {  	_ =	shalt  }
0x6e: {  	_ =	shalt  }
0x6f: {  	_ =	shalt  }
0x70: {  	_ =	shalt  }
0x71: {  	_ =	shalt  }
0x72: {  	_ =	shalt  }
0x73: {  	_ =	shalt  }
0x74: {  	_ =	shalt  }
0x75: {  	_ =	shalt  }
0x76: {  	_ =	shalt  }
0x77: {  	_ =	shalt  }
0x78: {  	_ =	shalt  }
0x79: {  	_ =	shalt  }
0x7a: {  	_ =	shalt  }
0x7b: {  	_ =	shalt  }
0x7c: {  	_ =	shalt  }
0x7d: {  	_ =	shalt  }
0x7e: {  	_ =	shalt  }
0x7f: {  	_ =	shalt  }
0x80: {  	_ =	shalt  }
0x81: {  	_ =	shalt  }
0x82: {  	_ =	shalt  }
0x83: {  	_ =	shalt  }
0x84: {  	_ =	shalt  }
0x85: {  	_ =	shalt  }
0x86: {  	_ =	shalt  }
0x87: {  	_ =	shalt  }
.Lfunc_end0:
.L_simem_size_0:
called_computation.1_lowered:
.L_overlay_start_0:
0x88: {  	s2 =	sld [smem:$0x3FD9]  }
0x89: {  	s3 =	sld [smem:$0x3FFE];
	_ =	sdelay $0x1  }
0x8a: {  	s1 =	srdreg.scid  }
0x8b: {  	s0 =	sand.u32 $0x1, s1  }
0x8c: {  	s14 =	sshll.u32 s0, $0xA;
	s2 =	sadd.s32 s3, s2  }
0x8d: {  	s2 =	sadd.s32 s2, s14  }
0x8e: {  	[smem:$0x3FC6] =	sst s2  }
0x8f: {  	_ = 	snop  }
0x90: {  	s2 =	sld [smem:$0x3FD0];
	_ =	sdelay $0x2  }
0x91: {  	s15 =	simm.s32 $0xA;
	s4 =	simm.s32 $0x10  }
0x92: {  	[smem:s4], [sflag:s15] =	dma.local [hbm:s2], $0x1  }
0x93: {  	_ =	swait.eq [sflag:s15], $0x1  }
0x94: {  	[sflag:s15] =	ssyncset.done $0x0  }
0x95: {  	[sflag:s15] =	ssyncadd.s32 $0xFFFFFFFF  }
0x96: {  	s16 =	sld [smem:$0x11];
	(tm) =	ssettm $0x1  }
0x97: {  	s17 =	sld [smem:$0x3FFB];
	_ =	sdelay $0x3  }
0x98: {  	_ =	strace s17  }
0x99: {  	s3 =	sld [smem:$0x3FFC];
	_ =	sdelay $0x3  }
0x9a: {  	_ =	strace s3  }
0x9b: {  	s3 =	sld [smem:$0x3FFD];
	_ =	sdelay $0x3  }
0x9c: {  	_ =	strace s3  }
0x9d: {  	_ =	strace $0x8FFFFFFF  }
0x9e: {  	s18 =	sld [smem:$0x3FDB];
	_ =	sdelay $0x1  }
0x9f: {  	s19 =	simm.s32 $_scs_section_size  }
0xa0: {  	s5 =	simm.s32 $_size__tile_overlayer_lowered;
	s6 =	simm.s32 $_tile_overlayer_lowered  }
0xa1: {  	s22 =	simm.s32 $0x1BFF;
	s21 =	sshll.u32 s6, $0x1;
	s3 =	sadd.s32 s19, s18  }
0xa2: {  	s7 =	simm.s32 $0x0;
	s20 =	sshll.u32 s5, $0x1;
	s5 =	sadd.s32 s21, s3  }
0xa3: {  	[timem:s7], [sflag:s22] =	dma.local [hbm:s5], s20  }
0xa4: {  	_ =	swait.ge [sflag:s22], s20  }
0xa5: {  	s4 =	ssub.s32 $0x0, s20;
	[sflag:s22] =	ssyncset.done $0x0  }
0xa6: {  	[sflag:s22] =	ssyncadd.s32 s4;
	_ =	sdelay $0x1  }
0xa7: {  	s23 =	simm.s32 $0x1B8B  }
0xa8: {  	_ =	swait.ge [sflag:s23], $0x1  }
0xa9: {  	[sflag:s23] =	ssyncset.done $0x0  }
0xaa: {  	s25 =	simm.s32 $0x1B8E;
	s24 =	sld [smem:$0x3FFE];
	[sflag:s23] =	ssyncadd.s32 $0xFFFFFFFF  }
0xab: {  	s26 =	simm.s32 $execute0_lowered;
	[smem:$0x3FD2] =	sst s25  }
0xac: {  	s5 =	sshll.u32 s26, $0x1;
	_ =	strace $0x80000049;
	[dreg:$0x1] =	wrdreg $0xFFFFFFFF  }
0xad: {  	s28 =	simm.s32 $_size_execute0_lowered;
	s3 =	sadd.s32 s3, s5;
	[dreg:$0x0] =	wrdreg $0x0  }
0xae: {  	s5 =	sshll.u32 s28, $0x1;
	[dreg:$0x2] =	wrdreg s3  }
0xaf: {  	[dreg:$0x3] =	wrdreg s5  }
0xb0: {  	[dreg:$0x4] =	wrdreg $0xC0  }
0xb1: {  	_ =	task [dreg:s7], $0x5FFFF  }
0xb2: {  	[dreg:$0x1] =	wrdreg $0xFFFFFFFF  }
0xb3: {  	[dreg:$0x0] =	wrdreg $0x60  }
0xb4: {  	[dreg:$0x2] =	wrdreg s24  }
0xb5: {  	[dreg:$0x3] =	wrdreg s16  }
0xb6: {  	[dreg:$0x4] =	wrdreg $0x9  }
0xb7: {  	_ =	task.clear_ibuf [dreg:s7], $0x5FFFF;
	_ =	strace $0x90000049  }
0xb8: {  	s29 =	simm.s32 $0x9;
	_ =	strace $0x8000004B  }
0xb9: {  	_ =	swait.ge [sflag:s29], $0x1  }
0xba: {  	[sflag:s29] =	ssyncadd.s32 $0xFFFFFFFF  }
0xbb: {  	_ =	strace $0x9000004B  }
0xbc: {  	_ =	sfence  }
0xbd: {  	s30 =	sld [smem:$0x0];
	_ =	sdelay $0x2  }
0xbe: {  	s31 =	sshll.u32 s1, $0xD;
	s1 =	sshrl.u32 s1, $0x2  }
0xbf: {  	s3 =	sand.u32 $0x4000, s31;
	s1 =	sadd.s32 s1, s30  }
0xc0: {  	s0 =	sor.u32 s3, s0;
	s1 =	sshll.u32 s1, $0x11  }
0xc1: {  	s0 =	sor.u32 s1, s0  }
0xc2: {  	s0 =	sadd.s32 $0x8F2B, s0  }
0xc3: {  	[sflag:s0] =	ssyncadd.remote.s32 $0x1  }
0xc4: {  	_ =	sfence.sel $0xFFFF  }
0xc5: {  	[dreg:$0x0] =	wrdreg $0xFFFFFFFF;
	(pc) =	sbr.abs _section_cstart, $3  }
0xc6: {  	[dreg:$0x1] =	wrdreg $0xFFFFFFFF  }
0xc7: {  	_ =	task.clear_ibuf [dreg:s7], $0x2FFFF;
	_ =	strace $0x9FFFFFFF  }
0xc8: {  	(tm) =	ssettm $0x7FFFFFFF  }
0xc9: {  	_ =	shalt  }
tec
execute0_lowered:
.L_overlay_start_1:
0x0: {  	(tag) =	ssettag $0x1  }
0x1: {  	s0 =	rddreg [dreg:$0x0]  }
0x2: {  	s1 =	rddreg [dreg:$0x1]  }
0x3: {  	s2 =	simm.s32 $0x0;
	s3 =	srdreg.scid;
	s7 =	stileid.u32  }
0x4: {  	s11 =	simm.s32 $0x1000;
	s12 =	simm.s32 $0x2;
	s13 =	simm.s32 $0x18800  }
0x5: {  	s14 =	simm.s32 $0x18810;
	s15 =	simm.s32 $0x80;
	s16 =	simm.s32 $0x19810  }
0x6: {  	s17 =	simm.s32 $0x1;
	s18 =	simm.s32 $0x1A5E0;
	s19 =	simm.s32 $0x1A660  }
0x7: {  	[smem:$0x7FF] =	sst s2;
	s4 =	sadd.s32 $0x3599000, s0;
	s3 =	sand.u32 $0x1, s3  }
.Ltmp0:
0x8: {  	s5 =	sadd.s32 $0x499000, s0;
	s8 =	ssub.s32 $0x2, s3;
	(pc) =	sbr.rel .LBB2_1-.Ltmp0, $4  }
0x9: {  	s6 =	sadd.s32 $0x1000, s0;
	s10 =	sshll.u32 s7, $0x4;
	s9 =	sshrl.u32 s8, $0x1  }
0xa: {  	v0 =	vlaneseq.u32;
	s7 =	sadd.s32 $0x11000, s0;
	s3 =	sshll.u32 s3, $0x3;
	s31 =	ssub.s32 s8, s9  }
0xb: {  	v1 =	vimm.s32 $0x187F;
	v4 =	vimm.s32 $0x0;
	v5 =	vimm.f32 $1.000000000e+09;
	_ =	strace $0x8000004A;
	s8 =	sor.u32 s3, s10;
	s0 =	smax.u32 s31, $0x1  }
0xc: {  	vm0 =	vmxor vm0, vm0;
	v2 =	vmul.u32 $0x1880, v0;
	v3 =	vmul.u32 $0x100, v0;
	s10 =	simm.s32 $0x10;
	s3 =	simm.s32 $0x0;
	[dreg:$0x4] =	wrdreg s0  }
.LBB2_19:
0xd: {  	s3 =	rddreg [dreg:$0x5]  }
0xe: {  	s0 =	rddreg [dreg:$0x4];
	s3 =	sadd.s32 $0x1, s3  }
0xf: {  	p0 =	sne.s32 s3, s0  }
.Ltmp1:
0x10: {  	_ = 	snop;
	(pc) =	sbr.rel @!p0 .LBB2_20-.Ltmp1, $1  }
0x11: {  	_ =	sdelay $0x3  }
.LBB2_1:
.Ltmp2:
0x12: {  	(pc) =	sbr.rel .LBB2_2-.Ltmp2, $2  }
0x13: {  	_ =	sdelay $0x2  }
0x14: {  	[dreg:$0x5] =	wrdreg s3;
	s21 =	simm.s32 $0x0  }
.LBB2_18:
0x15: {  	s21 =	sadd.s32 $0x1, s21  }
0x16: {  	p0 =	sne.s32 s21, $0x8  }
.Ltmp3:
0x17: {  	_ = 	snop;
	(pc) =	sbr.rel @!p0 .LBB2_19-.Ltmp3, $1  }
0x18: {  	_ =	sdelay $0x3  }
.LBB2_2:
0x19: {  	s0 =	sadd.s32 s8, s21  }
0x1a: {  	s3 =	sshll.u32 s0, $0x1  }
0x1b: {  	s23 =	simm.s32 $0x0;
	s22 =	sadd.s32 s4, s3  }
0x1c: {  	[tilespmem:s23], [sflag:$0x2] =	stream.strided.gather [hbm4b:s22+s10], $0x18800, s11, s10, $0x38;
	[tilespmem:$0x1A6E0] =	vst v63  }
0x1d: {  	_ =	swait.ge [sflag:s12], $0x18800  }
0x1e: {  	[sflag:s12] =	ssyncset.done $0x0  }
0x1f: {  	s3 =	sadd.s32 s1, s3;
	[sflag:s12] =	ssyncadd.s32 $0xFFFE7800  }
0x20: {  	[tilespmem:s13], [sflag:$0x2] =	stream.linear.gather [hbm4b:s3+s23], $0x10, $0x38;
	[tilespmem:$0x1A6E0] =	vst v63  }
0x21: {  	_ =	swait.ge [sflag:s12], $0x10  }
0x22: {  	[sflag:s12] =	ssyncset.done $0x0  }
0x23: {  	[sflag:s12] =	ssyncadd.s32 $0xFFFFFFF0  }
0x24: {  	s3 =	simm.s32 $0x40;
	s23 =	simm.s32 $0x0;
	v7 =	vld [tilespmem:$0x18800]  }
.LBB2_3:
0x25: {  	p0 =	sne.s32 s3, $0x3FC0;
	[tilespmem:s23+$0x18810] =	vst v1;
	s22 =	smov.u32 s3;
	s3 =	sadd.s32 $0x40, s3  }
.Ltmp4:
0x26: {  	(pc) =	sbr.rel @p0 .LBB2_3-.Ltmp4, $2  }
0x27: {  	_ =	sdelay $0x2  }
0x28: {  	s23 =	sshra.s32 s22, $0x2  }
0x29: {  	s22 =	sshll.u32 s0, $0x4  }
0x2a: {  	v6 =	vmov s22  }
0x2b: {  	v6 =	vmul.u32 $0x1880, v6;
	_ =	sdelay $0x1  }
0x2c: {  	v6 =	vbroadcast v6, $0x0;
	_ =	sdelay $0x1  }
0x2d: {  	[tilespmem:s23+$0x18810] =	vst v1;
	s0 =	simm.s32 $0x3;
	s3 =	simm.s32 $0x20;
	v8 =	vadd.s32 v2, v6;
	v6 =	vimm.s32 $0x0  }
.LBB2_5:
0x2e: {  	v9 =	vld [tilespmem:s3+$0xFFFFFFE0];
	_ =	sdelay $0x4  }
0x2f: {  	vm2 =	vlt.s32 v6, $0x100;
	vm3 =	vlt.s32 v6, $0xFF;
	vm1 =	vle.f32 v9, v7  }
0x30: {  	v9 =	vnsel vm3, $0xFF, v6;
	vm1 =	vmand vm2, vm1  }
0x31: {  	v9 =	vadd.s32 v3, v9;
	_ =	sdelay $0x2  }
0x32: {  	s23 =	sadd.s32 $0xFFFFFFFD, s0  }
0x33: {  	v10 =	vadd.s32 s23, v8  }
0x34: {  	[tilespmem:v9+s14+$0x0] =	vst.idx.msk vm1, v10  }
0x35: {  	v9 =	vld [tilespmem:s3+$0xFFFFFFF0];
	_ =	sdelay $0x2  }
0x36: {  	v10 =	vsel vm1, $0x1, v4  }
0x37: {  	v6 =	vadd.s32 v10, v6  }
0x38: {  	vm2 =	vlt.s32 v6, $0x100;
	vm3 =	vlt.s32 v6, $0xFF;
	vm1 =	vle.f32 v9, v7  }
0x39: {  	v9 =	vnsel vm3, $0xFF, v6;
	vm1 =	vmand vm1, vm2  }
0x3a: {  	v9 =	vadd.s32 v3, v9;
	_ =	sdelay $0x2  }
0x3b: {  	s30 =	sadd.s32 $0xFFFFFFFE, s0  }
0x3c: {  	v10 =	vadd.s32 s30, v8  }
0x3d: {  	[tilespmem:v9+s14+$0x0] =	vst.idx.msk vm1, v10  }
0x3e: {  	v9 =	vld [tilespmem:s3+$0x0];
	_ =	sdelay $0x2  }
0x3f: {  	v10 =	vsel vm1, $0x1, v4  }
0x40: {  	v6 =	vadd.s32 v10, v6  }
0x41: {  	vm2 =	vlt.s32 v6, $0x100;
	vm3 =	vlt.s32 v6, $0xFF;
	vm1 =	vle.f32 v9, v7  }
0x42: {  	v9 =	vnsel vm3, $0xFF, v6;
	vm1 =	vmand vm1, vm2  }
0x43: {  	v9 =	vadd.s32 v3, v9;
	_ =	sdelay $0x2  }
0x44: {  	s31 =	sadd.s32 $0xFFFFFFFF, s0  }
0x45: {  	v10 =	vadd.s32 s31, v8  }
0x46: {  	[tilespmem:v9+s14+$0x0] =	vst.idx.msk vm1, v10  }
0x47: {  	v9 =	vld [tilespmem:s3+$0x10];
	_ =	sdelay $0x2  }
0x48: {  	v10 =	vsel vm1, $0x1, v4  }
0x49: {  	v6 =	vadd.s32 v10, v6  }
0x4a: {  	vm2 =	vlt.s32 v6, $0x100;
	vm3 =	vlt.s32 v6, $0xFF;
	vm1 =	vle.f32 v9, v7  }
0x4b: {  	v9 =	vnsel vm3, $0xFF, v6;
	vm1 =	vmand vm1, vm2  }
0x4c: {  	p0 =	sne.s32 s0, $0x187F;
	v9 =	vadd.s32 v3, v9  }
.Ltmp5:
0x4d: {  	_ = 	snop;
	(pc) =	sbr.rel @p0 .LBB2_5-.Ltmp5, $3  }
0x4e: {  	_ =	sdelay $0x1  }
0x4f: {  	v10 =	vadd.s32 s0, v8;
	v11 =	vsel vm1, $0x1, v4  }
0x50: {  	s3 =	sadd.s32 $0x40, s3;
	s0 =	sadd.s32 $0x4, s0;
	v6 =	vadd.s32 v11, v6;
	[tilespmem:v9+s14+$0x0] =	vst.idx.msk vm1, v10  }
0x51: {  	v7 =	vld [tilespmem:$0x18800];
	_ =	sdelay $0x3  }
0x52: {  	(v2sf) =	vpush v6, $0x0  }
0x53: {  	(v2sf) =	vpush v7, $0x0  }
0x54: {  	(v2sf) =	vpush v6, $0x1;
	_ =	sdelay $0x1  }
0x55: {  	(v2sf) =	vpush v7, $0x1  }
0x56: {  	(v2sf) =	vpush v6, $0x2  }
0x57: {  	(v2sf) =	vpush v7, $0x2  }
0x58: {  	(v2sf) =	vpush v6, $0x3;
	_ =	sdelay $0x2  }
0x59: {  	(v2sf) =	vpush v7, $0x3  }
0x5a: {  	(v2sf) =	vpush v6, $0x4  }
0x5b: {  	(v2sf) =	vpush v7, $0x4  }
0x5c: {  	(v2sf) =	vpush v6, $0x5  }
0x5d: {  	(v2sf) =	vpush v7, $0x5  }
0x5e: {  	s0 =	spop (v2sf);
	(v2sf) =	vpush v6, $0x6  }
0x5f: {  	s3 =	spop (v2sf);
	(v2sf) =	vpush v7, $0x6  }
0x60: {  	p0 =	slt.s32 s0, $0xC0;
	s23 =	spop (v2sf);
	(v2sf) =	vpush v6, $0x7  }
0x61: {  	s0 =	simm.s32 @!p0 $0xC0  }
0x62: {  	[smem:$0x0] =	sst s0;
	s25 =	spop (v2sf);
	(v2sf) =	vpush v7, $0x7  }
0x63: {  	[smem:$0x10] =	sst s3;
	p0 =	slt.s32 s23, $0xC0;
	s3 =	spop (v2sf);
	(v2sf) =	vpush v6, $0x8  }
0x64: {  	s23 =	simm.s32 @!p0 $0xC0;
	s26 =	spop (v2sf);
	(v2sf) =	vpush v7, $0x8  }
0x65: {  	[smem:$0x1] =	sst s23;
	s23 =	spop (v2sf);
	(v2sf) =	vpush v6, $0x9  }
0x66: {  	_ = 	snop  }
0x67: {  	p0 =	slt.s32 s3, $0xC0  }
0x68: {  	[smem:$0x11] =	sst s25;
	s3 =	simm.s32 @!p0 $0xC0;
	s28 =	spop (v2sf);
	(v2sf) =	vpush v7, $0x9  }
0x69: {  	[smem:$0x2] =	sst s3;
	p0 =	slt.s32 s23, $0xC0;
	s0 =	spop (v2sf);
	(v2sf) =	vpush v6, $0xA  }
0x6a: {  	[smem:$0x12] =	sst s26;
	s23 =	simm.s32 @!p0 $0xC0;
	s29 =	spop (v2sf);
	(v2sf) =	vpush v7, $0xA  }
0x6b: {  	[smem:$0x3] =	sst s23;
	p0 =	slt.s32 s0, $0xC0;
	s23 =	spop (v2sf);
	(v2sf) =	vpush v6, $0xB  }
0x6c: {  	[smem:$0x13] =	sst s28;
	s0 =	simm.s32 @!p0 $0xC0;
	s30 =	spop (v2sf);
	(v2sf) =	vpush v7, $0xB  }
0x6d: {  	[smem:$0x4] =	sst s0;
	p0 =	slt.s32 s23, $0xC0;
	s3 =	spop (v2sf);
	(v2sf) =	vpush v6, $0xC  }
0x6e: {  	[smem:$0x14] =	sst s29;
	s23 =	simm.s32 @!p0 $0xC0;
	s31 =	spop (v2sf);
	(v2sf) =	vpush v7, $0xC  }
0x6f: {  	[smem:$0x5] =	sst s23;
	s23 =	spop (v2sf);
	(v2sf) =	vpush v6, $0xD  }
0x70: {  	p0 =	slt.s32 s3, $0xC0  }
0x71: {  	[smem:$0x15] =	sst s30;
	s3 =	simm.s32 @!p0 $0xC0;
	s9 =	spop (v2sf);
	(v2sf) =	vpush v7, $0xD  }
0x72: {  	[smem:$0x6] =	sst s3;
	p0 =	slt.s32 s23, $0xC0;
	s0 =	spop (v2sf);
	(v2sf) =	vpush v6, $0xE  }
0x73: {  	[smem:$0x16] =	sst s31;
	s23 =	simm.s32 @!p0 $0xC0;
	s20 =	spop (v2sf);
	(v2sf) =	vpush v7, $0xE  }
0x74: {  	[smem:$0x7] =	sst s23;
	s23 =	spop (v2sf);
	(v2sf) =	vpush v6, $0xF  }
0x75: {  	p0 =	slt.s32 s0, $0xC0  }
0x76: {  	[smem:$0x17] =	sst s9;
	s0 =	simm.s32 @!p0 $0xC0  }
0x77: {  	[smem:$0x8] =	sst s0;
	s24 =	spop (v2sf);
	p0 =	slt.s32 s23, $0xC0;
	(v2sf) =	vpush v7, $0xF  }
0x78: {  	[smem:$0x18] =	sst s20;
	s23 =	simm.s32 @!p0 $0xC0;
	s3 =	spop (v2sf)  }
0x79: {  	[smem:$0x9] =	sst s23;
	s25 =	spop (v2sf);
	p0 =	slt.s32 s3, $0xC0  }
0x7a: {  	[smem:$0x19] =	sst s24;
	s0 =	spop (v2sf);
	s3 =	simm.s32 @!p0 $0xC0  }
0x7b: {  	[smem:$0xA] =	sst s3;
	s26 =	spop (v2sf);
	p0 =	slt.s32 s0, $0xC0  }
0x7c: {  	[smem:$0x1A] =	sst s25;
	s0 =	simm.s32 @!p0 $0xC0;
	s23 =	spop (v2sf)  }
0x7d: {  	[smem:$0xB] =	sst s0;
	p0 =	slt.s32 s23, $0xC0;
	s28 =	spop (v2sf)  }
0x7e: {  	[smem:$0x1B] =	sst s26;
	s23 =	simm.s32 @!p0 $0xC0;
	s3 =	spop (v2sf)  }
0x7f: {  	[smem:$0xC] =	sst s23;
	p0 =	slt.s32 s3, $0xC0  }
0x80: {  	[smem:$0x1C] =	sst s28;
	s29 =	spop (v2sf);
	s3 =	simm.s32 @!p0 $0xC0  }
0x81: {  	s0 =	spop (v2sf);
	[smem:$0xD] =	sst s3  }
0x82: {  	s30 =	spop (v2sf);
	p0 =	slt.s32 s0, $0xC0;
	[smem:$0x1D] =	sst s29  }
.Ltmp6:
0x83: {  	s23 =	spop (v2sf);
	s0 =	simm.s32 @!p0 $0xC0;
	(pc) =	sbr.rel .LBB2_7-.Ltmp6, $4  }
0x84: {  	[smem:$0xE] =	sst s0;
	p0 =	slt.s32 s23, $0xC0  }
0x85: {  	[smem:$0x1E] =	sst s30;
	s23 =	simm.s32 @!p0 $0xC0  }
0x86: {  	s31 =	spop (v2sf);
	[smem:$0xF] =	sst s23  }
0x87: {  	[tilespmem:$0x1A5D0] =	vst v6;
	s24 =	simm.s32 $0x18810;
	s23 =	simm.s32 $0x0;
	[smem:$0x1F] =	sst s31  }
.LBB2_17:
0x88: {  	s0 =	sshll.u32 s25, $0x4  }
0x89: {  	s3 =	sadd.s32 s6, s0  }
0x8a: {  	[hbm4b:s3+s2] =	stream.linear.scatter [tilespmem:s18], [sflag:$0x2], $0x80, $0x38;
	[tilespmem:$0x1A6E0] =	vst v63  }
0x8b: {  	s23 =	sadd.s32 $0x1, s23;
	_ =	swait.ge [sflag:s12], $0x80  }
0x8c: {  	p0 =	sne.s32 s23, $0x10;
	[sflag:s12] =	ssyncset.done $0x0  }
.Ltmp7:
0x8d: {  	s0 =	sadd.s32 s7, s0;
	[sflag:s12] =	ssyncadd.s32 $0xFFFFFF80;
	(pc) =	sbr.rel @!p0 .LBB2_18-.Ltmp7, $4  }
0x8e: {  	[hbm4b:s0+s2] =	stream.linear.scatter [tilespmem:s19], [sflag:$0x2], $0x80, $0x38;
	[tilespmem:$0x1A6E0] =	vst v63  }
0x8f: {  	_ =	swait.ge [sflag:s12], $0x80  }
0x90: {  	[sflag:s12] =	ssyncset.done $0x0  }
0x91: {  	s24 =	sadd.s32 $0x100, s24;
	vm0 =	vmxor vm0, vm0;
	[sflag:s12] =	ssyncadd.s32 $0xFFFFFF80  }
.LBB2_7:
0x92: {  	s0 =	sshll.u32 s23, $0x8  }
0x93: {  	s26 =	sld [smem:s23+$0x0];
	s3 =	sand.u32 $0x3FFFFF00, s0  }
0x94: {  	s25 =	sadd.s32 $0x18810, s3  }
0x95: {  	[tilespmem:s16], [sflag:$0x1] =	stream.indirect.gather [hbm4b:s5+s15], $0x10, s25, s15, $0xb8;
	[tilespmem:$0x1A6E0] =	vst v63  }
0x96: {  	s0 =	sld [smem:s23+$0x10];
	p0 =	slt.s32 s26, $0x81;
	_ =	swait.ge [sflag:s17], $0x800  }
0x97: {  	s3 =	sadd.s32 @!p0 $0x18890, s3;
	[sflag:s17] =	ssyncset.done $0x0  }
0x98: {  	s25 =	simm.s32 @!p0 $0x40;
	s28 =	simm.s32 @!p0 $0x1A010;
	[sflag:s17] =	ssyncadd.s32 $0xFFFFF800  }
0x99: {  	[tilespmem:s28], [sflag:$0x1] =	stream.indirect.gather @!p0 [hbm4b:s5+s25], $0x10, s3, s25, $0xb8;
	[tilespmem:$0x1A6E0] =	vst v63  }
0x9a: {  	s3 =	simm.s32 @!p0 $0x1  }
0x9b: {  	_ =	swait.ge @!p0 [sflag:s3], $0x400  }
0x9c: {  	[sflag:s3] =	ssyncset.done @!p0 $0x0  }
0x9d: {  	[sflag:s3] =	ssyncadd.s32 @!p0 $0xFFFFFC00  }
0x9e: {  	[tilespmem:$0x1A410] =	vst v5  }
0x9f: {  	[tilespmem:$0x1A4F0] =	vst v4  }
0xa0: {  	[tilespmem:$0x1A420] =	vst v5  }
0xa1: {  	[tilespmem:$0x1A500] =	vst v4  }
0xa2: {  	[tilespmem:$0x1A430] =	vst v5  }
0xa3: {  	[tilespmem:$0x1A510] =	vst v4  }
0xa4: {  	[tilespmem:$0x1A440] =	vst v5  }
0xa5: {  	[tilespmem:$0x1A520] =	vst v4  }
0xa6: {  	[tilespmem:$0x1A450] =	vst v5  }
0xa7: {  	[tilespmem:$0x1A530] =	vst v4  }
0xa8: {  	[tilespmem:$0x1A460] =	vst v5  }
0xa9: {  	[tilespmem:$0x1A540] =	vst v4  }
0xaa: {  	[tilespmem:$0x1A470] =	vst v5  }
0xab: {  	[tilespmem:$0x1A550] =	vst v4  }
0xac: {  	[tilespmem:$0x1A480] =	vst v5  }
0xad: {  	s29 =	sadd.s32 $0xF, s26;
	[tilespmem:$0x1A560] =	vst v4  }
0xae: {  	s30 =	sand.u32 $0xF, s29;
	[tilespmem:$0x1A490] =	vst v5  }
0xaf: {  	p6 =	slt.s32 s29, $0x1;
	p1 =	sne.s32 s30, $0x0;
	s28 =	sshra.s32 s29, $0x1F;
	[tilespmem:$0x1A570] =	vst v4  }
0xb0: {  	s31 =	sshrl.u32 s28, $0x1C;
	p0 =	por !p6, !p1;
	[tilespmem:$0x1A4A0] =	vst v5  }
0xb1: {  	s25 =	simm.s32 $0x1;
	s3 =	sadd.s32 s31, s29;
	[tilespmem:$0x1A580] =	vst v4;
	p0 =	por !p0, !p0  }
0xb2: {  	[tilespmem:$0x1A4B0] =	vst v5;
	s3 =	sshra.s32 s3, $0x4;
	s25 =	simm.s32 @!p0 $0x0  }
0xb3: {  	[tilespmem:$0x1A590] =	vst v4;
	s3 =	ssub.s32 s3, s25  }
0xb4: {  	[tilespmem:$0x1A4C0] =	vst v5;
	p0 =	slt.s32 s3, $0x1  }
.Ltmp8:
0xb5: {  	[tilespmem:$0x1A5A0] =	vst v4;
	(pc) =	sbr.rel @p0 .LBB2_13-.Ltmp8, $4  }
0xb6: {  	[tilespmem:$0x1A4D0] =	vst v5  }
0xb7: {  	[tilespmem:$0x1A5B0] =	vst v4  }
0xb8: {  	[tilespmem:$0x1A4E0] =	vst v5  }
0xb9: {  	s28 =	simm.s32 $0x0;
	[tilespmem:$0x1A5C0] =	vst v4;
	s25 =	sor.u32 s22, s23  }
0xba: {  	s28 =	simm.s32 $0x19890  }
0xbb: {  	v8 =	vld [tilespmem:s28+$0xFFFFFF80];
	_ =	sdelay $0x3  }
0xbc: {  	s29 =	smul.u32 $0x1880, s25;
	v6 =	vmov s0;
	p0 =	sgt.s32 s26, $0x0;
	vm1 =	vmmov vm0;
	v7 =	vld [tilespmem:s24+$0x0];
	p1 =	sne.s32 s3, $0x1  }
.Ltmp9:
0xbd: {  	vm1 =	vmneg @p0 vm1;
	vm2 =	vle.f32 v8, v6;
	(pc) =	sbr.rel @!p1 .LBB2_9-.Ltmp9, $4  }
0xbe: {  	[dreg:$0x3] =	wrdreg s29;
	vm1 =	vmand vm1, vm2  }
0xbf: {  	s31 =	rddreg [dreg:$0x3];
	v9 =	vmpcnt.ones.xlane vm1  }
0xc0: {  	v10 =	vmov s31  }
0xc1: {  	s0 =	sadd.s32 $0xFFFFFFFF, s3;
	p0 =	por $0x0, $0x0;
	s29 =	simm.s32 $0xF;
	v7 =	vsub.s32 v7, v10;
	(v2sf) =	vpush v9, $0x0  }
0xc2: {  	_ =	sdelay $0x1  }
0xc3: {  	v7 =	vshll.u32 v7, $0x4  }
0xc4: {  	p0 =	por $0x1, $0x1;
	s3 =	simm.s32 $0x0;
	v9 =	vbroadcast v7, $0x0  }
0xc5: {  	s3 =	simm.s32 @!p0 $0xD0  }
0xc6: {  	[tilespmem:s3+$0x1A410] =	vst.msk vm1, v8;
	v9 =	vor.u32 v0, v9  }
0xc7: {  	[tilespmem:s3+$0x1A4F0] =	vst.msk vm1, v9  }
0xc8: {  	v8 =	vld [tilespmem:s28+$0xFFFFFF90];
	_ =	sdelay $0x3  }
0xc9: {  	p0 =	sgt.s32 s26, $0x1;
	vm1 =	vmmov vm0  }
0xca: {  	vm1 =	vmneg @p0 vm1;
	vm2 =	vle.f32 v8, v6  }
0xcb: {  	vm1 =	vmand vm1, vm2  }
0xcc: {  	(v2sf) =	vpush v7, $0xF;
	v9 =	vmpcnt.ones.xlane vm1;
	s20 =	spop (v2sf)  }
0xcd: {  	s3 =	sadd.s32 $0x0, s20  }
0xce: {  	(v2sf) =	vpush v9, $0x0;
	v9 =	vbroadcast v7, $0x1;
	p0 =	slt.s32 s3, $0xD0;
	s29 =	smov.u32 s3  }
0xcf: {  	s29 =	simm.s32 @!p0 $0xD0  }
0xd0: {  	v9 =	vor.u32 v0, v9;
	[tilespmem:s29+$0x1A410] =	vst.msk vm1, v8  }
0xd1: {  	[tilespmem:s29+$0x1A4F0] =	vst.msk vm1, v9  }
0xd2: {  	v8 =	vld [tilespmem:s28+$0xFFFFFFA0];
	_ =	sdelay $0x3  }
0xd3: {  	p0 =	sgt.s32 s26, $0x2;
	vm1 =	vmmov vm0  }
0xd4: {  	vm1 =	vmneg @p0 vm1;
	vm2 =	vle.f32 v8, v6  }
0xd5: {  	vm1 =	vmand vm1, vm2  }
0xd6: {  	v9 =	vmpcnt.ones.xlane vm1;
	_ =	sdelay $0x1  }
0xd7: {  	s29 =	spop (v2sf);
	(v2sf) =	vpush v9, $0x0;
	_ =	sdelay $0x1  }
0xd8: {  	s30 =	spop (v2sf)  }
0xd9: {  	s3 =	sadd.s32 s3, s30  }
0xda: {  	v9 =	vbroadcast v7, $0x2;
	p0 =	slt.s32 s3, $0xD0;
	s30 =	smov.u32 s3  }
0xdb: {  	s30 =	simm.s32 @!p0 $0xD0  }
0xdc: {  	v9 =	vor.u32 v0, v9;
	[tilespmem:s30+$0x1A410] =	vst.msk vm1, v8  }
0xdd: {  	[tilespmem:s30+$0x1A4F0] =	vst.msk vm1, v9  }
0xde: {  	v8 =	vld [tilespmem:s28+$0xFFFFFFB0];
	_ =	sdelay $0x3  }
0xdf: {  	p0 =	sgt.s32 s26, $0x3;
	vm1 =	vmmov vm0  }
0xe0: {  	vm1 =	vmneg @p0 vm1;
	vm2 =	vle.f32 v8, v6  }
0xe1: {  	vm1 =	vmand vm1, vm2  }
0xe2: {  	v9 =	vmpcnt.ones.xlane vm1;
	s30 =	spop (v2sf)  }
0xe3: {  	s3 =	sadd.s32 s3, s30  }
0xe4: {  	(v2sf) =	vpush v9, $0x0;
	v9 =	vbroadcast v7, $0x3;
	p0 =	slt.s32 s3, $0xD0;
	s30 =	smov.u32 s3  }
0xe5: {  	s30 =	simm.s32 @!p0 $0xD0  }
0xe6: {  	v9 =	vor.u32 v0, v9;
	[tilespmem:s30+$0x1A410] =	vst.msk vm1, v8  }
0xe7: {  	[tilespmem:s30+$0x1A4F0] =	vst.msk vm1, v9  }
0xe8: {  	v8 =	vld [tilespmem:s28+$0xFFFFFFC0];
	_ =	sdelay $0x3  }
0xe9: {  	p0 =	sgt.s32 s26, $0x4;
	vm1 =	vmmov vm0  }
0xea: {  	vm1 =	vmneg @p0 vm1;
	vm2 =	vle.f32 v8, v6  }
0xeb: {  	vm1 =	vmand vm1, vm2  }
0xec: {  	v9 =	vmpcnt.ones.xlane vm1;
	_ =	sdelay $0x1  }
0xed: {  	(v2sf) =	vpush v9, $0x0;
	_ =	sdelay $0x1  }
0xee: {  	s30 =	spop (v2sf)  }
0xef: {  	s3 =	sadd.s32 s3, s30  }
0xf0: {  	v9 =	vbroadcast v7, $0x4;
	p0 =	slt.s32 s3, $0xD0;
	s30 =	smov.u32 s3  }
0xf1: {  	s30 =	simm.s32 @!p0 $0xD0  }
0xf2: {  	v9 =	vor.u32 v0, v9;
	[tilespmem:s30+$0x1A410] =	vst.msk vm1, v8  }
0xf3: {  	[tilespmem:s30+$0x1A4F0] =	vst.msk vm1, v9  }
0xf4: {  	v8 =	vld [tilespmem:s28+$0xFFFFFFD0];
	_ =	sdelay $0x3  }
0xf5: {  	p0 =	sgt.s32 s26, $0x5;
	vm1 =	vmmov vm0  }
0xf6: {  	vm1 =	vmneg @p0 vm1;
	vm2 =	vle.f32 v8, v6  }
0xf7: {  	vm1 =	vmand vm1, vm2  }
0xf8: {  	v9 =	vmpcnt.ones.xlane vm1;
	s30 =	spop (v2sf)  }
0xf9: {  	s3 =	sadd.s32 s3, s30  }
0xfa: {  	(v2sf) =	vpush v9, $0x0;
	v9 =	vbroadcast v7, $0x5;
	p0 =	slt.s32 s3, $0xD0;
	s30 =	smov.u32 s3  }
0xfb: {  	s30 =	simm.s32 @!p0 $0xD0  }
0xfc: {  	v9 =	vor.u32 v0, v9;
	[tilespmem:s30+$0x1A410] =	vst.msk vm1, v8  }
0xfd: {  	[tilespmem:s30+$0x1A4F0] =	vst.msk vm1, v9  }
0xfe: {  	v8 =	vld [tilespmem:s28+$0xFFFFFFE0];
	_ =	sdelay $0x3  }
0xff: {  	p0 =	sgt.s32 s26, $0x6;
	vm1 =	vmmov vm0  }
0x100: {  	vm1 =	vmneg @p0 vm1;
	vm2 =	vle.f32 v8, v6  }
0x101: {  	vm1 =	vmand vm1, vm2  }
0x102: {  	v9 =	vmpcnt.ones.xlane vm1;
	_ =	sdelay $0x1  }
0x103: {  	(v2sf) =	vpush v9, $0x0;
	_ =	sdelay $0x1  }
0x104: {  	s30 =	spop (v2sf)  }
0x105: {  	s3 =	sadd.s32 s3, s30  }
0x106: {  	v9 =	vbroadcast v7, $0x6;
	p0 =	slt.s32 s3, $0xD0;
	s30 =	smov.u32 s3  }
0x107: {  	s30 =	simm.s32 @!p0 $0xD0  }
0x108: {  	v9 =	vor.u32 v0, v9;
	[tilespmem:s30+$0x1A410] =	vst.msk vm1, v8  }
0x109: {  	[tilespmem:s30+$0x1A4F0] =	vst.msk vm1, v9  }
0x10a: {  	v8 =	vld [tilespmem:s28+$0xFFFFFFF0];
	_ =	sdelay $0x3  }
0x10b: {  	p0 =	sgt.s32 s26, $0x7;
	vm1 =	vmmov vm0  }
0x10c: {  	vm1 =	vmneg @p0 vm1;
	vm2 =	vle.f32 v8, v6  }
0x10d: {  	vm1 =	vmand vm1, vm2  }
0x10e: {  	v9 =	vmpcnt.ones.xlane vm1;
	s30 =	spop (v2sf)  }
0x10f: {  	s3 =	sadd.s32 s3, s30  }
0x110: {  	(v2sf) =	vpush v9, $0x0;
	v9 =	vbroadcast v7, $0x7;
	p0 =	slt.s32 s3, $0xD0;
	s30 =	smov.u32 s3  }
0x111: {  	s30 =	simm.s32 @!p0 $0xD0  }
0x112: {  	v9 =	vor.u32 v0, v9;
	[tilespmem:s30+$0x1A410] =	vst.msk vm1, v8  }
0x113: {  	[tilespmem:s30+$0x1A4F0] =	vst.msk vm1, v9  }
0x114: {  	v8 =	vld [tilespmem:s28+$0x0];
	_ =	sdelay $0x3  }
0x115: {  	p0 =	sgt.s32 s26, $0x8;
	vm1 =	vmmov vm0  }
0x116: {  	vm1 =	vmneg @p0 vm1;
	vm2 =	vle.f32 v8, v6  }
0x117: {  	vm1 =	vmand vm1, vm2  }
0x118: {  	v9 =	vmpcnt.ones.xlane vm1;
	_ =	sdelay $0x1  }
0x119: {  	(v2sf) =	vpush v9, $0x0;
	_ =	sdelay $0x1  }
0x11a: {  	s30 =	spop (v2sf)  }
0x11b: {  	s3 =	sadd.s32 s3, s30  }
0x11c: {  	v9 =	vbroadcast v7, $0x8;
	p0 =	slt.s32 s3, $0xD0;
	s30 =	smov.u32 s3  }
0x11d: {  	s30 =	simm.s32 @!p0 $0xD0  }
0x11e: {  	v9 =	vor.u32 v0, v9;
	[tilespmem:s30+$0x1A410] =	vst.msk vm1, v8  }
0x11f: {  	[tilespmem:s30+$0x1A4F0] =	vst.msk vm1, v9  }
0x120: {  	v8 =	vld [tilespmem:s28+$0x10];
	_ =	sdelay $0x3  }
0x121: {  	p0 =	sgt.s32 s26, $0x9;
	vm1 =	vmmov vm0  }
0x122: {  	vm1 =	vmneg @p0 vm1;
	vm2 =	vle.f32 v8, v6  }
0x123: {  	vm1 =	vmand vm1, vm2  }
0x124: {  	v9 =	vmpcnt.ones.xlane vm1;
	s30 =	spop (v2sf)  }
0x125: {  	s3 =	sadd.s32 s3, s30  }
0x126: {  	(v2sf) =	vpush v9, $0x0;
	v9 =	vbroadcast v7, $0x9;
	p0 =	slt.s32 s3, $0xD0;
	s30 =	smov.u32 s3  }
0x127: {  	s30 =	simm.s32 @!p0 $0xD0  }
0x128: {  	v9 =	vor.u32 v0, v9;
	[tilespmem:s30+$0x1A410] =	vst.msk vm1, v8  }
0x129: {  	[tilespmem:s30+$0x1A4F0] =	vst.msk vm1, v9  }
0x12a: {  	v8 =	vld [tilespmem:s28+$0x20];
	_ =	sdelay $0x3  }
0x12b: {  	p0 =	sgt.s32 s26, $0xA;
	vm1 =	vmmov vm0  }
0x12c: {  	vm1 =	vmneg @p0 vm1;
	vm2 =	vle.f32 v8, v6  }
0x12d: {  	vm1 =	vmand vm1, vm2  }
0x12e: {  	v9 =	vmpcnt.ones.xlane vm1;
	_ =	sdelay $0x1  }
0x12f: {  	(v2sf) =	vpush v9, $0x0;
	_ =	sdelay $0x1  }
0x130: {  	s30 =	spop (v2sf)  }
0x131: {  	s3 =	sadd.s32 s3, s30  }
0x132: {  	v9 =	vbroadcast v7, $0xA;
	p0 =	slt.s32 s3, $0xD0;
	s30 =	smov.u32 s3  }
0x133: {  	s30 =	simm.s32 @!p0 $0xD0  }
0x134: {  	v9 =	vor.u32 v0, v9;
	[tilespmem:s30+$0x1A410] =	vst.msk vm1, v8  }
0x135: {  	[tilespmem:s30+$0x1A4F0] =	vst.msk vm1, v9  }
0x136: {  	v8 =	vld [tilespmem:s28+$0x30];
	_ =	sdelay $0x3  }
0x137: {  	p0 =	sgt.s32 s26, $0xB;
	vm1 =	vmmov vm0  }
0x138: {  	vm1 =	vmneg @p0 vm1;
	vm2 =	vle.f32 v8, v6  }
0x139: {  	vm1 =	vmand vm1, vm2  }
0x13a: {  	v9 =	vmpcnt.ones.xlane vm1;
	s30 =	spop (v2sf)  }
0x13b: {  	s3 =	sadd.s32 s3, s30  }
0x13c: {  	(v2sf) =	vpush v9, $0x0;
	v9 =	vbroadcast v7, $0xB;
	p0 =	slt.s32 s3, $0xD0;
	s30 =	smov.u32 s3  }
0x13d: {  	s30 =	simm.s32 @!p0 $0xD0  }
0x13e: {  	v9 =	vor.u32 v0, v9;
	[tilespmem:s30+$0x1A410] =	vst.msk vm1, v8  }
0x13f: {  	[tilespmem:s30+$0x1A4F0] =	vst.msk vm1, v9  }
0x140: {  	v8 =	vld [tilespmem:s28+$0x40];
	_ =	sdelay $0x3  }
0x141: {  	p0 =	sgt.s32 s26, $0xC;
	vm1 =	vmmov vm0  }
0x142: {  	vm1 =	vmneg @p0 vm1;
	vm2 =	vle.f32 v8, v6  }
0x143: {  	vm1 =	vmand vm1, vm2  }
0x144: {  	v9 =	vmpcnt.ones.xlane vm1;
	_ =	sdelay $0x1  }
0x145: {  	(v2sf) =	vpush v9, $0x0;
	_ =	sdelay $0x1  }
0x146: {  	s30 =	spop (v2sf)  }
0x147: {  	s3 =	sadd.s32 s3, s30  }
0x148: {  	v9 =	vbroadcast v7, $0xC;
	p0 =	slt.s32 s3, $0xD0;
	s30 =	smov.u32 s3  }
0x149: {  	s30 =	simm.s32 @!p0 $0xD0  }
0x14a: {  	v9 =	vor.u32 v0, v9;
	[tilespmem:s30+$0x1A410] =	vst.msk vm1, v8  }
0x14b: {  	[tilespmem:s30+$0x1A4F0] =	vst.msk vm1, v9  }
0x14c: {  	v8 =	vld [tilespmem:s28+$0x50];
	_ =	sdelay $0x3  }
0x14d: {  	p0 =	sgt.s32 s26, $0xD;
	vm1 =	vmmov vm0  }
0x14e: {  	vm1 =	vmneg @p0 vm1;
	vm2 =	vle.f32 v8, v6  }
0x14f: {  	vm1 =	vmand vm1, vm2  }
0x150: {  	v9 =	vmpcnt.ones.xlane vm1;
	s30 =	spop (v2sf)  }
0x151: {  	s3 =	sadd.s32 s3, s30  }
0x152: {  	(v2sf) =	vpush v9, $0x0;
	v9 =	vbroadcast v7, $0xD;
	p0 =	slt.s32 s3, $0xD0;
	s30 =	smov.u32 s3  }
0x153: {  	s30 =	simm.s32 @!p0 $0xD0  }
0x154: {  	v9 =	vor.u32 v0, v9;
	[tilespmem:s30+$0x1A410] =	vst.msk vm1, v8  }
0x155: {  	[tilespmem:s30+$0x1A4F0] =	vst.msk vm1, v9  }
0x156: {  	v8 =	vld [tilespmem:s28+$0x60];
	_ =	sdelay $0x3  }
0x157: {  	p0 =	sgt.s32 s26, $0xE;
	vm1 =	vmmov vm0  }
0x158: {  	vm1 =	vmneg @p0 vm1;
	vm2 =	vle.f32 v8, v6  }
0x159: {  	vm1 =	vmand vm1, vm2  }
0x15a: {  	v9 =	vmpcnt.ones.xlane vm1;
	_ =	sdelay $0x1  }
0x15b: {  	(v2sf) =	vpush v9, $0x0;
	_ =	sdelay $0x3  }
0x15c: {  	s30 =	spop (v2sf)  }
0x15d: {  	s3 =	sadd.s32 s3, s30  }
0x15e: {  	v7 =	vbroadcast v7, $0xE;
	p0 =	slt.s32 s3, $0xD0;
	s30 =	smov.u32 s3  }
0x15f: {  	s30 =	simm.s32 @!p0 $0xD0  }
0x160: {  	v7 =	vor.u32 v0, v7;
	[tilespmem:s30+$0x1A410] =	vst.msk vm1, v8  }
0x161: {  	[tilespmem:s30+$0x1A4F0] =	vst.msk vm1, v7  }
0x162: {  	v7 =	vld [tilespmem:s28+$0x70];
	_ =	sdelay $0x3  }
0x163: {  	p0 =	sgt.s32 s26, $0xF;
	vm1 =	vmmov vm0  }
0x164: {  	vm1 =	vmneg @p0 vm1;
	vm2 =	vle.f32 v7, v6;
	s28 =	spop (v2sf)  }
0x165: {  	vm1 =	vmand vm1, vm2;
	s3 =	sadd.s32 s3, s28  }
0x166: {  	v8 =	vmpcnt.ones.xlane vm1;
	p0 =	slt.s32 s3, $0xD0;
	s28 =	smov.u32 s3  }
0x167: {  	s28 =	simm.s32 @!p0 $0xD0  }
0x168: {  	(v2sf) =	vpush v8, $0x0;
	v8 =	vor.u32 s29, v0;
	[tilespmem:s28+$0x1A410] =	vst.msk vm1, v7  }
0x169: {  	[tilespmem:s28+$0x1A4F0] =	vst.msk vm1, v8;
	s28 =	simm.s32 $0x19990  }
0x16a: {  	v8 =	vld [tilespmem:s28+$0xFFFFFF80];
	_ =	sdelay $0x3  }
0x16b: {  	p0 =	sgt.s32 s26, $0x10;
	vm1 =	vmmov vm0  }
0x16c: {  	vm1 =	vmneg @p0 vm1;
	vm2 =	vle.f32 v8, v6  }
0x16d: {  	vm1 =	vmand vm1, vm2  }
0x16e: {  	v9 =	vmpcnt.ones.xlane vm1  }
0x16f: {  	s30 =	sadd.s32 $0x10, s24  }
0x170: {  	p1 =	sne.s32 s0, $0x1;
	v7 =	vld [tilespmem:s30+$0x0];
	(v2sf) =	vpush v9, $0x0  }
.Ltmp10:
0x171: {  	_ = 	snop;
	(pc) =	sbr.rel @!p1 .LBB2_12-.Ltmp10, $4  }
0x172: {  	_ = 	snop  }
0x173: {  	s29 =	rddreg [dreg:$0x3]  }
0x174: {  	s31 =	sadd.s32 $0xFFFFFFFF, s0;
	v10 =	vmov s29  }
0x175: {  	s29 =	simm.s32 $0x1F;
	p0 =	por $0x1, $0x1;
	v7 =	vsub.s32 v7, v10;
	s0 =	spop (v2sf)  }
.LBB2_11:
0x176: {  	_ = 	snop  }
0x177: {  	v7 =	vshll.u32 v7, $0x4;
	s0 =	sadd.s32 s3, s0  }
0x178: {  	p2 =	slt.s32 s0, $0xD0;
	v9 =	vbroadcast v7, $0x0;
	s3 =	smov.u32 s0  }
0x179: {  	s3 =	simm.s32 @!p2 $0xD0  }
0x17a: {  	v9 =	vor.u32 v0, v9;
	[tilespmem:s3+$0x1A410] =	vst.msk vm1, v8  }
0x17b: {  	[tilespmem:s3+$0x1A4F0] =	vst.msk vm1, v9  }
0x17c: {  	v21 =	vld [tilespmem:s28+$0xFFFFFF90];
	_ =	sdelay $0x2  }
0x17d: {  	s20 =	sadd.s32 $0xFFFFFFF2, s29;
	(v2sf) =	vpush v7, $0xF;
	s9 =	spop (v2sf)  }
0x17e: {  	vm2 =	vmmov vm0;
	p2 =	slt.s32 s20, s26;
	s9 =	sadd.s32 s0, s9  }
0x17f: {  	v18 =	vbroadcast v7, $0x1;
	vm2 =	vmneg @p2 vm2;
	vm1 =	vle.f32 v21, v6;
	p2 =	slt.s32 s9, $0xD0;
	s0 =	smov.u32 s9  }
0x180: {  	vm1 =	vmand vm2, vm1;
	s0 =	simm.s32 @!p2 $0xD0  }
0x181: {  	v18 =	vor.u32 v0, v18;
	v53 =	vmpcnt.ones.xlane vm1;
	[tilespmem:s0+$0x1A410] =	vst.msk vm1, v21  }
0x182: {  	[tilespmem:s0+$0x1A4F0] =	vst.msk vm1, v18  }
0x183: {  	(v2sf) =	vpush v53, $0x0;
	v18 =	vld [tilespmem:s28+$0xFFFFFFA0];
	_ =	sdelay $0x2  }
0x184: {  	s20 =	sadd.s32 $0xFFFFFFF3, s29  }
0x185: {  	vm2 =	vmmov vm0;
	p2 =	slt.s32 s20, s26  }
0x186: {  	vm2 =	vmneg @p2 vm2;
	vm1 =	vle.f32 v18, v6  }
0x187: {  	vm1 =	vmand vm2, vm1  }
0x188: {  	v54 =	vmpcnt.ones.xlane vm1;
	_ =	sdelay $0x1  }
0x189: {  	s0 =	spop (v2sf);
	(v2sf) =	vpush v54, $0x0;
	_ =	sdelay $0x5  }
0x18a: {  	s20 =	spop (v2sf)  }
0x18b: {  	s3 =	sadd.s32 s9, s20  }
0x18c: {  	v19 =	vbroadcast v7, $0x2;
	p2 =	slt.s32 s3, $0xD0;
	s9 =	smov.u32 s3  }
0x18d: {  	s9 =	simm.s32 @!p2 $0xD0  }
0x18e: {  	v19 =	vor.u32 v0, v19;
	[tilespmem:s9+$0x1A410] =	vst.msk vm1, v18  }
0x18f: {  	[tilespmem:s9+$0x1A4F0] =	vst.msk vm1, v19  }
0x190: {  	v18 =	vld [tilespmem:s28+$0xFFFFFFB0];
	_ =	sdelay $0x2  }
0x191: {  	s9 =	sadd.s32 $0xFFFFFFF4, s29;
	s20 =	spop (v2sf)  }
0x192: {  	vm2 =	vmmov vm0;
	p2 =	slt.s32 s9, s26;
	s3 =	sadd.s32 s3, s20  }
0x193: {  	v20 =	vbroadcast v7, $0x3;
	vm2 =	vmneg @p2 vm2;
	vm1 =	vle.f32 v18, v6;
	p2 =	slt.s32 s3, $0xD0;
	s9 =	smov.u32 s3  }
0x194: {  	vm1 =	vmand vm2, vm1;
	s9 =	simm.s32 @!p2 $0xD0  }
0x195: {  	v55 =	vor.u32 v0, v20;
	v56 =	vmpcnt.ones.xlane vm1;
	[tilespmem:s9+$0x1A410] =	vst.msk vm1, v18  }
0x196: {  	[tilespmem:s9+$0x1A4F0] =	vst.msk vm1, v55  }
0x197: {  	(v2sf) =	vpush v56, $0x0;
	v19 =	vld [tilespmem:s28+$0xFFFFFFC0];
	_ =	sdelay $0x2  }
0x198: {  	s20 =	sadd.s32 $0xFFFFFFF5, s29  }
0x199: {  	vm2 =	vmmov vm0;
	p2 =	slt.s32 s20, s26  }
0x19a: {  	vm2 =	vmneg @p2 vm2;
	vm1 =	vle.f32 v19, v6  }
0x19b: {  	vm1 =	vmand vm2, vm1  }
0x19c: {  	v57 =	vmpcnt.ones.xlane vm1;
	_ =	sdelay $0x1  }
0x19d: {  	(v2sf) =	vpush v57, $0x0;
	_ =	sdelay $0x5  }
0x19e: {  	s20 =	spop (v2sf)  }
0x19f: {  	s3 =	sadd.s32 s3, s20  }
0x1a0: {  	v17 =	vbroadcast v7, $0x4;
	p2 =	slt.s32 s3, $0xD0;
	s9 =	smov.u32 s3  }
0x1a1: {  	s9 =	simm.s32 @!p2 $0xD0  }
0x1a2: {  	v17 =	vor.u32 v0, v17;
	[tilespmem:s9+$0x1A410] =	vst.msk vm1, v19  }
0x1a3: {  	[tilespmem:s9+$0x1A4F0] =	vst.msk vm1, v17  }
0x1a4: {  	v17 =	vld [tilespmem:s28+$0xFFFFFFD0];
	_ =	sdelay $0x2  }
0x1a5: {  	s9 =	sadd.s32 $0xFFFFFFF6, s29;
	s20 =	spop (v2sf)  }
0x1a6: {  	vm2 =	vmmov vm0;
	p2 =	slt.s32 s9, s26;
	s3 =	sadd.s32 s3, s20  }
0x1a7: {  	v16 =	vbroadcast v7, $0x5;
	vm2 =	vmneg @p2 vm2;
	vm1 =	vle.f32 v17, v6;
	p2 =	slt.s32 s3, $0xD0;
	s9 =	smov.u32 s3  }
0x1a8: {  	vm1 =	vmand vm2, vm1;
	s9 =	simm.s32 @!p2 $0xD0  }
0x1a9: {  	v16 =	vor.u32 v0, v16;
	v58 =	vmpcnt.ones.xlane vm1;
	[tilespmem:s9+$0x1A410] =	vst.msk vm1, v17  }
0x1aa: {  	[tilespmem:s9+$0x1A4F0] =	vst.msk vm1, v16  }
0x1ab: {  	(v2sf) =	vpush v58, $0x0;
	v16 =	vld [tilespmem:s28+$0xFFFFFFE0];
	_ =	sdelay $0x2  }
0x1ac: {  	s20 =	sadd.s32 $0xFFFFFFF7, s29  }
0x1ad: {  	vm2 =	vmmov vm0;
	p2 =	slt.s32 s20, s26  }
0x1ae: {  	vm2 =	vmneg @p2 vm2;
	vm1 =	vle.f32 v16, v6  }
0x1af: {  	vm1 =	vmand vm2, vm1  }
0x1b0: {  	v59 =	vmpcnt.ones.xlane vm1;
	_ =	sdelay $0x1  }
0x1b1: {  	(v2sf) =	vpush v59, $0x0;
	_ =	sdelay $0x5  }
0x1b2: {  	s20 =	spop (v2sf)  }
0x1b3: {  	s3 =	sadd.s32 s3, s20  }
0x1b4: {  	v15 =	vbroadcast v7, $0x6;
	p2 =	slt.s32 s3, $0xD0;
	s9 =	smov.u32 s3  }
0x1b5: {  	s9 =	simm.s32 @!p2 $0xD0  }
0x1b6: {  	v15 =	vor.u32 v0, v15;
	[tilespmem:s9+$0x1A410] =	vst.msk vm1, v16  }
0x1b7: {  	[tilespmem:s9+$0x1A4F0] =	vst.msk vm1, v15  }
0x1b8: {  	v15 =	vld [tilespmem:s28+$0xFFFFFFF0];
	_ =	sdelay $0x2  }
0x1b9: {  	s9 =	sadd.s32 $0xFFFFFFF8, s29;
	s20 =	spop (v2sf)  }
0x1ba: {  	vm2 =	vmmov vm0;
	p2 =	slt.s32 s9, s26;
	s3 =	sadd.s32 s3, s20  }
0x1bb: {  	v14 =	vbroadcast v7, $0x7;
	vm2 =	vmneg @p2 vm2;
	vm1 =	vle.f32 v15, v6;
	p2 =	slt.s32 s3, $0xD0;
	s9 =	smov.u32 s3  }
0x1bc: {  	vm1 =	vmand vm2, vm1;
	s9 =	simm.s32 @!p2 $0xD0  }
0x1bd: {  	v14 =	vor.u32 v0, v14;
	v60 =	vmpcnt.ones.xlane vm1;
	[tilespmem:s9+$0x1A410] =	vst.msk vm1, v15  }
0x1be: {  	[tilespmem:s9+$0x1A4F0] =	vst.msk vm1, v14  }
0x1bf: {  	(v2sf) =	vpush v60, $0x0;
	v14 =	vld [tilespmem:s28+$0x0];
	_ =	sdelay $0x2  }
0x1c0: {  	s20 =	sadd.s32 $0xFFFFFFF9, s29  }
0x1c1: {  	vm2 =	vmmov vm0;
	p2 =	slt.s32 s20, s26  }
0x1c2: {  	vm2 =	vmneg @p2 vm2;
	vm1 =	vle.f32 v14, v6  }
0x1c3: {  	vm1 =	vmand vm2, vm1  }
0x1c4: {  	v61 =	vmpcnt.ones.xlane vm1;
	_ =	sdelay $0x1  }
0x1c5: {  	(v2sf) =	vpush v61, $0x0;
	_ =	sdelay $0x5  }
0x1c6: {  	s20 =	spop (v2sf)  }
0x1c7: {  	s3 =	sadd.s32 s3, s20  }
0x1c8: {  	v13 =	vbroadcast v7, $0x8;
	p2 =	slt.s32 s3, $0xD0;
	s9 =	smov.u32 s3  }
0x1c9: {  	s9 =	simm.s32 @!p2 $0xD0  }
0x1ca: {  	v13 =	vor.u32 v0, v13;
	[tilespmem:s9+$0x1A410] =	vst.msk vm1, v14  }
0x1cb: {  	[tilespmem:s9+$0x1A4F0] =	vst.msk vm1, v13  }
0x1cc: {  	v13 =	vld [tilespmem:s28+$0x10];
	_ =	sdelay $0x2  }
0x1cd: {  	s9 =	sadd.s32 $0xFFFFFFFA, s29;
	s20 =	spop (v2sf)  }
0x1ce: {  	vm2 =	vmmov vm0;
	p2 =	slt.s32 s9, s26;
	s3 =	sadd.s32 s3, s20  }
0x1cf: {  	v12 =	vbroadcast v7, $0x9;
	vm2 =	vmneg @p2 vm2;
	vm1 =	vle.f32 v13, v6;
	p2 =	slt.s32 s3, $0xD0;
	s9 =	smov.u32 s3  }
0x1d0: {  	vm1 =	vmand vm2, vm1;
	s9 =	simm.s32 @!p2 $0xD0  }
0x1d1: {  	v12 =	vor.u32 v0, v12;
	v62 =	vmpcnt.ones.xlane vm1;
	[tilespmem:s9+$0x1A410] =	vst.msk vm1, v13  }
0x1d2: {  	[tilespmem:s9+$0x1A4F0] =	vst.msk vm1, v12  }
0x1d3: {  	(v2sf) =	vpush v62, $0x0;
	v12 =	vld [tilespmem:s28+$0x20];
	_ =	sdelay $0x2  }
0x1d4: {  	s20 =	sadd.s32 $0xFFFFFFFB, s29  }
0x1d5: {  	vm2 =	vmmov vm0;
	p2 =	slt.s32 s20, s26  }
0x1d6: {  	vm2 =	vmneg @p2 vm2;
	vm1 =	vle.f32 v12, v6  }
0x1d7: {  	vm1 =	vmand vm2, vm1  }
0x1d8: {  	v63 =	vmpcnt.ones.xlane vm1;
	_ =	sdelay $0x1  }
0x1d9: {  	(v2sf) =	vpush v63, $0x0;
	_ =	sdelay $0x5  }
0x1da: {  	s20 =	spop (v2sf)  }
0x1db: {  	s3 =	sadd.s32 s3, s20  }
0x1dc: {  	v11 =	vbroadcast v7, $0xA;
	p2 =	slt.s32 s3, $0xD0;
	s9 =	smov.u32 s3  }
0x1dd: {  	s9 =	simm.s32 @!p2 $0xD0  }
0x1de: {  	v11 =	vor.u32 v0, v11;
	[tilespmem:s9+$0x1A410] =	vst.msk vm1, v12  }
0x1df: {  	[tilespmem:s9+$0x1A4F0] =	vst.msk vm1, v11  }
0x1e0: {  	v11 =	vld [tilespmem:s28+$0x30];
	_ =	sdelay $0x2  }
0x1e1: {  	s9 =	sadd.s32 $0xFFFFFFFC, s29;
	s20 =	spop (v2sf)  }
0x1e2: {  	vm2 =	vmmov vm0;
	p2 =	slt.s32 s9, s26;
	s3 =	sadd.s32 s3, s20  }
0x1e3: {  	v10 =	vbroadcast v7, $0xB;
	vm2 =	vmneg @p2 vm2;
	vm1 =	vle.f32 v11, v6;
	p2 =	slt.s32 s3, $0xD0;
	s9 =	smov.u32 s3  }
0x1e4: {  	vm1 =	vmand vm2, vm1;
	s9 =	simm.s32 @!p2 $0xD0  }
0x1e5: {  	v10 =	vor.u32 v0, v10;
	[tilespmem:s9+$0x1A410] =	vst.msk vm1, v11;
	v11 =	vmpcnt.ones.xlane vm1  }
0x1e6: {  	[tilespmem:s9+$0x1A4F0] =	vst.msk vm1, v10  }
0x1e7: {  	v10 =	vld [tilespmem:s28+$0x40];
	(v2sf) =	vpush v11, $0x0;
	_ =	sdelay $0x2  }
0x1e8: {  	s20 =	sadd.s32 $0xFFFFFFFD, s29  }
0x1e9: {  	vm2 =	vmmov vm0;
	p2 =	slt.s32 s20, s26  }
0x1ea: {  	vm2 =	vmneg @p2 vm2;
	vm1 =	vle.f32 v10, v6  }
0x1eb: {  	vm1 =	vmand vm2, vm1  }
0x1ec: {  	v11 =	vmpcnt.ones.xlane vm1;
	_ =	sdelay $0x1  }
0x1ed: {  	(v2sf) =	vpush v11, $0x0;
	_ =	sdelay $0x5  }
0x1ee: {  	s20 =	spop (v2sf)  }
0x1ef: {  	s3 =	sadd.s32 s3, s20  }
0x1f0: {  	v9 =	vbroadcast v7, $0xC;
	p2 =	slt.s32 s3, $0xD0;
	s9 =	smov.u32 s3  }
0x1f1: {  	s9 =	simm.s32 @!p2 $0xD0  }
0x1f2: {  	v9 =	vor.u32 v0, v9;
	[tilespmem:s9+$0x1A410] =	vst.msk vm1, v10  }
0x1f3: {  	[tilespmem:s9+$0x1A4F0] =	vst.msk vm1, v9  }
0x1f4: {  	v9 =	vld [tilespmem:s28+$0x50];
	_ =	sdelay $0x2  }
0x1f5: {  	s9 =	sadd.s32 $0xFFFFFFFE, s29;
	s20 =	spop (v2sf)  }
0x1f6: {  	vm2 =	vmmov vm0;
	p2 =	slt.s32 s9, s26;
	s3 =	sadd.s32 s3, s20  }
0x1f7: {  	v8 =	vbroadcast v7, $0xD;
	vm2 =	vmneg @p2 vm2;
	vm1 =	vle.f32 v9, v6;
	p2 =	slt.s32 s3, $0xD0;
	s9 =	smov.u32 s3  }
0x1f8: {  	vm1 =	vmand vm2, vm1;
	s9 =	simm.s32 @!p2 $0xD0  }
0x1f9: {  	v8 =	vor.u32 v0, v8;
	[tilespmem:s9+$0x1A410] =	vst.msk vm1, v9;
	v9 =	vmpcnt.ones.xlane vm1  }
0x1fa: {  	[tilespmem:s9+$0x1A4F0] =	vst.msk vm1, v8  }
0x1fb: {  	v8 =	vld [tilespmem:s28+$0x60];
	(v2sf) =	vpush v9, $0x0;
	_ =	sdelay $0x2  }
0x1fc: {  	s20 =	sadd.s32 $0xFFFFFFFF, s29  }
0x1fd: {  	p2 =	slt.s32 s20, s26;
	vm2 =	vmmov vm0  }
0x1fe: {  	vm2 =	vmneg @p2 vm2;
	vm1 =	vle.f32 v8, v6  }
0x1ff: {  	vm1 =	vmand vm2, vm1  }
0x200: {  	v9 =	vmpcnt.ones.xlane vm1;
	_ =	sdelay $0x1  }
0x201: {  	(v2sf) =	vpush v9, $0x0;
	_ =	sdelay $0x5  }
0x202: {  	s20 =	spop (v2sf)  }
0x203: {  	s3 =	sadd.s32 s3, s20  }
0x204: {  	v7 =	vbroadcast v7, $0xE;
	p2 =	slt.s32 s3, $0xD0;
	s9 =	smov.u32 s3  }
0x205: {  	s9 =	simm.s32 @!p2 $0xD0  }
0x206: {  	v7 =	vor.u32 v0, v7;
	[tilespmem:s9+$0x1A410] =	vst.msk vm1, v8  }
0x207: {  	[tilespmem:s9+$0x1A4F0] =	vst.msk vm1, v7  }
0x208: {  	v7 =	vld [tilespmem:s28+$0x70];
	_ =	sdelay $0x2  }
0x209: {  	s20 =	spop (v2sf)  }
0x20a: {  	vm2 =	vmmov vm0;
	p2 =	slt.s32 s29, s26;
	s3 =	sadd.s32 s3, s20  }
0x20b: {  	vm2 =	vmneg @p2 vm2;
	vm1 =	vle.f32 v7, v6;
	p2 =	slt.s32 s3, $0xD0;
	s9 =	smov.u32 s3  }
0x20c: {  	vm1 =	vmand vm2, vm1;
	s9 =	simm.s32 @!p2 $0xD0  }
0x20d: {  	[tilespmem:s9+$0x1A410] =	vst.msk vm1, v7;
	v7 =	vmpcnt.ones.xlane vm1  }
0x20e: {  	v8 =	vor.u32 s0, v0  }
0x20f: {  	s28 =	sadd.s32 $0x100, s28;
	[tilespmem:s9+$0x1A4F0] =	vst.msk vm1, v8;
	(v2sf) =	vpush v7, $0x0  }
0x210: {  	v8 =	vld [tilespmem:s28+$0xFFFFFF80];
	_ =	sdelay $0x1  }
0x211: {  	s29 =	sadd.s32 $0x10, s29  }
0x212: {  	s9 =	sadd.s32 $0xFFFFFFF1, s29  }
0x213: {  	vm2 =	vmmov vm0;
	p2 =	slt.s32 s9, s26  }
0x214: {  	vm2 =	vmneg @p2 vm2;
	vm1 =	vle.f32 v8, v6  }
0x215: {  	vm1 =	vmand vm2, vm1  }
0x216: {  	v7 =	vmpcnt.ones.xlane vm1  }
0x217: {  	s30 =	sadd.s32 $0x10, s30  }
0x218: {  	p1 =	sne.s32 s31, $0x1;
	(v2sf) =	vpush v7, $0x0;
	v7 =	vld [tilespmem:s30+$0x0]  }
.Ltmp11:
0x219: {  	_ = 	snop;
	(pc) =	sbr.rel @p1 .LBB2_11-.Ltmp11, $4  }
0x21a: {  	_ = 	snop  }
0x21b: {  	s20 =	rddreg [dreg:$0x3]  }
0x21c: {  	v9 =	vmov s20  }
0x21d: {  	s31 =	sadd.s32 $0xFFFFFFFF, s31;
	v7 =	vsub.s32 v7, v9;
	s0 =	spop (v2sf)  }
.LBB2_12:
0x21e: {  	s0 =	sadd.s32 @p0 s3, s0;
	s3 =	simm.s32 $0x0  }
0x21f: {  	v7 =	vshll.u32 v7, $0x4;
	s3 =	smov.u32 @p0 s0  }
0x220: {  	v9 =	vbroadcast v7, $0x0;
	p0 =	slt.s32 s3, $0xD0;
	s0 =	smov.u32 s3  }
0x221: {  	s0 =	simm.s32 @!p0 $0xD0  }
0x222: {  	v9 =	vor.u32 v0, v9;
	[tilespmem:s0+$0x1A410] =	vst.msk vm1, v8  }
0x223: {  	[tilespmem:s0+$0x1A4F0] =	vst.msk vm1, v9  }
0x224: {  	v8 =	vld [tilespmem:s28+$0xFFFFFF90];
	_ =	sdelay $0x2  }
0x225: {  	s9 =	sadd.s32 $0xFFFFFFF2, s29  }
0x226: {  	p0 =	slt.s32 s9, s26;
	vm1 =	vmmov vm0  }
0x227: {  	vm1 =	vmneg @p0 vm1;
	vm2 =	vle.f32 v8, v6  }
0x228: {  	vm1 =	vmand vm1, vm2  }
0x229: {  	v38 =	vmpcnt.ones.xlane vm1  }
0x22a: {  	(v2sf) =	vpush v7, $0xF  }
0x22b: {  	(v2sf) =	vpush v38, $0x0;
	_ =	sdelay $0x5  }
0x22c: {  	s20 =	spop (v2sf)  }
0x22d: {  	s3 =	sadd.s32 s3, s20  }
0x22e: {  	v39 =	vbroadcast v7, $0x1;
	p0 =	slt.s32 s3, $0xD0;
	s0 =	smov.u32 s3  }
0x22f: {  	s0 =	simm.s32 @!p0 $0xD0  }
0x230: {  	v9 =	vor.u32 v0, v39;
	[tilespmem:s0+$0x1A410] =	vst.msk vm1, v8  }
0x231: {  	[tilespmem:s0+$0x1A4F0] =	vst.msk vm1, v9  }
0x232: {  	v8 =	vld [tilespmem:s28+$0xFFFFFFA0];
	_ =	sdelay $0x1  }
0x233: {  	s0 =	spop (v2sf)  }
0x234: {  	s9 =	sadd.s32 $0xFFFFFFF3, s29;
	s20 =	spop (v2sf)  }
0x235: {  	p0 =	slt.s32 s9, s26;
	vm1 =	vmmov vm0;
	s3 =	sadd.s32 s3, s20  }
0x236: {  	v40 =	vbroadcast v7, $0x2;
	vm1 =	vmneg @p0 vm1;
	vm14 =	vle.f32 v8, v6;
	p0 =	slt.s32 s3, $0xD0;
	s9 =	smov.u32 s3  }
0x237: {  	vm1 =	vmand vm1, vm14;
	s9 =	simm.s32 @!p0 $0xD0  }
0x238: {  	v9 =	vor.u32 v0, v40;
	v10 =	vmpcnt.ones.xlane vm1;
	[tilespmem:s9+$0x1A410] =	vst.msk vm1, v8  }
0x239: {  	[tilespmem:s9+$0x1A4F0] =	vst.msk vm1, v9  }
0x23a: {  	(v2sf) =	vpush v10, $0x0;
	v8 =	vld [tilespmem:s28+$0xFFFFFFB0];
	_ =	sdelay $0x2  }
0x23b: {  	s30 =	sadd.s32 $0xFFFFFFF4, s29  }
0x23c: {  	p0 =	slt.s32 s30, s26;
	vm1 =	vmmov vm0  }
0x23d: {  	vm1 =	vmneg @p0 vm1;
	vm15 =	vle.f32 v8, v6  }
0x23e: {  	vm1 =	vmand vm1, vm15  }
0x23f: {  	v41 =	vmpcnt.ones.xlane vm1;
	_ =	sdelay $0x1  }
0x240: {  	(v2sf) =	vpush v41, $0x0;
	_ =	sdelay $0x5  }
0x241: {  	s31 =	spop (v2sf)  }
0x242: {  	s3 =	sadd.s32 s3, s31  }
0x243: {  	v42 =	vbroadcast v7, $0x3;
	p0 =	slt.s32 s3, $0xD0;
	s9 =	smov.u32 s3  }
0x244: {  	s9 =	simm.s32 @!p0 $0xD0  }
0x245: {  	v9 =	vor.u32 v0, v42;
	[tilespmem:s9+$0x1A410] =	vst.msk vm1, v8  }
0x246: {  	[tilespmem:s9+$0x1A4F0] =	vst.msk vm1, v9  }
0x247: {  	v8 =	vld [tilespmem:s28+$0xFFFFFFC0];
	_ =	sdelay $0x2  }
0x248: {  	s20 =	sadd.s32 $0xFFFFFFF5, s29;
	s30 =	spop (v2sf)  }
0x249: {  	p0 =	slt.s32 s20, s26;
	vm1 =	vmmov vm0;
	s3 =	sadd.s32 s3, s30  }
0x24a: {  	v43 =	vbroadcast v7, $0x4;
	vm1 =	vmneg @p0 vm1;
	vm4 =	vle.f32 v8, v6;
	p0 =	slt.s32 s3, $0xD0;
	s9 =	smov.u32 s3  }
0x24b: {  	vm1 =	vmand vm1, vm4;
	s9 =	simm.s32 @!p0 $0xD0  }
0x24c: {  	v9 =	vor.u32 v0, v43;
	v44 =	vmpcnt.ones.xlane vm1;
	[tilespmem:s9+$0x1A410] =	vst.msk vm1, v8  }
0x24d: {  	[tilespmem:s9+$0x1A4F0] =	vst.msk vm1, v9  }
0x24e: {  	(v2sf) =	vpush v44, $0x0;
	v8 =	vld [tilespmem:s28+$0xFFFFFFD0];
	_ =	sdelay $0x2  }
0x24f: {  	s31 =	sadd.s32 $0xFFFFFFF6, s29  }
0x250: {  	p0 =	slt.s32 s31, s26;
	vm1 =	vmmov vm0  }
0x251: {  	vm1 =	vmneg @p0 vm1;
	vm5 =	vle.f32 v8, v6  }
0x252: {  	vm1 =	vmand vm1, vm5  }
0x253: {  	v45 =	vmpcnt.ones.xlane vm1;
	_ =	sdelay $0x1  }
0x254: {  	(v2sf) =	vpush v45, $0x0;
	_ =	sdelay $0x5  }
0x255: {  	s20 =	spop (v2sf)  }
0x256: {  	s3 =	sadd.s32 s3, s20  }
0x257: {  	v46 =	vbroadcast v7, $0x5;
	p0 =	slt.s32 s3, $0xD0;
	s9 =	smov.u32 s3  }
0x258: {  	s9 =	simm.s32 @!p0 $0xD0  }
0x259: {  	v9 =	vor.u32 v0, v46;
	[tilespmem:s9+$0x1A410] =	vst.msk vm1, v8  }
0x25a: {  	[tilespmem:s9+$0x1A4F0] =	vst.msk vm1, v9  }
0x25b: {  	v8 =	vld [tilespmem:s28+$0xFFFFFFE0];
	_ =	sdelay $0x2  }
0x25c: {  	s30 =	sadd.s32 $0xFFFFFFF7, s29;
	s31 =	spop (v2sf)  }
0x25d: {  	p0 =	slt.s32 s30, s26;
	vm1 =	vmmov vm0;
	s3 =	sadd.s32 s3, s31  }
0x25e: {  	v47 =	vbroadcast v7, $0x6;
	vm1 =	vmneg @p0 vm1;
	vm6 =	vle.f32 v8, v6;
	p0 =	slt.s32 s3, $0xD0;
	s9 =	smov.u32 s3  }
0x25f: {  	vm1 =	vmand vm1, vm6;
	s9 =	simm.s32 @!p0 $0xD0  }
0x260: {  	v9 =	vor.u32 v0, v47;
	v48 =	vmpcnt.ones.xlane vm1;
	[tilespmem:s9+$0x1A410] =	vst.msk vm1, v8  }
0x261: {  	[tilespmem:s9+$0x1A4F0] =	vst.msk vm1, v9  }
0x262: {  	(v2sf) =	vpush v48, $0x0;
	v8 =	vld [tilespmem:s28+$0xFFFFFFF0];
	_ =	sdelay $0x2  }
0x263: {  	s30 =	sadd.s32 $0xFFFFFFF8, s29  }
0x264: {  	p0 =	slt.s32 s30, s26;
	vm1 =	vmmov vm0  }
0x265: {  	vm1 =	vmneg @p0 vm1;
	vm7 =	vle.f32 v8, v6  }
0x266: {  	vm1 =	vmand vm1, vm7  }
0x267: {  	v49 =	vmpcnt.ones.xlane vm1;
	_ =	sdelay $0x1  }
0x268: {  	(v2sf) =	vpush v49, $0x0;
	_ =	sdelay $0x5  }
0x269: {  	s31 =	spop (v2sf)  }
0x26a: {  	s3 =	sadd.s32 s3, s31  }
0x26b: {  	v50 =	vbroadcast v7, $0x7;
	p0 =	slt.s32 s3, $0xD0;
	s9 =	smov.u32 s3  }
0x26c: {  	s9 =	simm.s32 @!p0 $0xD0  }
0x26d: {  	v9 =	vor.u32 v0, v50;
	[tilespmem:s9+$0x1A410] =	vst.msk vm1, v8  }
0x26e: {  	[tilespmem:s9+$0x1A4F0] =	vst.msk vm1, v9  }
0x26f: {  	v8 =	vld [tilespmem:s28+$0x0];
	_ =	sdelay $0x2  }
0x270: {  	s20 =	sadd.s32 $0xFFFFFFF9, s29;
	s30 =	spop (v2sf)  }
0x271: {  	p0 =	slt.s32 s20, s26;
	vm1 =	vmmov vm0;
	s3 =	sadd.s32 s3, s30  }
0x272: {  	v51 =	vbroadcast v7, $0x8;
	vm1 =	vmneg @p0 vm1;
	vm8 =	vle.f32 v8, v6;
	p0 =	slt.s32 s3, $0xD0;
	s9 =	smov.u32 s3  }
0x273: {  	vm1 =	vmand vm1, vm8;
	s9 =	simm.s32 @!p0 $0xD0  }
0x274: {  	v9 =	vor.u32 v0, v51;
	v52 =	vmpcnt.ones.xlane vm1;
	[tilespmem:s9+$0x1A410] =	vst.msk vm1, v8  }
0x275: {  	[tilespmem:s9+$0x1A4F0] =	vst.msk vm1, v9  }
0x276: {  	(v2sf) =	vpush v52, $0x0;
	v8 =	vld [tilespmem:s28+$0x10];
	_ =	sdelay $0x2  }
0x277: {  	s31 =	sadd.s32 $0xFFFFFFFA, s29  }
0x278: {  	p0 =	slt.s32 s31, s26;
	vm1 =	vmmov vm0  }
0x279: {  	vm1 =	vmneg @p0 vm1;
	vm9 =	vle.f32 v8, v6  }
0x27a: {  	vm1 =	vmand vm1, vm9  }
0x27b: {  	v53 =	vmpcnt.ones.xlane vm1;
	_ =	sdelay $0x1  }
0x27c: {  	(v2sf) =	vpush v53, $0x0;
	_ =	sdelay $0x5  }
0x27d: {  	s20 =	spop (v2sf)  }
0x27e: {  	s3 =	sadd.s32 s3, s20  }
0x27f: {  	v54 =	vbroadcast v7, $0x9;
	p0 =	slt.s32 s3, $0xD0;
	s9 =	smov.u32 s3  }
0x280: {  	s9 =	simm.s32 @!p0 $0xD0  }
0x281: {  	v9 =	vor.u32 v0, v54;
	[tilespmem:s9+$0x1A410] =	vst.msk vm1, v8  }
0x282: {  	[tilespmem:s9+$0x1A4F0] =	vst.msk vm1, v9  }
0x283: {  	v8 =	vld [tilespmem:s28+$0x20];
	_ =	sdelay $0x2  }
0x284: {  	s30 =	sadd.s32 $0xFFFFFFFB, s29;
	s31 =	spop (v2sf)  }
0x285: {  	p0 =	slt.s32 s30, s26;
	vm1 =	vmmov vm0;
	s3 =	sadd.s32 s3, s31  }
0x286: {  	v55 =	vbroadcast v7, $0xA;
	vm1 =	vmneg @p0 vm1;
	vm10 =	vle.f32 v8, v6;
	p0 =	slt.s32 s3, $0xD0;
	s9 =	smov.u32 s3  }
0x287: {  	vm1 =	vmand vm1, vm10;
	s9 =	simm.s32 @!p0 $0xD0  }
0x288: {  	v9 =	vor.u32 v0, v55;
	v56 =	vmpcnt.ones.xlane vm1;
	[tilespmem:s9+$0x1A410] =	vst.msk vm1, v8  }
0x289: {  	[tilespmem:s9+$0x1A4F0] =	vst.msk vm1, v9  }
0x28a: {  	(v2sf) =	vpush v56, $0x0;
	v8 =	vld [tilespmem:s28+$0x30];
	_ =	sdelay $0x2  }
0x28b: {  	s30 =	sadd.s32 $0xFFFFFFFC, s29  }
0x28c: {  	p0 =	slt.s32 s30, s26;
	vm1 =	vmmov vm0  }
0x28d: {  	vm1 =	vmneg @p0 vm1;
	vm11 =	vle.f32 v8, v6  }
0x28e: {  	vm1 =	vmand vm1, vm11  }
0x28f: {  	v57 =	vmpcnt.ones.xlane vm1;
	_ =	sdelay $0x1  }
0x290: {  	(v2sf) =	vpush v57, $0x0;
	_ =	sdelay $0x5  }
0x291: {  	s31 =	spop (v2sf)  }
0x292: {  	s3 =	sadd.s32 s3, s31  }
0x293: {  	v58 =	vbroadcast v7, $0xB;
	p0 =	slt.s32 s3, $0xD0;
	s9 =	smov.u32 s3  }
0x294: {  	s9 =	simm.s32 @!p0 $0xD0  }
0x295: {  	v9 =	vor.u32 v0, v58;
	[tilespmem:s9+$0x1A410] =	vst.msk vm1, v8  }
0x296: {  	[tilespmem:s9+$0x1A4F0] =	vst.msk vm1, v9  }
0x297: {  	v8 =	vld [tilespmem:s28+$0x40];
	_ =	sdelay $0x2  }
0x298: {  	s20 =	sadd.s32 $0xFFFFFFFD, s29;
	s30 =	spop (v2sf)  }
0x299: {  	p0 =	slt.s32 s20, s26;
	vm1 =	vmmov vm0;
	s3 =	sadd.s32 s3, s30  }
0x29a: {  	v59 =	vbroadcast v7, $0xC;
	vm1 =	vmneg @p0 vm1;
	vm12 =	vle.f32 v8, v6;
	p0 =	slt.s32 s3, $0xD0;
	s9 =	smov.u32 s3  }
0x29b: {  	vm1 =	vmand vm1, vm12;
	s9 =	simm.s32 @!p0 $0xD0  }
0x29c: {  	v9 =	vor.u32 v0, v59;
	v60 =	vmpcnt.ones.xlane vm1;
	[tilespmem:s9+$0x1A410] =	vst.msk vm1, v8  }
0x29d: {  	[tilespmem:s9+$0x1A4F0] =	vst.msk vm1, v9  }
0x29e: {  	(v2sf) =	vpush v60, $0x0;
	v8 =	vld [tilespmem:s28+$0x50];
	_ =	sdelay $0x2  }
0x29f: {  	s31 =	sadd.s32 $0xFFFFFFFE, s29  }
0x2a0: {  	p0 =	slt.s32 s31, s26;
	vm1 =	vmmov vm0  }
0x2a1: {  	vm1 =	vmneg @p0 vm1;
	vm13 =	vle.f32 v8, v6  }
0x2a2: {  	vm1 =	vmand vm1, vm13  }
0x2a3: {  	v61 =	vmpcnt.ones.xlane vm1;
	_ =	sdelay $0x1  }
0x2a4: {  	(v2sf) =	vpush v61, $0x0;
	_ =	sdelay $0x5  }
0x2a5: {  	s20 =	spop (v2sf)  }
0x2a6: {  	s3 =	sadd.s32 s3, s20  }
0x2a7: {  	v62 =	vbroadcast v7, $0xD;
	p0 =	slt.s32 s3, $0xD0;
	s9 =	smov.u32 s3  }
0x2a8: {  	s9 =	simm.s32 @!p0 $0xD0  }
0x2a9: {  	v9 =	vor.u32 v0, v62;
	[tilespmem:s9+$0x1A410] =	vst.msk vm1, v8  }
0x2aa: {  	[tilespmem:s9+$0x1A4F0] =	vst.msk vm1, v9  }
0x2ab: {  	v8 =	vld [tilespmem:s28+$0x60];
	_ =	sdelay $0x2  }
0x2ac: {  	s30 =	sadd.s32 $0xFFFFFFFF, s29;
	s31 =	spop (v2sf)  }
0x2ad: {  	p0 =	slt.s32 s30, s26;
	vm1 =	vmmov vm0;
	s3 =	sadd.s32 s3, s31  }
0x2ae: {  	v7 =	vbroadcast v7, $0xE;
	vm1 =	vmneg @p0 vm1;
	vm14 =	vle.f32 v8, v6;
	p0 =	slt.s32 s3, $0xD0;
	s9 =	smov.u32 s3  }
0x2af: {  	vm1 =	vmand vm1, vm14;
	s9 =	simm.s32 @!p0 $0xD0  }
0x2b0: {  	v7 =	vor.u32 v0, v7;
	[tilespmem:s9+$0x1A410] =	vst.msk vm1, v8  }
0x2b1: {  	[tilespmem:s9+$0x1A4F0] =	vst.msk vm1, v7  }
0x2b2: {  	v7 =	vld [tilespmem:s28+$0x70];
	_ =	sdelay $0x2  }
0x2b3: {  	v63 =	vmpcnt.ones.xlane vm1  }
0x2b4: {  	p0 =	slt.s32 s29, s26;
	vm1 =	vmmov vm0  }
0x2b5: {  	(v2sf) =	vpush v63, $0x0;
	vm1 =	vmneg @p0 vm1;
	vm15 =	vle.f32 v7, v6  }
0x2b6: {  	vm1 =	vmand vm1, vm15  }
0x2b7: {  	v6 =	vmpcnt.ones.xlane vm1;
	_ =	sdelay $0x1  }
0x2b8: {  	(v2sf) =	vpush v6, $0x0;
	_ =	sdelay $0xa  }
0x2b9: {  	s30 =	spop (v2sf)  }
0x2ba: {  	s3 =	sadd.s32 s3, s30  }
0x2bb: {  	p0 =	slt.s32 s3, $0xD0;
	s9 =	smov.u32 s3  }
0x2bc: {  	s9 =	simm.s32 @!p0 $0xD0  }
0x2bd: {  	[tilespmem:s9+$0x1A410] =	vst.msk vm1, v7;
	v6 =	vor.u32 s0, v0;
	s31 =	spop (v2sf)  }
0x2be: {  	[tilespmem:s9+$0x1A4F0] =	vst.msk vm1, v6;
	s28 =	sadd.s32 s3, s31  }
.LBB2_13:
0x2bf: {  	p0 =	slt.s32 s28, $0xE0  }
0x2c0: {  	p1 =	slt.s32 s28, $0xFFFFFFF2;
	s28 =	simm.s32 @!p0 $0xE0  }
0x2c1: {  	s0 =	sadd.s32 $0xF, s28  }
0x2c2: {  	s3 =	sand.u32 $0xF, s0  }
0x2c3: {  	s31 =	sshra.s32 s0, $0x1F;
	p6 =	sne.s32 s3, $0x0  }
0x2c4: {  	s3 =	sshrl.u32 s31, $0x1C;
	p0 =	por !p1, !p6  }
0x2c5: {  	s0 =	sadd.s32 s3, s0;
	s3 =	simm.s32 $0x1;
	p0 =	por !p0, !p0  }
0x2c6: {  	s0 =	sshra.s32 s0, $0x4;
	s3 =	simm.s32 @!p0 $0x0  }
0x2c7: {  	s0 =	ssub.s32 s0, s3  }
0x2c8: {  	p0 =	slt.s32 s0, $0x1  }
.Ltmp12:
0x2c9: {  	_ = 	snop;
	(pc) =	sbr.rel @p0 .LBB2_17-.Ltmp12, $2  }
0x2ca: {  	_ =	sdelay $0x2  }
0x2cb: {  	s26 =	simm.s32 $0x0  }
.LBB2_14:
0x2cc: {  	s3 =	simm.s32 $0x1A4F0  }
0x2cd: {  	v9 =	vld [tilespmem:s3+$0x0]  }
0x2ce: {  	s31 =	simm.s32 $0x1A410  }
0x2cf: {  	v11 =	vld [tilespmem:s31+$0x0];
	_ =	sdelay $0x2  }
0x2d0: {  	v10 =	vbroadcast v9, $0x0;
	v12 =	vbroadcast v9, $0x1  }
0x2d1: {  	v8 =	vbroadcast v9, $0xF;
	v14 =	vbroadcast v9, $0xE  }
0x2d2: {  	s9 =	sshll.u32 s26, $0x4;
	v15 =	vbroadcast v9, $0x3;
	v17 =	vbroadcast v11, $0xE  }
0x2d3: {  	v6 =	vld [tilespmem:s9+$0x1A4F0];
	v18 =	vbroadcast v9, $0xD;
	v19 =	vbroadcast v11, $0x4  }
0x2d4: {  	v20 =	vbroadcast v9, $0x4;
	v21 =	vbroadcast v11, $0xA  }
0x2d5: {  	v60 =	vbroadcast v9, $0xB;
	v22 =	vbroadcast v11, $0x3  }
0x2d6: {  	v7 =	vld [tilespmem:s9+$0x1A410];
	v61 =	vbroadcast v11, $0x9;
	v24 =	vbroadcast v11, $0x7  }
0x2d7: {  	v13 =	vimm.s32 $0x0;
	v25 =	vbroadcast v11, $0x6;
	v62 =	vbroadcast v9, $0x5  }
0x2d8: {  	v63 =	vbroadcast v11, $0xC;
	vm3 =	vlt.s32 v10, v6;
	v10 =	vbroadcast v11, $0x1  }
0x2d9: {  	vm2 =	vlt.s32 v12, v6;
	v12 =	vbroadcast v11, $0x5;
	vm1 =	vlt.s32 v14, v6  }
0x2da: {  	v14 =	vbroadcast v11, $0x8;
	vm8 =	vlt.s32 v15, v6;
	v15 =	vbroadcast v11, $0x0  }
0x2db: {  	vm11 =	vlt.s32 v20, v6;
	vm4 =	vlt.f32 v10, v7;
	vm5 =	veq.f32 v10, v7  }
0x2dc: {  	v10 =	vbroadcast v11, $0x2;
	vm0 =	veq.f32 v14, v7;
	vm6 =	veq.f32 v12, v7  }
0x2dd: {  	vm10 =	veq.f32 v15, v7;
	vm2 =	vmand vm5, vm2;
	vm5 =	vlt.s32 v18, v6  }
0x2de: {  	v18 =	vbroadcast v9, $0x2;
	vm10 =	vmand vm10, vm3;
	vm3 =	vlt.f32 v19, v7  }
0x2df: {  	vm7 =	vlt.f32 v10, v7;
	vm9 =	veq.f32 v10, v7;
	v10 =	vbroadcast v9, $0xC  }
0x2e0: {  	vm2 =	vmor vm4, vm2;
	vm4 =	veq.f32 v19, v7;
	v19 =	vbroadcast v11, $0xD  }
0x2e1: {  	v16 =	vsel vm2, $0x1, v4;
	vm11 =	vmand vm4, vm11;
	vm4 =	vlt.s32 v10, v6  }
0x2e2: {  	vm11 =	vmor vm3, vm11;
	vm3 =	vlt.f32 v14, v7;
	v14 =	vbroadcast v9, $0xA  }
0x2e3: {  	v10 =	vbroadcast v9, $0x7;
	v23 =	vsel vm11, $0x1, v4;
	vm11 =	vlt.f32 v15, v7  }
0x2e4: {  	v15 =	vbroadcast v9, $0x9;
	vm10 =	vmor vm11, vm10;
	vm11 =	veq.f32 v22, v7  }
0x2e5: {  	vm11 =	vmand vm11, vm8;
	vm8 =	vlt.s32 v18, v6;
	v18 =	vsel vm10, $0x1, v4  }
0x2e6: {  	vm10 =	vlt.f32 v22, v7;
	vm9 =	vmand vm9, vm8;
	vm8 =	vlt.f32 v12, v7  }
0x2e7: {  	v12 =	vbroadcast v11, $0xB;
	vm10 =	vmor vm10, vm11;
	vm11 =	vlt.s32 v15, v6  }
0x2e8: {  	v11 =	vbroadcast v11, $0xF;
	v13 =	vadd.s32 v18, v13;
	vm7 =	vmor vm7, vm9  }
0x2e9: {  	vm9 =	veq.f32 v61, v7;
	v26 =	vsel vm10, $0x1, v4;
	vm10 =	vlt.s32 v14, v6  }
0x2ea: {  	v14 =	vbroadcast v9, $0x6;
	vm9 =	vmand vm9, vm11;
	vm11 =	vlt.f32 v61, v7  }
0x2eb: {  	v15 =	vsel vm7, $0x1, v4;
	vm7 =	vlt.s32 v10, v6;
	vm9 =	vmor vm11, vm9  }
0x2ec: {  	vm11 =	veq.f32 v21, v7;
	v10 =	vsel vm9, $0x1, v4;
	vm9 =	veq.f32 v24, v7  }
0x2ed: {  	vm10 =	vmand vm11, vm10;
	vm7 =	vmand vm9, vm7;
	vm9 =	vlt.s32 v62, v6  }
0x2ee: {  	vm11 =	veq.f32 v25, v7;
	vm6 =	vmand vm6, vm9;
	vm9 =	vlt.s32 v14, v6  }
0x2ef: {  	v9 =	vbroadcast v9, $0x8;
	vm9 =	vmand vm11, vm9;
	vm11 =	vlt.f32 v24, v7  }
0x2f0: {  	vm8 =	vmor vm8, vm6;
	vm6 =	veq.f32 v63, v7;
	vm7 =	vmor vm11, vm7  }
0x2f1: {  	vm11 =	vlt.f32 v12, v7;
	v14 =	vsel vm7, $0x1, v4;
	vm7 =	vlt.f32 v25, v7  }
0x2f2: {  	vm12 =	vmand vm6, vm4;
	vm4 =	vlt.f32 v21, v7;
	vm6 =	vmor vm7, vm9  }
0x2f3: {  	vm7 =	vlt.f32 v63, v7;
	vm9 =	vmor vm4, vm10;
	vm4 =	vlt.f32 v11, v7  }
0x2f4: {  	vm10 =	veq.f32 v12, v7;
	v12 =	vadd.s32 v16, v13;
	vm7 =	vmor vm7, vm12  }
0x2f5: {  	p0 =	sne.s32 s0, $0x1;
	v12 =	vadd.s32 v15, v12;
	v15 =	vsel vm9, $0x1, v4;
	vm9 =	vlt.s32 v60, v6  }
.Ltmp13:
0x2f6: {  	v12 =	vadd.s32 v26, v12;
	v13 =	vsel vm7, $0x1, v4;
	vm7 =	vlt.s32 v9, v6;
	(pc) =	sbr.rel @!p0 .LBB2_16-.Ltmp13, $4  }
0x2f7: {  	v9 =	vadd.s32 v23, v12;
	v12 =	vsel vm8, $0x1, v4;
	vm8 =	veq.f32 v19, v7  }
0x2f8: {  	vm9 =	vmand vm10, vm9;
	vm10 =	vlt.f32 v19, v7;
	vm5 =	vmand vm8, vm5  }
0x2f9: {  	vm8 =	vmor vm11, vm9;
	vm11 =	veq.f32 v17, v7;
	v16 =	vadd.s32 v12, v9  }
0x2fa: {  	s28 =	sadd.s32 $0xFFFFFFFF, s0;
	s29 =	simm.s32 $0x1A420;
	s30 =	simm.s32 $0x1A500;
	vm9 =	veq.f32 v11, v7;
	vm5 =	vmor vm10, vm5;
	vm10 =	vlt.f32 v17, v7  }
.LBB2_15:
0x2fb: {  	v9 =	vld [tilespmem:s30+$0x0]  }
0x2fc: {  	vm2 =	vmand vm0, vm7  }
0x2fd: {  	vm1 =	vmand vm11, vm1;
	vm7 =	vlt.s32 v8, v6;
	v11 =	vld [tilespmem:s29+$0x0];
	v8 =	vsel vm6, $0x1, v4  }
0x2fe: {  	v17 =	vsel vm5, $0x1, v4;
	vm2 =	vmor vm3, vm2;
	v8 =	vadd.s32 v8, v16  }
0x2ff: {  	v20 =	vimm.s32 $0x0;
	v12 =	vsel vm2, $0x1, v4;
	v8 =	vadd.s32 v14, v8  }
0x300: {  	vm1 =	vmor vm10, vm1;
	v12 =	vadd.s32 v12, v8;
	v18 =	vbroadcast v9, $0x0  }
0x301: {  	v10 =	vadd.s32 v10, v12;
	v8 =	vbroadcast v9, $0xF;
	v12 =	vbroadcast v9, $0x1  }
0x302: {  	v19 =	vbroadcast v9, $0xE;
	v10 =	vadd.s32 v15, v10;
	v15 =	vbroadcast v11, $0x1  }
0x303: {  	v16 =	vsel vm8, $0x1, v4;
	v61 =	vbroadcast v11, $0xA;
	v21 =	vbroadcast v9, $0x4  }
0x304: {  	v14 =	vsel vm1, $0x1, v4;
	v22 =	vbroadcast v9, $0xB;
	v23 =	vbroadcast v11, $0x3  }
0x305: {  	vm1 =	vmand vm9, vm7;
	v62 =	vbroadcast v11, $0xD;
	v63 =	vbroadcast v11, $0x7  }
0x306: {  	vm2 =	vmor vm4, vm1;
	v24 =	vbroadcast v11, $0xF;
	v26 =	vbroadcast v11, $0x6  }
0x307: {  	v10 =	vadd.s32 v16, v10;
	v16 =	vbroadcast v11, $0x5;
	vm8 =	vlt.s32 v18, v6  }
0x308: {  	vm3 =	vlt.s32 v12, v6;
	v10 =	vadd.s32 v13, v10;
	v12 =	vbroadcast v9, $0x3  }
0x309: {  	vm0 =	vlt.s32 v19, v6;
	v13 =	vimm.s32 $0x0;
	vm5 =	vlt.f32 v15, v7  }
0x30a: {  	vm6 =	veq.f32 v15, v7;
	v15 =	vbroadcast v11, $0x0;
	v18 =	vimm.s32 $0x0  }
0x30b: {  	v19 =	vbroadcast v11, $0x4;
	vm11 =	vlt.s32 v21, v6;
	vm13 =	veq.f32 v23, v7  }
0x30c: {  	vm15 =	vlt.f32 v23, v7;
	v13 =	vsel vm0, $0xFFFFFFFF, v13;
	v10 =	vadd.s32 v17, v10  }
0x30d: {  	[tilespmem:$0x1FFE0] =	vst v13;
	v13 =	vbroadcast v11, $0x8;
	v10 =	vadd.s32 v14, v10;
	vm4 =	vlt.s32 v12, v6  }
0x30e: {  	v12 =	vsel vm2, $0x1, v4;
	vm2 =	vmand vm6, vm3;
	v14 =	vbroadcast v11, $0x2  }
0x30f: {  	vm10 =	veq.f32 v15, v7;
	vm3 =	veq.f32 v19, v7;
	v10 =	vadd.s32 v12, v10  }
0x310: {  	vm2 =	vmor vm5, vm2;
	v12 =	vbroadcast v11, $0xE;
	vm11 =	vmand vm3, vm11  }
0x311: {  	vm8 =	vmand vm10, vm8;
	vm10 =	vlt.f32 v19, v7;
	v17 =	vsel vm2, $0x1, v4  }
0x312: {  	vm0 =	veq.f32 v13, v7;
	vm9 =	vlt.f32 v14, v7;
	vm12 =	veq.f32 v14, v7  }
0x313: {  	v14 =	vbroadcast v9, $0xC;
	vm6 =	vlt.f32 v13, v7;
	v13 =	vbroadcast v9, $0xA  }
0x314: {  	vm10 =	vmor vm10, vm11;
	vm11 =	vlt.f32 v15, v7;
	v15 =	vbroadcast v9, $0x9  }
0x315: {  	v18 =	vsel vm0, $0xFFFFFFFF, v18;
	vm0 =	veq.f32 v16, v7;
	v19 =	vsel vm10, $0x1, v4  }
0x316: {  	vm8 =	vmor vm11, vm8;
	vm10 =	vlt.f32 v16, v7;
	[tilespmem:$0x1FFF0] =	vst v18;
	v18 =	vbroadcast v9, $0xD  }
0x317: {  	v16 =	vbroadcast v11, $0xB;
	v20 =	vsel vm0, $0xFFFFFFFF, v20;
	vm7 =	vlt.s32 v14, v6  }
0x318: {  	v14 =	vbroadcast v9, $0x7;
	vm0 =	vlt.s32 v18, v6;
	v18 =	vimm.s32 $0x0  }
0x319: {  	v25 =	vsel vm8, $0x1, v4;
	vm1 =	vlt.s32 v15, v6;
	v18 =	vsel vm0, $0xFFFFFFFF, v18  }
0x31a: {  	v15 =	vbroadcast v9, $0x6;
	v10 =	vadd.s32 v25, v10;
	[tilespmem:$0x1FFD0] =	vst v18;
	v18 =	vbroadcast v9, $0x2  }
0x31b: {  	vm8 =	vlt.f32 v16, v7;
	v10 =	vadd.s32 v17, v10;
	vm0 =	vmand vm13, vm4  }
0x31c: {  	vm13 =	vlt.s32 v14, v6;
	vm14 =	vlt.s32 v18, v6;
	v18 =	vbroadcast v11, $0x9  }
0x31d: {  	v14 =	vbroadcast v9, $0x5;
	vm4 =	vlt.s32 v13, v6;
	vm14 =	vmand vm12, vm14  }
0x31e: {  	vm0 =	vmor vm15, vm0;
	vm9 =	vmor vm9, vm14;
	vm14 =	veq.f32 v18, v7  }
0x31f: {  	v11 =	vbroadcast v11, $0xC;
	vm3 =	vlt.f32 v18, v7;
	vm1 =	vmand vm14, vm1  }
0x320: {  	vm14 =	veq.f32 v63, v7;
	v13 =	vsel vm9, $0x1, v4;
	vm1 =	vmor vm3, vm1  }
0x321: {  	v13 =	vadd.s32 v13, v10;
	vm3 =	vlt.f32 v63, v7;
	v10 =	vsel vm1, $0x1, v4  }
0x322: {  	vm1 =	vlt.s32 v14, v6;
	v14 =	vsel vm0, $0x1, v4;
	vm0 =	vmand vm14, vm13  }
0x323: {  	vm11 =	veq.f32 v16, v7;
	v9 =	vbroadcast v9, $0x8;
	vm0 =	vmor vm3, vm0  }
0x324: {  	v16 =	vadd.s32 v14, v13;
	vm3 =	veq.f32 v11, v7;
	v14 =	vsel vm0, $0x1, v4  }
0x325: {  	[tilespmem:$0x1FFC0] =	vst v20;
	vm0 =	vmand vm3, vm7;
	vm7 =	vlt.s32 v9, v6;
	v9 =	vadd.s32 v19, v16;
	v16 =	vld [tilespmem:$0x1FFD0]  }
0x326: {  	vm5 =	vlt.f32 v24, v7;
	v13 =	vld [tilespmem:$0x1FFC0]  }
0x327: {  	vm2 =	veq.f32 v26, v7;
	vm15 =	veq.f32 v61, v7;
	vm14 =	vlt.s32 v15, v6  }
0x328: {  	vm4 =	vmand vm15, vm4;
	vm9 =	vlt.f32 v26, v7;
	vm2 =	vmand vm2, vm14  }
0x329: {  	vm12 =	vlt.f32 v61, v7;
	vm3 =	vmmov vm6;
	vm6 =	vmor vm9, vm2  }
0x32a: {  	vm2 =	vmor vm12, vm4;
	vm4 =	vmmov vm5;
	vm5 =	vnez.u8 v16;
	v16 =	vld [tilespmem:$0x1FFE0]  }
0x32b: {  	vm15 =	vnez.u8 v13  }
0x32c: {  	vm1 =	vmand vm15, vm1  }
0x32d: {  	vm13 =	vlt.s32 v22, v6;
	vm1 =	vmor vm10, vm1  }
0x32e: {  	vm15 =	vlt.f32 v11, v7;
	v11 =	vsel vm1, $0x1, v4;
	vm1 =	vmand vm11, vm13  }
0x32f: {  	p0 =	sne.s32 s28, $0x1;
	vm8 =	vmor vm8, vm1;
	vm1 =	vnez.u8 v16;
	v16 =	vld [tilespmem:$0x1FFF0]  }
.Ltmp14:
0x330: {  	_ = 	snop;
	(pc) =	sbr.rel @p0 .LBB2_15-.Ltmp14, $4  }
0x331: {  	vm9 =	veq.f32 v24, v7;
	v15 =	vsel vm2, $0x1, v4;
	vm0 =	vmor vm15, vm0  }
0x332: {  	vm2 =	vlt.f32 v62, v7;
	v13 =	vsel vm0, $0x1, v4;
	vm0 =	veq.f32 v62, v7  }
0x333: {  	vm10 =	vlt.f32 v12, v7;
	vm11 =	veq.f32 v12, v7;
	vm0 =	vmand vm0, vm5  }
0x334: {  	s28 =	sadd.s32 $0xFFFFFFFF, s28;
	s29 =	sadd.s32 $0x10, s29;
	s30 =	sadd.s32 $0x10, s30;
	vm5 =	vmor vm2, vm0;
	vm0 =	vnez.u8 v16;
	v16 =	vadd.s32 v11, v9  }
.LBB2_16:
0x335: {  	vm0 =	vmand vm0, vm7;
	v9 =	vsel vm6, $0x1, v4  }
0x336: {  	vm0 =	vmor vm3, vm0;
	v9 =	vadd.s32 v9, v16  }
0x337: {  	v11 =	vsel vm0, $0x1, v4;
	v9 =	vadd.s32 v14, v9  }
0x338: {  	v9 =	vadd.s32 v11, v9  }
0x339: {  	v9 =	vadd.s32 v10, v9  }
0x33a: {  	vm12 =	vmand vm11, vm1;
	v59 =	vsel vm8, $0x1, v4;
	v9 =	vadd.s32 v15, v9  }
0x33b: {  	vm13 =	vlt.s32 v8, v6;
	v61 =	vsel vm5, $0x1, v4;
	v60 =	vadd.s32 v59, v9  }
0x33c: {  	vm1 =	vmand vm9, vm13;
	vm0 =	vmor vm10, vm12;
	v8 =	vadd.s32 v13, v60  }
0x33d: {  	vm14 =	vmor vm4, vm1;
	v62 =	vsel vm0, $0x1, v4;
	v8 =	vadd.s32 v61, v8  }
0x33e: {  	v63 =	vsel vm14, $0x1, v4;
	v8 =	vadd.s32 v62, v8  }
0x33f: {  	v8 =	vadd.s32 v63, v8  }
0x340: {  	vm15 =	vlt.s32 v8, $0x80  }
0x341: {  	s26 =	sadd.s32 $0x1, s26  }
0x342: {  	p0 =	sne.s32 s26, s0  }
.Ltmp15:
0x343: {  	_ = 	snop;
	(pc) =	sbr.rel @p0 .LBB2_14-.Ltmp15, $4  }
.Ltmp16:
0x344: {  	_ = 	snop;
	(pc) =	sbr.rel @!p0 .LBB2_17-.Ltmp16, $4  }
0x345: {  	_ = 	snop  }
0x346: {  	[tilespmem:v8+s18+$0x0] =	vst.idx.msk vm15, v7  }
0x347: {  	[tilespmem:v8+s19+$0x0] =	vst.idx.msk vm15, v6  }
0x348: {  	_ = 	snop  }
.LBB2_9:
.Ltmp17:
0x349: {  	(pc) =	sbr.rel .LBB2_12-.Ltmp17, $2  }
0x34a: {  	_ =	sdelay $0x2  }
0x34b: {  	_ = 	snop  }
.LBB2_20:
0x34c: {  	_ =	sfence.sel $0x180000  }
0x34d: {  	[bflag:$0x0] =	sbarrier.arrive $0xFFFF  }
0x34e: {  	_ =	strace $0x9000004A  }
0x34f: {  	s0 =	stileid.u32;
	[bflag:$0x2] =	sbarrier.arrive $0xFFFF  }
0x350: {  	p0 =	sne.s32 s0, $0x0;
	s0 =	rddreg [dreg:$0x2]  }
0x351: {  	s0 =	sadd.s32 @!p0 $0x100000, s0  }
0x352: {  	[sflag:s0] =	ssyncadd.tile.s32 @!p0 $0x1;
	_ =	shalt  }
.Lfunc_end2:
_tile_overlayer_lowered:
.L_overlay_start_2:
0x353: {  	(tag) =	ssettag $0x2  }
0x354: {  	s0 =	rddreg [dreg:$0x0];
	s2 =	stileid.u32  }
0x355: {  	s1 =	rddreg [dreg:$0x1];
	p0 =	sne.s32 s2, $0x0  }
0x356: {  	s3 =	rddreg [dreg:$0x2];
	[bflag:$0x3] =	sbarrier.arrive $0xFFFF;
	s2 =	simm.s32 @!p0 $0x1C02  }
0x357: {  	[timem:s3], [sflag:s2] =	dma.local @!p0 [hbm:s0], s1  }
0x358: {  	s0 =	simm.s32 @!p0 $0x2  }
0x359: {  	_ =	swait.ge @!p0 [sflag:s0], s1  }
0x35a: {  	s1 =	ssub.s32 @!p0 $0x0, s1;
	[sflag:s0] =	ssyncset.done @!p0 $0x0  }
0x35b: {  	[sflag:s0] =	ssyncadd.s32 @!p0 s1  }
0x35c: {  	[bflag:$0x3] =	sbarrier.arrive $0xFFFF  }
0x35d: {  	_ =	shalt  }

// kernel: sparse-core-data-format-call.cloned.1.call-start
scs
called_computation_lowered:
.L_overlay_start_0:
0x0: {  	s1 =	sld [smem:$0x3FD9]  }
0x1: {  	s2 =	sld [smem:$0x3FFE];
	_ =	sdelay $0x1  }
0x2: {  	s3 =	srdreg.scid  }
0x3: {  	s0 =	sand.u32 $0x1, s3  }
0x4: {  	s17 =	sshll.u32 s0, $0xA;
	s1 =	sadd.s32 s2, s1  }
0x5: {  	s1 =	sadd.s32 s1, s17  }
0x6: {  	[smem:$0x3FC6] =	sst s1  }
0x7: {  	_ = 	snop  }
0x8: {  	(tm) =	ssettm $0x1  }
0x9: {  	s18 =	sld [smem:$0x3FFB];
	_ =	sdelay $0x3  }
0xa: {  	_ =	strace s18  }
0xb: {  	s1 =	sld [smem:$0x3FFC];
	_ =	sdelay $0x3  }
0xc: {  	_ =	strace s1  }
0xd: {  	s1 =	sld [smem:$0x3FFD];
	_ =	sdelay $0x3  }
0xe: {  	_ =	strace s1  }
0xf: {  	_ =	strace $0x8FFFFFFF  }
0x10: {  	s19 =	sld [smem:$0x3FDB];
	_ =	sdelay $0x1  }
0x11: {  	s20 =	simm.s32 $_scs_section_size  }
0x12: {  	s4 =	simm.s32 $_size__tile_overlayer_lowered;
	s5 =	simm.s32 $_tile_overlayer_lowered  }
0x13: {  	s23 =	simm.s32 $0x1BFF;
	s22 =	sshll.u32 s5, $0x1;
	s1 =	sadd.s32 s20, s19  }
0x14: {  	s6 =	simm.s32 $0x0;
	s21 =	sshll.u32 s4, $0x1;
	s4 =	sadd.s32 s22, s1  }
0x15: {  	[timem:s6], [sflag:s23] =	dma.local [hbm:s4], s21  }
0x16: {  	_ =	swait.ge [sflag:s23], s21  }
0x17: {  	s2 =	ssub.s32 $0x0, s21;
	[sflag:s23] =	ssyncset.done $0x0  }
0x18: {  	[sflag:s23] =	ssyncadd.s32 s2;
	_ =	sdelay $0x1  }
0x19: {  	s24 =	simm.s32 $0x1B8B  }
0x1a: {  	_ =	swait.ge [sflag:s24], $0x1  }
0x1b: {  	[sflag:s24] =	ssyncset.done $0x0  }
0x1c: {  	s26 =	simm.s32 $0x1B8E;
	s25 =	sld [smem:$0x3FFE];
	[sflag:s24] =	ssyncadd.s32 $0xFFFFFFFF  }
0x1d: {  	s27 =	simm.s32 $execute0_lowered;
	[smem:$0x3FD2] =	sst s26  }
0x1e: {  	s4 =	sshll.u32 s27, $0x1;
	_ =	strace $0x80000046;
	[dreg:$0x1] =	wrdreg $0xFFFFFFFF  }
0x1f: {  	s28 =	simm.s32 $_size_execute0_lowered;
	s1 =	sadd.s32 s1, s4;
	[dreg:$0x0] =	wrdreg $0x0  }
0x20: {  	s4 =	sshll.u32 s28, $0x1;
	[dreg:$0x2] =	wrdreg s1  }
0x21: {  	[dreg:$0x3] =	wrdreg s4  }
0x22: {  	[dreg:$0x4] =	wrdreg $0xC0  }
0x23: {  	_ =	task [dreg:s6], $0x5FFFF  }
0x24: {  	[dreg:$0x1] =	wrdreg $0xFFFFFFFF  }
0x25: {  	[dreg:$0x0] =	wrdreg $0x60  }
0x26: {  	[dreg:$0x2] =	wrdreg s25  }
0x27: {  	[dreg:$0x3] =	wrdreg $0x9  }
0x28: {  	_ =	task.clear_ibuf [dreg:s6], $0x4FFFF;
	_ =	strace $0x90000046  }
0x29: {  	s29 =	simm.s32 $0x9;
	_ =	strace $0x80000048  }
0x2a: {  	_ =	swait.ge [sflag:s29], $0x1  }
0x2b: {  	[sflag:s29] =	ssyncadd.s32 $0xFFFFFFFF  }
0x2c: {  	_ =	strace $0x90000048  }
0x2d: {  	_ =	sfence  }
0x2e: {  	s30 =	sld [smem:$0x0];
	_ =	sdelay $0x2  }
0x2f: {  	s31 =	sshll.u32 s3, $0xD;
	s3 =	sshrl.u32 s3, $0x2  }
0x30: {  	s2 =	sand.u32 $0x4000, s31;
	s1 =	sadd.s32 s3, s30  }
0x31: {  	s0 =	sor.u32 s2, s0;
	s1 =	sshll.u32 s1, $0x11  }
0x32: {  	s0 =	sor.u32 s1, s0  }
0x33: {  	s0 =	sadd.s32 $0x8F2B, s0  }
0x34: {  	[sflag:s0] =	ssyncadd.remote.s32 $0x1  }
0x35: {  	_ =	sfence.sel $0xFFFF  }
0x36: {  	[dreg:$0x0] =	wrdreg $0xFFFFFFFF;
	(pc) =	sbr.abs _section_cstart, $3  }
0x37: {  	[dreg:$0x1] =	wrdreg $0xFFFFFFFF  }
0x38: {  	_ =	task.clear_ibuf [dreg:s6], $0x2FFFF;
	_ =	strace $0x9FFFFFFF  }
0x39: {  	(tm) =	ssettm $0x7FFFFFFF  }
tec
execute0_lowered:
.L_overlay_start_1:
0x0: {  	(tag) =	ssettag $0x1  }
0x1: {  	s0 =	srdreg.scid;
	s2 =	rddreg [dreg:$0x0];
	s31 =	simm.s32 $0x2  }
0x2: {  	s13 =	simm.s32 $0x0;
	s8 =	simm.s32 $0x800;
	s0 =	sshll.u32 s0, $0x4  }
0x3: {  	s9 =	simm.s32 $0x1000;
	s10 =	simm.s32 $0x0;
	s1 =	sand.u32 $0x10, s0  }
0x4: {  	s14 =	simm.s32 $0x0;
	s11 =	stileid.u32;
	s3 =	ssub.s32 $0x20, s1  }
0x5: {  	s12 =	simm.s32 $0x0;
	s0 =	rddreg [dreg:$0x1];
	s4 =	sshrl.u32 s3, $0x4  }
.Ltmp0:
0x6: {  	s6 =	sshrl.u32 s3, $0x5;
	s4 =	sand.u32 $0x1, s4;
	(pc) =	sbr.rel .LBB1_1-.Ltmp0, $4  }
0x7: {  	_ =	strace $0x80000047;
	s5 =	sshll.u32 s1, $0x7;
	s4 =	sadd.s32 s6, s4  }
0x8: {  	s7 =	sadd.s32 s5, s2;
	s3 =	simm.s32 $0x1;
	s4 =	smul.u32 $0x31, s4  }
0x9: {  	s5 =	sadd.s32 $0x3599000, s2;
	s2 =	stileid.u32;
	[sflag:s3] =	ssyncpa.u1 $0x0  }
0xa: {  	[sflag:s31] =	ssyncpa.u1 $0x0;
	s6 =	sadd.s32 $0x189000, s7;
	s7 =	sadd.s32 $0x1, s4  }
.LBB1_7:
0xb: {  	s15 =	sadd.s32 $0x10, s11  }
0xc: {  	p1 =	sgt.s32 s15, $0x30F  }
0xd: {  	s15 =	smov.u32 @p1 s2;
	p1 =	sne.s32 s12, s7  }
.Ltmp1:
0xe: {  	p0 =	slt.u32 s12, $0x2;
	(pc) =	sbr.rel @!p1 .LBB1_8-.Ltmp1, $4  }
0xf: {  	s13 =	simm.s32 @!p0 $0x2  }
0x10: {  	s16 =	sadd.s32 $0x1, s12;
	s14 =	smov.u32 s11;
	_ =	swait.ge @!p0 [sflag:s13], $0x4000  }
0x11: {  	s10 =	sadd.s32 $0x4000, s10;
	s12 =	smov.u32 s16;
	[sflag:s13] =	ssyncset.done @!p0 $0x0  }
0x12: {  	s11 =	smov.u32 s15;
	[sflag:s13] =	ssyncadd.s32 @!p0 $0xFFFFC000;
	s13 =	smov.u32 s1  }
.LBB1_1:
0x13: {  	p0 =	sge.u32 s12, s4  }
0x14: {  	s15 =	sxor.u32 @!p0 $0xFFFFFFFF, s12  }
0x15: {  	s31 =	sadd.s32 $0xFFFFFFFF, s12;
	s16 =	sshll.u32 @!p0 s11, $0xC;
	s15 =	sshll.u32 @!p0 s15, $0xE  }
0x16: {  	s17 =	simm.s32 @!p0 $0x0;
	s16 =	sadd.s32 @!p0 s16, s6;
	s15 =	sand.u32 @!p0 $0x4000, s15  }
0x17: {  	[tilespmem:s15], [sflag:$0x1] =	stream.linear.gather @!p0 [hbm4b:s16+s17], $0x4000, $0x38;
	[tilespmem:$0x10000] =	vst v63  }
0x18: {  	p0 =	sge.u32 s31, s4  }
.Ltmp2:
0x19: {  	_ = 	snop;
	(pc) =	sbr.rel @p0 .LBB1_7-.Ltmp2, $1  }
0x1a: {  	_ =	sdelay $0x3  }
0x1b: {  	s16 =	sand.u32 $0x4000, s10  }
0x1c: {  	_ =	swait.ge [sflag:s3], $0x4000;
	s18 =	sshll.u32 s12, $0xE;
	s15 =	sor.u32 $0x8040, s16  }
0x1d: {  	s17 =	sor.u32 $0x40, s16;
	[sflag:s3] =	ssyncset.done $0x0;
	s31 =	sand.u32 $0x4000, s18  }
0x1e: {  	s18 =	simm.s32 $0x0;
	[sflag:s3] =	ssyncadd.s32 $0xFFFFC000;
	s16 =	sor.u32 $0x8000, s31  }
.LBB1_3:
0x1f: {  	v0 =	vmov s17;
	_ =	sdelay $0x3  }
0x20: {  	s20 =	simm.s32 $0x0  }
0x21: {  	v6 =	vld.idx.msk [tilespmem:v0+s20+$0x30 ss:$0x1], $0xffff  }
0x22: {  	v7 =	vld.idx.msk [tilespmem:v0+s20+$0xFFFFFFC0 ss:$0x1], $0xffff  }
0x23: {  	v5 =	vld.idx.msk [tilespmem:v0+s20+$0xFFFFFFD0 ss:$0x1], $0xffff  }
0x24: {  	v4 =	vld.idx.msk [tilespmem:v0+s20+$0xFFFFFFE0 ss:$0x1], $0xffff  }
0x25: {  	v3 =	vld.idx.msk [tilespmem:v0+s20+$0xFFFFFFF0 ss:$0x1], $0xffff  }
0x26: {  	v1 =	vld.idx.msk [tilespmem:v0+s20+$0x0 ss:$0x1], $0xffff  }
0x27: {  	v2 =	vld.idx.msk [tilespmem:v0+s20+$0x10 ss:$0x1], $0xffff;
	[tilespmem:s15+$0x30] =	vst v6  }
0x28: {  	s19 =	simm.s32 $0x80;
	s21 =	simm.s32 $0x400;
	[tilespmem:s15+$0xFFFFFFC0] =	vst v7;
	v6 =	vld.idx.msk [tilespmem:v0+s20+$0x20 ss:$0x1], $0xffff;
	s20 =	smov.u32 s15  }
.LBB1_4:
0x29: {  	p0 =	sne.s32 s21, $0xE00;
	v7 =	vld.idx.msk [tilespmem:v0+s19+$0x30 ss:$0x1], $0xffff;
	[tilespmem:s20+$0xFFFFFFD0] =	vst v5  }
0x2a: {  	v8 =	vld.idx.msk [tilespmem:v0+s19+$0xFFFFFFC0 ss:$0x1], $0xffff;
	[tilespmem:s20+$0xFFFFFFE0] =	vst v4  }
0x2b: {  	v5 =	vld.idx.msk [tilespmem:v0+s19+$0xFFFFFFD0 ss:$0x1], $0xffff;
	[tilespmem:s20+$0xFFFFFFF0] =	vst v3  }
.Ltmp3:
0x2c: {  	v4 =	vld.idx.msk [tilespmem:v0+s19+$0xFFFFFFE0 ss:$0x1], $0xffff;
	[tilespmem:s20+$0x0] =	vst v1;
	(pc) =	sbr.rel @p0 .LBB1_4-.Ltmp3, $4  }
0x2d: {  	v3 =	vld.idx.msk [tilespmem:v0+s19+$0xFFFFFFF0 ss:$0x1], $0xffff;
	[tilespmem:s20+$0x10] =	vst v2  }
0x2e: {  	v1 =	vld.idx.msk [tilespmem:v0+s19+$0x0 ss:$0x1], $0xffff;
	[tilespmem:s20+$0x20] =	vst v6;
	s20 =	sadd.s32 $0x800, s20  }
0x2f: {  	v2 =	vld.idx.msk [tilespmem:v0+s19+$0x10 ss:$0x1], $0xffff;
	[tilespmem:s20+$0x30] =	vst v7  }
0x30: {  	[tilespmem:s20+$0xFFFFFFC0] =	vst v8;
	v6 =	vld.idx.msk [tilespmem:v0+s19+$0x20 ss:$0x1], $0xffff;
	s19 =	sshra.s32 s21, $0x2;
	s21 =	sadd.s32 $0x200, s21  }
0x31: {  	_ =	sdelay $0x2  }
0x32: {  	[tilespmem:s20+$0xFFFFFFD0] =	vst v5  }
0x33: {  	v56 =	vld.idx.msk [tilespmem:v0+s19+$0x30 ss:$0x1], $0xffff;
	[tilespmem:s20+$0xFFFFFFE0] =	vst v4  }
0x34: {  	v57 =	vld.idx.msk [tilespmem:v0+s19+$0xFFFFFFC0 ss:$0x1], $0xffff;
	[tilespmem:s20+$0xFFFFFFF0] =	vst v3  }
0x35: {  	v58 =	vld.idx.msk [tilespmem:v0+s19+$0xFFFFFFD0 ss:$0x1], $0xffff;
	[tilespmem:s20+$0x0] =	vst v1  }
0x36: {  	v59 =	vld.idx.msk [tilespmem:v0+s19+$0xFFFFFFE0 ss:$0x1], $0xffff;
	[tilespmem:s20+$0x10] =	vst v2  }
0x37: {  	v60 =	vld.idx.msk [tilespmem:v0+s19+$0xFFFFFFF0 ss:$0x1], $0xffff;
	s31 =	sadd.s32 $0x800, s20;
	[tilespmem:s20+$0x20] =	vst v6  }
0x38: {  	v61 =	vld.idx.msk [tilespmem:v0+s19+$0x0 ss:$0x1], $0xffff;
	[tilespmem:s31+$0x30] =	vst v56  }
0x39: {  	v62 =	vld.idx.msk [tilespmem:v0+s19+$0x10 ss:$0x1], $0xffff;
	s18 =	sadd.s32 $0x1, s18;
	[tilespmem:s31+$0xFFFFFFC0] =	vst v57  }
0x3a: {  	v63 =	vld.idx.msk [tilespmem:v0+s19+$0x20 ss:$0x1], $0xffff;
	p0 =	sne.s32 s18, $0x10;
	[tilespmem:s31+$0xFFFFFFD0] =	vst v58  }
.Ltmp4:
0x3b: {  	[tilespmem:s31+$0xFFFFFFE0] =	vst v59;
	(pc) =	sbr.rel @p0 .LBB1_3-.Ltmp4, $4  }
0x3c: {  	[tilespmem:s31+$0xFFFFFFF0] =	vst v60  }
0x3d: {  	[tilespmem:s31+$0x0] =	vst v61  }
0x3e: {  	[tilespmem:s31+$0x10] =	vst v62  }
0x3f: {  	s15 =	sadd.s32 $0x80, s15;
	s17 =	sadd.s32 $0x400, s17;
	[tilespmem:s31+$0x20] =	vst v63  }
.Ltmp5:
0x40: {  	(pc) =	sbr.rel .LBB1_7-.Ltmp5, $4  }
0x41: {  	s14 =	sshll.u32 s14, $0xC  }
0x42: {  	s13 =	sshll.u32 s13, $0x4;
	s14 =	sadd.s32 s5, s14  }
0x43: {  	s13 =	sadd.s32 s13, s14  }
0x44: {  	[hbm4b:s13+s8] =	stream.strided.scatter [tilespmem:s16], [sflag:$0x2], $0x4000, s9, s8, $0x38;
	[tilespmem:$0x10000] =	vst v63  }
.LBB1_8:
0x45: {  	_ =	sfence.sel $0x180000  }
0x46: {  	s1 =	simm.s32 $0x1;
	[bflag:$0x0] =	sbarrier.arrive $0xFFFF  }
0x47: {  	s31 =	simm.s32 $0x2;
	[sflag:s1] =	ssyncpa.u1 $0x1  }
0x48: {  	[sflag:s31] =	ssyncpa.u1 $0x1  }
0x49: {  	p0 =	sne.s32 s2, $0x0;
	_ =	strace $0x90000047  }
0x4a: {  	s0 =	sadd.s32 @!p0 $0x100000, s0;
	[bflag:$0x2] =	sbarrier.arrive $0xFFFF  }
0x4b: {  	[sflag:s0] =	ssyncadd.tile.s32 @!p0 $0x1;
	_ =	shalt  }
.Lfunc_end1:
_tile_overlayer_lowered:
.L_overlay_start_2:
0x4c: {  	(tag) =	ssettag $0x2  }
0x4d: {  	s0 =	rddreg [dreg:$0x0];
	s2 =	stileid.u32  }
0x4e: {  	s1 =	rddreg [dreg:$0x1];
	p0 =	sne.s32 s2, $0x0  }
0x4f: {  	s3 =	rddreg [dreg:$0x2];
	[bflag:$0x3] =	sbarrier.arrive $0xFFFF;
	s2 =	simm.s32 @!p0 $0x1C01  }
0x50: {  	[timem:s3], [sflag:s2] =	dma.local @!p0 [hbm:s0], s1  }
0x51: {  	s0 =	simm.s32 @!p0 $0x1  }
0x52: {  	_ =	swait.ge @!p0 [sflag:s0], s1  }
0x53: {  	s1 =	ssub.s32 @!p0 $0x0, s1;
	[sflag:s0] =	ssyncset.done @!p0 $0x0  }
0x54: {  	[sflag:s0] =	ssyncadd.s32 @!p0 s1  }
0x55: {  	[bflag:$0x3] =	sbarrier.arrive $0xFFFF  }
0x56: {  	_ =	shalt  }

</sc_bundles>
